<compile_context>
chip_gen: v7x
topology: tpu7x:2x2x1
jax: 0.10.2.dev20260603
libtpu: 0.0.44.dev20260713+nightly
codegen_flags: <defaults>
</compile_context>

<pallas_src>
import functools

import jax
import jax.numpy as jnp
from jax import lax
from jax.experimental import pallas as pl
from jax.experimental.pallas import tpu as pltpu
from jax.experimental.pallas import tpu_sc as plsc

EMBED_DIM = 32
NUM_CORES = 2
NUM_SUBCORES = 16
NUM_WORKERS = NUM_CORES * NUM_SUBCORES
BLOCK = 128
NBUF = 8
DEPTH = 4
LANES = 16
TPAD = BLOCK + 1

_mesh = plsc.VectorSubcoreMesh(core_axis_name="c", subcore_axis_name="s")


@functools.partial(jax.jit, static_argnames=("hist",))
def _embed_lookup(xt3, table, hist):

    @functools.partial(
        pl.kernel,
        mesh=_mesh,
        out_type=jax.ShapeDtypeStruct(
            (hist, EMBED_DIM // 8, NUM_WORKERS, 8, BLOCK), jnp.float32),
        scratch_types=[
            pltpu.VMEM((hist, BLOCK), jnp.int32),
            pltpu.VMEM((NBUF, BLOCK, EMBED_DIM), jnp.float32),
            pltpu.VMEM((NBUF, EMBED_DIM // 8, 8, TPAD), jnp.float32),
            pltpu.SemaphoreType.DMA((NBUF,)),
            pltpu.SemaphoreType.DMA((NBUF,)),
        ],
        compiler_params=pltpu.CompilerParams(
            use_tc_tiling_on_sc=False, needs_layout_passes=False),
    )
    def body(x_hbm, table_hbm, out_hbm, idx_v, rows_v, trows_v, gsem, wsem):
        wid = lax.axis_index("s") * NUM_CORES + lax.axis_index("c")
        pltpu.sync_copy(x_hbm.at[:, wid], idx_v)
        c_iota = lax.iota(jnp.int32, LANES)
        dd_vecs = []
        s_vecs = []
        for half in range(EMBED_DIM // LANES):
            d_vec = c_iota + (half * LANES)
            dd_vecs.append(lax.shift_right_logical(d_vec, 3))
            s_vecs.append(lax.bitwise_and(d_vec, jnp.int32(7)))

        def gather(j, slot):
            return pltpu.make_async_copy(
                table_hbm.at[idx_v.at[j]], rows_v.at[slot], gsem.at[slot])

        def write(j, slot):
            return pltpu.make_async_copy(
                trows_v.at[slot, :, :, pl.ds(0, BLOCK)],
                out_hbm.at[j, :, wid], wsem.at[slot])

        def transpose(slot):
            trows = trows_v.at[slot]

            @plsc.parallel_loop(0, BLOCK, unroll=8)
            def _(c):
                csplat = lax.broadcast(c, (LANES,))
                for half in range(EMBED_DIM // LANES):
                    vals = rows_v[slot, c, pl.ds(half * LANES, LANES)]
                    plsc.store_scatter(
                        trows,
                        [dd_vecs[half], s_vecs[half], csplat],
                        vals)

        for b in range(DEPTH):
            gather(b, b).start()

        def outer(g, carry):
            for b in range(NBUF):
                j = g * NBUF + b
                gather(j, b).wait()

                @pl.when(j >= NBUF)
                def _():
                    write(j - NBUF, b).wait()

                transpose(b)
                write(j, b).start()

                jn = j + DEPTH
                bn = (b + DEPTH) % NBUF

                @pl.when(jn < hist)
                def _():
                    gather(jn, bn).start()

            return carry

        lax.fori_loop(0, hist // NBUF, outer, 0)

        for b in range(NBUF):
            write(hist - NBUF + b, b).wait()

    return body(xt3, table)


def kernel(x, table):
    batch, hist = x.shape
    xt3 = jnp.transpose(x).astype(jnp.int32).reshape(
        hist, NUM_WORKERS, batch // NUM_WORKERS)
    out5 = _embed_lookup(xt3, table, hist)
    return out5.transpose(2, 4, 0, 1, 3).reshape(batch, hist, EMBED_DIM)

# --- scband reference (transcript-rebuilt; emitter-appended) ---
"""Pipeline reference for scband-token-embedding-12438225289982 (READ-ONLY COPY).

The authoritative reference and input builder live on the scoring server;
editing this copy changes nothing except your own understanding.
"""

import jax, jax.numpy as jnp
import numpy as np

VOCAB = 1000000
EMBED_DIM = 32
BATCH = 4096
HIST = 200

def setup_inputs(seed: int = 0) -> dict:
    key = jax.random.key(seed)
    k_idx, k_tab = jax.random.split(key)
    x = jax.random.randint(k_idx, (BATCH, HIST), 0, VOCAB, dtype=jnp.int64 if jax.config.jax_enable_x64 else jnp.int32)
    table = jax.random.normal(k_tab, (VOCAB, EMBED_DIM), dtype=jnp.float32)
    return {"x": x, "table": table}

def reference(x, table):
    # nn.Embedding forward: gather rows of the table by index
    out = jnp.take(table, x, axis=0)
    return out

if __name__ == "__main__":
    import jax
    _d = setup_inputs()
    print(jax.jit(kernel)(*tuple(_d.values())))

</pallas_src>

<mosaic_0001>
#map = affine_map<(d0, d1) -> (0, 0, 0)>
#map1 = affine_map<(d0, d1) -> (0, 0)>
#map2 = affine_map<(d0, d1) -> (0, 0, 0, 0, 0)>
module attributes {stable_mosaic.version = 14 : i64} {
  func.func @body(%arg0: i32, %arg1: i32, %arg2: memref<200x32x128xi32, #tpu.memory_space<hbm>>, %arg3: memref<1000000x32xf32, #tpu.memory_space<hbm>>, %arg4: memref<200x4x32x8x128xf32, #tpu.memory_space<hbm>>, %arg5: memref<200x128xi32, #tpu.memory_space<vmem>>, %arg6: memref<8x128x32xf32, #tpu.memory_space<vmem>>, %arg7: memref<8x4x8x129xf32, #tpu.memory_space<vmem>>, %arg8: memref<8x!tpu.dma_semaphore, #tpu.memory_space<semaphore_mem>>, %arg9: memref<8x!tpu.dma_semaphore, #tpu.memory_space<semaphore_mem>>) attributes {dimension_semantics = [#tpu.dimension_semantics<core_parallel>, #tpu.dimension_semantics<subcore_parallel>], iteration_bounds = array<i64: 2, 16>, scalar_prefetch = 0 : i64, scratch_operands = 5 : i64, tpu.core_type = #tpu.core_type<sc_vector_subcore>, window_params = [{transform_indices = #map}, {transform_indices = #map1}, {transform_indices = #map2}]} {
    %mul3A = arith.constant 2 : i32
    %mul3A_0 = arith.muli %arg1, %mul3A : i32
    %add3A = arith.addi %mul3A_0, %arg0 : i32
    "tpu.region"() ({
      %run_scoped3A = tpu.sem_alloc : memref<!tpu.dma_semaphore, #tpu.memory_space<semaphore_mem>>
      %dma_start3A_280 = arith.constant 0 : i32
      %dma_start3A_281 = arith.constant 0 : i32
      %dma_start3A_282 = tpu.memref_slice %arg2[%dma_start3A_280, %add3A, %dma_start3A_281] : memref<200x32x128xi32, #tpu.memory_space<hbm>> -> memref<200x1x128xi32, #tpu.memory_space<hbm>>
      %dma_start3A_283 = tpu.memref_squeeze %dma_start3A_282 : memref<200x1x128xi32, #tpu.memory_space<hbm>> -> memref<200x128xi32, #tpu.memory_space<hbm>>
      %dma_start3A_284 = arith.constant 0 : i32
      %dma_start3A_285 = arith.constant 0 : i32
      %dma_start3A_286 = tpu.memref_slice %arg2[%dma_start3A_284, %add3A, %dma_start3A_285] : memref<200x32x128xi32, #tpu.memory_space<hbm>> -> memref<200x1x128xi32, #tpu.memory_space<hbm>>
      %dma_start3A_287 = tpu.memref_squeeze %dma_start3A_286 : memref<200x1x128xi32, #tpu.memory_space<hbm>> -> memref<200x128xi32, #tpu.memory_space<hbm>>
      tpu.enqueue_dma source(%dma_start3A_287 : memref<200x128xi32, #tpu.memory_space<hbm>>) target(%arg5 : memref<200x128xi32, #tpu.memory_space<vmem>>) target_semaphore(%run_scoped3A : memref<!tpu.dma_semaphore, #tpu.memory_space<semaphore_mem>>)
      %dma_wait3A_288 = arith.constant 0 : i32
      %dma_wait3A_289 = arith.constant 0 : i32
      %dma_wait3A_290 = tpu.memref_slice %arg2[%dma_wait3A_288, %add3A, %dma_wait3A_289] : memref<200x32x128xi32, #tpu.memory_space<hbm>> -> memref<200x1x128xi32, #tpu.memory_space<hbm>>
      %dma_wait3A_291 = tpu.memref_squeeze %dma_wait3A_290 : memref<200x1x128xi32, #tpu.memory_space<hbm>> -> memref<200x128xi32, #tpu.memory_space<hbm>>
      %dma_wait3A_292 = arith.constant 0 : i32
      %dma_wait3A_293 = arith.constant 0 : i32
      %dma_wait3A_294 = tpu.memref_slice %arg2[%dma_wait3A_292, %add3A, %dma_wait3A_293] : memref<200x32x128xi32, #tpu.memory_space<hbm>> -> memref<200x1x128xi32, #tpu.memory_space<hbm>>
      %dma_wait3A_295 = tpu.memref_squeeze %dma_wait3A_294 : memref<200x1x128xi32, #tpu.memory_space<hbm>> -> memref<200x128xi32, #tpu.memory_space<hbm>>
      tpu.wait_dma2 semaphore(%run_scoped3A : memref<!tpu.dma_semaphore, #tpu.memory_space<semaphore_mem>>) src(%dma_wait3A_295 : memref<200x128xi32, #tpu.memory_space<hbm>>) dst(%arg5 : memref<200x128xi32, #tpu.memory_space<vmem>>)
      tpu.yield
    }) : () -> ()
    %iota3A = tpu.iota {dimensions = array<i32: 0>} : vector<16xi32>
    %add3A_1 = arith.constant 0 : i32
    %add3A_2 = vector.broadcast %add3A_1 : i32 to vector<16xi32>
    %add3A_3 = arith.addi %iota3A, %add3A_2 : vector<16xi32>
    %shift_right_logical3A = arith.constant 3 : i32
    %shift_right_logical3A_4 = vector.broadcast %shift_right_logical3A : i32 to vector<16xi32>
    %shift_right_logical3A_5 = arith.shrui %add3A_3, %shift_right_logical3A_4 : vector<16xi32>
    %and3A = arith.constant 7 : i32
    %and3A_6 = vector.broadcast %and3A : i32 to vector<16xi32>
    %and3A_7 = arith.andi %add3A_3, %and3A_6 : vector<16xi32>
    %add3A_8 = arith.constant 16 : i32
    %add3A_9 = vector.broadcast %add3A_8 : i32 to vector<16xi32>
    %add3A_10 = arith.addi %iota3A, %add3A_9 : vector<16xi32>
    %shift_right_logical3A_11 = arith.constant 3 : i32
    %shift_right_logical3A_12 = vector.broadcast %shift_right_logical3A_11 : i32 to vector<16xi32>
    %shift_right_logical3A_13 = arith.shrui %add3A_10, %shift_right_logical3A_12 : vector<16xi32>
    %and3A_14 = arith.constant 7 : i32
    %and3A_15 = vector.broadcast %and3A_14 : i32 to vector<16xi32>
    %and3A_16 = arith.andi %add3A_10, %and3A_15 : vector<16xi32>
    %dma_start3A = arith.constant 0 : i32
    %dma_start3A_17 = arith.constant 0 : i32
    %dma_start3A_18 = arith.constant 0 : i32
    %dma_start3A_19 = arith.constant 0 : i32
    %dma_start3A_20 = arith.constant 0 : i32
    %dma_start3A_21 = tpu.memref_slice %arg6[%dma_start3A_17, %dma_start3A_19, %dma_start3A_20] : memref<8x128x32xf32, #tpu.memory_space<vmem>> -> memref<1x128x32xf32, #tpu.memory_space<vmem>>
    %dma_start3A_22 = tpu.memref_squeeze %dma_start3A_21 : memref<1x128x32xf32, #tpu.memory_space<vmem>> -> memref<128x32xf32, #tpu.memory_space<vmem>>
    %dma_start3A_23 = arith.constant 0 : i32
    %dma_start3A_24 = tpu.memref_slice %arg5[%dma_start3A, %dma_start3A_23] : memref<200x128xi32, #tpu.memory_space<vmem>> -> memref<1x128xi32, #tpu.memory_space<vmem>>
    %dma_start3A_25 = tpu.memref_squeeze %dma_start3A_24 : memref<1x128xi32, #tpu.memory_space<vmem>> -> memref<128xi32, #tpu.memory_space<vmem>>
    %dma_start3A_26 = arith.constant 0 : i32
    %dma_start3A_27 = arith.constant 0 : i32
    %dma_start3A_28 = tpu.memref_slice %arg3[%dma_start3A_26, %dma_start3A_27] : memref<1000000x32xf32, #tpu.memory_space<hbm>> -> memref<1000000x32xf32, #tpu.memory_space<hbm>>
    %dma_start3A_29 = tpu.memref_slice %arg8[%dma_start3A_18] : memref<8x!tpu.dma_semaphore, #tpu.memory_space<semaphore_mem>> -> memref<1x!tpu.dma_semaphore, #tpu.memory_space<semaphore_mem>>
    %dma_start3A_30 = tpu.memref_squeeze %dma_start3A_29 : memref<1x!tpu.dma_semaphore, #tpu.memory_space<semaphore_mem>> -> memref<!tpu.dma_semaphore, #tpu.memory_space<semaphore_mem>>
    tpu.enqueue_indirect_dma source(%dma_start3A_28 : memref<1000000x32xf32, #tpu.memory_space<hbm>>) target(%dma_start3A_22 : memref<128x32xf32, #tpu.memory_space<vmem>>) offsets(%dma_start3A_25 : memref<128xi32, #tpu.memory_space<vmem>>) semaphore(%dma_start3A_30 : memref<!tpu.dma_semaphore, #tpu.memory_space<semaphore_mem>>)
    %dma_start3A_31 = arith.constant 1 : i32
    %dma_start3A_32 = arith.constant 1 : i32
    %dma_start3A_33 = arith.constant 1 : i32
    %dma_start3A_34 = arith.constant 0 : i32
    %dma_start3A_35 = arith.constant 0 : i32
    %dma_start3A_36 = tpu.memref_slice %arg6[%dma_start3A_32, %dma_start3A_34, %dma_start3A_35] : memref<8x128x32xf32, #tpu.memory_space<vmem>> -> memref<1x128x32xf32, #tpu.memory_space<vmem>>
    %dma_start3A_37 = tpu.memref_squeeze %dma_start3A_36 : memref<1x128x32xf32, #tpu.memory_space<vmem>> -> memref<128x32xf32, #tpu.memory_space<vmem>>
    %dma_start3A_38 = arith.constant 0 : i32
    %dma_start3A_39 = tpu.memref_slice %arg5[%dma_start3A_31, %dma_start3A_38] : memref<200x128xi32, #tpu.memory_space<vmem>> -> memref<1x128xi32, #tpu.memory_space<vmem>>
    %dma_start3A_40 = tpu.memref_squeeze %dma_start3A_39 : memref<1x128xi32, #tpu.memory_space<vmem>> -> memref<128xi32, #tpu.memory_space<vmem>>
    %dma_start3A_41 = arith.constant 0 : i32
    %dma_start3A_42 = arith.constant 0 : i32
    %dma_start3A_43 = tpu.memref_slice %arg3[%dma_start3A_41, %dma_start3A_42] : memref<1000000x32xf32, #tpu.memory_space<hbm>> -> memref<1000000x32xf32, #tpu.memory_space<hbm>>
    %dma_start3A_44 = tpu.memref_slice %arg8[%dma_start3A_33] : memref<8x!tpu.dma_semaphore, #tpu.memory_space<semaphore_mem>> -> memref<1x!tpu.dma_semaphore, #tpu.memory_space<semaphore_mem>>
    %dma_start3A_45 = tpu.memref_squeeze %dma_start3A_44 : memref<1x!tpu.dma_semaphore, #tpu.memory_space<semaphore_mem>> -> memref<!tpu.dma_semaphore, #tpu.memory_space<semaphore_mem>>
    tpu.enqueue_indirect_dma source(%dma_start3A_43 : memref<1000000x32xf32, #tpu.memory_space<hbm>>) target(%dma_start3A_37 : memref<128x32xf32, #tpu.memory_space<vmem>>) offsets(%dma_start3A_40 : memref<128xi32, #tpu.memory_space<vmem>>) semaphore(%dma_start3A_45 : memref<!tpu.dma_semaphore, #tpu.memory_space<semaphore_mem>>)
    %dma_start3A_46 = arith.constant 2 : i32
    %dma_start3A_47 = arith.constant 2 : i32
    %dma_start3A_48 = arith.constant 2 : i32
    %dma_start3A_49 = arith.constant 0 : i32
    %dma_start3A_50 = arith.constant 0 : i32
    %dma_start3A_51 = tpu.memref_slice %arg6[%dma_start3A_47, %dma_start3A_49, %dma_start3A_50] : memref<8x128x32xf32, #tpu.memory_space<vmem>> -> memref<1x128x32xf32, #tpu.memory_space<vmem>>
    %dma_start3A_52 = tpu.memref_squeeze %dma_start3A_51 : memref<1x128x32xf32, #tpu.memory_space<vmem>> -> memref<128x32xf32, #tpu.memory_space<vmem>>
    %dma_start3A_53 = arith.constant 0 : i32
    %dma_start3A_54 = tpu.memref_slice %arg5[%dma_start3A_46, %dma_start3A_53] : memref<200x128xi32, #tpu.memory_space<vmem>> -> memref<1x128xi32, #tpu.memory_space<vmem>>
    %dma_start3A_55 = tpu.memref_squeeze %dma_start3A_54 : memref<1x128xi32, #tpu.memory_space<vmem>> -> memref<128xi32, #tpu.memory_space<vmem>>
    %dma_start3A_56 = arith.constant 0 : i32
    %dma_start3A_57 = arith.constant 0 : i32
    %dma_start3A_58 = tpu.memref_slice %arg3[%dma_start3A_56, %dma_start3A_57] : memref<1000000x32xf32, #tpu.memory_space<hbm>> -> memref<1000000x32xf32, #tpu.memory_space<hbm>>
    %dma_start3A_59 = tpu.memref_slice %arg8[%dma_start3A_48] : memref<8x!tpu.dma_semaphore, #tpu.memory_space<semaphore_mem>> -> memref<1x!tpu.dma_semaphore, #tpu.memory_space<semaphore_mem>>
    %dma_start3A_60 = tpu.memref_squeeze %dma_start3A_59 : memref<1x!tpu.dma_semaphore, #tpu.memory_space<semaphore_mem>> -> memref<!tpu.dma_semaphore, #tpu.memory_space<semaphore_mem>>
    tpu.enqueue_indirect_dma source(%dma_start3A_58 : memref<1000000x32xf32, #tpu.memory_space<hbm>>) target(%dma_start3A_52 : memref<128x32xf32, #tpu.memory_space<vmem>>) offsets(%dma_start3A_55 : memref<128xi32, #tpu.memory_space<vmem>>) semaphore(%dma_start3A_60 : memref<!tpu.dma_semaphore, #tpu.memory_space<semaphore_mem>>)
    %dma_start3A_61 = arith.constant 3 : i32
    %dma_start3A_62 = arith.constant 3 : i32
    %dma_start3A_63 = arith.constant 3 : i32
    %dma_start3A_64 = arith.constant 0 : i32
    %dma_start3A_65 = arith.constant 0 : i32
    %dma_start3A_66 = tpu.memref_slice %arg6[%dma_start3A_62, %dma_start3A_64, %dma_start3A_65] : memref<8x128x32xf32, #tpu.memory_space<vmem>> -> memref<1x128x32xf32, #tpu.memory_space<vmem>>
    %dma_start3A_67 = tpu.memref_squeeze %dma_start3A_66 : memref<1x128x32xf32, #tpu.memory_space<vmem>> -> memref<128x32xf32, #tpu.memory_space<vmem>>
    %dma_start3A_68 = arith.constant 0 : i32
    %dma_start3A_69 = tpu.memref_slice %arg5[%dma_start3A_61, %dma_start3A_68] : memref<200x128xi32, #tpu.memory_space<vmem>> -> memref<1x128xi32, #tpu.memory_space<vmem>>
    %dma_start3A_70 = tpu.memref_squeeze %dma_start3A_69 : memref<1x128xi32, #tpu.memory_space<vmem>> -> memref<128xi32, #tpu.memory_space<vmem>>
    %dma_start3A_71 = arith.constant 0 : i32
    %dma_start3A_72 = arith.constant 0 : i32
    %dma_start3A_73 = tpu.memref_slice %arg3[%dma_start3A_71, %dma_start3A_72] : memref<1000000x32xf32, #tpu.memory_space<hbm>> -> memref<1000000x32xf32, #tpu.memory_space<hbm>>
    %dma_start3A_74 = tpu.memref_slice %arg8[%dma_start3A_63] : memref<8x!tpu.dma_semaphore, #tpu.memory_space<semaphore_mem>> -> memref<1x!tpu.dma_semaphore, #tpu.memory_space<semaphore_mem>>
    %dma_start3A_75 = tpu.memref_squeeze %dma_start3A_74 : memref<1x!tpu.dma_semaphore, #tpu.memory_space<semaphore_mem>> -> memref<!tpu.dma_semaphore, #tpu.memory_space<semaphore_mem>>
    tpu.enqueue_indirect_dma source(%dma_start3A_73 : memref<1000000x32xf32, #tpu.memory_space<hbm>>) target(%dma_start3A_67 : memref<128x32xf32, #tpu.memory_space<vmem>>) offsets(%dma_start3A_70 : memref<128xi32, #tpu.memory_space<vmem>>) semaphore(%dma_start3A_75 : memref<!tpu.dma_semaphore, #tpu.memory_space<semaphore_mem>>)
    %scan3A = arith.constant 0 : i32
    %scan3A_76 = arith.constant 0 : i32
    %scan3A_77 = arith.constant 25 : i32
    %scan3A_78 = arith.addi %scan3A_76, %scan3A_77 : i32
    %scan3A_79 = arith.constant 1 : i32
    scf.for %scan3A_280 = %scan3A_76 to %scan3A_78 step %scan3A_79  : i32 {
      %mul3A_281 = arith.constant 8 : i32
      %mul3A_282 = arith.muli %scan3A_280, %mul3A_281 : i32
      %add3A_283 = arith.constant 0 : i32
      %add3A_284 = arith.addi %mul3A_282, %add3A_283 : i32
      %dma_wait3A_285 = arith.constant 0 : i32
      %dma_wait3A_286 = arith.constant 0 : i32
      %dma_wait3A_287 = arith.constant 0 : i32
      %dma_wait3A_288 = arith.constant 0 : i32
      %dma_wait3A_289 = tpu.memref_slice %arg6[%dma_wait3A_285, %dma_wait3A_287, %dma_wait3A_288] : memref<8x128x32xf32, #tpu.memory_space<vmem>> -> memref<1x128x32xf32, #tpu.memory_space<vmem>>
      %dma_wait3A_290 = tpu.memref_squeeze %dma_wait3A_289 : memref<1x128x32xf32, #tpu.memory_space<vmem>> -> memref<128x32xf32, #tpu.memory_space<vmem>>
      %dma_wait3A_291 = arith.constant 0 : i32
      %dma_wait3A_292 = tpu.memref_slice %arg5[%add3A_284, %dma_wait3A_291] : memref<200x128xi32, #tpu.memory_space<vmem>> -> memref<1x128xi32, #tpu.memory_space<vmem>>
      %dma_wait3A_293 = tpu.memref_squeeze %dma_wait3A_292 : memref<1x128xi32, #tpu.memory_space<vmem>> -> memref<128xi32, #tpu.memory_space<vmem>>
      %dma_wait3A_294 = arith.constant 0 : i32
      %dma_wait3A_295 = arith.constant 0 : i32
      %dma_wait3A_296 = tpu.memref_slice %arg3[%dma_wait3A_294, %dma_wait3A_295] : memref<1000000x32xf32, #tpu.memory_space<hbm>> -> memref<1000000x32xf32, #tpu.memory_space<hbm>>
      %dma_wait3A_297 = tpu.memref_slice %arg8[%dma_wait3A_286] : memref<8x!tpu.dma_semaphore, #tpu.memory_space<semaphore_mem>> -> memref<1x!tpu.dma_semaphore, #tpu.memory_space<semaphore_mem>>
      %dma_wait3A_298 = tpu.memref_squeeze %dma_wait3A_297 : memref<1x!tpu.dma_semaphore, #tpu.memory_space<semaphore_mem>> -> memref<!tpu.dma_semaphore, #tpu.memory_space<semaphore_mem>>
      tpu.wait_indirect_dma semaphore(%dma_wait3A_298 : memref<!tpu.dma_semaphore, #tpu.memory_space<semaphore_mem>>) src(%dma_wait3A_296 : memref<1000000x32xf32, #tpu.memory_space<hbm>>) dst(%dma_wait3A_290 : memref<128x32xf32, #tpu.memory_space<vmem>>)
      %ge3A = arith.constant 8 : i32
      %ge3A_299 = arith.cmpi sge, %add3A_284, %ge3A : i32
      %convert_element_type3A = arith.extui %ge3A_299 : i1 to i32
      %cond3A = arith.constant 0 : i32
      %cond3A_300 = arith.cmpi ne, %convert_element_type3A, %cond3A : i32
      scf.if %cond3A_300 {
        %sub3A = arith.constant 8 : i32
        %sub3A_740 = arith.subi %add3A_284, %sub3A : i32
        %dma_wait3A_741 = arith.constant 0 : i32
        %dma_wait3A_742 = arith.constant 0 : i32
        %dma_wait3A_743 = arith.constant 0 : i32
        %dma_wait3A_744 = arith.constant 0 : i32
        %dma_wait3A_745 = arith.constant 0 : i32
        %dma_wait3A_746 = tpu.memref_slice %arg7[%dma_wait3A_741, %dma_wait3A_743, %dma_wait3A_744, %dma_wait3A_745] : memref<8x4x8x129xf32, #tpu.memory_space<vmem>> -> memref<1x4x8x128xf32, #tpu.memory_space<vmem>>
        %dma_wait3A_747 = tpu.memref_squeeze %dma_wait3A_746 : memref<1x4x8x128xf32, #tpu.memory_space<vmem>> -> memref<4x8x128xf32, #tpu.memory_space<vmem>>
        %dma_wait3A_748 = arith.constant 0 : i32
        %dma_wait3A_749 = arith.constant 0 : i32
        %dma_wait3A_750 = arith.constant 0 : i32
        %dma_wait3A_751 = tpu.memref_slice %arg4[%sub3A_740, %dma_wait3A_748, %add3A, %dma_wait3A_749, %dma_wait3A_750] : memref<200x4x32x8x128xf32, #tpu.memory_space<hbm>> -> memref<1x4x1x8x128xf32, #tpu.memory_space<hbm>>
        %dma_wait3A_752 = tpu.memref_squeeze %dma_wait3A_751 : memref<1x4x1x8x128xf32, #tpu.memory_space<hbm>> -> memref<4x8x128xf32, #tpu.memory_space<hbm>>
        %dma_wait3A_753 = tpu.memref_slice %arg9[%dma_wait3A_742] : memref<8x!tpu.dma_semaphore, #tpu.memory_space<semaphore_mem>> -> memref<1x!tpu.dma_semaphore, #tpu.memory_space<semaphore_mem>>
        %dma_wait3A_754 = tpu.memref_squeeze %dma_wait3A_753 : memref<1x!tpu.dma_semaphore, #tpu.memory_space<semaphore_mem>> -> memref<!tpu.dma_semaphore, #tpu.memory_space<semaphore_mem>>
        %dma_wait3A_755 = arith.constant 0 : i32
        %dma_wait3A_756 = arith.constant 0 : i32
        %dma_wait3A_757 = arith.constant 0 : i32
        %dma_wait3A_758 = tpu.memref_slice %arg4[%sub3A_740, %dma_wait3A_755, %add3A, %dma_wait3A_756, %dma_wait3A_757] : memref<200x4x32x8x128xf32, #tpu.memory_space<hbm>> -> memref<1x4x1x8x128xf32, #tpu.memory_space<hbm>>
        %dma_wait3A_759 = tpu.memref_squeeze %dma_wait3A_758 : memref<1x4x1x8x128xf32, #tpu.memory_space<hbm>> -> memref<4x8x128xf32, #tpu.memory_space<hbm>>
        %dma_wait3A_760 = arith.constant 0 : i32
        %dma_wait3A_761 = arith.constant 0 : i32
        %dma_wait3A_762 = arith.constant 0 : i32
        %dma_wait3A_763 = tpu.memref_slice %arg7[%dma_wait3A_741, %dma_wait3A_760, %dma_wait3A_761, %dma_wait3A_762] : memref<8x4x8x129xf32, #tpu.memory_space<vmem>> -> memref<1x4x8x128xf32, #tpu.memory_space<vmem>>
        %dma_wait3A_764 = tpu.memref_squeeze %dma_wait3A_763 : memref<1x4x8x128xf32, #tpu.memory_space<vmem>> -> memref<4x8x128xf32, #tpu.memory_space<vmem>>
        tpu.wait_dma2 semaphore(%dma_wait3A_754 : memref<!tpu.dma_semaphore, #tpu.memory_space<semaphore_mem>>) src(%dma_wait3A_764 : memref<4x8x128xf32, #tpu.memory_space<vmem>>) dst(%dma_wait3A_759 : memref<4x8x128xf32, #tpu.memory_space<hbm>>)
      } else {
      }
      %parallel_loop3A = arith.constant 0 : i32
      %parallel_loop3A_301 = arith.constant 128 : i32
      %parallel_loop3A_302 = arith.constant 1 : i32
      %parallel_loop3A_303 = arith.constant 0 : i32
      scf.for %parallel_loop3A_740 = %parallel_loop3A to %parallel_loop3A_301 step %parallel_loop3A_302  : i32 {
        %parallel_loop3A_741 = vector.broadcast %parallel_loop3A_740 : i32 to vector<16xi32>
        %parallel_loop3A_742 = arith.constant 0 : i32
        %parallel_loop3A_743 = arith.index_cast %parallel_loop3A_742 : i32 to index
        %parallel_loop3A_744 = arith.index_cast %parallel_loop3A_740 : i32 to index
        %parallel_loop3A_745 = arith.constant 0 : index
        %parallel_loop3A_746 = tpu.vector_load %arg6[%parallel_loop3A_743, %parallel_loop3A_744, %parallel_loop3A_745] {strides = array<i32>} : memref<8x128x32xf32, #tpu.memory_space<vmem>>, vector<16xf32>,
        %parallel_loop3A_747 = arith.constant 0 : i32
        %parallel_loop3A_748 = arith.constant 0 : i32
        %parallel_loop3A_749 = arith.constant 0 : i32
        %parallel_loop3A_750 = tpu.memref_slice %arg7[%parallel_loop3A_303, %parallel_loop3A_747, %parallel_loop3A_748, %parallel_loop3A_749] : memref<8x4x8x129xf32, #tpu.memory_space<vmem>> -> memref<1x4x8x129xf32, #tpu.memory_space<vmem>>
        %parallel_loop3A_751 = tpu.memref_squeeze %parallel_loop3A_750 : memref<1x4x8x129xf32, #tpu.memory_space<vmem>> -> memref<4x8x129xf32, #tpu.memory_space<vmem>>
        tpu.vector_store_idx %parallel_loop3A_751[%shift_right_logical3A_5, %and3A_7, %parallel_loop3A_741], %parallel_loop3A_746 : memref<4x8x129xf32, #tpu.memory_space<vmem>>[vector<16xi32>, vector<16xi32>, vector<16xi32>], vector<16xf32>,
        %parallel_loop3A_752 = arith.constant 0 : i32
        %parallel_loop3A_753 = arith.index_cast %parallel_loop3A_752 : i32 to index
        %parallel_loop3A_754 = arith.index_cast %parallel_loop3A_740 : i32 to index
        %parallel_loop3A_755 = arith.constant 16 : index
        %parallel_loop3A_756 = tpu.vector_load %arg6[%parallel_loop3A_753, %parallel_loop3A_754, %parallel_loop3A_755] {strides = array<i32>} : memref<8x128x32xf32, #tpu.memory_space<vmem>>, vector<16xf32>,
        %parallel_loop3A_757 = arith.constant 0 : i32
        %parallel_loop3A_758 = arith.constant 0 : i32
        %parallel_loop3A_759 = arith.constant 0 : i32
        %parallel_loop3A_760 = tpu.memref_slice %arg7[%parallel_loop3A_303, %parallel_loop3A_757, %parallel_loop3A_758, %parallel_loop3A_759] : memref<8x4x8x129xf32, #tpu.memory_space<vmem>> -> memref<1x4x8x129xf32, #tpu.memory_space<vmem>>
        %parallel_loop3A_761 = tpu.memref_squeeze %parallel_loop3A_760 : memref<1x4x8x129xf32, #tpu.memory_space<vmem>> -> memref<4x8x129xf32, #tpu.memory_space<vmem>>
        tpu.vector_store_idx %parallel_loop3A_761[%shift_right_logical3A_13, %and3A_16, %parallel_loop3A_741], %parallel_loop3A_756 : memref<4x8x129xf32, #tpu.memory_space<vmem>>[vector<16xi32>, vector<16xi32>, vector<16xi32>], vector<16xf32>,
      } {sc.loop_unroll_factor = 8 : i64, sc.parallel_access}
      %dma_start3A_304 = arith.constant 0 : i32
      %dma_start3A_305 = arith.constant 0 : i32
      %dma_start3A_306 = arith.constant 0 : i32
      %dma_start3A_307 = arith.constant 0 : i32
      %dma_start3A_308 = arith.constant 0 : i32
      %dma_start3A_309 = tpu.memref_slice %arg7[%dma_start3A_304, %dma_start3A_306, %dma_start3A_307, %dma_start3A_308] : memref<8x4x8x129xf32, #tpu.memory_space<vmem>> -> memref<1x4x8x128xf32, #tpu.memory_space<vmem>>
      %dma_start3A_310 = tpu.memref_squeeze %dma_start3A_309 : memref<1x4x8x128xf32, #tpu.memory_space<vmem>> -> memref<4x8x128xf32, #tpu.memory_space<vmem>>
      %dma_start3A_311 = arith.constant 0 : i32
      %dma_start3A_312 = arith.constant 0 : i32
      %dma_start3A_313 = arith.constant 0 : i32
      %dma_start3A_314 = tpu.memref_slice %arg4[%add3A_284, %dma_start3A_311, %add3A, %dma_start3A_312, %dma_start3A_313] : memref<200x4x32x8x128xf32, #tpu.memory_space<hbm>> -> memref<1x4x1x8x128xf32, #tpu.memory_space<hbm>>
      %dma_start3A_315 = tpu.memref_squeeze %dma_start3A_314 : memref<1x4x1x8x128xf32, #tpu.memory_space<hbm>> -> memref<4x8x128xf32, #tpu.memory_space<hbm>>
      %dma_start3A_316 = tpu.memref_slice %arg9[%dma_start3A_305] : memref<8x!tpu.dma_semaphore, #tpu.memory_space<semaphore_mem>> -> memref<1x!tpu.dma_semaphore, #tpu.memory_space<semaphore_mem>>
      %dma_start3A_317 = tpu.memref_squeeze %dma_start3A_316 : memref<1x!tpu.dma_semaphore, #tpu.memory_space<semaphore_mem>> -> memref<!tpu.dma_semaphore, #tpu.memory_space<semaphore_mem>>
      %dma_start3A_318 = arith.constant 0 : i32
      %dma_start3A_319 = arith.constant 0 : i32
      %dma_start3A_320 = arith.constant 0 : i32
      %dma_start3A_321 = tpu.memref_slice %arg4[%add3A_284, %dma_start3A_318, %add3A, %dma_start3A_319, %dma_start3A_320] : memref<200x4x32x8x128xf32, #tpu.memory_space<hbm>> -> memref<1x4x1x8x128xf32, #tpu.memory_space<hbm>>
      %dma_start3A_322 = tpu.memref_squeeze %dma_start3A_321 : memref<1x4x1x8x128xf32, #tpu.memory_space<hbm>> -> memref<4x8x128xf32, #tpu.memory_space<hbm>>
      %dma_start3A_323 = arith.constant 0 : i32
      %dma_start3A_324 = arith.constant 0 : i32
      %dma_start3A_325 = arith.constant 0 : i32
      %dma_start3A_326 = tpu.memref_slice %arg7[%dma_start3A_304, %dma_start3A_323, %dma_start3A_324, %dma_start3A_325] : memref<8x4x8x129xf32, #tpu.memory_space<vmem>> -> memref<1x4x8x128xf32, #tpu.memory_space<vmem>>
      %dma_start3A_327 = tpu.memref_squeeze %dma_start3A_326 : memref<1x4x8x128xf32, #tpu.memory_space<vmem>> -> memref<4x8x128xf32, #tpu.memory_space<vmem>>
      tpu.enqueue_dma source(%dma_start3A_327 : memref<4x8x128xf32, #tpu.memory_space<vmem>>) target(%dma_start3A_322 : memref<4x8x128xf32, #tpu.memory_space<hbm>>) target_semaphore(%dma_start3A_317 : memref<!tpu.dma_semaphore, #tpu.memory_space<semaphore_mem>>)
      %add3A_328 = arith.constant 4 : i32
      %add3A_329 = arith.addi %add3A_284, %add3A_328 : i32
      %lt3A = arith.constant 200 : i32
      %lt3A_330 = arith.cmpi slt, %add3A_329, %lt3A : i32
      %convert_element_type3A_331 = arith.extui %lt3A_330 : i1 to i32
      %cond3A_332 = arith.constant 0 : i32
      %cond3A_333 = arith.cmpi ne, %convert_element_type3A_331, %cond3A_332 : i32
      scf.if %cond3A_333 {
        %dma_start3A_740 = arith.constant 4 : i32
        %dma_start3A_741 = arith.constant 4 : i32
        %dma_start3A_742 = arith.constant 0 : i32
        %dma_start3A_743 = arith.constant 0 : i32
        %dma_start3A_744 = tpu.memref_slice %arg6[%dma_start3A_740, %dma_start3A_742, %dma_start3A_743] : memref<8x128x32xf32, #tpu.memory_space<vmem>> -> memref<1x128x32xf32, #tpu.memory_space<vmem>>
        %dma_start3A_745 = tpu.memref_squeeze %dma_start3A_744 : memref<1x128x32xf32, #tpu.memory_space<vmem>> -> memref<128x32xf32, #tpu.memory_space<vmem>>
        %dma_start3A_746 = arith.constant 0 : i32
        %dma_start3A_747 = tpu.memref_slice %arg5[%add3A_329, %dma_start3A_746] : memref<200x128xi32, #tpu.memory_space<vmem>> -> memref<1x128xi32, #tpu.memory_space<vmem>>
        %dma_start3A_748 = tpu.memref_squeeze %dma_start3A_747 : memref<1x128xi32, #tpu.memory_space<vmem>> -> memref<128xi32, #tpu.memory_space<vmem>>
        %dma_start3A_749 = arith.constant 0 : i32
        %dma_start3A_750 = arith.constant 0 : i32
        %dma_start3A_751 = tpu.memref_slice %arg3[%dma_start3A_749, %dma_start3A_750] : memref<1000000x32xf32, #tpu.memory_space<hbm>> -> memref<1000000x32xf32, #tpu.memory_space<hbm>>
        %dma_start3A_752 = tpu.memref_slice %arg8[%dma_start3A_741] : memref<8x!tpu.dma_semaphore, #tpu.memory_space<semaphore_mem>> -> memref<1x!tpu.dma_semaphore, #tpu.memory_space<semaphore_mem>>
        %dma_start3A_753 = tpu.memref_squeeze %dma_start3A_752 : memref<1x!tpu.dma_semaphore, #tpu.memory_space<semaphore_mem>> -> memref<!tpu.dma_semaphore, #tpu.memory_space<semaphore_mem>>
        tpu.enqueue_indirect_dma source(%dma_start3A_751 : memref<1000000x32xf32, #tpu.memory_space<hbm>>) target(%dma_start3A_745 : memref<128x32xf32, #tpu.memory_space<vmem>>) offsets(%dma_start3A_748 : memref<128xi32, #tpu.memory_space<vmem>>) semaphore(%dma_start3A_753 : memref<!tpu.dma_semaphore, #tpu.memory_space<semaphore_mem>>)
      } else {
      }
      %mul3A_334 = arith.constant 8 : i32
      %mul3A_335 = arith.muli %scan3A_280, %mul3A_334 : i32
      %add3A_336 = arith.constant 1 : i32
      %add3A_337 = arith.addi %mul3A_335, %add3A_336 : i32
      %dma_wait3A_338 = arith.constant 1 : i32
      %dma_wait3A_339 = arith.constant 1 : i32
      %dma_wait3A_340 = arith.constant 0 : i32
      %dma_wait3A_341 = arith.constant 0 : i32
      %dma_wait3A_342 = tpu.memref_slice %arg6[%dma_wait3A_338, %dma_wait3A_340, %dma_wait3A_341] : memref<8x128x32xf32, #tpu.memory_space<vmem>> -> memref<1x128x32xf32, #tpu.memory_space<vmem>>
      %dma_wait3A_343 = tpu.memref_squeeze %dma_wait3A_342 : memref<1x128x32xf32, #tpu.memory_space<vmem>> -> memref<128x32xf32, #tpu.memory_space<vmem>>
      %dma_wait3A_344 = arith.constant 0 : i32
      %dma_wait3A_345 = tpu.memref_slice %arg5[%add3A_337, %dma_wait3A_344] : memref<200x128xi32, #tpu.memory_space<vmem>> -> memref<1x128xi32, #tpu.memory_space<vmem>>
      %dma_wait3A_346 = tpu.memref_squeeze %dma_wait3A_345 : memref<1x128xi32, #tpu.memory_space<vmem>> -> memref<128xi32, #tpu.memory_space<vmem>>
      %dma_wait3A_347 = arith.constant 0 : i32
      %dma_wait3A_348 = arith.constant 0 : i32
      %dma_wait3A_349 = tpu.memref_slice %arg3[%dma_wait3A_347, %dma_wait3A_348] : memref<1000000x32xf32, #tpu.memory_space<hbm>> -> memref<1000000x32xf32, #tpu.memory_space<hbm>>
      %dma_wait3A_350 = tpu.memref_slice %arg8[%dma_wait3A_339] : memref<8x!tpu.dma_semaphore, #tpu.memory_space<semaphore_mem>> -> memref<1x!tpu.dma_semaphore, #tpu.memory_space<semaphore_mem>>
      %dma_wait3A_351 = tpu.memref_squeeze %dma_wait3A_350 : memref<1x!tpu.dma_semaphore, #tpu.memory_space<semaphore_mem>> -> memref<!tpu.dma_semaphore, #tpu.memory_space<semaphore_mem>>
      tpu.wait_indirect_dma semaphore(%dma_wait3A_351 : memref<!tpu.dma_semaphore, #tpu.memory_space<semaphore_mem>>) src(%dma_wait3A_349 : memref<1000000x32xf32, #tpu.memory_space<hbm>>) dst(%dma_wait3A_343 : memref<128x32xf32, #tpu.memory_space<vmem>>)
      %ge3A_352 = arith.constant 8 : i32
      %ge3A_353 = arith.cmpi sge, %add3A_337, %ge3A_352 : i32
      %convert_element_type3A_354 = arith.extui %ge3A_353 : i1 to i32
      %cond3A_355 = arith.constant 0 : i32
      %cond3A_356 = arith.cmpi ne, %convert_element_type3A_354, %cond3A_355 : i32
      scf.if %cond3A_356 {
        %sub3A = arith.constant 8 : i32
        %sub3A_740 = arith.subi %add3A_337, %sub3A : i32
        %dma_wait3A_741 = arith.constant 1 : i32
        %dma_wait3A_742 = arith.constant 1 : i32
        %dma_wait3A_743 = arith.constant 0 : i32
        %dma_wait3A_744 = arith.constant 0 : i32
        %dma_wait3A_745 = arith.constant 0 : i32
        %dma_wait3A_746 = tpu.memref_slice %arg7[%dma_wait3A_741, %dma_wait3A_743, %dma_wait3A_744, %dma_wait3A_745] : memref<8x4x8x129xf32, #tpu.memory_space<vmem>> -> memref<1x4x8x128xf32, #tpu.memory_space<vmem>>
        %dma_wait3A_747 = tpu.memref_squeeze %dma_wait3A_746 : memref<1x4x8x128xf32, #tpu.memory_space<vmem>> -> memref<4x8x128xf32, #tpu.memory_space<vmem>>
        %dma_wait3A_748 = arith.constant 0 : i32
        %dma_wait3A_749 = arith.constant 0 : i32
        %dma_wait3A_750 = arith.constant 0 : i32
        %dma_wait3A_751 = tpu.memref_slice %arg4[%sub3A_740, %dma_wait3A_748, %add3A, %dma_wait3A_749, %dma_wait3A_750] : memref<200x4x32x8x128xf32, #tpu.memory_space<hbm>> -> memref<1x4x1x8x128xf32, #tpu.memory_space<hbm>>
        %dma_wait3A_752 = tpu.memref_squeeze %dma_wait3A_751 : memref<1x4x1x8x128xf32, #tpu.memory_space<hbm>> -> memref<4x8x128xf32, #tpu.memory_space<hbm>>
        %dma_wait3A_753 = tpu.memref_slice %arg9[%dma_wait3A_742] : memref<8x!tpu.dma_semaphore, #tpu.memory_space<semaphore_mem>> -> memref<1x!tpu.dma_semaphore, #tpu.memory_space<semaphore_mem>>
        %dma_wait3A_754 = tpu.memref_squeeze %dma_wait3A_753 : memref<1x!tpu.dma_semaphore, #tpu.memory_space<semaphore_mem>> -> memref<!tpu.dma_semaphore, #tpu.memory_space<semaphore_mem>>
        %dma_wait3A_755 = arith.constant 0 : i32
        %dma_wait3A_756 = arith.constant 0 : i32
        %dma_wait3A_757 = arith.constant 0 : i32
        %dma_wait3A_758 = tpu.memref_slice %arg4[%sub3A_740, %dma_wait3A_755, %add3A, %dma_wait3A_756, %dma_wait3A_757] : memref<200x4x32x8x128xf32, #tpu.memory_space<hbm>> -> memref<1x4x1x8x128xf32, #tpu.memory_space<hbm>>
        %dma_wait3A_759 = tpu.memref_squeeze %dma_wait3A_758 : memref<1x4x1x8x128xf32, #tpu.memory_space<hbm>> -> memref<4x8x128xf32, #tpu.memory_space<hbm>>
        %dma_wait3A_760 = arith.constant 0 : i32
        %dma_wait3A_761 = arith.constant 0 : i32
        %dma_wait3A_762 = arith.constant 0 : i32
        %dma_wait3A_763 = tpu.memref_slice %arg7[%dma_wait3A_741, %dma_wait3A_760, %dma_wait3A_761, %dma_wait3A_762] : memref<8x4x8x129xf32, #tpu.memory_space<vmem>> -> memref<1x4x8x128xf32, #tpu.memory_space<vmem>>
        %dma_wait3A_764 = tpu.memref_squeeze %dma_wait3A_763 : memref<1x4x8x128xf32, #tpu.memory_space<vmem>> -> memref<4x8x128xf32, #tpu.memory_space<vmem>>
        tpu.wait_dma2 semaphore(%dma_wait3A_754 : memref<!tpu.dma_semaphore, #tpu.memory_space<semaphore_mem>>) src(%dma_wait3A_764 : memref<4x8x128xf32, #tpu.memory_space<vmem>>) dst(%dma_wait3A_759 : memref<4x8x128xf32, #tpu.memory_space<hbm>>)
      } else {
      }
      %parallel_loop3A_357 = arith.constant 0 : i32
      %parallel_loop3A_358 = arith.constant 128 : i32
      %parallel_loop3A_359 = arith.constant 1 : i32
      %parallel_loop3A_360 = arith.constant 1 : i32
      scf.for %parallel_loop3A_740 = %parallel_loop3A_357 to %parallel_loop3A_358 step %parallel_loop3A_359  : i32 {
        %parallel_loop3A_741 = vector.broadcast %parallel_loop3A_740 : i32 to vector<16xi32>
        %parallel_loop3A_742 = arith.constant 1 : i32
        %parallel_loop3A_743 = arith.index_cast %parallel_loop3A_742 : i32 to index
        %parallel_loop3A_744 = arith.index_cast %parallel_loop3A_740 : i32 to index
        %parallel_loop3A_745 = arith.constant 0 : index
        %parallel_loop3A_746 = tpu.vector_load %arg6[%parallel_loop3A_743, %parallel_loop3A_744, %parallel_loop3A_745] {strides = array<i32>} : memref<8x128x32xf32, #tpu.memory_space<vmem>>, vector<16xf32>,
        %parallel_loop3A_747 = arith.constant 0 : i32
        %parallel_loop3A_748 = arith.constant 0 : i32
        %parallel_loop3A_749 = arith.constant 0 : i32
        %parallel_loop3A_750 = tpu.memref_slice %arg7[%parallel_loop3A_360, %parallel_loop3A_747, %parallel_loop3A_748, %parallel_loop3A_749] : memref<8x4x8x129xf32, #tpu.memory_space<vmem>> -> memref<1x4x8x129xf32, #tpu.memory_space<vmem>>
        %parallel_loop3A_751 = tpu.memref_squeeze %parallel_loop3A_750 : memref<1x4x8x129xf32, #tpu.memory_space<vmem>> -> memref<4x8x129xf32, #tpu.memory_space<vmem>>
        tpu.vector_store_idx %parallel_loop3A_751[%shift_right_logical3A_5, %and3A_7, %parallel_loop3A_741], %parallel_loop3A_746 : memref<4x8x129xf32, #tpu.memory_space<vmem>>[vector<16xi32>, vector<16xi32>, vector<16xi32>], vector<16xf32>,
        %parallel_loop3A_752 = arith.constant 1 : i32
        %parallel_loop3A_753 = arith.index_cast %parallel_loop3A_752 : i32 to index
        %parallel_loop3A_754 = arith.index_cast %parallel_loop3A_740 : i32 to index
        %parallel_loop3A_755 = arith.constant 16 : index
        %parallel_loop3A_756 = tpu.vector_load %arg6[%parallel_loop3A_753, %parallel_loop3A_754, %parallel_loop3A_755] {strides = array<i32>} : memref<8x128x32xf32, #tpu.memory_space<vmem>>, vector<16xf32>,
        %parallel_loop3A_757 = arith.constant 0 : i32
        %parallel_loop3A_758 = arith.constant 0 : i32
        %parallel_loop3A_759 = arith.constant 0 : i32
        %parallel_loop3A_760 = tpu.memref_slice %arg7[%parallel_loop3A_360, %parallel_loop3A_757, %parallel_loop3A_758, %parallel_loop3A_759] : memref<8x4x8x129xf32, #tpu.memory_space<vmem>> -> memref<1x4x8x129xf32, #tpu.memory_space<vmem>>
        %parallel_loop3A_761 = tpu.memref_squeeze %parallel_loop3A_760 : memref<1x4x8x129xf32, #tpu.memory_space<vmem>> -> memref<4x8x129xf32, #tpu.memory_space<vmem>>
        tpu.vector_store_idx %parallel_loop3A_761[%shift_right_logical3A_13, %and3A_16, %parallel_loop3A_741], %parallel_loop3A_756 : memref<4x8x129xf32, #tpu.memory_space<vmem>>[vector<16xi32>, vector<16xi32>, vector<16xi32>], vector<16xf32>,
      } {sc.loop_unroll_factor = 8 : i64, sc.parallel_access}
      %dma_start3A_361 = arith.constant 1 : i32
      %dma_start3A_362 = arith.constant 1 : i32
      %dma_start3A_363 = arith.constant 0 : i32
      %dma_start3A_364 = arith.constant 0 : i32
      %dma_start3A_365 = arith.constant 0 : i32
      %dma_start3A_366 = tpu.memref_slice %arg7[%dma_start3A_361, %dma_start3A_363, %dma_start3A_364, %dma_start3A_365] : memref<8x4x8x129xf32, #tpu.memory_space<vmem>> -> memref<1x4x8x128xf32, #tpu.memory_space<vmem>>
      %dma_start3A_367 = tpu.memref_squeeze %dma_start3A_366 : memref<1x4x8x128xf32, #tpu.memory_space<vmem>> -> memref<4x8x128xf32, #tpu.memory_space<vmem>>
      %dma_start3A_368 = arith.constant 0 : i32
      %dma_start3A_369 = arith.constant 0 : i32
      %dma_start3A_370 = arith.constant 0 : i32
      %dma_start3A_371 = tpu.memref_slice %arg4[%add3A_337, %dma_start3A_368, %add3A, %dma_start3A_369, %dma_start3A_370] : memref<200x4x32x8x128xf32, #tpu.memory_space<hbm>> -> memref<1x4x1x8x128xf32, #tpu.memory_space<hbm>>
      %dma_start3A_372 = tpu.memref_squeeze %dma_start3A_371 : memref<1x4x1x8x128xf32, #tpu.memory_space<hbm>> -> memref<4x8x128xf32, #tpu.memory_space<hbm>>
      %dma_start3A_373 = tpu.memref_slice %arg9[%dma_start3A_362] : memref<8x!tpu.dma_semaphore, #tpu.memory_space<semaphore_mem>> -> memref<1x!tpu.dma_semaphore, #tpu.memory_space<semaphore_mem>>
      %dma_start3A_374 = tpu.memref_squeeze %dma_start3A_373 : memref<1x!tpu.dma_semaphore, #tpu.memory_space<semaphore_mem>> -> memref<!tpu.dma_semaphore, #tpu.memory_space<semaphore_mem>>
      %dma_start3A_375 = arith.constant 0 : i32
      %dma_start3A_376 = arith.constant 0 : i32
      %dma_start3A_377 = arith.constant 0 : i32
      %dma_start3A_378 = tpu.memref_slice %arg4[%add3A_337, %dma_start3A_375, %add3A, %dma_start3A_376, %dma_start3A_377] : memref<200x4x32x8x128xf32, #tpu.memory_space<hbm>> -> memref<1x4x1x8x128xf32, #tpu.memory_space<hbm>>
      %dma_start3A_379 = tpu.memref_squeeze %dma_start3A_378 : memref<1x4x1x8x128xf32, #tpu.memory_space<hbm>> -> memref<4x8x128xf32, #tpu.memory_space<hbm>>
      %dma_start3A_380 = arith.constant 0 : i32
      %dma_start3A_381 = arith.constant 0 : i32
      %dma_start3A_382 = arith.constant 0 : i32
      %dma_start3A_383 = tpu.memref_slice %arg7[%dma_start3A_361, %dma_start3A_380, %dma_start3A_381, %dma_start3A_382] : memref<8x4x8x129xf32, #tpu.memory_space<vmem>> -> memref<1x4x8x128xf32, #tpu.memory_space<vmem>>
      %dma_start3A_384 = tpu.memref_squeeze %dma_start3A_383 : memref<1x4x8x128xf32, #tpu.memory_space<vmem>> -> memref<4x8x128xf32, #tpu.memory_space<vmem>>
      tpu.enqueue_dma source(%dma_start3A_384 : memref<4x8x128xf32, #tpu.memory_space<vmem>>) target(%dma_start3A_379 : memref<4x8x128xf32, #tpu.memory_space<hbm>>) target_semaphore(%dma_start3A_374 : memref<!tpu.dma_semaphore, #tpu.memory_space<semaphore_mem>>)
      %add3A_385 = arith.constant 4 : i32
      %add3A_386 = arith.addi %add3A_337, %add3A_385 : i32
      %lt3A_387 = arith.constant 200 : i32
      %lt3A_388 = arith.cmpi slt, %add3A_386, %lt3A_387 : i32
      %convert_element_type3A_389 = arith.extui %lt3A_388 : i1 to i32
      %cond3A_390 = arith.constant 0 : i32
      %cond3A_391 = arith.cmpi ne, %convert_element_type3A_389, %cond3A_390 : i32
      scf.if %cond3A_391 {
        %dma_start3A_740 = arith.constant 5 : i32
        %dma_start3A_741 = arith.constant 5 : i32
        %dma_start3A_742 = arith.constant 0 : i32
        %dma_start3A_743 = arith.constant 0 : i32
        %dma_start3A_744 = tpu.memref_slice %arg6[%dma_start3A_740, %dma_start3A_742, %dma_start3A_743] : memref<8x128x32xf32, #tpu.memory_space<vmem>> -> memref<1x128x32xf32, #tpu.memory_space<vmem>>
        %dma_start3A_745 = tpu.memref_squeeze %dma_start3A_744 : memref<1x128x32xf32, #tpu.memory_space<vmem>> -> memref<128x32xf32, #tpu.memory_space<vmem>>
        %dma_start3A_746 = arith.constant 0 : i32
        %dma_start3A_747 = tpu.memref_slice %arg5[%add3A_386, %dma_start3A_746] : memref<200x128xi32, #tpu.memory_space<vmem>> -> memref<1x128xi32, #tpu.memory_space<vmem>>
        %dma_start3A_748 = tpu.memref_squeeze %dma_start3A_747 : memref<1x128xi32, #tpu.memory_space<vmem>> -> memref<128xi32, #tpu.memory_space<vmem>>
        %dma_start3A_749 = arith.constant 0 : i32
        %dma_start3A_750 = arith.constant 0 : i32
        %dma_start3A_751 = tpu.memref_slice %arg3[%dma_start3A_749, %dma_start3A_750] : memref<1000000x32xf32, #tpu.memory_space<hbm>> -> memref<1000000x32xf32, #tpu.memory_space<hbm>>
        %dma_start3A_752 = tpu.memref_slice %arg8[%dma_start3A_741] : memref<8x!tpu.dma_semaphore, #tpu.memory_space<semaphore_mem>> -> memref<1x!tpu.dma_semaphore, #tpu.memory_space<semaphore_mem>>
        %dma_start3A_753 = tpu.memref_squeeze %dma_start3A_752 : memref<1x!tpu.dma_semaphore, #tpu.memory_space<semaphore_mem>> -> memref<!tpu.dma_semaphore, #tpu.memory_space<semaphore_mem>>
        tpu.enqueue_indirect_dma source(%dma_start3A_751 : memref<1000000x32xf32, #tpu.memory_space<hbm>>) target(%dma_start3A_745 : memref<128x32xf32, #tpu.memory_space<vmem>>) offsets(%dma_start3A_748 : memref<128xi32, #tpu.memory_space<vmem>>) semaphore(%dma_start3A_753 : memref<!tpu.dma_semaphore, #tpu.memory_space<semaphore_mem>>)
      } else {
      }
      %mul3A_392 = arith.constant 8 : i32
      %mul3A_393 = arith.muli %scan3A_280, %mul3A_392 : i32
      %add3A_394 = arith.constant 2 : i32
      %add3A_395 = arith.addi %mul3A_393, %add3A_394 : i32
      %dma_wait3A_396 = arith.constant 2 : i32
      %dma_wait3A_397 = arith.constant 2 : i32
      %dma_wait3A_398 = arith.constant 0 : i32
      %dma_wait3A_399 = arith.constant 0 : i32
      %dma_wait3A_400 = tpu.memref_slice %arg6[%dma_wait3A_396, %dma_wait3A_398, %dma_wait3A_399] : memref<8x128x32xf32, #tpu.memory_space<vmem>> -> memref<1x128x32xf32, #tpu.memory_space<vmem>>
      %dma_wait3A_401 = tpu.memref_squeeze %dma_wait3A_400 : memref<1x128x32xf32, #tpu.memory_space<vmem>> -> memref<128x32xf32, #tpu.memory_space<vmem>>
      %dma_wait3A_402 = arith.constant 0 : i32
      %dma_wait3A_403 = tpu.memref_slice %arg5[%add3A_395, %dma_wait3A_402] : memref<200x128xi32, #tpu.memory_space<vmem>> -> memref<1x128xi32, #tpu.memory_space<vmem>>
      %dma_wait3A_404 = tpu.memref_squeeze %dma_wait3A_403 : memref<1x128xi32, #tpu.memory_space<vmem>> -> memref<128xi32, #tpu.memory_space<vmem>>
      %dma_wait3A_405 = arith.constant 0 : i32
      %dma_wait3A_406 = arith.constant 0 : i32
      %dma_wait3A_407 = tpu.memref_slice %arg3[%dma_wait3A_405, %dma_wait3A_406] : memref<1000000x32xf32, #tpu.memory_space<hbm>> -> memref<1000000x32xf32, #tpu.memory_space<hbm>>
      %dma_wait3A_408 = tpu.memref_slice %arg8[%dma_wait3A_397] : memref<8x!tpu.dma_semaphore, #tpu.memory_space<semaphore_mem>> -> memref<1x!tpu.dma_semaphore, #tpu.memory_space<semaphore_mem>>
      %dma_wait3A_409 = tpu.memref_squeeze %dma_wait3A_408 : memref<1x!tpu.dma_semaphore, #tpu.memory_space<semaphore_mem>> -> memref<!tpu.dma_semaphore, #tpu.memory_space<semaphore_mem>>
      tpu.wait_indirect_dma semaphore(%dma_wait3A_409 : memref<!tpu.dma_semaphore, #tpu.memory_space<semaphore_mem>>) src(%dma_wait3A_407 : memref<1000000x32xf32, #tpu.memory_space<hbm>>) dst(%dma_wait3A_401 : memref<128x32xf32, #tpu.memory_space<vmem>>)
      %ge3A_410 = arith.constant 8 : i32
      %ge3A_411 = arith.cmpi sge, %add3A_395, %ge3A_410 : i32
      %convert_element_type3A_412 = arith.extui %ge3A_411 : i1 to i32
      %cond3A_413 = arith.constant 0 : i32
      %cond3A_414 = arith.cmpi ne, %convert_element_type3A_412, %cond3A_413 : i32
      scf.if %cond3A_414 {
        %sub3A = arith.constant 8 : i32
        %sub3A_740 = arith.subi %add3A_395, %sub3A : i32
        %dma_wait3A_741 = arith.constant 2 : i32
        %dma_wait3A_742 = arith.constant 2 : i32
        %dma_wait3A_743 = arith.constant 0 : i32
        %dma_wait3A_744 = arith.constant 0 : i32
        %dma_wait3A_745 = arith.constant 0 : i32
        %dma_wait3A_746 = tpu.memref_slice %arg7[%dma_wait3A_741, %dma_wait3A_743, %dma_wait3A_744, %dma_wait3A_745] : memref<8x4x8x129xf32, #tpu.memory_space<vmem>> -> memref<1x4x8x128xf32, #tpu.memory_space<vmem>>
        %dma_wait3A_747 = tpu.memref_squeeze %dma_wait3A_746 : memref<1x4x8x128xf32, #tpu.memory_space<vmem>> -> memref<4x8x128xf32, #tpu.memory_space<vmem>>
        %dma_wait3A_748 = arith.constant 0 : i32
        %dma_wait3A_749 = arith.constant 0 : i32
        %dma_wait3A_750 = arith.constant 0 : i32
        %dma_wait3A_751 = tpu.memref_slice %arg4[%sub3A_740, %dma_wait3A_748, %add3A, %dma_wait3A_749, %dma_wait3A_750] : memref<200x4x32x8x128xf32, #tpu.memory_space<hbm>> -> memref<1x4x1x8x128xf32, #tpu.memory_space<hbm>>
        %dma_wait3A_752 = tpu.memref_squeeze %dma_wait3A_751 : memref<1x4x1x8x128xf32, #tpu.memory_space<hbm>> -> memref<4x8x128xf32, #tpu.memory_space<hbm>>
        %dma_wait3A_753 = tpu.memref_slice %arg9[%dma_wait3A_742] : memref<8x!tpu.dma_semaphore, #tpu.memory_space<semaphore_mem>> -> memref<1x!tpu.dma_semaphore, #tpu.memory_space<semaphore_mem>>
        %dma_wait3A_754 = tpu.memref_squeeze %dma_wait3A_753 : memref<1x!tpu.dma_semaphore, #tpu.memory_space<semaphore_mem>> -> memref<!tpu.dma_semaphore, #tpu.memory_space<semaphore_mem>>
        %dma_wait3A_755 = arith.constant 0 : i32
        %dma_wait3A_756 = arith.constant 0 : i32
        %dma_wait3A_757 = arith.constant 0 : i32
        %dma_wait3A_758 = tpu.memref_slice %arg4[%sub3A_740, %dma_wait3A_755, %add3A, %dma_wait3A_756, %dma_wait3A_757] : memref<200x4x32x8x128xf32, #tpu.memory_space<hbm>> -> memref<1x4x1x8x128xf32, #tpu.memory_space<hbm>>
        %dma_wait3A_759 = tpu.memref_squeeze %dma_wait3A_758 : memref<1x4x1x8x128xf32, #tpu.memory_space<hbm>> -> memref<4x8x128xf32, #tpu.memory_space<hbm>>
        %dma_wait3A_760 = arith.constant 0 : i32
        %dma_wait3A_761 = arith.constant 0 : i32
        %dma_wait3A_762 = arith.constant 0 : i32
        %dma_wait3A_763 = tpu.memref_slice %arg7[%dma_wait3A_741, %dma_wait3A_760, %dma_wait3A_761, %dma_wait3A_762] : memref<8x4x8x129xf32, #tpu.memory_space<vmem>> -> memref<1x4x8x128xf32, #tpu.memory_space<vmem>>
        %dma_wait3A_764 = tpu.memref_squeeze %dma_wait3A_763 : memref<1x4x8x128xf32, #tpu.memory_space<vmem>> -> memref<4x8x128xf32, #tpu.memory_space<vmem>>
        tpu.wait_dma2 semaphore(%dma_wait3A_754 : memref<!tpu.dma_semaphore, #tpu.memory_space<semaphore_mem>>) src(%dma_wait3A_764 : memref<4x8x128xf32, #tpu.memory_space<vmem>>) dst(%dma_wait3A_759 : memref<4x8x128xf32, #tpu.memory_space<hbm>>)
      } else {
      }
      %parallel_loop3A_415 = arith.constant 0 : i32
      %parallel_loop3A_416 = arith.constant 128 : i32
      %parallel_loop3A_417 = arith.constant 1 : i32
      %parallel_loop3A_418 = arith.constant 2 : i32
      scf.for %parallel_loop3A_740 = %parallel_loop3A_415 to %parallel_loop3A_416 step %parallel_loop3A_417  : i32 {
        %parallel_loop3A_741 = vector.broadcast %parallel_loop3A_740 : i32 to vector<16xi32>
        %parallel_loop3A_742 = arith.constant 2 : i32
        %parallel_loop3A_743 = arith.index_cast %parallel_loop3A_742 : i32 to index
        %parallel_loop3A_744 = arith.index_cast %parallel_loop3A_740 : i32 to index
        %parallel_loop3A_745 = arith.constant 0 : index
        %parallel_loop3A_746 = tpu.vector_load %arg6[%parallel_loop3A_743, %parallel_loop3A_744, %parallel_loop3A_745] {strides = array<i32>} : memref<8x128x32xf32, #tpu.memory_space<vmem>>, vector<16xf32>,
        %parallel_loop3A_747 = arith.constant 0 : i32
        %parallel_loop3A_748 = arith.constant 0 : i32
        %parallel_loop3A_749 = arith.constant 0 : i32
        %parallel_loop3A_750 = tpu.memref_slice %arg7[%parallel_loop3A_418, %parallel_loop3A_747, %parallel_loop3A_748, %parallel_loop3A_749] : memref<8x4x8x129xf32, #tpu.memory_space<vmem>> -> memref<1x4x8x129xf32, #tpu.memory_space<vmem>>
        %parallel_loop3A_751 = tpu.memref_squeeze %parallel_loop3A_750 : memref<1x4x8x129xf32, #tpu.memory_space<vmem>> -> memref<4x8x129xf32, #tpu.memory_space<vmem>>
        tpu.vector_store_idx %parallel_loop3A_751[%shift_right_logical3A_5, %and3A_7, %parallel_loop3A_741], %parallel_loop3A_746 : memref<4x8x129xf32, #tpu.memory_space<vmem>>[vector<16xi32>, vector<16xi32>, vector<16xi32>], vector<16xf32>,
        %parallel_loop3A_752 = arith.constant 2 : i32
        %parallel_loop3A_753 = arith.index_cast %parallel_loop3A_752 : i32 to index
        %parallel_loop3A_754 = arith.index_cast %parallel_loop3A_740 : i32 to index
        %parallel_loop3A_755 = arith.constant 16 : index
        %parallel_loop3A_756 = tpu.vector_load %arg6[%parallel_loop3A_753, %parallel_loop3A_754, %parallel_loop3A_755] {strides = array<i32>} : memref<8x128x32xf32, #tpu.memory_space<vmem>>, vector<16xf32>,
        %parallel_loop3A_757 = arith.constant 0 : i32
        %parallel_loop3A_758 = arith.constant 0 : i32
        %parallel_loop3A_759 = arith.constant 0 : i32
        %parallel_loop3A_760 = tpu.memref_slice %arg7[%parallel_loop3A_418, %parallel_loop3A_757, %parallel_loop3A_758, %parallel_loop3A_759] : memref<8x4x8x129xf32, #tpu.memory_space<vmem>> -> memref<1x4x8x129xf32, #tpu.memory_space<vmem>>
        %parallel_loop3A_761 = tpu.memref_squeeze %parallel_loop3A_760 : memref<1x4x8x129xf32, #tpu.memory_space<vmem>> -> memref<4x8x129xf32, #tpu.memory_space<vmem>>
        tpu.vector_store_idx %parallel_loop3A_761[%shift_right_logical3A_13, %and3A_16, %parallel_loop3A_741], %parallel_loop3A_756 : memref<4x8x129xf32, #tpu.memory_space<vmem>>[vector<16xi32>, vector<16xi32>, vector<16xi32>], vector<16xf32>,
      } {sc.loop_unroll_factor = 8 : i64, sc.parallel_access}
      %dma_start3A_419 = arith.constant 2 : i32
      %dma_start3A_420 = arith.constant 2 : i32
      %dma_start3A_421 = arith.constant 0 : i32
      %dma_start3A_422 = arith.constant 0 : i32
      %dma_start3A_423 = arith.constant 0 : i32
      %dma_start3A_424 = tpu.memref_slice %arg7[%dma_start3A_419, %dma_start3A_421, %dma_start3A_422, %dma_start3A_423] : memref<8x4x8x129xf32, #tpu.memory_space<vmem>> -> memref<1x4x8x128xf32, #tpu.memory_space<vmem>>
      %dma_start3A_425 = tpu.memref_squeeze %dma_start3A_424 : memref<1x4x8x128xf32, #tpu.memory_space<vmem>> -> memref<4x8x128xf32, #tpu.memory_space<vmem>>
      %dma_start3A_426 = arith.constant 0 : i32
      %dma_start3A_427 = arith.constant 0 : i32
      %dma_start3A_428 = arith.constant 0 : i32
      %dma_start3A_429 = tpu.memref_slice %arg4[%add3A_395, %dma_start3A_426, %add3A, %dma_start3A_427, %dma_start3A_428] : memref<200x4x32x8x128xf32, #tpu.memory_space<hbm>> -> memref<1x4x1x8x128xf32, #tpu.memory_space<hbm>>
      %dma_start3A_430 = tpu.memref_squeeze %dma_start3A_429 : memref<1x4x1x8x128xf32, #tpu.memory_space<hbm>> -> memref<4x8x128xf32, #tpu.memory_space<hbm>>
      %dma_start3A_431 = tpu.memref_slice %arg9[%dma_start3A_420] : memref<8x!tpu.dma_semaphore, #tpu.memory_space<semaphore_mem>> -> memref<1x!tpu.dma_semaphore, #tpu.memory_space<semaphore_mem>>
      %dma_start3A_432 = tpu.memref_squeeze %dma_start3A_431 : memref<1x!tpu.dma_semaphore, #tpu.memory_space<semaphore_mem>> -> memref<!tpu.dma_semaphore, #tpu.memory_space<semaphore_mem>>
      %dma_start3A_433 = arith.constant 0 : i32
      %dma_start3A_434 = arith.constant 0 : i32
      %dma_start3A_435 = arith.constant 0 : i32
      %dma_start3A_436 = tpu.memref_slice %arg4[%add3A_395, %dma_start3A_433, %add3A, %dma_start3A_434, %dma_start3A_435] : memref<200x4x32x8x128xf32, #tpu.memory_space<hbm>> -> memref<1x4x1x8x128xf32, #tpu.memory_space<hbm>>
      %dma_start3A_437 = tpu.memref_squeeze %dma_start3A_436 : memref<1x4x1x8x128xf32, #tpu.memory_space<hbm>> -> memref<4x8x128xf32, #tpu.memory_space<hbm>>
      %dma_start3A_438 = arith.constant 0 : i32
      %dma_start3A_439 = arith.constant 0 : i32
      %dma_start3A_440 = arith.constant 0 : i32
      %dma_start3A_441 = tpu.memref_slice %arg7[%dma_start3A_419, %dma_start3A_438, %dma_start3A_439, %dma_start3A_440] : memref<8x4x8x129xf32, #tpu.memory_space<vmem>> -> memref<1x4x8x128xf32, #tpu.memory_space<vmem>>
      %dma_start3A_442 = tpu.memref_squeeze %dma_start3A_441 : memref<1x4x8x128xf32, #tpu.memory_space<vmem>> -> memref<4x8x128xf32, #tpu.memory_space<vmem>>
      tpu.enqueue_dma source(%dma_start3A_442 : memref<4x8x128xf32, #tpu.memory_space<vmem>>) target(%dma_start3A_437 : memref<4x8x128xf32, #tpu.memory_space<hbm>>) target_semaphore(%dma_start3A_432 : memref<!tpu.dma_semaphore, #tpu.memory_space<semaphore_mem>>)
      %add3A_443 = arith.constant 4 : i32
      %add3A_444 = arith.addi %add3A_395, %add3A_443 : i32
      %lt3A_445 = arith.constant 200 : i32
      %lt3A_446 = arith.cmpi slt, %add3A_444, %lt3A_445 : i32
      %convert_element_type3A_447 = arith.extui %lt3A_446 : i1 to i32
      %cond3A_448 = arith.constant 0 : i32
      %cond3A_449 = arith.cmpi ne, %convert_element_type3A_447, %cond3A_448 : i32
      scf.if %cond3A_449 {
        %dma_start3A_740 = arith.constant 6 : i32
        %dma_start3A_741 = arith.constant 6 : i32
        %dma_start3A_742 = arith.constant 0 : i32
        %dma_start3A_743 = arith.constant 0 : i32
        %dma_start3A_744 = tpu.memref_slice %arg6[%dma_start3A_740, %dma_start3A_742, %dma_start3A_743] : memref<8x128x32xf32, #tpu.memory_space<vmem>> -> memref<1x128x32xf32, #tpu.memory_space<vmem>>
        %dma_start3A_745 = tpu.memref_squeeze %dma_start3A_744 : memref<1x128x32xf32, #tpu.memory_space<vmem>> -> memref<128x32xf32, #tpu.memory_space<vmem>>
        %dma_start3A_746 = arith.constant 0 : i32
        %dma_start3A_747 = tpu.memref_slice %arg5[%add3A_444, %dma_start3A_746] : memref<200x128xi32, #tpu.memory_space<vmem>> -> memref<1x128xi32, #tpu.memory_space<vmem>>
        %dma_start3A_748 = tpu.memref_squeeze %dma_start3A_747 : memref<1x128xi32, #tpu.memory_space<vmem>> -> memref<128xi32, #tpu.memory_space<vmem>>
        %dma_start3A_749 = arith.constant 0 : i32
        %dma_start3A_750 = arith.constant 0 : i32
        %dma_start3A_751 = tpu.memref_slice %arg3[%dma_start3A_749, %dma_start3A_750] : memref<1000000x32xf32, #tpu.memory_space<hbm>> -> memref<1000000x32xf32, #tpu.memory_space<hbm>>
        %dma_start3A_752 = tpu.memref_slice %arg8[%dma_start3A_741] : memref<8x!tpu.dma_semaphore, #tpu.memory_space<semaphore_mem>> -> memref<1x!tpu.dma_semaphore, #tpu.memory_space<semaphore_mem>>
        %dma_start3A_753 = tpu.memref_squeeze %dma_start3A_752 : memref<1x!tpu.dma_semaphore, #tpu.memory_space<semaphore_mem>> -> memref<!tpu.dma_semaphore, #tpu.memory_space<semaphore_mem>>
        tpu.enqueue_indirect_dma source(%dma_start3A_751 : memref<1000000x32xf32, #tpu.memory_space<hbm>>) target(%dma_start3A_745 : memref<128x32xf32, #tpu.memory_space<vmem>>) offsets(%dma_start3A_748 : memref<128xi32, #tpu.memory_space<vmem>>) semaphore(%dma_start3A_753 : memref<!tpu.dma_semaphore, #tpu.memory_space<semaphore_mem>>)
      } else {
      }
      %mul3A_450 = arith.constant 8 : i32
      %mul3A_451 = arith.muli %scan3A_280, %mul3A_450 : i32
      %add3A_452 = arith.constant 3 : i32
      %add3A_453 = arith.addi %mul3A_451, %add3A_452 : i32
      %dma_wait3A_454 = arith.constant 3 : i32
      %dma_wait3A_455 = arith.constant 3 : i32
      %dma_wait3A_456 = arith.constant 0 : i32
      %dma_wait3A_457 = arith.constant 0 : i32
      %dma_wait3A_458 = tpu.memref_slice %arg6[%dma_wait3A_454, %dma_wait3A_456, %dma_wait3A_457] : memref<8x128x32xf32, #tpu.memory_space<vmem>> -> memref<1x128x32xf32, #tpu.memory_space<vmem>>
      %dma_wait3A_459 = tpu.memref_squeeze %dma_wait3A_458 : memref<1x128x32xf32, #tpu.memory_space<vmem>> -> memref<128x32xf32, #tpu.memory_space<vmem>>
      %dma_wait3A_460 = arith.constant 0 : i32
      %dma_wait3A_461 = tpu.memref_slice %arg5[%add3A_453, %dma_wait3A_460] : memref<200x128xi32, #tpu.memory_space<vmem>> -> memref<1x128xi32, #tpu.memory_space<vmem>>
      %dma_wait3A_462 = tpu.memref_squeeze %dma_wait3A_461 : memref<1x128xi32, #tpu.memory_space<vmem>> -> memref<128xi32, #tpu.memory_space<vmem>>
      %dma_wait3A_463 = arith.constant 0 : i32
      %dma_wait3A_464 = arith.constant 0 : i32
      %dma_wait3A_465 = tpu.memref_slice %arg3[%dma_wait3A_463, %dma_wait3A_464] : memref<1000000x32xf32, #tpu.memory_space<hbm>> -> memref<1000000x32xf32, #tpu.memory_space<hbm>>
      %dma_wait3A_466 = tpu.memref_slice %arg8[%dma_wait3A_455] : memref<8x!tpu.dma_semaphore, #tpu.memory_space<semaphore_mem>> -> memref<1x!tpu.dma_semaphore, #tpu.memory_space<semaphore_mem>>
      %dma_wait3A_467 = tpu.memref_squeeze %dma_wait3A_466 : memref<1x!tpu.dma_semaphore, #tpu.memory_space<semaphore_mem>> -> memref<!tpu.dma_semaphore, #tpu.memory_space<semaphore_mem>>
      tpu.wait_indirect_dma semaphore(%dma_wait3A_467 : memref<!tpu.dma_semaphore, #tpu.memory_space<semaphore_mem>>) src(%dma_wait3A_465 : memref<1000000x32xf32, #tpu.memory_space<hbm>>) dst(%dma_wait3A_459 : memref<128x32xf32, #tpu.memory_space<vmem>>)
      %ge3A_468 = arith.constant 8 : i32
      %ge3A_469 = arith.cmpi sge, %add3A_453, %ge3A_468 : i32
      %convert_element_type3A_470 = arith.extui %ge3A_469 : i1 to i32
      %cond3A_471 = arith.constant 0 : i32
      %cond3A_472 = arith.cmpi ne, %convert_element_type3A_470, %cond3A_471 : i32
      scf.if %cond3A_472 {
        %sub3A = arith.constant 8 : i32
        %sub3A_740 = arith.subi %add3A_453, %sub3A : i32
        %dma_wait3A_741 = arith.constant 3 : i32
        %dma_wait3A_742 = arith.constant 3 : i32
        %dma_wait3A_743 = arith.constant 0 : i32
        %dma_wait3A_744 = arith.constant 0 : i32
        %dma_wait3A_745 = arith.constant 0 : i32
        %dma_wait3A_746 = tpu.memref_slice %arg7[%dma_wait3A_741, %dma_wait3A_743, %dma_wait3A_744, %dma_wait3A_745] : memref<8x4x8x129xf32, #tpu.memory_space<vmem>> -> memref<1x4x8x128xf32, #tpu.memory_space<vmem>>
        %dma_wait3A_747 = tpu.memref_squeeze %dma_wait3A_746 : memref<1x4x8x128xf32, #tpu.memory_space<vmem>> -> memref<4x8x128xf32, #tpu.memory_space<vmem>>
        %dma_wait3A_748 = arith.constant 0 : i32
        %dma_wait3A_749 = arith.constant 0 : i32
        %dma_wait3A_750 = arith.constant 0 : i32
        %dma_wait3A_751 = tpu.memref_slice %arg4[%sub3A_740, %dma_wait3A_748, %add3A, %dma_wait3A_749, %dma_wait3A_750] : memref<200x4x32x8x128xf32, #tpu.memory_space<hbm>> -> memref<1x4x1x8x128xf32, #tpu.memory_space<hbm>>
        %dma_wait3A_752 = tpu.memref_squeeze %dma_wait3A_751 : memref<1x4x1x8x128xf32, #tpu.memory_space<hbm>> -> memref<4x8x128xf32, #tpu.memory_space<hbm>>
        %dma_wait3A_753 = tpu.memref_slice %arg9[%dma_wait3A_742] : memref<8x!tpu.dma_semaphore, #tpu.memory_space<semaphore_mem>> -> memref<1x!tpu.dma_semaphore, #tpu.memory_space<semaphore_mem>>
        %dma_wait3A_754 = tpu.memref_squeeze %dma_wait3A_753 : memref<1x!tpu.dma_semaphore, #tpu.memory_space<semaphore_mem>> -> memref<!tpu.dma_semaphore, #tpu.memory_space<semaphore_mem>>
        %dma_wait3A_755 = arith.constant 0 : i32
        %dma_wait3A_756 = arith.constant 0 : i32
        %dma_wait3A_757 = arith.constant 0 : i32
        %dma_wait3A_758 = tpu.memref_slice %arg4[%sub3A_740, %dma_wait3A_755, %add3A, %dma_wait3A_756, %dma_wait3A_757] : memref<200x4x32x8x128xf32, #tpu.memory_space<hbm>> -> memref<1x4x1x8x128xf32, #tpu.memory_space<hbm>>
        %dma_wait3A_759 = tpu.memref_squeeze %dma_wait3A_758 : memref<1x4x1x8x128xf32, #tpu.memory_space<hbm>> -> memref<4x8x128xf32, #tpu.memory_space<hbm>>
        %dma_wait3A_760 = arith.constant 0 : i32
        %dma_wait3A_761 = arith.constant 0 : i32
        %dma_wait3A_762 = arith.constant 0 : i32
        %dma_wait3A_763 = tpu.memref_slice %arg7[%dma_wait3A_741, %dma_wait3A_760, %dma_wait3A_761, %dma_wait3A_762] : memref<8x4x8x129xf32, #tpu.memory_space<vmem>> -> memref<1x4x8x128xf32, #tpu.memory_space<vmem>>
        %dma_wait3A_764 = tpu.memref_squeeze %dma_wait3A_763 : memref<1x4x8x128xf32, #tpu.memory_space<vmem>> -> memref<4x8x128xf32, #tpu.memory_space<vmem>>
        tpu.wait_dma2 semaphore(%dma_wait3A_754 : memref<!tpu.dma_semaphore, #tpu.memory_space<semaphore_mem>>) src(%dma_wait3A_764 : memref<4x8x128xf32, #tpu.memory_space<vmem>>) dst(%dma_wait3A_759 : memref<4x8x128xf32, #tpu.memory_space<hbm>>)
      } else {
      }
      %parallel_loop3A_473 = arith.constant 0 : i32
      %parallel_loop3A_474 = arith.constant 128 : i32
      %parallel_loop3A_475 = arith.constant 1 : i32
      %parallel_loop3A_476 = arith.constant 3 : i32
      scf.for %parallel_loop3A_740 = %parallel_loop3A_473 to %parallel_loop3A_474 step %parallel_loop3A_475  : i32 {
        %parallel_loop3A_741 = vector.broadcast %parallel_loop3A_740 : i32 to vector<16xi32>
        %parallel_loop3A_742 = arith.constant 3 : i32
        %parallel_loop3A_743 = arith.index_cast %parallel_loop3A_742 : i32 to index
        %parallel_loop3A_744 = arith.index_cast %parallel_loop3A_740 : i32 to index
        %parallel_loop3A_745 = arith.constant 0 : index
        %parallel_loop3A_746 = tpu.vector_load %arg6[%parallel_loop3A_743, %parallel_loop3A_744, %parallel_loop3A_745] {strides = array<i32>} : memref<8x128x32xf32, #tpu.memory_space<vmem>>, vector<16xf32>,
        %parallel_loop3A_747 = arith.constant 0 : i32
        %parallel_loop3A_748 = arith.constant 0 : i32
        %parallel_loop3A_749 = arith.constant 0 : i32
        %parallel_loop3A_750 = tpu.memref_slice %arg7[%parallel_loop3A_476, %parallel_loop3A_747, %parallel_loop3A_748, %parallel_loop3A_749] : memref<8x4x8x129xf32, #tpu.memory_space<vmem>> -> memref<1x4x8x129xf32, #tpu.memory_space<vmem>>
        %parallel_loop3A_751 = tpu.memref_squeeze %parallel_loop3A_750 : memref<1x4x8x129xf32, #tpu.memory_space<vmem>> -> memref<4x8x129xf32, #tpu.memory_space<vmem>>
        tpu.vector_store_idx %parallel_loop3A_751[%shift_right_logical3A_5, %and3A_7, %parallel_loop3A_741], %parallel_loop3A_746 : memref<4x8x129xf32, #tpu.memory_space<vmem>>[vector<16xi32>, vector<16xi32>, vector<16xi32>], vector<16xf32>,
        %parallel_loop3A_752 = arith.constant 3 : i32
        %parallel_loop3A_753 = arith.index_cast %parallel_loop3A_752 : i32 to index
        %parallel_loop3A_754 = arith.index_cast %parallel_loop3A_740 : i32 to index
        %parallel_loop3A_755 = arith.constant 16 : index
        %parallel_loop3A_756 = tpu.vector_load %arg6[%parallel_loop3A_753, %parallel_loop3A_754, %parallel_loop3A_755] {strides = array<i32>} : memref<8x128x32xf32, #tpu.memory_space<vmem>>, vector<16xf32>,
        %parallel_loop3A_757 = arith.constant 0 : i32
        %parallel_loop3A_758 = arith.constant 0 : i32
        %parallel_loop3A_759 = arith.constant 0 : i32
        %parallel_loop3A_760 = tpu.memref_slice %arg7[%parallel_loop3A_476, %parallel_loop3A_757, %parallel_loop3A_758, %parallel_loop3A_759] : memref<8x4x8x129xf32, #tpu.memory_space<vmem>> -> memref<1x4x8x129xf32, #tpu.memory_space<vmem>>
        %parallel_loop3A_761 = tpu.memref_squeeze %parallel_loop3A_760 : memref<1x4x8x129xf32, #tpu.memory_space<vmem>> -> memref<4x8x129xf32, #tpu.memory_space<vmem>>
        tpu.vector_store_idx %parallel_loop3A_761[%shift_right_logical3A_13, %and3A_16, %parallel_loop3A_741], %parallel_loop3A_756 : memref<4x8x129xf32, #tpu.memory_space<vmem>>[vector<16xi32>, vector<16xi32>, vector<16xi32>], vector<16xf32>,
      } {sc.loop_unroll_factor = 8 : i64, sc.parallel_access}
      %dma_start3A_477 = arith.constant 3 : i32
      %dma_start3A_478 = arith.constant 3 : i32
      %dma_start3A_479 = arith.constant 0 : i32
      %dma_start3A_480 = arith.constant 0 : i32
      %dma_start3A_481 = arith.constant 0 : i32
      %dma_start3A_482 = tpu.memref_slice %arg7[%dma_start3A_477, %dma_start3A_479, %dma_start3A_480, %dma_start3A_481] : memref<8x4x8x129xf32, #tpu.memory_space<vmem>> -> memref<1x4x8x128xf32, #tpu.memory_space<vmem>>
      %dma_start3A_483 = tpu.memref_squeeze %dma_start3A_482 : memref<1x4x8x128xf32, #tpu.memory_space<vmem>> -> memref<4x8x128xf32, #tpu.memory_space<vmem>>
      %dma_start3A_484 = arith.constant 0 : i32
      %dma_start3A_485 = arith.constant 0 : i32
      %dma_start3A_486 = arith.constant 0 : i32
      %dma_start3A_487 = tpu.memref_slice %arg4[%add3A_453, %dma_start3A_484, %add3A, %dma_start3A_485, %dma_start3A_486] : memref<200x4x32x8x128xf32, #tpu.memory_space<hbm>> -> memref<1x4x1x8x128xf32, #tpu.memory_space<hbm>>
      %dma_start3A_488 = tpu.memref_squeeze %dma_start3A_487 : memref<1x4x1x8x128xf32, #tpu.memory_space<hbm>> -> memref<4x8x128xf32, #tpu.memory_space<hbm>>
      %dma_start3A_489 = tpu.memref_slice %arg9[%dma_start3A_478] : memref<8x!tpu.dma_semaphore, #tpu.memory_space<semaphore_mem>> -> memref<1x!tpu.dma_semaphore, #tpu.memory_space<semaphore_mem>>
      %dma_start3A_490 = tpu.memref_squeeze %dma_start3A_489 : memref<1x!tpu.dma_semaphore, #tpu.memory_space<semaphore_mem>> -> memref<!tpu.dma_semaphore, #tpu.memory_space<semaphore_mem>>
      %dma_start3A_491 = arith.constant 0 : i32
      %dma_start3A_492 = arith.constant 0 : i32
      %dma_start3A_493 = arith.constant 0 : i32
      %dma_start3A_494 = tpu.memref_slice %arg4[%add3A_453, %dma_start3A_491, %add3A, %dma_start3A_492, %dma_start3A_493] : memref<200x4x32x8x128xf32, #tpu.memory_space<hbm>> -> memref<1x4x1x8x128xf32, #tpu.memory_space<hbm>>
      %dma_start3A_495 = tpu.memref_squeeze %dma_start3A_494 : memref<1x4x1x8x128xf32, #tpu.memory_space<hbm>> -> memref<4x8x128xf32, #tpu.memory_space<hbm>>
      %dma_start3A_496 = arith.constant 0 : i32
      %dma_start3A_497 = arith.constant 0 : i32
      %dma_start3A_498 = arith.constant 0 : i32
      %dma_start3A_499 = tpu.memref_slice %arg7[%dma_start3A_477, %dma_start3A_496, %dma_start3A_497, %dma_start3A_498] : memref<8x4x8x129xf32, #tpu.memory_space<vmem>> -> memref<1x4x8x128xf32, #tpu.memory_space<vmem>>
      %dma_start3A_500 = tpu.memref_squeeze %dma_start3A_499 : memref<1x4x8x128xf32, #tpu.memory_space<vmem>> -> memref<4x8x128xf32, #tpu.memory_space<vmem>>
      tpu.enqueue_dma source(%dma_start3A_500 : memref<4x8x128xf32, #tpu.memory_space<vmem>>) target(%dma_start3A_495 : memref<4x8x128xf32, #tpu.memory_space<hbm>>) target_semaphore(%dma_start3A_490 : memref<!tpu.dma_semaphore, #tpu.memory_space<semaphore_mem>>)
      %add3A_501 = arith.constant 4 : i32
      %add3A_502 = arith.addi %add3A_453, %add3A_501 : i32
      %lt3A_503 = arith.constant 200 : i32
      %lt3A_504 = arith.cmpi slt, %add3A_502, %lt3A_503 : i32
      %convert_element_type3A_505 = arith.extui %lt3A_504 : i1 to i32
      %cond3A_506 = arith.constant 0 : i32
      %cond3A_507 = arith.cmpi ne, %convert_element_type3A_505, %cond3A_506 : i32
      scf.if %cond3A_507 {
        %dma_start3A_740 = arith.constant 7 : i32
        %dma_start3A_741 = arith.constant 7 : i32
        %dma_start3A_742 = arith.constant 0 : i32
        %dma_start3A_743 = arith.constant 0 : i32
        %dma_start3A_744 = tpu.memref_slice %arg6[%dma_start3A_740, %dma_start3A_742, %dma_start3A_743] : memref<8x128x32xf32, #tpu.memory_space<vmem>> -> memref<1x128x32xf32, #tpu.memory_space<vmem>>
        %dma_start3A_745 = tpu.memref_squeeze %dma_start3A_744 : memref<1x128x32xf32, #tpu.memory_space<vmem>> -> memref<128x32xf32, #tpu.memory_space<vmem>>
        %dma_start3A_746 = arith.constant 0 : i32
        %dma_start3A_747 = tpu.memref_slice %arg5[%add3A_502, %dma_start3A_746] : memref<200x128xi32, #tpu.memory_space<vmem>> -> memref<1x128xi32, #tpu.memory_space<vmem>>
        %dma_start3A_748 = tpu.memref_squeeze %dma_start3A_747 : memref<1x128xi32, #tpu.memory_space<vmem>> -> memref<128xi32, #tpu.memory_space<vmem>>
        %dma_start3A_749 = arith.constant 0 : i32
        %dma_start3A_750 = arith.constant 0 : i32
        %dma_start3A_751 = tpu.memref_slice %arg3[%dma_start3A_749, %dma_start3A_750] : memref<1000000x32xf32, #tpu.memory_space<hbm>> -> memref<1000000x32xf32, #tpu.memory_space<hbm>>
        %dma_start3A_752 = tpu.memref_slice %arg8[%dma_start3A_741] : memref<8x!tpu.dma_semaphore, #tpu.memory_space<semaphore_mem>> -> memref<1x!tpu.dma_semaphore, #tpu.memory_space<semaphore_mem>>
        %dma_start3A_753 = tpu.memref_squeeze %dma_start3A_752 : memref<1x!tpu.dma_semaphore, #tpu.memory_space<semaphore_mem>> -> memref<!tpu.dma_semaphore, #tpu.memory_space<semaphore_mem>>
        tpu.enqueue_indirect_dma source(%dma_start3A_751 : memref<1000000x32xf32, #tpu.memory_space<hbm>>) target(%dma_start3A_745 : memref<128x32xf32, #tpu.memory_space<vmem>>) offsets(%dma_start3A_748 : memref<128xi32, #tpu.memory_space<vmem>>) semaphore(%dma_start3A_753 : memref<!tpu.dma_semaphore, #tpu.memory_space<semaphore_mem>>)
      } else {
      }
      %mul3A_508 = arith.constant 8 : i32
      %mul3A_509 = arith.muli %scan3A_280, %mul3A_508 : i32
      %add3A_510 = arith.constant 4 : i32
      %add3A_511 = arith.addi %mul3A_509, %add3A_510 : i32
      %dma_wait3A_512 = arith.constant 4 : i32
      %dma_wait3A_513 = arith.constant 4 : i32
      %dma_wait3A_514 = arith.constant 0 : i32
      %dma_wait3A_515 = arith.constant 0 : i32
      %dma_wait3A_516 = tpu.memref_slice %arg6[%dma_wait3A_512, %dma_wait3A_514, %dma_wait3A_515] : memref<8x128x32xf32, #tpu.memory_space<vmem>> -> memref<1x128x32xf32, #tpu.memory_space<vmem>>
      %dma_wait3A_517 = tpu.memref_squeeze %dma_wait3A_516 : memref<1x128x32xf32, #tpu.memory_space<vmem>> -> memref<128x32xf32, #tpu.memory_space<vmem>>
      %dma_wait3A_518 = arith.constant 0 : i32
      %dma_wait3A_519 = tpu.memref_slice %arg5[%add3A_511, %dma_wait3A_518] : memref<200x128xi32, #tpu.memory_space<vmem>> -> memref<1x128xi32, #tpu.memory_space<vmem>>
      %dma_wait3A_520 = tpu.memref_squeeze %dma_wait3A_519 : memref<1x128xi32, #tpu.memory_space<vmem>> -> memref<128xi32, #tpu.memory_space<vmem>>
      %dma_wait3A_521 = arith.constant 0 : i32
      %dma_wait3A_522 = arith.constant 0 : i32
      %dma_wait3A_523 = tpu.memref_slice %arg3[%dma_wait3A_521, %dma_wait3A_522] : memref<1000000x32xf32, #tpu.memory_space<hbm>> -> memref<1000000x32xf32, #tpu.memory_space<hbm>>
      %dma_wait3A_524 = tpu.memref_slice %arg8[%dma_wait3A_513] : memref<8x!tpu.dma_semaphore, #tpu.memory_space<semaphore_mem>> -> memref<1x!tpu.dma_semaphore, #tpu.memory_space<semaphore_mem>>
      %dma_wait3A_525 = tpu.memref_squeeze %dma_wait3A_524 : memref<1x!tpu.dma_semaphore, #tpu.memory_space<semaphore_mem>> -> memref<!tpu.dma_semaphore, #tpu.memory_space<semaphore_mem>>
      tpu.wait_indirect_dma semaphore(%dma_wait3A_525 : memref<!tpu.dma_semaphore, #tpu.memory_space<semaphore_mem>>) src(%dma_wait3A_523 : memref<1000000x32xf32, #tpu.memory_space<hbm>>) dst(%dma_wait3A_517 : memref<128x32xf32, #tpu.memory_space<vmem>>)
      %ge3A_526 = arith.constant 8 : i32
      %ge3A_527 = arith.cmpi sge, %add3A_511, %ge3A_526 : i32
      %convert_element_type3A_528 = arith.extui %ge3A_527 : i1 to i32
      %cond3A_529 = arith.constant 0 : i32
      %cond3A_530 = arith.cmpi ne, %convert_element_type3A_528, %cond3A_529 : i32
      scf.if %cond3A_530 {
        %sub3A = arith.constant 8 : i32
        %sub3A_740 = arith.subi %add3A_511, %sub3A : i32
        %dma_wait3A_741 = arith.constant 4 : i32
        %dma_wait3A_742 = arith.constant 4 : i32
        %dma_wait3A_743 = arith.constant 0 : i32
        %dma_wait3A_744 = arith.constant 0 : i32
        %dma_wait3A_745 = arith.constant 0 : i32
        %dma_wait3A_746 = tpu.memref_slice %arg7[%dma_wait3A_741, %dma_wait3A_743, %dma_wait3A_744, %dma_wait3A_745] : memref<8x4x8x129xf32, #tpu.memory_space<vmem>> -> memref<1x4x8x128xf32, #tpu.memory_space<vmem>>
        %dma_wait3A_747 = tpu.memref_squeeze %dma_wait3A_746 : memref<1x4x8x128xf32, #tpu.memory_space<vmem>> -> memref<4x8x128xf32, #tpu.memory_space<vmem>>
        %dma_wait3A_748 = arith.constant 0 : i32
        %dma_wait3A_749 = arith.constant 0 : i32
        %dma_wait3A_750 = arith.constant 0 : i32
        %dma_wait3A_751 = tpu.memref_slice %arg4[%sub3A_740, %dma_wait3A_748, %add3A, %dma_wait3A_749, %dma_wait3A_750] : memref<200x4x32x8x128xf32, #tpu.memory_space<hbm>> -> memref<1x4x1x8x128xf32, #tpu.memory_space<hbm>>
        %dma_wait3A_752 = tpu.memref_squeeze %dma_wait3A_751 : memref<1x4x1x8x128xf32, #tpu.memory_space<hbm>> -> memref<4x8x128xf32, #tpu.memory_space<hbm>>
        %dma_wait3A_753 = tpu.memref_slice %arg9[%dma_wait3A_742] : memref<8x!tpu.dma_semaphore, #tpu.memory_space<semaphore_mem>> -> memref<1x!tpu.dma_semaphore, #tpu.memory_space<semaphore_mem>>
        %dma_wait3A_754 = tpu.memref_squeeze %dma_wait3A_753 : memref<1x!tpu.dma_semaphore, #tpu.memory_space<semaphore_mem>> -> memref<!tpu.dma_semaphore, #tpu.memory_space<semaphore_mem>>
        %dma_wait3A_755 = arith.constant 0 : i32
        %dma_wait3A_756 = arith.constant 0 : i32
        %dma_wait3A_757 = arith.constant 0 : i32
        %dma_wait3A_758 = tpu.memref_slice %arg4[%sub3A_740, %dma_wait3A_755, %add3A, %dma_wait3A_756, %dma_wait3A_757] : memref<200x4x32x8x128xf32, #tpu.memory_space<hbm>> -> memref<1x4x1x8x128xf32, #tpu.memory_space<hbm>>
        %dma_wait3A_759 = tpu.memref_squeeze %dma_wait3A_758 : memref<1x4x1x8x128xf32, #tpu.memory_space<hbm>> -> memref<4x8x128xf32, #tpu.memory_space<hbm>>
        %dma_wait3A_760 = arith.constant 0 : i32
        %dma_wait3A_761 = arith.constant 0 : i32
        %dma_wait3A_762 = arith.constant 0 : i32
        %dma_wait3A_763 = tpu.memref_slice %arg7[%dma_wait3A_741, %dma_wait3A_760, %dma_wait3A_761, %dma_wait3A_762] : memref<8x4x8x129xf32, #tpu.memory_space<vmem>> -> memref<1x4x8x128xf32, #tpu.memory_space<vmem>>
        %dma_wait3A_764 = tpu.memref_squeeze %dma_wait3A_763 : memref<1x4x8x128xf32, #tpu.memory_space<vmem>> -> memref<4x8x128xf32, #tpu.memory_space<vmem>>
        tpu.wait_dma2 semaphore(%dma_wait3A_754 : memref<!tpu.dma_semaphore, #tpu.memory_space<semaphore_mem>>) src(%dma_wait3A_764 : memref<4x8x128xf32, #tpu.memory_space<vmem>>) dst(%dma_wait3A_759 : memref<4x8x128xf32, #tpu.memory_space<hbm>>)
      } else {
      }
      %parallel_loop3A_531 = arith.constant 0 : i32
      %parallel_loop3A_532 = arith.constant 128 : i32
      %parallel_loop3A_533 = arith.constant 1 : i32
      %parallel_loop3A_534 = arith.constant 4 : i32
      scf.for %parallel_loop3A_740 = %parallel_loop3A_531 to %parallel_loop3A_532 step %parallel_loop3A_533  : i32 {
        %parallel_loop3A_741 = vector.broadcast %parallel_loop3A_740 : i32 to vector<16xi32>
        %parallel_loop3A_742 = arith.constant 4 : i32
        %parallel_loop3A_743 = arith.index_cast %parallel_loop3A_742 : i32 to index
        %parallel_loop3A_744 = arith.index_cast %parallel_loop3A_740 : i32 to index
        %parallel_loop3A_745 = arith.constant 0 : index
        %parallel_loop3A_746 = tpu.vector_load %arg6[%parallel_loop3A_743, %parallel_loop3A_744, %parallel_loop3A_745] {strides = array<i32>} : memref<8x128x32xf32, #tpu.memory_space<vmem>>, vector<16xf32>,
        %parallel_loop3A_747 = arith.constant 0 : i32
        %parallel_loop3A_748 = arith.constant 0 : i32
        %parallel_loop3A_749 = arith.constant 0 : i32
        %parallel_loop3A_750 = tpu.memref_slice %arg7[%parallel_loop3A_534, %parallel_loop3A_747, %parallel_loop3A_748, %parallel_loop3A_749] : memref<8x4x8x129xf32, #tpu.memory_space<vmem>> -> memref<1x4x8x129xf32, #tpu.memory_space<vmem>>
        %parallel_loop3A_751 = tpu.memref_squeeze %parallel_loop3A_750 : memref<1x4x8x129xf32, #tpu.memory_space<vmem>> -> memref<4x8x129xf32, #tpu.memory_space<vmem>>
        tpu.vector_store_idx %parallel_loop3A_751[%shift_right_logical3A_5, %and3A_7, %parallel_loop3A_741], %parallel_loop3A_746 : memref<4x8x129xf32, #tpu.memory_space<vmem>>[vector<16xi32>, vector<16xi32>, vector<16xi32>], vector<16xf32>,
        %parallel_loop3A_752 = arith.constant 4 : i32
        %parallel_loop3A_753 = arith.index_cast %parallel_loop3A_752 : i32 to index
        %parallel_loop3A_754 = arith.index_cast %parallel_loop3A_740 : i32 to index
        %parallel_loop3A_755 = arith.constant 16 : index
        %parallel_loop3A_756 = tpu.vector_load %arg6[%parallel_loop3A_753, %parallel_loop3A_754, %parallel_loop3A_755] {strides = array<i32>} : memref<8x128x32xf32, #tpu.memory_space<vmem>>, vector<16xf32>,
        %parallel_loop3A_757 = arith.constant 0 : i32
        %parallel_loop3A_758 = arith.constant 0 : i32
        %parallel_loop3A_759 = arith.constant 0 : i32
        %parallel_loop3A_760 = tpu.memref_slice %arg7[%parallel_loop3A_534, %parallel_loop3A_757, %parallel_loop3A_758, %parallel_loop3A_759] : memref<8x4x8x129xf32, #tpu.memory_space<vmem>> -> memref<1x4x8x129xf32, #tpu.memory_space<vmem>>
        %parallel_loop3A_761 = tpu.memref_squeeze %parallel_loop3A_760 : memref<1x4x8x129xf32, #tpu.memory_space<vmem>> -> memref<4x8x129xf32, #tpu.memory_space<vmem>>
        tpu.vector_store_idx %parallel_loop3A_761[%shift_right_logical3A_13, %and3A_16, %parallel_loop3A_741], %parallel_loop3A_756 : memref<4x8x129xf32, #tpu.memory_space<vmem>>[vector<16xi32>, vector<16xi32>, vector<16xi32>], vector<16xf32>,
      } {sc.loop_unroll_factor = 8 : i64, sc.parallel_access}
      %dma_start3A_535 = arith.constant 4 : i32
      %dma_start3A_536 = arith.constant 4 : i32
      %dma_start3A_537 = arith.constant 0 : i32
      %dma_start3A_538 = arith.constant 0 : i32
      %dma_start3A_539 = arith.constant 0 : i32
      %dma_start3A_540 = tpu.memref_slice %arg7[%dma_start3A_535, %dma_start3A_537, %dma_start3A_538, %dma_start3A_539] : memref<8x4x8x129xf32, #tpu.memory_space<vmem>> -> memref<1x4x8x128xf32, #tpu.memory_space<vmem>>
      %dma_start3A_541 = tpu.memref_squeeze %dma_start3A_540 : memref<1x4x8x128xf32, #tpu.memory_space<vmem>> -> memref<4x8x128xf32, #tpu.memory_space<vmem>>
      %dma_start3A_542 = arith.constant 0 : i32
      %dma_start3A_543 = arith.constant 0 : i32
      %dma_start3A_544 = arith.constant 0 : i32
      %dma_start3A_545 = tpu.memref_slice %arg4[%add3A_511, %dma_start3A_542, %add3A, %dma_start3A_543, %dma_start3A_544] : memref<200x4x32x8x128xf32, #tpu.memory_space<hbm>> -> memref<1x4x1x8x128xf32, #tpu.memory_space<hbm>>
      %dma_start3A_546 = tpu.memref_squeeze %dma_start3A_545 : memref<1x4x1x8x128xf32, #tpu.memory_space<hbm>> -> memref<4x8x128xf32, #tpu.memory_space<hbm>>
      %dma_start3A_547 = tpu.memref_slice %arg9[%dma_start3A_536] : memref<8x!tpu.dma_semaphore, #tpu.memory_space<semaphore_mem>> -> memref<1x!tpu.dma_semaphore, #tpu.memory_space<semaphore_mem>>
      %dma_start3A_548 = tpu.memref_squeeze %dma_start3A_547 : memref<1x!tpu.dma_semaphore, #tpu.memory_space<semaphore_mem>> -> memref<!tpu.dma_semaphore, #tpu.memory_space<semaphore_mem>>
      %dma_start3A_549 = arith.constant 0 : i32
      %dma_start3A_550 = arith.constant 0 : i32
      %dma_start3A_551 = arith.constant 0 : i32
      %dma_start3A_552 = tpu.memref_slice %arg4[%add3A_511, %dma_start3A_549, %add3A, %dma_start3A_550, %dma_start3A_551] : memref<200x4x32x8x128xf32, #tpu.memory_space<hbm>> -> memref<1x4x1x8x128xf32, #tpu.memory_space<hbm>>
      %dma_start3A_553 = tpu.memref_squeeze %dma_start3A_552 : memref<1x4x1x8x128xf32, #tpu.memory_space<hbm>> -> memref<4x8x128xf32, #tpu.memory_space<hbm>>
      %dma_start3A_554 = arith.constant 0 : i32
      %dma_start3A_555 = arith.constant 0 : i32
      %dma_start3A_556 = arith.constant 0 : i32
      %dma_start3A_557 = tpu.memref_slice %arg7[%dma_start3A_535, %dma_start3A_554, %dma_start3A_555, %dma_start3A_556] : memref<8x4x8x129xf32, #tpu.memory_space<vmem>> -> memref<1x4x8x128xf32, #tpu.memory_space<vmem>>
      %dma_start3A_558 = tpu.memref_squeeze %dma_start3A_557 : memref<1x4x8x128xf32, #tpu.memory_space<vmem>> -> memref<4x8x128xf32, #tpu.memory_space<vmem>>
      tpu.enqueue_dma source(%dma_start3A_558 : memref<4x8x128xf32, #tpu.memory_space<vmem>>) target(%dma_start3A_553 : memref<4x8x128xf32, #tpu.memory_space<hbm>>) target_semaphore(%dma_start3A_548 : memref<!tpu.dma_semaphore, #tpu.memory_space<semaphore_mem>>)
      %add3A_559 = arith.constant 4 : i32
      %add3A_560 = arith.addi %add3A_511, %add3A_559 : i32
      %lt3A_561 = arith.constant 200 : i32
      %lt3A_562 = arith.cmpi slt, %add3A_560, %lt3A_561 : i32
      %convert_element_type3A_563 = arith.extui %lt3A_562 : i1 to i32
      %cond3A_564 = arith.constant 0 : i32
      %cond3A_565 = arith.cmpi ne, %convert_element_type3A_563, %cond3A_564 : i32
      scf.if %cond3A_565 {
        %dma_start3A_740 = arith.constant 0 : i32
        %dma_start3A_741 = arith.constant 0 : i32
        %dma_start3A_742 = arith.constant 0 : i32
        %dma_start3A_743 = arith.constant 0 : i32
        %dma_start3A_744 = tpu.memref_slice %arg6[%dma_start3A_740, %dma_start3A_742, %dma_start3A_743] : memref<8x128x32xf32, #tpu.memory_space<vmem>> -> memref<1x128x32xf32, #tpu.memory_space<vmem>>
        %dma_start3A_745 = tpu.memref_squeeze %dma_start3A_744 : memref<1x128x32xf32, #tpu.memory_space<vmem>> -> memref<128x32xf32, #tpu.memory_space<vmem>>
        %dma_start3A_746 = arith.constant 0 : i32
        %dma_start3A_747 = tpu.memref_slice %arg5[%add3A_560, %dma_start3A_746] : memref<200x128xi32, #tpu.memory_space<vmem>> -> memref<1x128xi32, #tpu.memory_space<vmem>>
        %dma_start3A_748 = tpu.memref_squeeze %dma_start3A_747 : memref<1x128xi32, #tpu.memory_space<vmem>> -> memref<128xi32, #tpu.memory_space<vmem>>
        %dma_start3A_749 = arith.constant 0 : i32
        %dma_start3A_750 = arith.constant 0 : i32
        %dma_start3A_751 = tpu.memref_slice %arg3[%dma_start3A_749, %dma_start3A_750] : memref<1000000x32xf32, #tpu.memory_space<hbm>> -> memref<1000000x32xf32, #tpu.memory_space<hbm>>
        %dma_start3A_752 = tpu.memref_slice %arg8[%dma_start3A_741] : memref<8x!tpu.dma_semaphore, #tpu.memory_space<semaphore_mem>> -> memref<1x!tpu.dma_semaphore, #tpu.memory_space<semaphore_mem>>
        %dma_start3A_753 = tpu.memref_squeeze %dma_start3A_752 : memref<1x!tpu.dma_semaphore, #tpu.memory_space<semaphore_mem>> -> memref<!tpu.dma_semaphore, #tpu.memory_space<semaphore_mem>>
        tpu.enqueue_indirect_dma source(%dma_start3A_751 : memref<1000000x32xf32, #tpu.memory_space<hbm>>) target(%dma_start3A_745 : memref<128x32xf32, #tpu.memory_space<vmem>>) offsets(%dma_start3A_748 : memref<128xi32, #tpu.memory_space<vmem>>) semaphore(%dma_start3A_753 : memref<!tpu.dma_semaphore, #tpu.memory_space<semaphore_mem>>)
      } else {
      }
      %mul3A_566 = arith.constant 8 : i32
      %mul3A_567 = arith.muli %scan3A_280, %mul3A_566 : i32
      %add3A_568 = arith.constant 5 : i32
      %add3A_569 = arith.addi %mul3A_567, %add3A_568 : i32
      %dma_wait3A_570 = arith.constant 5 : i32
      %dma_wait3A_571 = arith.constant 5 : i32
      %dma_wait3A_572 = arith.constant 0 : i32
      %dma_wait3A_573 = arith.constant 0 : i32
      %dma_wait3A_574 = tpu.memref_slice %arg6[%dma_wait3A_570, %dma_wait3A_572, %dma_wait3A_573] : memref<8x128x32xf32, #tpu.memory_space<vmem>> -> memref<1x128x32xf32, #tpu.memory_space<vmem>>
      %dma_wait3A_575 = tpu.memref_squeeze %dma_wait3A_574 : memref<1x128x32xf32, #tpu.memory_space<vmem>> -> memref<128x32xf32, #tpu.memory_space<vmem>>
      %dma_wait3A_576 = arith.constant 0 : i32
      %dma_wait3A_577 = tpu.memref_slice %arg5[%add3A_569, %dma_wait3A_576] : memref<200x128xi32, #tpu.memory_space<vmem>> -> memref<1x128xi32, #tpu.memory_space<vmem>>
      %dma_wait3A_578 = tpu.memref_squeeze %dma_wait3A_577 : memref<1x128xi32, #tpu.memory_space<vmem>> -> memref<128xi32, #tpu.memory_space<vmem>>
      %dma_wait3A_579 = arith.constant 0 : i32
      %dma_wait3A_580 = arith.constant 0 : i32
      %dma_wait3A_581 = tpu.memref_slice %arg3[%dma_wait3A_579, %dma_wait3A_580] : memref<1000000x32xf32, #tpu.memory_space<hbm>> -> memref<1000000x32xf32, #tpu.memory_space<hbm>>
      %dma_wait3A_582 = tpu.memref_slice %arg8[%dma_wait3A_571] : memref<8x!tpu.dma_semaphore, #tpu.memory_space<semaphore_mem>> -> memref<1x!tpu.dma_semaphore, #tpu.memory_space<semaphore_mem>>
      %dma_wait3A_583 = tpu.memref_squeeze %dma_wait3A_582 : memref<1x!tpu.dma_semaphore, #tpu.memory_space<semaphore_mem>> -> memref<!tpu.dma_semaphore, #tpu.memory_space<semaphore_mem>>
      tpu.wait_indirect_dma semaphore(%dma_wait3A_583 : memref<!tpu.dma_semaphore, #tpu.memory_space<semaphore_mem>>) src(%dma_wait3A_581 : memref<1000000x32xf32, #tpu.memory_space<hbm>>) dst(%dma_wait3A_575 : memref<128x32xf32, #tpu.memory_space<vmem>>)
      %ge3A_584 = arith.constant 8 : i32
      %ge3A_585 = arith.cmpi sge, %add3A_569, %ge3A_584 : i32
      %convert_element_type3A_586 = arith.extui %ge3A_585 : i1 to i32
      %cond3A_587 = arith.constant 0 : i32
      %cond3A_588 = arith.cmpi ne, %convert_element_type3A_586, %cond3A_587 : i32
      scf.if %cond3A_588 {
        %sub3A = arith.constant 8 : i32
        %sub3A_740 = arith.subi %add3A_569, %sub3A : i32
        %dma_wait3A_741 = arith.constant 5 : i32
        %dma_wait3A_742 = arith.constant 5 : i32
        %dma_wait3A_743 = arith.constant 0 : i32
        %dma_wait3A_744 = arith.constant 0 : i32
        %dma_wait3A_745 = arith.constant 0 : i32
        %dma_wait3A_746 = tpu.memref_slice %arg7[%dma_wait3A_741, %dma_wait3A_743, %dma_wait3A_744, %dma_wait3A_745] : memref<8x4x8x129xf32, #tpu.memory_space<vmem>> -> memref<1x4x8x128xf32, #tpu.memory_space<vmem>>
        %dma_wait3A_747 = tpu.memref_squeeze %dma_wait3A_746 : memref<1x4x8x128xf32, #tpu.memory_space<vmem>> -> memref<4x8x128xf32, #tpu.memory_space<vmem>>
        %dma_wait3A_748 = arith.constant 0 : i32
        %dma_wait3A_749 = arith.constant 0 : i32
        %dma_wait3A_750 = arith.constant 0 : i32
        %dma_wait3A_751 = tpu.memref_slice %arg4[%sub3A_740, %dma_wait3A_748, %add3A, %dma_wait3A_749, %dma_wait3A_750] : memref<200x4x32x8x128xf32, #tpu.memory_space<hbm>> -> memref<1x4x1x8x128xf32, #tpu.memory_space<hbm>>
        %dma_wait3A_752 = tpu.memref_squeeze %dma_wait3A_751 : memref<1x4x1x8x128xf32, #tpu.memory_space<hbm>> -> memref<4x8x128xf32, #tpu.memory_space<hbm>>
        %dma_wait3A_753 = tpu.memref_slice %arg9[%dma_wait3A_742] : memref<8x!tpu.dma_semaphore, #tpu.memory_space<semaphore_mem>> -> memref<1x!tpu.dma_semaphore, #tpu.memory_space<semaphore_mem>>
        %dma_wait3A_754 = tpu.memref_squeeze %dma_wait3A_753 : memref<1x!tpu.dma_semaphore, #tpu.memory_space<semaphore_mem>> -> memref<!tpu.dma_semaphore, #tpu.memory_space<semaphore_mem>>
        %dma_wait3A_755 = arith.constant 0 : i32
        %dma_wait3A_756 = arith.constant 0 : i32
        %dma_wait3A_757 = arith.constant 0 : i32
        %dma_wait3A_758 = tpu.memref_slice %arg4[%sub3A_740, %dma_wait3A_755, %add3A, %dma_wait3A_756, %dma_wait3A_757] : memref<200x4x32x8x128xf32, #tpu.memory_space<hbm>> -> memref<1x4x1x8x128xf32, #tpu.memory_space<hbm>>
        %dma_wait3A_759 = tpu.memref_squeeze %dma_wait3A_758 : memref<1x4x1x8x128xf32, #tpu.memory_space<hbm>> -> memref<4x8x128xf32, #tpu.memory_space<hbm>>
        %dma_wait3A_760 = arith.constant 0 : i32
        %dma_wait3A_761 = arith.constant 0 : i32
        %dma_wait3A_762 = arith.constant 0 : i32
        %dma_wait3A_763 = tpu.memref_slice %arg7[%dma_wait3A_741, %dma_wait3A_760, %dma_wait3A_761, %dma_wait3A_762] : memref<8x4x8x129xf32, #tpu.memory_space<vmem>> -> memref<1x4x8x128xf32, #tpu.memory_space<vmem>>
        %dma_wait3A_764 = tpu.memref_squeeze %dma_wait3A_763 : memref<1x4x8x128xf32, #tpu.memory_space<vmem>> -> memref<4x8x128xf32, #tpu.memory_space<vmem>>
        tpu.wait_dma2 semaphore(%dma_wait3A_754 : memref<!tpu.dma_semaphore, #tpu.memory_space<semaphore_mem>>) src(%dma_wait3A_764 : memref<4x8x128xf32, #tpu.memory_space<vmem>>) dst(%dma_wait3A_759 : memref<4x8x128xf32, #tpu.memory_space<hbm>>)
      } else {
      }
      %parallel_loop3A_589 = arith.constant 0 : i32
      %parallel_loop3A_590 = arith.constant 128 : i32
      %parallel_loop3A_591 = arith.constant 1 : i32
      %parallel_loop3A_592 = arith.constant 5 : i32
      scf.for %parallel_loop3A_740 = %parallel_loop3A_589 to %parallel_loop3A_590 step %parallel_loop3A_591  : i32 {
        %parallel_loop3A_741 = vector.broadcast %parallel_loop3A_740 : i32 to vector<16xi32>
        %parallel_loop3A_742 = arith.constant 5 : i32
        %parallel_loop3A_743 = arith.index_cast %parallel_loop3A_742 : i32 to index
        %parallel_loop3A_744 = arith.index_cast %parallel_loop3A_740 : i32 to index
        %parallel_loop3A_745 = arith.constant 0 : index
        %parallel_loop3A_746 = tpu.vector_load %arg6[%parallel_loop3A_743, %parallel_loop3A_744, %parallel_loop3A_745] {strides = array<i32>} : memref<8x128x32xf32, #tpu.memory_space<vmem>>, vector<16xf32>,
        %parallel_loop3A_747 = arith.constant 0 : i32
        %parallel_loop3A_748 = arith.constant 0 : i32
        %parallel_loop3A_749 = arith.constant 0 : i32
        %parallel_loop3A_750 = tpu.memref_slice %arg7[%parallel_loop3A_592, %parallel_loop3A_747, %parallel_loop3A_748, %parallel_loop3A_749] : memref<8x4x8x129xf32, #tpu.memory_space<vmem>> -> memref<1x4x8x129xf32, #tpu.memory_space<vmem>>
        %parallel_loop3A_751 = tpu.memref_squeeze %parallel_loop3A_750 : memref<1x4x8x129xf32, #tpu.memory_space<vmem>> -> memref<4x8x129xf32, #tpu.memory_space<vmem>>
        tpu.vector_store_idx %parallel_loop3A_751[%shift_right_logical3A_5, %and3A_7, %parallel_loop3A_741], %parallel_loop3A_746 : memref<4x8x129xf32, #tpu.memory_space<vmem>>[vector<16xi32>, vector<16xi32>, vector<16xi32>], vector<16xf32>,
        %parallel_loop3A_752 = arith.constant 5 : i32
        %parallel_loop3A_753 = arith.index_cast %parallel_loop3A_752 : i32 to index
        %parallel_loop3A_754 = arith.index_cast %parallel_loop3A_740 : i32 to index
        %parallel_loop3A_755 = arith.constant 16 : index
        %parallel_loop3A_756 = tpu.vector_load %arg6[%parallel_loop3A_753, %parallel_loop3A_754, %parallel_loop3A_755] {strides = array<i32>} : memref<8x128x32xf32, #tpu.memory_space<vmem>>, vector<16xf32>,
        %parallel_loop3A_757 = arith.constant 0 : i32
        %parallel_loop3A_758 = arith.constant 0 : i32
        %parallel_loop3A_759 = arith.constant 0 : i32
        %parallel_loop3A_760 = tpu.memref_slice %arg7[%parallel_loop3A_592, %parallel_loop3A_757, %parallel_loop3A_758, %parallel_loop3A_759] : memref<8x4x8x129xf32, #tpu.memory_space<vmem>> -> memref<1x4x8x129xf32, #tpu.memory_space<vmem>>
        %parallel_loop3A_761 = tpu.memref_squeeze %parallel_loop3A_760 : memref<1x4x8x129xf32, #tpu.memory_space<vmem>> -> memref<4x8x129xf32, #tpu.memory_space<vmem>>
        tpu.vector_store_idx %parallel_loop3A_761[%shift_right_logical3A_13, %and3A_16, %parallel_loop3A_741], %parallel_loop3A_756 : memref<4x8x129xf32, #tpu.memory_space<vmem>>[vector<16xi32>, vector<16xi32>, vector<16xi32>], vector<16xf32>,
      } {sc.loop_unroll_factor = 8 : i64, sc.parallel_access}
      %dma_start3A_593 = arith.constant 5 : i32
      %dma_start3A_594 = arith.constant 5 : i32
      %dma_start3A_595 = arith.constant 0 : i32
      %dma_start3A_596 = arith.constant 0 : i32
      %dma_start3A_597 = arith.constant 0 : i32
      %dma_start3A_598 = tpu.memref_slice %arg7[%dma_start3A_593, %dma_start3A_595, %dma_start3A_596, %dma_start3A_597] : memref<8x4x8x129xf32, #tpu.memory_space<vmem>> -> memref<1x4x8x128xf32, #tpu.memory_space<vmem>>
      %dma_start3A_599 = tpu.memref_squeeze %dma_start3A_598 : memref<1x4x8x128xf32, #tpu.memory_space<vmem>> -> memref<4x8x128xf32, #tpu.memory_space<vmem>>
      %dma_start3A_600 = arith.constant 0 : i32
      %dma_start3A_601 = arith.constant 0 : i32
      %dma_start3A_602 = arith.constant 0 : i32
      %dma_start3A_603 = tpu.memref_slice %arg4[%add3A_569, %dma_start3A_600, %add3A, %dma_start3A_601, %dma_start3A_602] : memref<200x4x32x8x128xf32, #tpu.memory_space<hbm>> -> memref<1x4x1x8x128xf32, #tpu.memory_space<hbm>>
      %dma_start3A_604 = tpu.memref_squeeze %dma_start3A_603 : memref<1x4x1x8x128xf32, #tpu.memory_space<hbm>> -> memref<4x8x128xf32, #tpu.memory_space<hbm>>
      %dma_start3A_605 = tpu.memref_slice %arg9[%dma_start3A_594] : memref<8x!tpu.dma_semaphore, #tpu.memory_space<semaphore_mem>> -> memref<1x!tpu.dma_semaphore, #tpu.memory_space<semaphore_mem>>
      %dma_start3A_606 = tpu.memref_squeeze %dma_start3A_605 : memref<1x!tpu.dma_semaphore, #tpu.memory_space<semaphore_mem>> -> memref<!tpu.dma_semaphore, #tpu.memory_space<semaphore_mem>>
      %dma_start3A_607 = arith.constant 0 : i32
      %dma_start3A_608 = arith.constant 0 : i32
      %dma_start3A_609 = arith.constant 0 : i32
      %dma_start3A_610 = tpu.memref_slice %arg4[%add3A_569, %dma_start3A_607, %add3A, %dma_start3A_608, %dma_start3A_609] : memref<200x4x32x8x128xf32, #tpu.memory_space<hbm>> -> memref<1x4x1x8x128xf32, #tpu.memory_space<hbm>>
      %dma_start3A_611 = tpu.memref_squeeze %dma_start3A_610 : memref<1x4x1x8x128xf32, #tpu.memory_space<hbm>> -> memref<4x8x128xf32, #tpu.memory_space<hbm>>
      %dma_start3A_612 = arith.constant 0 : i32
      %dma_start3A_613 = arith.constant 0 : i32
      %dma_start3A_614 = arith.constant 0 : i32
      %dma_start3A_615 = tpu.memref_slice %arg7[%dma_start3A_593, %dma_start3A_612, %dma_start3A_613, %dma_start3A_614] : memref<8x4x8x129xf32, #tpu.memory_space<vmem>> -> memref<1x4x8x128xf32, #tpu.memory_space<vmem>>
      %dma_start3A_616 = tpu.memref_squeeze %dma_start3A_615 : memref<1x4x8x128xf32, #tpu.memory_space<vmem>> -> memref<4x8x128xf32, #tpu.memory_space<vmem>>
      tpu.enqueue_dma source(%dma_start3A_616 : memref<4x8x128xf32, #tpu.memory_space<vmem>>) target(%dma_start3A_611 : memref<4x8x128xf32, #tpu.memory_space<hbm>>) target_semaphore(%dma_start3A_606 : memref<!tpu.dma_semaphore, #tpu.memory_space<semaphore_mem>>)
      %add3A_617 = arith.constant 4 : i32
      %add3A_618 = arith.addi %add3A_569, %add3A_617 : i32
      %lt3A_619 = arith.constant 200 : i32
      %lt3A_620 = arith.cmpi slt, %add3A_618, %lt3A_619 : i32
      %convert_element_type3A_621 = arith.extui %lt3A_620 : i1 to i32
      %cond3A_622 = arith.constant 0 : i32
      %cond3A_623 = arith.cmpi ne, %convert_element_type3A_621, %cond3A_622 : i32
      scf.if %cond3A_623 {
        %dma_start3A_740 = arith.constant 1 : i32
        %dma_start3A_741 = arith.constant 1 : i32
        %dma_start3A_742 = arith.constant 0 : i32
        %dma_start3A_743 = arith.constant 0 : i32
        %dma_start3A_744 = tpu.memref_slice %arg6[%dma_start3A_740, %dma_start3A_742, %dma_start3A_743] : memref<8x128x32xf32, #tpu.memory_space<vmem>> -> memref<1x128x32xf32, #tpu.memory_space<vmem>>
        %dma_start3A_745 = tpu.memref_squeeze %dma_start3A_744 : memref<1x128x32xf32, #tpu.memory_space<vmem>> -> memref<128x32xf32, #tpu.memory_space<vmem>>
        %dma_start3A_746 = arith.constant 0 : i32
        %dma_start3A_747 = tpu.memref_slice %arg5[%add3A_618, %dma_start3A_746] : memref<200x128xi32, #tpu.memory_space<vmem>> -> memref<1x128xi32, #tpu.memory_space<vmem>>
        %dma_start3A_748 = tpu.memref_squeeze %dma_start3A_747 : memref<1x128xi32, #tpu.memory_space<vmem>> -> memref<128xi32, #tpu.memory_space<vmem>>
        %dma_start3A_749 = arith.constant 0 : i32
        %dma_start3A_750 = arith.constant 0 : i32
        %dma_start3A_751 = tpu.memref_slice %arg3[%dma_start3A_749, %dma_start3A_750] : memref<1000000x32xf32, #tpu.memory_space<hbm>> -> memref<1000000x32xf32, #tpu.memory_space<hbm>>
        %dma_start3A_752 = tpu.memref_slice %arg8[%dma_start3A_741] : memref<8x!tpu.dma_semaphore, #tpu.memory_space<semaphore_mem>> -> memref<1x!tpu.dma_semaphore, #tpu.memory_space<semaphore_mem>>
        %dma_start3A_753 = tpu.memref_squeeze %dma_start3A_752 : memref<1x!tpu.dma_semaphore, #tpu.memory_space<semaphore_mem>> -> memref<!tpu.dma_semaphore, #tpu.memory_space<semaphore_mem>>
        tpu.enqueue_indirect_dma source(%dma_start3A_751 : memref<1000000x32xf32, #tpu.memory_space<hbm>>) target(%dma_start3A_745 : memref<128x32xf32, #tpu.memory_space<vmem>>) offsets(%dma_start3A_748 : memref<128xi32, #tpu.memory_space<vmem>>) semaphore(%dma_start3A_753 : memref<!tpu.dma_semaphore, #tpu.memory_space<semaphore_mem>>)
      } else {
      }
      %mul3A_624 = arith.constant 8 : i32
      %mul3A_625 = arith.muli %scan3A_280, %mul3A_624 : i32
      %add3A_626 = arith.constant 6 : i32
      %add3A_627 = arith.addi %mul3A_625, %add3A_626 : i32
      %dma_wait3A_628 = arith.constant 6 : i32
      %dma_wait3A_629 = arith.constant 6 : i32
      %dma_wait3A_630 = arith.constant 0 : i32
      %dma_wait3A_631 = arith.constant 0 : i32
      %dma_wait3A_632 = tpu.memref_slice %arg6[%dma_wait3A_628, %dma_wait3A_630, %dma_wait3A_631] : memref<8x128x32xf32, #tpu.memory_space<vmem>> -> memref<1x128x32xf32, #tpu.memory_space<vmem>>
      %dma_wait3A_633 = tpu.memref_squeeze %dma_wait3A_632 : memref<1x128x32xf32, #tpu.memory_space<vmem>> -> memref<128x32xf32, #tpu.memory_space<vmem>>
      %dma_wait3A_634 = arith.constant 0 : i32
      %dma_wait3A_635 = tpu.memref_slice %arg5[%add3A_627, %dma_wait3A_634] : memref<200x128xi32, #tpu.memory_space<vmem>> -> memref<1x128xi32, #tpu.memory_space<vmem>>
      %dma_wait3A_636 = tpu.memref_squeeze %dma_wait3A_635 : memref<1x128xi32, #tpu.memory_space<vmem>> -> memref<128xi32, #tpu.memory_space<vmem>>
      %dma_wait3A_637 = arith.constant 0 : i32
      %dma_wait3A_638 = arith.constant 0 : i32
      %dma_wait3A_639 = tpu.memref_slice %arg3[%dma_wait3A_637, %dma_wait3A_638] : memref<1000000x32xf32, #tpu.memory_space<hbm>> -> memref<1000000x32xf32, #tpu.memory_space<hbm>>
      %dma_wait3A_640 = tpu.memref_slice %arg8[%dma_wait3A_629] : memref<8x!tpu.dma_semaphore, #tpu.memory_space<semaphore_mem>> -> memref<1x!tpu.dma_semaphore, #tpu.memory_space<semaphore_mem>>
      %dma_wait3A_641 = tpu.memref_squeeze %dma_wait3A_640 : memref<1x!tpu.dma_semaphore, #tpu.memory_space<semaphore_mem>> -> memref<!tpu.dma_semaphore, #tpu.memory_space<semaphore_mem>>
      tpu.wait_indirect_dma semaphore(%dma_wait3A_641 : memref<!tpu.dma_semaphore, #tpu.memory_space<semaphore_mem>>) src(%dma_wait3A_639 : memref<1000000x32xf32, #tpu.memory_space<hbm>>) dst(%dma_wait3A_633 : memref<128x32xf32, #tpu.memory_space<vmem>>)
      %ge3A_642 = arith.constant 8 : i32
      %ge3A_643 = arith.cmpi sge, %add3A_627, %ge3A_642 : i32
      %convert_element_type3A_644 = arith.extui %ge3A_643 : i1 to i32
      %cond3A_645 = arith.constant 0 : i32
      %cond3A_646 = arith.cmpi ne, %convert_element_type3A_644, %cond3A_645 : i32
      scf.if %cond3A_646 {
        %sub3A = arith.constant 8 : i32
        %sub3A_740 = arith.subi %add3A_627, %sub3A : i32
        %dma_wait3A_741 = arith.constant 6 : i32
        %dma_wait3A_742 = arith.constant 6 : i32
        %dma_wait3A_743 = arith.constant 0 : i32
        %dma_wait3A_744 = arith.constant 0 : i32
        %dma_wait3A_745 = arith.constant 0 : i32
        %dma_wait3A_746 = tpu.memref_slice %arg7[%dma_wait3A_741, %dma_wait3A_743, %dma_wait3A_744, %dma_wait3A_745] : memref<8x4x8x129xf32, #tpu.memory_space<vmem>> -> memref<1x4x8x128xf32, #tpu.memory_space<vmem>>
        %dma_wait3A_747 = tpu.memref_squeeze %dma_wait3A_746 : memref<1x4x8x128xf32, #tpu.memory_space<vmem>> -> memref<4x8x128xf32, #tpu.memory_space<vmem>>
        %dma_wait3A_748 = arith.constant 0 : i32
        %dma_wait3A_749 = arith.constant 0 : i32
        %dma_wait3A_750 = arith.constant 0 : i32
        %dma_wait3A_751 = tpu.memref_slice %arg4[%sub3A_740, %dma_wait3A_748, %add3A, %dma_wait3A_749, %dma_wait3A_750] : memref<200x4x32x8x128xf32, #tpu.memory_space<hbm>> -> memref<1x4x1x8x128xf32, #tpu.memory_space<hbm>>
        %dma_wait3A_752 = tpu.memref_squeeze %dma_wait3A_751 : memref<1x4x1x8x128xf32, #tpu.memory_space<hbm>> -> memref<4x8x128xf32, #tpu.memory_space<hbm>>
        %dma_wait3A_753 = tpu.memref_slice %arg9[%dma_wait3A_742] : memref<8x!tpu.dma_semaphore, #tpu.memory_space<semaphore_mem>> -> memref<1x!tpu.dma_semaphore, #tpu.memory_space<semaphore_mem>>
        %dma_wait3A_754 = tpu.memref_squeeze %dma_wait3A_753 : memref<1x!tpu.dma_semaphore, #tpu.memory_space<semaphore_mem>> -> memref<!tpu.dma_semaphore, #tpu.memory_space<semaphore_mem>>
        %dma_wait3A_755 = arith.constant 0 : i32
        %dma_wait3A_756 = arith.constant 0 : i32
        %dma_wait3A_757 = arith.constant 0 : i32
        %dma_wait3A_758 = tpu.memref_slice %arg4[%sub3A_740, %dma_wait3A_755, %add3A, %dma_wait3A_756, %dma_wait3A_757] : memref<200x4x32x8x128xf32, #tpu.memory_space<hbm>> -> memref<1x4x1x8x128xf32, #tpu.memory_space<hbm>>
        %dma_wait3A_759 = tpu.memref_squeeze %dma_wait3A_758 : memref<1x4x1x8x128xf32, #tpu.memory_space<hbm>> -> memref<4x8x128xf32, #tpu.memory_space<hbm>>
        %dma_wait3A_760 = arith.constant 0 : i32
        %dma_wait3A_761 = arith.constant 0 : i32
        %dma_wait3A_762 = arith.constant 0 : i32
        %dma_wait3A_763 = tpu.memref_slice %arg7[%dma_wait3A_741, %dma_wait3A_760, %dma_wait3A_761, %dma_wait3A_762] : memref<8x4x8x129xf32, #tpu.memory_space<vmem>> -> memref<1x4x8x128xf32, #tpu.memory_space<vmem>>
        %dma_wait3A_764 = tpu.memref_squeeze %dma_wait3A_763 : memref<1x4x8x128xf32, #tpu.memory_space<vmem>> -> memref<4x8x128xf32, #tpu.memory_space<vmem>>
        tpu.wait_dma2 semaphore(%dma_wait3A_754 : memref<!tpu.dma_semaphore, #tpu.memory_space<semaphore_mem>>) src(%dma_wait3A_764 : memref<4x8x128xf32, #tpu.memory_space<vmem>>) dst(%dma_wait3A_759 : memref<4x8x128xf32, #tpu.memory_space<hbm>>)
      } else {
      }
      %parallel_loop3A_647 = arith.constant 0 : i32
      %parallel_loop3A_648 = arith.constant 128 : i32
      %parallel_loop3A_649 = arith.constant 1 : i32
      %parallel_loop3A_650 = arith.constant 6 : i32
      scf.for %parallel_loop3A_740 = %parallel_loop3A_647 to %parallel_loop3A_648 step %parallel_loop3A_649  : i32 {
        %parallel_loop3A_741 = vector.broadcast %parallel_loop3A_740 : i32 to vector<16xi32>
        %parallel_loop3A_742 = arith.constant 6 : i32
        %parallel_loop3A_743 = arith.index_cast %parallel_loop3A_742 : i32 to index
        %parallel_loop3A_744 = arith.index_cast %parallel_loop3A_740 : i32 to index
        %parallel_loop3A_745 = arith.constant 0 : index
        %parallel_loop3A_746 = tpu.vector_load %arg6[%parallel_loop3A_743, %parallel_loop3A_744, %parallel_loop3A_745] {strides = array<i32>} : memref<8x128x32xf32, #tpu.memory_space<vmem>>, vector<16xf32>,
        %parallel_loop3A_747 = arith.constant 0 : i32
        %parallel_loop3A_748 = arith.constant 0 : i32
        %parallel_loop3A_749 = arith.constant 0 : i32
        %parallel_loop3A_750 = tpu.memref_slice %arg7[%parallel_loop3A_650, %parallel_loop3A_747, %parallel_loop3A_748, %parallel_loop3A_749] : memref<8x4x8x129xf32, #tpu.memory_space<vmem>> -> memref<1x4x8x129xf32, #tpu.memory_space<vmem>>
        %parallel_loop3A_751 = tpu.memref_squeeze %parallel_loop3A_750 : memref<1x4x8x129xf32, #tpu.memory_space<vmem>> -> memref<4x8x129xf32, #tpu.memory_space<vmem>>
        tpu.vector_store_idx %parallel_loop3A_751[%shift_right_logical3A_5, %and3A_7, %parallel_loop3A_741], %parallel_loop3A_746 : memref<4x8x129xf32, #tpu.memory_space<vmem>>[vector<16xi32>, vector<16xi32>, vector<16xi32>], vector<16xf32>,
        %parallel_loop3A_752 = arith.constant 6 : i32
        %parallel_loop3A_753 = arith.index_cast %parallel_loop3A_752 : i32 to index
        %parallel_loop3A_754 = arith.index_cast %parallel_loop3A_740 : i32 to index
        %parallel_loop3A_755 = arith.constant 16 : index
        %parallel_loop3A_756 = tpu.vector_load %arg6[%parallel_loop3A_753, %parallel_loop3A_754, %parallel_loop3A_755] {strides = array<i32>} : memref<8x128x32xf32, #tpu.memory_space<vmem>>, vector<16xf32>,
        %parallel_loop3A_757 = arith.constant 0 : i32
        %parallel_loop3A_758 = arith.constant 0 : i32
        %parallel_loop3A_759 = arith.constant 0 : i32
        %parallel_loop3A_760 = tpu.memref_slice %arg7[%parallel_loop3A_650, %parallel_loop3A_757, %parallel_loop3A_758, %parallel_loop3A_759] : memref<8x4x8x129xf32, #tpu.memory_space<vmem>> -> memref<1x4x8x129xf32, #tpu.memory_space<vmem>>
        %parallel_loop3A_761 = tpu.memref_squeeze %parallel_loop3A_760 : memref<1x4x8x129xf32, #tpu.memory_space<vmem>> -> memref<4x8x129xf32, #tpu.memory_space<vmem>>
        tpu.vector_store_idx %parallel_loop3A_761[%shift_right_logical3A_13, %and3A_16, %parallel_loop3A_741], %parallel_loop3A_756 : memref<4x8x129xf32, #tpu.memory_space<vmem>>[vector<16xi32>, vector<16xi32>, vector<16xi32>], vector<16xf32>,
      } {sc.loop_unroll_factor = 8 : i64, sc.parallel_access}
      %dma_start3A_651 = arith.constant 6 : i32
      %dma_start3A_652 = arith.constant 6 : i32
      %dma_start3A_653 = arith.constant 0 : i32
      %dma_start3A_654 = arith.constant 0 : i32
      %dma_start3A_655 = arith.constant 0 : i32
      %dma_start3A_656 = tpu.memref_slice %arg7[%dma_start3A_651, %dma_start3A_653, %dma_start3A_654, %dma_start3A_655] : memref<8x4x8x129xf32, #tpu.memory_space<vmem>> -> memref<1x4x8x128xf32, #tpu.memory_space<vmem>>
      %dma_start3A_657 = tpu.memref_squeeze %dma_start3A_656 : memref<1x4x8x128xf32, #tpu.memory_space<vmem>> -> memref<4x8x128xf32, #tpu.memory_space<vmem>>
      %dma_start3A_658 = arith.constant 0 : i32
      %dma_start3A_659 = arith.constant 0 : i32
      %dma_start3A_660 = arith.constant 0 : i32
      %dma_start3A_661 = tpu.memref_slice %arg4[%add3A_627, %dma_start3A_658, %add3A, %dma_start3A_659, %dma_start3A_660] : memref<200x4x32x8x128xf32, #tpu.memory_space<hbm>> -> memref<1x4x1x8x128xf32, #tpu.memory_space<hbm>>
      %dma_start3A_662 = tpu.memref_squeeze %dma_start3A_661 : memref<1x4x1x8x128xf32, #tpu.memory_space<hbm>> -> memref<4x8x128xf32, #tpu.memory_space<hbm>>
      %dma_start3A_663 = tpu.memref_slice %arg9[%dma_start3A_652] : memref<8x!tpu.dma_semaphore, #tpu.memory_space<semaphore_mem>> -> memref<1x!tpu.dma_semaphore, #tpu.memory_space<semaphore_mem>>
      %dma_start3A_664 = tpu.memref_squeeze %dma_start3A_663 : memref<1x!tpu.dma_semaphore, #tpu.memory_space<semaphore_mem>> -> memref<!tpu.dma_semaphore, #tpu.memory_space<semaphore_mem>>
      %dma_start3A_665 = arith.constant 0 : i32
      %dma_start3A_666 = arith.constant 0 : i32
      %dma_start3A_667 = arith.constant 0 : i32
      %dma_start3A_668 = tpu.memref_slice %arg4[%add3A_627, %dma_start3A_665, %add3A, %dma_start3A_666, %dma_start3A_667] : memref<200x4x32x8x128xf32, #tpu.memory_space<hbm>> -> memref<1x4x1x8x128xf32, #tpu.memory_space<hbm>>
      %dma_start3A_669 = tpu.memref_squeeze %dma_start3A_668 : memref<1x4x1x8x128xf32, #tpu.memory_space<hbm>> -> memref<4x8x128xf32, #tpu.memory_space<hbm>>
      %dma_start3A_670 = arith.constant 0 : i32
      %dma_start3A_671 = arith.constant 0 : i32
      %dma_start3A_672 = arith.constant 0 : i32
      %dma_start3A_673 = tpu.memref_slice %arg7[%dma_start3A_651, %dma_start3A_670, %dma_start3A_671, %dma_start3A_672] : memref<8x4x8x129xf32, #tpu.memory_space<vmem>> -> memref<1x4x8x128xf32, #tpu.memory_space<vmem>>
      %dma_start3A_674 = tpu.memref_squeeze %dma_start3A_673 : memref<1x4x8x128xf32, #tpu.memory_space<vmem>> -> memref<4x8x128xf32, #tpu.memory_space<vmem>>
      tpu.enqueue_dma source(%dma_start3A_674 : memref<4x8x128xf32, #tpu.memory_space<vmem>>) target(%dma_start3A_669 : memref<4x8x128xf32, #tpu.memory_space<hbm>>) target_semaphore(%dma_start3A_664 : memref<!tpu.dma_semaphore, #tpu.memory_space<semaphore_mem>>)
      %add3A_675 = arith.constant 4 : i32
      %add3A_676 = arith.addi %add3A_627, %add3A_675 : i32
      %lt3A_677 = arith.constant 200 : i32
      %lt3A_678 = arith.cmpi slt, %add3A_676, %lt3A_677 : i32
      %convert_element_type3A_679 = arith.extui %lt3A_678 : i1 to i32
      %cond3A_680 = arith.constant 0 : i32
      %cond3A_681 = arith.cmpi ne, %convert_element_type3A_679, %cond3A_680 : i32
      scf.if %cond3A_681 {
        %dma_start3A_740 = arith.constant 2 : i32
        %dma_start3A_741 = arith.constant 2 : i32
        %dma_start3A_742 = arith.constant 0 : i32
        %dma_start3A_743 = arith.constant 0 : i32
        %dma_start3A_744 = tpu.memref_slice %arg6[%dma_start3A_740, %dma_start3A_742, %dma_start3A_743] : memref<8x128x32xf32, #tpu.memory_space<vmem>> -> memref<1x128x32xf32, #tpu.memory_space<vmem>>
        %dma_start3A_745 = tpu.memref_squeeze %dma_start3A_744 : memref<1x128x32xf32, #tpu.memory_space<vmem>> -> memref<128x32xf32, #tpu.memory_space<vmem>>
        %dma_start3A_746 = arith.constant 0 : i32
        %dma_start3A_747 = tpu.memref_slice %arg5[%add3A_676, %dma_start3A_746] : memref<200x128xi32, #tpu.memory_space<vmem>> -> memref<1x128xi32, #tpu.memory_space<vmem>>
        %dma_start3A_748 = tpu.memref_squeeze %dma_start3A_747 : memref<1x128xi32, #tpu.memory_space<vmem>> -> memref<128xi32, #tpu.memory_space<vmem>>
        %dma_start3A_749 = arith.constant 0 : i32
        %dma_start3A_750 = arith.constant 0 : i32
        %dma_start3A_751 = tpu.memref_slice %arg3[%dma_start3A_749, %dma_start3A_750] : memref<1000000x32xf32, #tpu.memory_space<hbm>> -> memref<1000000x32xf32, #tpu.memory_space<hbm>>
        %dma_start3A_752 = tpu.memref_slice %arg8[%dma_start3A_741] : memref<8x!tpu.dma_semaphore, #tpu.memory_space<semaphore_mem>> -> memref<1x!tpu.dma_semaphore, #tpu.memory_space<semaphore_mem>>
        %dma_start3A_753 = tpu.memref_squeeze %dma_start3A_752 : memref<1x!tpu.dma_semaphore, #tpu.memory_space<semaphore_mem>> -> memref<!tpu.dma_semaphore, #tpu.memory_space<semaphore_mem>>
        tpu.enqueue_indirect_dma source(%dma_start3A_751 : memref<1000000x32xf32, #tpu.memory_space<hbm>>) target(%dma_start3A_745 : memref<128x32xf32, #tpu.memory_space<vmem>>) offsets(%dma_start3A_748 : memref<128xi32, #tpu.memory_space<vmem>>) semaphore(%dma_start3A_753 : memref<!tpu.dma_semaphore, #tpu.memory_space<semaphore_mem>>)
      } else {
      }
      %mul3A_682 = arith.constant 8 : i32
      %mul3A_683 = arith.muli %scan3A_280, %mul3A_682 : i32
      %add3A_684 = arith.constant 7 : i32
      %add3A_685 = arith.addi %mul3A_683, %add3A_684 : i32
      %dma_wait3A_686 = arith.constant 7 : i32
      %dma_wait3A_687 = arith.constant 7 : i32
      %dma_wait3A_688 = arith.constant 0 : i32
      %dma_wait3A_689 = arith.constant 0 : i32
      %dma_wait3A_690 = tpu.memref_slice %arg6[%dma_wait3A_686, %dma_wait3A_688, %dma_wait3A_689] : memref<8x128x32xf32, #tpu.memory_space<vmem>> -> memref<1x128x32xf32, #tpu.memory_space<vmem>>
      %dma_wait3A_691 = tpu.memref_squeeze %dma_wait3A_690 : memref<1x128x32xf32, #tpu.memory_space<vmem>> -> memref<128x32xf32, #tpu.memory_space<vmem>>
      %dma_wait3A_692 = arith.constant 0 : i32
      %dma_wait3A_693 = tpu.memref_slice %arg5[%add3A_685, %dma_wait3A_692] : memref<200x128xi32, #tpu.memory_space<vmem>> -> memref<1x128xi32, #tpu.memory_space<vmem>>
      %dma_wait3A_694 = tpu.memref_squeeze %dma_wait3A_693 : memref<1x128xi32, #tpu.memory_space<vmem>> -> memref<128xi32, #tpu.memory_space<vmem>>
      %dma_wait3A_695 = arith.constant 0 : i32
      %dma_wait3A_696 = arith.constant 0 : i32
      %dma_wait3A_697 = tpu.memref_slice %arg3[%dma_wait3A_695, %dma_wait3A_696] : memref<1000000x32xf32, #tpu.memory_space<hbm>> -> memref<1000000x32xf32, #tpu.memory_space<hbm>>
      %dma_wait3A_698 = tpu.memref_slice %arg8[%dma_wait3A_687] : memref<8x!tpu.dma_semaphore, #tpu.memory_space<semaphore_mem>> -> memref<1x!tpu.dma_semaphore, #tpu.memory_space<semaphore_mem>>
      %dma_wait3A_699 = tpu.memref_squeeze %dma_wait3A_698 : memref<1x!tpu.dma_semaphore, #tpu.memory_space<semaphore_mem>> -> memref<!tpu.dma_semaphore, #tpu.memory_space<semaphore_mem>>
      tpu.wait_indirect_dma semaphore(%dma_wait3A_699 : memref<!tpu.dma_semaphore, #tpu.memory_space<semaphore_mem>>) src(%dma_wait3A_697 : memref<1000000x32xf32, #tpu.memory_space<hbm>>) dst(%dma_wait3A_691 : memref<128x32xf32, #tpu.memory_space<vmem>>)
      %ge3A_700 = arith.constant 8 : i32
      %ge3A_701 = arith.cmpi sge, %add3A_685, %ge3A_700 : i32
      %convert_element_type3A_702 = arith.extui %ge3A_701 : i1 to i32
      %cond3A_703 = arith.constant 0 : i32
      %cond3A_704 = arith.cmpi ne, %convert_element_type3A_702, %cond3A_703 : i32
      scf.if %cond3A_704 {
        %sub3A = arith.constant 8 : i32
        %sub3A_740 = arith.subi %add3A_685, %sub3A : i32
        %dma_wait3A_741 = arith.constant 7 : i32
        %dma_wait3A_742 = arith.constant 7 : i32
        %dma_wait3A_743 = arith.constant 0 : i32
        %dma_wait3A_744 = arith.constant 0 : i32
        %dma_wait3A_745 = arith.constant 0 : i32
        %dma_wait3A_746 = tpu.memref_slice %arg7[%dma_wait3A_741, %dma_wait3A_743, %dma_wait3A_744, %dma_wait3A_745] : memref<8x4x8x129xf32, #tpu.memory_space<vmem>> -> memref<1x4x8x128xf32, #tpu.memory_space<vmem>>
        %dma_wait3A_747 = tpu.memref_squeeze %dma_wait3A_746 : memref<1x4x8x128xf32, #tpu.memory_space<vmem>> -> memref<4x8x128xf32, #tpu.memory_space<vmem>>
        %dma_wait3A_748 = arith.constant 0 : i32
        %dma_wait3A_749 = arith.constant 0 : i32
        %dma_wait3A_750 = arith.constant 0 : i32
        %dma_wait3A_751 = tpu.memref_slice %arg4[%sub3A_740, %dma_wait3A_748, %add3A, %dma_wait3A_749, %dma_wait3A_750] : memref<200x4x32x8x128xf32, #tpu.memory_space<hbm>> -> memref<1x4x1x8x128xf32, #tpu.memory_space<hbm>>
        %dma_wait3A_752 = tpu.memref_squeeze %dma_wait3A_751 : memref<1x4x1x8x128xf32, #tpu.memory_space<hbm>> -> memref<4x8x128xf32, #tpu.memory_space<hbm>>
        %dma_wait3A_753 = tpu.memref_slice %arg9[%dma_wait3A_742] : memref<8x!tpu.dma_semaphore, #tpu.memory_space<semaphore_mem>> -> memref<1x!tpu.dma_semaphore, #tpu.memory_space<semaphore_mem>>
        %dma_wait3A_754 = tpu.memref_squeeze %dma_wait3A_753 : memref<1x!tpu.dma_semaphore, #tpu.memory_space<semaphore_mem>> -> memref<!tpu.dma_semaphore, #tpu.memory_space<semaphore_mem>>
        %dma_wait3A_755 = arith.constant 0 : i32
        %dma_wait3A_756 = arith.constant 0 : i32
        %dma_wait3A_757 = arith.constant 0 : i32
        %dma_wait3A_758 = tpu.memref_slice %arg4[%sub3A_740, %dma_wait3A_755, %add3A, %dma_wait3A_756, %dma_wait3A_757] : memref<200x4x32x8x128xf32, #tpu.memory_space<hbm>> -> memref<1x4x1x8x128xf32, #tpu.memory_space<hbm>>
        %dma_wait3A_759 = tpu.memref_squeeze %dma_wait3A_758 : memref<1x4x1x8x128xf32, #tpu.memory_space<hbm>> -> memref<4x8x128xf32, #tpu.memory_space<hbm>>
        %dma_wait3A_760 = arith.constant 0 : i32
        %dma_wait3A_761 = arith.constant 0 : i32
        %dma_wait3A_762 = arith.constant 0 : i32
        %dma_wait3A_763 = tpu.memref_slice %arg7[%dma_wait3A_741, %dma_wait3A_760, %dma_wait3A_761, %dma_wait3A_762] : memref<8x4x8x129xf32, #tpu.memory_space<vmem>> -> memref<1x4x8x128xf32, #tpu.memory_space<vmem>>
        %dma_wait3A_764 = tpu.memref_squeeze %dma_wait3A_763 : memref<1x4x8x128xf32, #tpu.memory_space<vmem>> -> memref<4x8x128xf32, #tpu.memory_space<vmem>>
        tpu.wait_dma2 semaphore(%dma_wait3A_754 : memref<!tpu.dma_semaphore, #tpu.memory_space<semaphore_mem>>) src(%dma_wait3A_764 : memref<4x8x128xf32, #tpu.memory_space<vmem>>) dst(%dma_wait3A_759 : memref<4x8x128xf32, #tpu.memory_space<hbm>>)
      } else {
      }
      %parallel_loop3A_705 = arith.constant 0 : i32
      %parallel_loop3A_706 = arith.constant 128 : i32
      %parallel_loop3A_707 = arith.constant 1 : i32
      %parallel_loop3A_708 = arith.constant 7 : i32
      scf.for %parallel_loop3A_740 = %parallel_loop3A_705 to %parallel_loop3A_706 step %parallel_loop3A_707  : i32 {
        %parallel_loop3A_741 = vector.broadcast %parallel_loop3A_740 : i32 to vector<16xi32>
        %parallel_loop3A_742 = arith.constant 7 : i32
        %parallel_loop3A_743 = arith.index_cast %parallel_loop3A_742 : i32 to index
        %parallel_loop3A_744 = arith.index_cast %parallel_loop3A_740 : i32 to index
        %parallel_loop3A_745 = arith.constant 0 : index
        %parallel_loop3A_746 = tpu.vector_load %arg6[%parallel_loop3A_743, %parallel_loop3A_744, %parallel_loop3A_745] {strides = array<i32>} : memref<8x128x32xf32, #tpu.memory_space<vmem>>, vector<16xf32>,
        %parallel_loop3A_747 = arith.constant 0 : i32
        %parallel_loop3A_748 = arith.constant 0 : i32
        %parallel_loop3A_749 = arith.constant 0 : i32
        %parallel_loop3A_750 = tpu.memref_slice %arg7[%parallel_loop3A_708, %parallel_loop3A_747, %parallel_loop3A_748, %parallel_loop3A_749] : memref<8x4x8x129xf32, #tpu.memory_space<vmem>> -> memref<1x4x8x129xf32, #tpu.memory_space<vmem>>
        %parallel_loop3A_751 = tpu.memref_squeeze %parallel_loop3A_750 : memref<1x4x8x129xf32, #tpu.memory_space<vmem>> -> memref<4x8x129xf32, #tpu.memory_space<vmem>>
        tpu.vector_store_idx %parallel_loop3A_751[%shift_right_logical3A_5, %and3A_7, %parallel_loop3A_741], %parallel_loop3A_746 : memref<4x8x129xf32, #tpu.memory_space<vmem>>[vector<16xi32>, vector<16xi32>, vector<16xi32>], vector<16xf32>,
        %parallel_loop3A_752 = arith.constant 7 : i32
        %parallel_loop3A_753 = arith.index_cast %parallel_loop3A_752 : i32 to index
        %parallel_loop3A_754 = arith.index_cast %parallel_loop3A_740 : i32 to index
        %parallel_loop3A_755 = arith.constant 16 : index
        %parallel_loop3A_756 = tpu.vector_load %arg6[%parallel_loop3A_753, %parallel_loop3A_754, %parallel_loop3A_755] {strides = array<i32>} : memref<8x128x32xf32, #tpu.memory_space<vmem>>, vector<16xf32>,
        %parallel_loop3A_757 = arith.constant 0 : i32
        %parallel_loop3A_758 = arith.constant 0 : i32
        %parallel_loop3A_759 = arith.constant 0 : i32
        %parallel_loop3A_760 = tpu.memref_slice %arg7[%parallel_loop3A_708, %parallel_loop3A_757, %parallel_loop3A_758, %parallel_loop3A_759] : memref<8x4x8x129xf32, #tpu.memory_space<vmem>> -> memref<1x4x8x129xf32, #tpu.memory_space<vmem>>
        %parallel_loop3A_761 = tpu.memref_squeeze %parallel_loop3A_760 : memref<1x4x8x129xf32, #tpu.memory_space<vmem>> -> memref<4x8x129xf32, #tpu.memory_space<vmem>>
        tpu.vector_store_idx %parallel_loop3A_761[%shift_right_logical3A_13, %and3A_16, %parallel_loop3A_741], %parallel_loop3A_756 : memref<4x8x129xf32, #tpu.memory_space<vmem>>[vector<16xi32>, vector<16xi32>, vector<16xi32>], vector<16xf32>,
      } {sc.loop_unroll_factor = 8 : i64, sc.parallel_access}
      %dma_start3A_709 = arith.constant 7 : i32
      %dma_start3A_710 = arith.constant 7 : i32
      %dma_start3A_711 = arith.constant 0 : i32
      %dma_start3A_712 = arith.constant 0 : i32
      %dma_start3A_713 = arith.constant 0 : i32
      %dma_start3A_714 = tpu.memref_slice %arg7[%dma_start3A_709, %dma_start3A_711, %dma_start3A_712, %dma_start3A_713] : memref<8x4x8x129xf32, #tpu.memory_space<vmem>> -> memref<1x4x8x128xf32, #tpu.memory_space<vmem>>
      %dma_start3A_715 = tpu.memref_squeeze %dma_start3A_714 : memref<1x4x8x128xf32, #tpu.memory_space<vmem>> -> memref<4x8x128xf32, #tpu.memory_space<vmem>>
      %dma_start3A_716 = arith.constant 0 : i32
      %dma_start3A_717 = arith.constant 0 : i32
      %dma_start3A_718 = arith.constant 0 : i32
      %dma_start3A_719 = tpu.memref_slice %arg4[%add3A_685, %dma_start3A_716, %add3A, %dma_start3A_717, %dma_start3A_718] : memref<200x4x32x8x128xf32, #tpu.memory_space<hbm>> -> memref<1x4x1x8x128xf32, #tpu.memory_space<hbm>>
      %dma_start3A_720 = tpu.memref_squeeze %dma_start3A_719 : memref<1x4x1x8x128xf32, #tpu.memory_space<hbm>> -> memref<4x8x128xf32, #tpu.memory_space<hbm>>
      %dma_start3A_721 = tpu.memref_slice %arg9[%dma_start3A_710] : memref<8x!tpu.dma_semaphore, #tpu.memory_space<semaphore_mem>> -> memref<1x!tpu.dma_semaphore, #tpu.memory_space<semaphore_mem>>
      %dma_start3A_722 = tpu.memref_squeeze %dma_start3A_721 : memref<1x!tpu.dma_semaphore, #tpu.memory_space<semaphore_mem>> -> memref<!tpu.dma_semaphore, #tpu.memory_space<semaphore_mem>>
      %dma_start3A_723 = arith.constant 0 : i32
      %dma_start3A_724 = arith.constant 0 : i32
      %dma_start3A_725 = arith.constant 0 : i32
      %dma_start3A_726 = tpu.memref_slice %arg4[%add3A_685, %dma_start3A_723, %add3A, %dma_start3A_724, %dma_start3A_725] : memref<200x4x32x8x128xf32, #tpu.memory_space<hbm>> -> memref<1x4x1x8x128xf32, #tpu.memory_space<hbm>>
      %dma_start3A_727 = tpu.memref_squeeze %dma_start3A_726 : memref<1x4x1x8x128xf32, #tpu.memory_space<hbm>> -> memref<4x8x128xf32, #tpu.memory_space<hbm>>
      %dma_start3A_728 = arith.constant 0 : i32
      %dma_start3A_729 = arith.constant 0 : i32
      %dma_start3A_730 = arith.constant 0 : i32
      %dma_start3A_731 = tpu.memref_slice %arg7[%dma_start3A_709, %dma_start3A_728, %dma_start3A_729, %dma_start3A_730] : memref<8x4x8x129xf32, #tpu.memory_space<vmem>> -> memref<1x4x8x128xf32, #tpu.memory_space<vmem>>
      %dma_start3A_732 = tpu.memref_squeeze %dma_start3A_731 : memref<1x4x8x128xf32, #tpu.memory_space<vmem>> -> memref<4x8x128xf32, #tpu.memory_space<vmem>>
      tpu.enqueue_dma source(%dma_start3A_732 : memref<4x8x128xf32, #tpu.memory_space<vmem>>) target(%dma_start3A_727 : memref<4x8x128xf32, #tpu.memory_space<hbm>>) target_semaphore(%dma_start3A_722 : memref<!tpu.dma_semaphore, #tpu.memory_space<semaphore_mem>>)
      %add3A_733 = arith.constant 4 : i32
      %add3A_734 = arith.addi %add3A_685, %add3A_733 : i32
      %lt3A_735 = arith.constant 200 : i32
      %lt3A_736 = arith.cmpi slt, %add3A_734, %lt3A_735 : i32
      %convert_element_type3A_737 = arith.extui %lt3A_736 : i1 to i32
      %cond3A_738 = arith.constant 0 : i32
      %cond3A_739 = arith.cmpi ne, %convert_element_type3A_737, %cond3A_738 : i32
      scf.if %cond3A_739 {
        %dma_start3A_740 = arith.constant 3 : i32
        %dma_start3A_741 = arith.constant 3 : i32
        %dma_start3A_742 = arith.constant 0 : i32
        %dma_start3A_743 = arith.constant 0 : i32
        %dma_start3A_744 = tpu.memref_slice %arg6[%dma_start3A_740, %dma_start3A_742, %dma_start3A_743] : memref<8x128x32xf32, #tpu.memory_space<vmem>> -> memref<1x128x32xf32, #tpu.memory_space<vmem>>
        %dma_start3A_745 = tpu.memref_squeeze %dma_start3A_744 : memref<1x128x32xf32, #tpu.memory_space<vmem>> -> memref<128x32xf32, #tpu.memory_space<vmem>>
        %dma_start3A_746 = arith.constant 0 : i32
        %dma_start3A_747 = tpu.memref_slice %arg5[%add3A_734, %dma_start3A_746] : memref<200x128xi32, #tpu.memory_space<vmem>> -> memref<1x128xi32, #tpu.memory_space<vmem>>
        %dma_start3A_748 = tpu.memref_squeeze %dma_start3A_747 : memref<1x128xi32, #tpu.memory_space<vmem>> -> memref<128xi32, #tpu.memory_space<vmem>>
        %dma_start3A_749 = arith.constant 0 : i32
        %dma_start3A_750 = arith.constant 0 : i32
        %dma_start3A_751 = tpu.memref_slice %arg3[%dma_start3A_749, %dma_start3A_750] : memref<1000000x32xf32, #tpu.memory_space<hbm>> -> memref<1000000x32xf32, #tpu.memory_space<hbm>>
        %dma_start3A_752 = tpu.memref_slice %arg8[%dma_start3A_741] : memref<8x!tpu.dma_semaphore, #tpu.memory_space<semaphore_mem>> -> memref<1x!tpu.dma_semaphore, #tpu.memory_space<semaphore_mem>>
        %dma_start3A_753 = tpu.memref_squeeze %dma_start3A_752 : memref<1x!tpu.dma_semaphore, #tpu.memory_space<semaphore_mem>> -> memref<!tpu.dma_semaphore, #tpu.memory_space<semaphore_mem>>
        tpu.enqueue_indirect_dma source(%dma_start3A_751 : memref<1000000x32xf32, #tpu.memory_space<hbm>>) target(%dma_start3A_745 : memref<128x32xf32, #tpu.memory_space<vmem>>) offsets(%dma_start3A_748 : memref<128xi32, #tpu.memory_space<vmem>>) semaphore(%dma_start3A_753 : memref<!tpu.dma_semaphore, #tpu.memory_space<semaphore_mem>>)
      } else {
      }
    }
    %scan3A_80 = arith.constant 25 : i32
    %dma_wait3A = arith.constant 0 : i32
    %dma_wait3A_81 = arith.constant 192 : i32
    %dma_wait3A_82 = arith.constant 0 : i32
    %dma_wait3A_83 = arith.constant 0 : i32
    %dma_wait3A_84 = arith.constant 0 : i32
    %dma_wait3A_85 = arith.constant 0 : i32
    %dma_wait3A_86 = tpu.memref_slice %arg7[%dma_wait3A, %dma_wait3A_83, %dma_wait3A_84, %dma_wait3A_85] : memref<8x4x8x129xf32, #tpu.memory_space<vmem>> -> memref<1x4x8x128xf32, #tpu.memory_space<vmem>>
    %dma_wait3A_87 = tpu.memref_squeeze %dma_wait3A_86 : memref<1x4x8x128xf32, #tpu.memory_space<vmem>> -> memref<4x8x128xf32, #tpu.memory_space<vmem>>
    %dma_wait3A_88 = arith.constant 0 : i32
    %dma_wait3A_89 = arith.constant 0 : i32
    %dma_wait3A_90 = arith.constant 0 : i32
    %dma_wait3A_91 = tpu.memref_slice %arg4[%dma_wait3A_81, %dma_wait3A_88, %add3A, %dma_wait3A_89, %dma_wait3A_90] : memref<200x4x32x8x128xf32, #tpu.memory_space<hbm>> -> memref<1x4x1x8x128xf32, #tpu.memory_space<hbm>>
    %dma_wait3A_92 = tpu.memref_squeeze %dma_wait3A_91 : memref<1x4x1x8x128xf32, #tpu.memory_space<hbm>> -> memref<4x8x128xf32, #tpu.memory_space<hbm>>
    %dma_wait3A_93 = tpu.memref_slice %arg9[%dma_wait3A_82] : memref<8x!tpu.dma_semaphore, #tpu.memory_space<semaphore_mem>> -> memref<1x!tpu.dma_semaphore, #tpu.memory_space<semaphore_mem>>
    %dma_wait3A_94 = tpu.memref_squeeze %dma_wait3A_93 : memref<1x!tpu.dma_semaphore, #tpu.memory_space<semaphore_mem>> -> memref<!tpu.dma_semaphore, #tpu.memory_space<semaphore_mem>>
    %dma_wait3A_95 = arith.constant 0 : i32
    %dma_wait3A_96 = arith.constant 0 : i32
    %dma_wait3A_97 = arith.constant 0 : i32
    %dma_wait3A_98 = tpu.memref_slice %arg4[%dma_wait3A_81, %dma_wait3A_95, %add3A, %dma_wait3A_96, %dma_wait3A_97] : memref<200x4x32x8x128xf32, #tpu.memory_space<hbm>> -> memref<1x4x1x8x128xf32, #tpu.memory_space<hbm>>
    %dma_wait3A_99 = tpu.memref_squeeze %dma_wait3A_98 : memref<1x4x1x8x128xf32, #tpu.memory_space<hbm>> -> memref<4x8x128xf32, #tpu.memory_space<hbm>>
    %dma_wait3A_100 = arith.constant 0 : i32
    %dma_wait3A_101 = arith.constant 0 : i32
    %dma_wait3A_102 = arith.constant 0 : i32
    %dma_wait3A_103 = tpu.memref_slice %arg7[%dma_wait3A, %dma_wait3A_100, %dma_wait3A_101, %dma_wait3A_102] : memref<8x4x8x129xf32, #tpu.memory_space<vmem>> -> memref<1x4x8x128xf32, #tpu.memory_space<vmem>>
    %dma_wait3A_104 = tpu.memref_squeeze %dma_wait3A_103 : memref<1x4x8x128xf32, #tpu.memory_space<vmem>> -> memref<4x8x128xf32, #tpu.memory_space<vmem>>
    tpu.wait_dma2 semaphore(%dma_wait3A_94 : memref<!tpu.dma_semaphore, #tpu.memory_space<semaphore_mem>>) src(%dma_wait3A_104 : memref<4x8x128xf32, #tpu.memory_space<vmem>>) dst(%dma_wait3A_99 : memref<4x8x128xf32, #tpu.memory_space<hbm>>)
    %dma_wait3A_105 = arith.constant 1 : i32
    %dma_wait3A_106 = arith.constant 193 : i32
    %dma_wait3A_107 = arith.constant 1 : i32
    %dma_wait3A_108 = arith.constant 0 : i32
    %dma_wait3A_109 = arith.constant 0 : i32
    %dma_wait3A_110 = arith.constant 0 : i32
    %dma_wait3A_111 = tpu.memref_slice %arg7[%dma_wait3A_105, %dma_wait3A_108, %dma_wait3A_109, %dma_wait3A_110] : memref<8x4x8x129xf32, #tpu.memory_space<vmem>> -> memref<1x4x8x128xf32, #tpu.memory_space<vmem>>
    %dma_wait3A_112 = tpu.memref_squeeze %dma_wait3A_111 : memref<1x4x8x128xf32, #tpu.memory_space<vmem>> -> memref<4x8x128xf32, #tpu.memory_space<vmem>>
    %dma_wait3A_113 = arith.constant 0 : i32
    %dma_wait3A_114 = arith.constant 0 : i32
    %dma_wait3A_115 = arith.constant 0 : i32
    %dma_wait3A_116 = tpu.memref_slice %arg4[%dma_wait3A_106, %dma_wait3A_113, %add3A, %dma_wait3A_114, %dma_wait3A_115] : memref<200x4x32x8x128xf32, #tpu.memory_space<hbm>> -> memref<1x4x1x8x128xf32, #tpu.memory_space<hbm>>
    %dma_wait3A_117 = tpu.memref_squeeze %dma_wait3A_116 : memref<1x4x1x8x128xf32, #tpu.memory_space<hbm>> -> memref<4x8x128xf32, #tpu.memory_space<hbm>>
    %dma_wait3A_118 = tpu.memref_slice %arg9[%dma_wait3A_107] : memref<8x!tpu.dma_semaphore, #tpu.memory_space<semaphore_mem>> -> memref<1x!tpu.dma_semaphore, #tpu.memory_space<semaphore_mem>>
    %dma_wait3A_119 = tpu.memref_squeeze %dma_wait3A_118 : memref<1x!tpu.dma_semaphore, #tpu.memory_space<semaphore_mem>> -> memref<!tpu.dma_semaphore, #tpu.memory_space<semaphore_mem>>
    %dma_wait3A_120 = arith.constant 0 : i32
    %dma_wait3A_121 = arith.constant 0 : i32
    %dma_wait3A_122 = arith.constant 0 : i32
    %dma_wait3A_123 = tpu.memref_slice %arg4[%dma_wait3A_106, %dma_wait3A_120, %add3A, %dma_wait3A_121, %dma_wait3A_122] : memref<200x4x32x8x128xf32, #tpu.memory_space<hbm>> -> memref<1x4x1x8x128xf32, #tpu.memory_space<hbm>>
    %dma_wait3A_124 = tpu.memref_squeeze %dma_wait3A_123 : memref<1x4x1x8x128xf32, #tpu.memory_space<hbm>> -> memref<4x8x128xf32, #tpu.memory_space<hbm>>
    %dma_wait3A_125 = arith.constant 0 : i32
    %dma_wait3A_126 = arith.constant 0 : i32
    %dma_wait3A_127 = arith.constant 0 : i32
    %dma_wait3A_128 = tpu.memref_slice %arg7[%dma_wait3A_105, %dma_wait3A_125, %dma_wait3A_126, %dma_wait3A_127] : memref<8x4x8x129xf32, #tpu.memory_space<vmem>> -> memref<1x4x8x128xf32, #tpu.memory_space<vmem>>
    %dma_wait3A_129 = tpu.memref_squeeze %dma_wait3A_128 : memref<1x4x8x128xf32, #tpu.memory_space<vmem>> -> memref<4x8x128xf32, #tpu.memory_space<vmem>>
    tpu.wait_dma2 semaphore(%dma_wait3A_119 : memref<!tpu.dma_semaphore, #tpu.memory_space<semaphore_mem>>) src(%dma_wait3A_129 : memref<4x8x128xf32, #tpu.memory_space<vmem>>) dst(%dma_wait3A_124 : memref<4x8x128xf32, #tpu.memory_space<hbm>>)
    %dma_wait3A_130 = arith.constant 2 : i32
    %dma_wait3A_131 = arith.constant 194 : i32
    %dma_wait3A_132 = arith.constant 2 : i32
    %dma_wait3A_133 = arith.constant 0 : i32
    %dma_wait3A_134 = arith.constant 0 : i32
    %dma_wait3A_135 = arith.constant 0 : i32
    %dma_wait3A_136 = tpu.memref_slice %arg7[%dma_wait3A_130, %dma_wait3A_133, %dma_wait3A_134, %dma_wait3A_135] : memref<8x4x8x129xf32, #tpu.memory_space<vmem>> -> memref<1x4x8x128xf32, #tpu.memory_space<vmem>>
    %dma_wait3A_137 = tpu.memref_squeeze %dma_wait3A_136 : memref<1x4x8x128xf32, #tpu.memory_space<vmem>> -> memref<4x8x128xf32, #tpu.memory_space<vmem>>
    %dma_wait3A_138 = arith.constant 0 : i32
    %dma_wait3A_139 = arith.constant 0 : i32
    %dma_wait3A_140 = arith.constant 0 : i32
    %dma_wait3A_141 = tpu.memref_slice %arg4[%dma_wait3A_131, %dma_wait3A_138, %add3A, %dma_wait3A_139, %dma_wait3A_140] : memref<200x4x32x8x128xf32, #tpu.memory_space<hbm>> -> memref<1x4x1x8x128xf32, #tpu.memory_space<hbm>>
    %dma_wait3A_142 = tpu.memref_squeeze %dma_wait3A_141 : memref<1x4x1x8x128xf32, #tpu.memory_space<hbm>> -> memref<4x8x128xf32, #tpu.memory_space<hbm>>
    %dma_wait3A_143 = tpu.memref_slice %arg9[%dma_wait3A_132] : memref<8x!tpu.dma_semaphore, #tpu.memory_space<semaphore_mem>> -> memref<1x!tpu.dma_semaphore, #tpu.memory_space<semaphore_mem>>
    %dma_wait3A_144 = tpu.memref_squeeze %dma_wait3A_143 : memref<1x!tpu.dma_semaphore, #tpu.memory_space<semaphore_mem>> -> memref<!tpu.dma_semaphore, #tpu.memory_space<semaphore_mem>>
    %dma_wait3A_145 = arith.constant 0 : i32
    %dma_wait3A_146 = arith.constant 0 : i32
    %dma_wait3A_147 = arith.constant 0 : i32
    %dma_wait3A_148 = tpu.memref_slice %arg4[%dma_wait3A_131, %dma_wait3A_145, %add3A, %dma_wait3A_146, %dma_wait3A_147] : memref<200x4x32x8x128xf32, #tpu.memory_space<hbm>> -> memref<1x4x1x8x128xf32, #tpu.memory_space<hbm>>
    %dma_wait3A_149 = tpu.memref_squeeze %dma_wait3A_148 : memref<1x4x1x8x128xf32, #tpu.memory_space<hbm>> -> memref<4x8x128xf32, #tpu.memory_space<hbm>>
    %dma_wait3A_150 = arith.constant 0 : i32
    %dma_wait3A_151 = arith.constant 0 : i32
    %dma_wait3A_152 = arith.constant 0 : i32
    %dma_wait3A_153 = tpu.memref_slice %arg7[%dma_wait3A_130, %dma_wait3A_150, %dma_wait3A_151, %dma_wait3A_152] : memref<8x4x8x129xf32, #tpu.memory_space<vmem>> -> memref<1x4x8x128xf32, #tpu.memory_space<vmem>>
    %dma_wait3A_154 = tpu.memref_squeeze %dma_wait3A_153 : memref<1x4x8x128xf32, #tpu.memory_space<vmem>> -> memref<4x8x128xf32, #tpu.memory_space<vmem>>
    tpu.wait_dma2 semaphore(%dma_wait3A_144 : memref<!tpu.dma_semaphore, #tpu.memory_space<semaphore_mem>>) src(%dma_wait3A_154 : memref<4x8x128xf32, #tpu.memory_space<vmem>>) dst(%dma_wait3A_149 : memref<4x8x128xf32, #tpu.memory_space<hbm>>)
    %dma_wait3A_155 = arith.constant 3 : i32
    %dma_wait3A_156 = arith.constant 195 : i32
    %dma_wait3A_157 = arith.constant 3 : i32
    %dma_wait3A_158 = arith.constant 0 : i32
    %dma_wait3A_159 = arith.constant 0 : i32
    %dma_wait3A_160 = arith.constant 0 : i32
    %dma_wait3A_161 = tpu.memref_slice %arg7[%dma_wait3A_155, %dma_wait3A_158, %dma_wait3A_159, %dma_wait3A_160] : memref<8x4x8x129xf32, #tpu.memory_space<vmem>> -> memref<1x4x8x128xf32, #tpu.memory_space<vmem>>
    %dma_wait3A_162 = tpu.memref_squeeze %dma_wait3A_161 : memref<1x4x8x128xf32, #tpu.memory_space<vmem>> -> memref<4x8x128xf32, #tpu.memory_space<vmem>>
    %dma_wait3A_163 = arith.constant 0 : i32
    %dma_wait3A_164 = arith.constant 0 : i32
    %dma_wait3A_165 = arith.constant 0 : i32
    %dma_wait3A_166 = tpu.memref_slice %arg4[%dma_wait3A_156, %dma_wait3A_163, %add3A, %dma_wait3A_164, %dma_wait3A_165] : memref<200x4x32x8x128xf32, #tpu.memory_space<hbm>> -> memref<1x4x1x8x128xf32, #tpu.memory_space<hbm>>
    %dma_wait3A_167 = tpu.memref_squeeze %dma_wait3A_166 : memref<1x4x1x8x128xf32, #tpu.memory_space<hbm>> -> memref<4x8x128xf32, #tpu.memory_space<hbm>>
    %dma_wait3A_168 = tpu.memref_slice %arg9[%dma_wait3A_157] : memref<8x!tpu.dma_semaphore, #tpu.memory_space<semaphore_mem>> -> memref<1x!tpu.dma_semaphore, #tpu.memory_space<semaphore_mem>>
    %dma_wait3A_169 = tpu.memref_squeeze %dma_wait3A_168 : memref<1x!tpu.dma_semaphore, #tpu.memory_space<semaphore_mem>> -> memref<!tpu.dma_semaphore, #tpu.memory_space<semaphore_mem>>
    %dma_wait3A_170 = arith.constant 0 : i32
    %dma_wait3A_171 = arith.constant 0 : i32
    %dma_wait3A_172 = arith.constant 0 : i32
    %dma_wait3A_173 = tpu.memref_slice %arg4[%dma_wait3A_156, %dma_wait3A_170, %add3A, %dma_wait3A_171, %dma_wait3A_172] : memref<200x4x32x8x128xf32, #tpu.memory_space<hbm>> -> memref<1x4x1x8x128xf32, #tpu.memory_space<hbm>>
    %dma_wait3A_174 = tpu.memref_squeeze %dma_wait3A_173 : memref<1x4x1x8x128xf32, #tpu.memory_space<hbm>> -> memref<4x8x128xf32, #tpu.memory_space<hbm>>
    %dma_wait3A_175 = arith.constant 0 : i32
    %dma_wait3A_176 = arith.constant 0 : i32
    %dma_wait3A_177 = arith.constant 0 : i32
    %dma_wait3A_178 = tpu.memref_slice %arg7[%dma_wait3A_155, %dma_wait3A_175, %dma_wait3A_176, %dma_wait3A_177] : memref<8x4x8x129xf32, #tpu.memory_space<vmem>> -> memref<1x4x8x128xf32, #tpu.memory_space<vmem>>
    %dma_wait3A_179 = tpu.memref_squeeze %dma_wait3A_178 : memref<1x4x8x128xf32, #tpu.memory_space<vmem>> -> memref<4x8x128xf32, #tpu.memory_space<vmem>>
    tpu.wait_dma2 semaphore(%dma_wait3A_169 : memref<!tpu.dma_semaphore, #tpu.memory_space<semaphore_mem>>) src(%dma_wait3A_179 : memref<4x8x128xf32, #tpu.memory_space<vmem>>) dst(%dma_wait3A_174 : memref<4x8x128xf32, #tpu.memory_space<hbm>>)
    %dma_wait3A_180 = arith.constant 4 : i32
    %dma_wait3A_181 = arith.constant 196 : i32
    %dma_wait3A_182 = arith.constant 4 : i32
    %dma_wait3A_183 = arith.constant 0 : i32
    %dma_wait3A_184 = arith.constant 0 : i32
    %dma_wait3A_185 = arith.constant 0 : i32
    %dma_wait3A_186 = tpu.memref_slice %arg7[%dma_wait3A_180, %dma_wait3A_183, %dma_wait3A_184, %dma_wait3A_185] : memref<8x4x8x129xf32, #tpu.memory_space<vmem>> -> memref<1x4x8x128xf32, #tpu.memory_space<vmem>>
    %dma_wait3A_187 = tpu.memref_squeeze %dma_wait3A_186 : memref<1x4x8x128xf32, #tpu.memory_space<vmem>> -> memref<4x8x128xf32, #tpu.memory_space<vmem>>
    %dma_wait3A_188 = arith.constant 0 : i32
    %dma_wait3A_189 = arith.constant 0 : i32
    %dma_wait3A_190 = arith.constant 0 : i32
    %dma_wait3A_191 = tpu.memref_slice %arg4[%dma_wait3A_181, %dma_wait3A_188, %add3A, %dma_wait3A_189, %dma_wait3A_190] : memref<200x4x32x8x128xf32, #tpu.memory_space<hbm>> -> memref<1x4x1x8x128xf32, #tpu.memory_space<hbm>>
    %dma_wait3A_192 = tpu.memref_squeeze %dma_wait3A_191 : memref<1x4x1x8x128xf32, #tpu.memory_space<hbm>> -> memref<4x8x128xf32, #tpu.memory_space<hbm>>
    %dma_wait3A_193 = tpu.memref_slice %arg9[%dma_wait3A_182] : memref<8x!tpu.dma_semaphore, #tpu.memory_space<semaphore_mem>> -> memref<1x!tpu.dma_semaphore, #tpu.memory_space<semaphore_mem>>
    %dma_wait3A_194 = tpu.memref_squeeze %dma_wait3A_193 : memref<1x!tpu.dma_semaphore, #tpu.memory_space<semaphore_mem>> -> memref<!tpu.dma_semaphore, #tpu.memory_space<semaphore_mem>>
    %dma_wait3A_195 = arith.constant 0 : i32
    %dma_wait3A_196 = arith.constant 0 : i32
    %dma_wait3A_197 = arith.constant 0 : i32
    %dma_wait3A_198 = tpu.memref_slice %arg4[%dma_wait3A_181, %dma_wait3A_195, %add3A, %dma_wait3A_196, %dma_wait3A_197] : memref<200x4x32x8x128xf32, #tpu.memory_space<hbm>> -> memref<1x4x1x8x128xf32, #tpu.memory_space<hbm>>
    %dma_wait3A_199 = tpu.memref_squeeze %dma_wait3A_198 : memref<1x4x1x8x128xf32, #tpu.memory_space<hbm>> -> memref<4x8x128xf32, #tpu.memory_space<hbm>>
    %dma_wait3A_200 = arith.constant 0 : i32
    %dma_wait3A_201 = arith.constant 0 : i32
    %dma_wait3A_202 = arith.constant 0 : i32
    %dma_wait3A_203 = tpu.memref_slice %arg7[%dma_wait3A_180, %dma_wait3A_200, %dma_wait3A_201, %dma_wait3A_202] : memref<8x4x8x129xf32, #tpu.memory_space<vmem>> -> memref<1x4x8x128xf32, #tpu.memory_space<vmem>>
    %dma_wait3A_204 = tpu.memref_squeeze %dma_wait3A_203 : memref<1x4x8x128xf32, #tpu.memory_space<vmem>> -> memref<4x8x128xf32, #tpu.memory_space<vmem>>
    tpu.wait_dma2 semaphore(%dma_wait3A_194 : memref<!tpu.dma_semaphore, #tpu.memory_space<semaphore_mem>>) src(%dma_wait3A_204 : memref<4x8x128xf32, #tpu.memory_space<vmem>>) dst(%dma_wait3A_199 : memref<4x8x128xf32, #tpu.memory_space<hbm>>)
    %dma_wait3A_205 = arith.constant 5 : i32
    %dma_wait3A_206 = arith.constant 197 : i32
    %dma_wait3A_207 = arith.constant 5 : i32
    %dma_wait3A_208 = arith.constant 0 : i32
    %dma_wait3A_209 = arith.constant 0 : i32
    %dma_wait3A_210 = arith.constant 0 : i32
    %dma_wait3A_211 = tpu.memref_slice %arg7[%dma_wait3A_205, %dma_wait3A_208, %dma_wait3A_209, %dma_wait3A_210] : memref<8x4x8x129xf32, #tpu.memory_space<vmem>> -> memref<1x4x8x128xf32, #tpu.memory_space<vmem>>
    %dma_wait3A_212 = tpu.memref_squeeze %dma_wait3A_211 : memref<1x4x8x128xf32, #tpu.memory_space<vmem>> -> memref<4x8x128xf32, #tpu.memory_space<vmem>>
    %dma_wait3A_213 = arith.constant 0 : i32
    %dma_wait3A_214 = arith.constant 0 : i32
    %dma_wait3A_215 = arith.constant 0 : i32
    %dma_wait3A_216 = tpu.memref_slice %arg4[%dma_wait3A_206, %dma_wait3A_213, %add3A, %dma_wait3A_214, %dma_wait3A_215] : memref<200x4x32x8x128xf32, #tpu.memory_space<hbm>> -> memref<1x4x1x8x128xf32, #tpu.memory_space<hbm>>
    %dma_wait3A_217 = tpu.memref_squeeze %dma_wait3A_216 : memref<1x4x1x8x128xf32, #tpu.memory_space<hbm>> -> memref<4x8x128xf32, #tpu.memory_space<hbm>>
    %dma_wait3A_218 = tpu.memref_slice %arg9[%dma_wait3A_207] : memref<8x!tpu.dma_semaphore, #tpu.memory_space<semaphore_mem>> -> memref<1x!tpu.dma_semaphore, #tpu.memory_space<semaphore_mem>>
    %dma_wait3A_219 = tpu.memref_squeeze %dma_wait3A_218 : memref<1x!tpu.dma_semaphore, #tpu.memory_space<semaphore_mem>> -> memref<!tpu.dma_semaphore, #tpu.memory_space<semaphore_mem>>
    %dma_wait3A_220 = arith.constant 0 : i32
    %dma_wait3A_221 = arith.constant 0 : i32
    %dma_wait3A_222 = arith.constant 0 : i32
    %dma_wait3A_223 = tpu.memref_slice %arg4[%dma_wait3A_206, %dma_wait3A_220, %add3A, %dma_wait3A_221, %dma_wait3A_222] : memref<200x4x32x8x128xf32, #tpu.memory_space<hbm>> -> memref<1x4x1x8x128xf32, #tpu.memory_space<hbm>>
    %dma_wait3A_224 = tpu.memref_squeeze %dma_wait3A_223 : memref<1x4x1x8x128xf32, #tpu.memory_space<hbm>> -> memref<4x8x128xf32, #tpu.memory_space<hbm>>
    %dma_wait3A_225 = arith.constant 0 : i32
    %dma_wait3A_226 = arith.constant 0 : i32
    %dma_wait3A_227 = arith.constant 0 : i32
    %dma_wait3A_228 = tpu.memref_slice %arg7[%dma_wait3A_205, %dma_wait3A_225, %dma_wait3A_226, %dma_wait3A_227] : memref<8x4x8x129xf32, #tpu.memory_space<vmem>> -> memref<1x4x8x128xf32, #tpu.memory_space<vmem>>
    %dma_wait3A_229 = tpu.memref_squeeze %dma_wait3A_228 : memref<1x4x8x128xf32, #tpu.memory_space<vmem>> -> memref<4x8x128xf32, #tpu.memory_space<vmem>>
    tpu.wait_dma2 semaphore(%dma_wait3A_219 : memref<!tpu.dma_semaphore, #tpu.memory_space<semaphore_mem>>) src(%dma_wait3A_229 : memref<4x8x128xf32, #tpu.memory_space<vmem>>) dst(%dma_wait3A_224 : memref<4x8x128xf32, #tpu.memory_space<hbm>>)
    %dma_wait3A_230 = arith.constant 6 : i32
    %dma_wait3A_231 = arith.constant 198 : i32
    %dma_wait3A_232 = arith.constant 6 : i32
    %dma_wait3A_233 = arith.constant 0 : i32
    %dma_wait3A_234 = arith.constant 0 : i32
    %dma_wait3A_235 = arith.constant 0 : i32
    %dma_wait3A_236 = tpu.memref_slice %arg7[%dma_wait3A_230, %dma_wait3A_233, %dma_wait3A_234, %dma_wait3A_235] : memref<8x4x8x129xf32, #tpu.memory_space<vmem>> -> memref<1x4x8x128xf32, #tpu.memory_space<vmem>>
    %dma_wait3A_237 = tpu.memref_squeeze %dma_wait3A_236 : memref<1x4x8x128xf32, #tpu.memory_space<vmem>> -> memref<4x8x128xf32, #tpu.memory_space<vmem>>
    %dma_wait3A_238 = arith.constant 0 : i32
    %dma_wait3A_239 = arith.constant 0 : i32
    %dma_wait3A_240 = arith.constant 0 : i32
    %dma_wait3A_241 = tpu.memref_slice %arg4[%dma_wait3A_231, %dma_wait3A_238, %add3A, %dma_wait3A_239, %dma_wait3A_240] : memref<200x4x32x8x128xf32, #tpu.memory_space<hbm>> -> memref<1x4x1x8x128xf32, #tpu.memory_space<hbm>>
    %dma_wait3A_242 = tpu.memref_squeeze %dma_wait3A_241 : memref<1x4x1x8x128xf32, #tpu.memory_space<hbm>> -> memref<4x8x128xf32, #tpu.memory_space<hbm>>
    %dma_wait3A_243 = tpu.memref_slice %arg9[%dma_wait3A_232] : memref<8x!tpu.dma_semaphore, #tpu.memory_space<semaphore_mem>> -> memref<1x!tpu.dma_semaphore, #tpu.memory_space<semaphore_mem>>
    %dma_wait3A_244 = tpu.memref_squeeze %dma_wait3A_243 : memref<1x!tpu.dma_semaphore, #tpu.memory_space<semaphore_mem>> -> memref<!tpu.dma_semaphore, #tpu.memory_space<semaphore_mem>>
    %dma_wait3A_245 = arith.constant 0 : i32
    %dma_wait3A_246 = arith.constant 0 : i32
    %dma_wait3A_247 = arith.constant 0 : i32
    %dma_wait3A_248 = tpu.memref_slice %arg4[%dma_wait3A_231, %dma_wait3A_245, %add3A, %dma_wait3A_246, %dma_wait3A_247] : memref<200x4x32x8x128xf32, #tpu.memory_space<hbm>> -> memref<1x4x1x8x128xf32, #tpu.memory_space<hbm>>
    %dma_wait3A_249 = tpu.memref_squeeze %dma_wait3A_248 : memref<1x4x1x8x128xf32, #tpu.memory_space<hbm>> -> memref<4x8x128xf32, #tpu.memory_space<hbm>>
    %dma_wait3A_250 = arith.constant 0 : i32
    %dma_wait3A_251 = arith.constant 0 : i32
    %dma_wait3A_252 = arith.constant 0 : i32
    %dma_wait3A_253 = tpu.memref_slice %arg7[%dma_wait3A_230, %dma_wait3A_250, %dma_wait3A_251, %dma_wait3A_252] : memref<8x4x8x129xf32, #tpu.memory_space<vmem>> -> memref<1x4x8x128xf32, #tpu.memory_space<vmem>>
    %dma_wait3A_254 = tpu.memref_squeeze %dma_wait3A_253 : memref<1x4x8x128xf32, #tpu.memory_space<vmem>> -> memref<4x8x128xf32, #tpu.memory_space<vmem>>
    tpu.wait_dma2 semaphore(%dma_wait3A_244 : memref<!tpu.dma_semaphore, #tpu.memory_space<semaphore_mem>>) src(%dma_wait3A_254 : memref<4x8x128xf32, #tpu.memory_space<vmem>>) dst(%dma_wait3A_249 : memref<4x8x128xf32, #tpu.memory_space<hbm>>)
    %dma_wait3A_255 = arith.constant 7 : i32
    %dma_wait3A_256 = arith.constant 199 : i32
    %dma_wait3A_257 = arith.constant 7 : i32
    %dma_wait3A_258 = arith.constant 0 : i32
    %dma_wait3A_259 = arith.constant 0 : i32
    %dma_wait3A_260 = arith.constant 0 : i32
    %dma_wait3A_261 = tpu.memref_slice %arg7[%dma_wait3A_255, %dma_wait3A_258, %dma_wait3A_259, %dma_wait3A_260] : memref<8x4x8x129xf32, #tpu.memory_space<vmem>> -> memref<1x4x8x128xf32, #tpu.memory_space<vmem>>
    %dma_wait3A_262 = tpu.memref_squeeze %dma_wait3A_261 : memref<1x4x8x128xf32, #tpu.memory_space<vmem>> -> memref<4x8x128xf32, #tpu.memory_space<vmem>>
    %dma_wait3A_263 = arith.constant 0 : i32
    %dma_wait3A_264 = arith.constant 0 : i32
    %dma_wait3A_265 = arith.constant 0 : i32
    %dma_wait3A_266 = tpu.memref_slice %arg4[%dma_wait3A_256, %dma_wait3A_263, %add3A, %dma_wait3A_264, %dma_wait3A_265] : memref<200x4x32x8x128xf32, #tpu.memory_space<hbm>> -> memref<1x4x1x8x128xf32, #tpu.memory_space<hbm>>
    %dma_wait3A_267 = tpu.memref_squeeze %dma_wait3A_266 : memref<1x4x1x8x128xf32, #tpu.memory_space<hbm>> -> memref<4x8x128xf32, #tpu.memory_space<hbm>>
    %dma_wait3A_268 = tpu.memref_slice %arg9[%dma_wait3A_257] : memref<8x!tpu.dma_semaphore, #tpu.memory_space<semaphore_mem>> -> memref<1x!tpu.dma_semaphore, #tpu.memory_space<semaphore_mem>>
    %dma_wait3A_269 = tpu.memref_squeeze %dma_wait3A_268 : memref<1x!tpu.dma_semaphore, #tpu.memory_space<semaphore_mem>> -> memref<!tpu.dma_semaphore, #tpu.memory_space<semaphore_mem>>
    %dma_wait3A_270 = arith.constant 0 : i32
    %dma_wait3A_271 = arith.constant 0 : i32
    %dma_wait3A_272 = arith.constant 0 : i32
    %dma_wait3A_273 = tpu.memref_slice %arg4[%dma_wait3A_256, %dma_wait3A_270, %add3A, %dma_wait3A_271, %dma_wait3A_272] : memref<200x4x32x8x128xf32, #tpu.memory_space<hbm>> -> memref<1x4x1x8x128xf32, #tpu.memory_space<hbm>>
    %dma_wait3A_274 = tpu.memref_squeeze %dma_wait3A_273 : memref<1x4x1x8x128xf32, #tpu.memory_space<hbm>> -> memref<4x8x128xf32, #tpu.memory_space<hbm>>
    %dma_wait3A_275 = arith.constant 0 : i32
    %dma_wait3A_276 = arith.constant 0 : i32
    %dma_wait3A_277 = arith.constant 0 : i32
    %dma_wait3A_278 = tpu.memref_slice %arg7[%dma_wait3A_255, %dma_wait3A_275, %dma_wait3A_276, %dma_wait3A_277] : memref<8x4x8x129xf32, #tpu.memory_space<vmem>> -> memref<1x4x8x128xf32, #tpu.memory_space<vmem>>
    %dma_wait3A_279 = tpu.memref_squeeze %dma_wait3A_278 : memref<1x4x8x128xf32, #tpu.memory_space<vmem>> -> memref<4x8x128xf32, #tpu.memory_space<vmem>>
    tpu.wait_dma2 semaphore(%dma_wait3A_269 : memref<!tpu.dma_semaphore, #tpu.memory_space<semaphore_mem>>) src(%dma_wait3A_279 : memref<4x8x128xf32, #tpu.memory_space<vmem>>) dst(%dma_wait3A_274 : memref<4x8x128xf32, #tpu.memory_space<hbm>>)
    return
  }
}

</mosaic_0001>

<sc_bundles>
// kernel: _embed_lookup.3.cloned.1.call-start
scs
__scs_entry_jumppad:
0x0: {  	(pc) =	sbr.rel $0x88, $3  }
0x1: {  	(tag) =	ssettag $0x0;
	lr =	simm.s32 $0x1  }
0x2: {  	[smem:$0x3F9F] =	sst lr;
	_ =	strace $0xD0000000  }
0x3: {  	_ = 	snop  }
0x4: {  	_ = 	snop  }
0x5: {  	_ = 	snop  }
0x6: {  	_ = 	snop  }
0x7: {  	_ = 	snop  }
__scs_overlays_trampoline_lowered:
0x8: {  	[smem:$0x3FAE] =	sst s0  }
0x9: {  	[smem:$0x3FAF] =	sst s1  }
0xa: {  	[smem:$0x3FB0] =	sst s2  }
0xb: {  	[smem:$0x3FB1] =	sst s3  }
0xc: {  	[smem:$0x3FB2] =	sst s4  }
0xd: {  	[smem:$0x3FB3] =	sst s5  }
0xe: {  	[smem:$0x3FB4] =	sst s6  }
0xf: {  	[smem:$0x3FB5] =	sst s7  }
0x10: {  	[smem:$0x3FB6] =	sst s8  }
0x11: {  	[smem:$0x3FB7] =	sst s9;
	s0 =	simm.s32 @!p0 $0x0  }
0x12: {  	s1 =	sld [smem:$0x3F9D];
	s0 =	simm.s32 @p0 $0x1  }
0x13: {  	[smem:$0x3FB8] =	sst s0;
	s0 =	simm.s32 @!p1 $0x0  }
0x14: {  	s2 =	sld [smem:$0x3F9C];
	s0 =	simm.s32 @p1 $0x1  }
0x15: {  	[smem:$0x3FB9] =	sst s0;
	s0 =	simm.s32 @!p2 $0x0  }
0x16: {  	s3 =	sld [smem:$0x3FDB];
	s0 =	simm.s32 @p2 $0x1  }
0x17: {  	s4 =	simm.s32 $0x1BF5;
	[smem:$0x3FBB] =	sst s0  }
0x18: {  	s0 =	sld [smem:$0x3F9E];
	_ =	swait.ge [sflag:s4], $0x0  }
0x19: {  	s7 =	sld [smem:$0x3F9F]  }
0x1a: {  	s8 =	sadd.s32 $0xFFFFE003, lr  }
0x1b: {  	s9 =	sadd.s32 $0xFFFFFEF7, lr;
	s5 =	simm.s32 $0xFFFFFFFF;
	p2 =	slt.u32 s8, $0xFFFFF086  }
0x1c: {  	p1 =	slt.u32 s9, $0xF7A;
	s5 =	simm.s32 @!p2 $0x0  }
0x1d: {  	s5 =	simm.s32 @p1 $0x1;
	p0 =	seq.s32 s7, s2  }
0x1e: {  	s7 =	smul.u32 @!p0 $0xF7A, s2;
	p2 =	seq.s32 @!p0 s5, $0x0  }
0x1f: {  	s9 =	smul.u32 $0xF7A, s1;
	s8 =	simm.s32 @!p0 $0x1BF5;
	p2 =	por !p2, p0  }
0x20: {  	[sflag:s8] =	ssyncset.s32 @!p0 $0xFFFFF086;
	s6 =	sadd.s32 @!p0 s3, s7;
	s7 =	simm.s32 @!p0 $0x108  }
0x21: {  	s3 =	sadd.s32 s3, s9;
	s6 =	sadd.s32 @!p0 $0x88, s6;
	s7 =	simm.s32 @p2 $0x1082  }
0x22: {  	[simem:s7], [sflag:s8] =	dma.local @!p0 [hbm:s6], $0xF7A  }
0x23: {  	s9 =	sor.u32 $0xD0000000, s2;
	s6 =	simm.s32 $0x108;
	_ =	swait.ge @!p0 [sflag:s8], $0x0  }
0x24: {  	s3 =	sadd.s32 $0x88, s3;
	s6 =	simm.s32 @!p1 $0x1082;
	[sflag:s4] =	ssyncset.s32 $0xFFFFF086  }
0x25: {  	[simem:s6], [sflag:s4] =	dma.local [hbm:s3], $0xF7A  }
0x26: {  	[smem:$0x3F9F] =	sst s1;
	(tag) =	ssettag s2;
	_ =	strace s9  }
0x27: {  	s1 =	sld [smem:$0x3FAF]  }
0x28: {  	s2 =	sld [smem:$0x3FB0]  }
0x29: {  	s4 =	sld [smem:$0x3FB2]  }
0x2a: {  	p0 =	seq.s32 s5, $0x0;
	s5 =	sld [smem:$0x3FB3]  }
0x2b: {  	s6 =	sld [smem:$0x3FB4]  }
0x2c: {  	s7 =	sld [smem:$0x3FB5]  }
0x2d: {  	s3 =	simm.s32 $0x108;
	s8 =	sld [smem:$0x3FB6]  }
0x2e: {  	s3 =	simm.s32 @!p0 $0x1082;
	s9 =	sld [smem:$0x3FB7]  }
0x2f: {  	lr =	sadd.s32 s0, s3;
	s0 =	sld [smem:$0x3FAE]  }
0x30: {  	s3 =	sld [smem:$0x3FB1]  }
0x31: {  	[smem:$0x3FBA] =	sst s10  }
0x32: {  	s10 =	sld [smem:$0x3FB8];
	_ =	sdelay $0x3  }
0x33: {  	p0 =	seq.s32 s10, $0x1;
	s10 =	sld [smem:$0x3FBA];
	_ =	sdelay $0x3  }
0x34: {  	[smem:$0x3FBA] =	sst s10  }
0x35: {  	s10 =	sld [smem:$0x3FB9];
	_ =	sdelay $0x3  }
0x36: {  	p1 =	seq.s32 s10, $0x1;
	s10 =	sld [smem:$0x3FBA];
	_ =	sdelay $0x3  }
0x37: {  	[smem:$0x3FBA] =	sst s10  }
0x38: {  	s10 =	sld [smem:$0x3FBB]  }
0x39: {  	_ = 	snop;
	(pc) =	sbr.ind lr, $3  }
0x3a: {  	_ = 	snop  }
0x3b: {  	_ = 	snop  }
0x3c: {  	p2 =	seq.s32 s10, $0x1;
	s10 =	sld [smem:$0x3FBA]  }
0x3d: {  	_ =	shalt  }
0x3e: {  	_ =	shalt  }
0x3f: {  	_ =	shalt  }
0x40: {  	_ =	shalt  }
0x41: {  	_ =	shalt  }
0x42: {  	_ =	shalt  }
0x43: {  	_ =	shalt  }
0x44: {  	_ =	shalt  }
0x45: {  	_ =	shalt  }
0x46: {  	_ =	shalt  }
0x47: {  	_ =	shalt  }
0x48: {  	_ =	shalt  }
0x49: {  	_ =	shalt  }
0x4a: {  	_ =	shalt  }
0x4b: {  	_ =	shalt  }
0x4c: {  	_ =	shalt  }
0x4d: {  	_ =	shalt  }
0x4e: {  	_ =	shalt  }
0x4f: {  	_ =	shalt  }
0x50: {  	_ =	shalt  }
0x51: {  	_ =	shalt  }
0x52: {  	_ =	shalt  }
0x53: {  	_ =	shalt  }
0x54: {  	_ =	shalt  }
0x55: {  	_ =	shalt  }
0x56: {  	_ =	shalt  }
0x57: {  	_ =	shalt  }
0x58: {  	_ =	shalt  }
0x59: {  	_ =	shalt  }
0x5a: {  	_ =	shalt  }
0x5b: {  	_ =	shalt  }
0x5c: {  	_ =	shalt  }
0x5d: {  	_ =	shalt  }
0x5e: {  	_ =	shalt  }
0x5f: {  	_ =	shalt  }
0x60: {  	_ =	shalt  }
0x61: {  	_ =	shalt  }
0x62: {  	_ =	shalt  }
0x63: {  	_ =	shalt  }
0x64: {  	_ =	shalt  }
0x65: {  	_ =	shalt  }
0x66: {  	_ =	shalt  }
0x67: {  	_ =	shalt  }
0x68: {  	_ =	shalt  }
0x69: {  	_ =	shalt  }
0x6a: {  	_ =	shalt  }
0x6b: {  	_ =	shalt  }
0x6c: {  	_ =	shalt  }
0x6d: {  	_ =	shalt  }
0x6e: {  	_ =	shalt  }
0x6f: {  	_ =	shalt  }
0x70: {  	_ =	shalt  }
0x71: {  	_ =	shalt  }
0x72: {  	_ =	shalt  }
0x73: {  	_ =	shalt  }
0x74: {  	_ =	shalt  }
0x75: {  	_ =	shalt  }
0x76: {  	_ =	shalt  }
0x77: {  	_ =	shalt  }
0x78: {  	_ =	shalt  }
0x79: {  	_ =	shalt  }
0x7a: {  	_ =	shalt  }
0x7b: {  	_ =	shalt  }
0x7c: {  	_ =	shalt  }
0x7d: {  	_ =	shalt  }
0x7e: {  	_ =	shalt  }
0x7f: {  	_ =	shalt  }
0x80: {  	_ =	shalt  }
0x81: {  	_ =	shalt  }
0x82: {  	_ =	shalt  }
0x83: {  	_ =	shalt  }
0x84: {  	_ =	shalt  }
0x85: {  	_ =	shalt  }
0x86: {  	_ =	shalt  }
0x87: {  	_ =	shalt  }
.Lfunc_end0:
.L_simem_size_0:
called_computation_lowered:
.L_overlay_start_0:
0x88: {  	s2 =	sld [smem:$0x3FD9]  }
0x89: {  	s3 =	sld [smem:$0x3FFE];
	_ =	sdelay $0x1  }
0x8a: {  	s1 =	srdreg.scid  }
0x8b: {  	s0 =	sand.u32 $0x1, s1  }
0x8c: {  	s17 =	sshll.u32 s0, $0xA;
	s2 =	sadd.s32 s3, s2  }
0x8d: {  	s2 =	sadd.s32 s2, s17  }
0x8e: {  	[smem:$0x3FC6] =	sst s2  }
0x8f: {  	_ = 	snop  }
0x90: {  	s2 =	sld [smem:$0x3FC9]  }
0x91: {  	s18 =	sld [smem:$0x3FD0];
	(tm) =	ssettm $0x1  }
0x92: {  	s4 =	sld [smem:$0x3FFB];
	_ =	sdelay $0x3  }
0x93: {  	_ =	strace s4  }
0x94: {  	s4 =	sld [smem:$0x3FFC];
	_ =	sdelay $0x3  }
0x95: {  	_ =	strace s4  }
0x96: {  	s4 =	sld [smem:$0x3FFD];
	_ =	sdelay $0x3  }
0x97: {  	_ =	strace s4  }
0x98: {  	_ =	strace $0x8FFFFFFF  }
0x99: {  	s19 =	sld [smem:$0x3FDB];
	_ =	sdelay $0x1  }
0x9a: {  	s5 =	simm.s32 $_scs_section_size  }
0x9b: {  	s6 =	simm.s32 $_size__tile_overlayer_lowered;
	s7 =	simm.s32 $_tile_overlayer_lowered  }
0x9c: {  	s22 =	simm.s32 $0x1BFF;
	s21 =	sshll.u32 s7, $0x1;
	s4 =	sadd.s32 s5, s19  }
0x9d: {  	s8 =	simm.s32 $0x0;
	s20 =	sshll.u32 s6, $0x1;
	s6 =	sadd.s32 s21, s4  }
0x9e: {  	[timem:s8], [sflag:s22] =	dma.local [hbm:s6], s20  }
0x9f: {  	_ =	swait.ge [sflag:s22], s20  }
0xa0: {  	s5 =	ssub.s32 $0x0, s20;
	[sflag:s22] =	ssyncset.done $0x0  }
0xa1: {  	[sflag:s22] =	ssyncadd.s32 s5;
	_ =	sdelay $0x1  }
0xa2: {  	s23 =	simm.s32 $0x1B8B  }
0xa3: {  	_ =	swait.ge [sflag:s23], $0x1  }
0xa4: {  	[sflag:s23] =	ssyncset.done $0x0  }
0xa5: {  	s25 =	simm.s32 $0x1B8E;
	s24 =	sld [smem:$0x3FFE];
	[sflag:s23] =	ssyncadd.s32 $0xFFFFFFFF  }
0xa6: {  	s26 =	simm.s32 $execute0_lowered;
	[smem:$0x3FD2] =	sst s25  }
0xa7: {  	s6 =	sshll.u32 s26, $0x1;
	_ =	strace $0x80000046;
	[dreg:$0x1] =	wrdreg $0xFFFFFFFF  }
0xa8: {  	s28 =	simm.s32 $_size_execute0_lowered;
	s4 =	sadd.s32 s4, s6;
	[dreg:$0x0] =	wrdreg $0x0  }
0xa9: {  	s6 =	sshll.u32 s28, $0x1;
	[dreg:$0x2] =	wrdreg s4  }
0xaa: {  	[dreg:$0x3] =	wrdreg s6  }
0xab: {  	[dreg:$0x4] =	wrdreg $0xC0  }
0xac: {  	_ =	task [dreg:s8], $0x5FFFF  }
0xad: {  	[dreg:$0x1] =	wrdreg $0xFFFFFFFF  }
0xae: {  	[dreg:$0x0] =	wrdreg $0x60  }
0xaf: {  	[dreg:$0x2] =	wrdreg s2  }
0xb0: {  	[dreg:$0x3] =	wrdreg s24  }
0xb1: {  	[dreg:$0x4] =	wrdreg s18  }
0xb2: {  	[dreg:$0x5] =	wrdreg $0x9  }
0xb3: {  	_ =	task.clear_ibuf [dreg:s8], $0x6FFFF;
	_ =	strace $0x90000046  }
0xb4: {  	s29 =	simm.s32 $0x9;
	_ =	strace $0x80000048  }
0xb5: {  	_ =	swait.ge [sflag:s29], $0x1  }
0xb6: {  	[sflag:s29] =	ssyncadd.s32 $0xFFFFFFFF  }
0xb7: {  	_ =	strace $0x90000048  }
0xb8: {  	_ =	sfence  }
0xb9: {  	s30 =	sld [smem:$0x0];
	_ =	sdelay $0x2  }
0xba: {  	s31 =	sshll.u32 s1, $0xD;
	s1 =	sshrl.u32 s1, $0x2  }
0xbb: {  	s3 =	sand.u32 $0x4000, s31;
	s1 =	sadd.s32 s1, s30  }
0xbc: {  	s0 =	sor.u32 s3, s0;
	s1 =	sshll.u32 s1, $0x11  }
0xbd: {  	s0 =	sor.u32 s1, s0  }
0xbe: {  	s0 =	sadd.s32 $0x8F2B, s0  }
0xbf: {  	[sflag:s0] =	ssyncadd.remote.s32 $0x1  }
0xc0: {  	_ =	sfence.sel $0xFFFF  }
0xc1: {  	[dreg:$0x0] =	wrdreg $0xFFFFFFFF;
	(pc) =	sbr.abs _section_cstart, $3  }
0xc2: {  	[dreg:$0x1] =	wrdreg $0xFFFFFFFF  }
0xc3: {  	_ =	task.clear_ibuf [dreg:s8], $0x2FFFF;
	_ =	strace $0x9FFFFFFF  }
0xc4: {  	(tm) =	ssettm $0x7FFFFFFF  }
0xc5: {  	_ =	shalt  }
tec
execute0_lowered:
.L_overlay_start_1:
0x0: {  	(tag) =	ssettag $0x1  }
0x1: {  	s0 =	rddreg [dreg:$0x0]  }
0x2: {  	s1 =	rddreg [dreg:$0x1]  }
0x3: {  	s2 =	rddreg [dreg:$0x2];
	s4 =	srdreg.scid  }
0x4: {  	s5 =	stileid.u32;
	s3 =	simm.s32 $0x0;
	s11 =	simm.s32 $0x80  }
0x5: {  	s20 =	simm.s32 $0x1;
	s21 =	simm.s32 $0xE400;
	s12 =	simm.s32 $0x2  }
0x6: {  	s16 =	simm.s32 $0xF500;
	s28 =	simm.s32 $0x3;
	s29 =	simm.s32 $0x10600  }
0x7: {  	s15 =	simm.s32 $0x6;
	s19 =	simm.s32 $0x13900;
	s30 =	simm.s32 $0x14A00  }
0x8: {  	s10 =	simm.s32 $0x8;
	s14 =	simm.s32 $0x15B00;
	s4 =	sand.u32 $0x1, s4  }
0x9: {  	s5 =	sshll.u32 s5, $0x1;
	[smem:$0x7FF] =	sst s3;
	s24 =	sadd.s32 $0x4000, s2  }
0xa: {  	v0 =	vlaneseq.u32;
	s25 =	sadd.s32 $0x8000, s2;
	_ =	strace $0x80000047;
	[dreg:$0x5] =	wrdreg s24  }
0xb: {  	v1 =	vimm.s32 $0x0;
	vm0 =	vcmask $0x300;
	s26 =	sadd.s32 $0xC000, s2;
	v0 =	vmul.u32 $0x88, v0;
	s6 =	ssub.s32 $0x2, s4;
	[dreg:$0x6] =	wrdreg s25  }
0xc: {  	v1 =	vsel vm0, $0x3, v1;
	s5 =	sor.u32 s4, s5;
	s4 =	sadd.s32 $0xF42800, s1;
	[dreg:$0x7] =	wrdreg s26  }
.Ltmp0:
0xd: {  	s25 =	simm.s32 $0x4;
	s26 =	simm.s32 $0x11700;
	v2 =	vadd.s32 $0x880, v0;
	v3 =	vor.u32 $0x1, v0;
	v4 =	vadd.s32 $0x881, v0;
	(pc) =	sbr.rel .LBB2_1-.Ltmp0, $4  }
0xe: {  	s1 =	simm.s32 $0x12800;
	s7 =	sshrl.u32 s6, $0x1;
	s8 =	sshll.u32 s5, $0x4;
	v5 =	vor.u32 $0x2, v0;
	v6 =	vadd.s32 $0x882, v0;
	v7 =	vor.u32 $0x3, v0  }
0xf: {  	v8 =	vadd.s32 $0x883, v0;
	v9 =	vor.u32 $0x4, v0;
	v10 =	vadd.s32 $0x884, v0;
	s23 =	ssub.s32 s6, s7;
	s0 =	sadd.s32 s0, s8;
	s6 =	sshll.u32 s5, $0xA  }
0x10: {  	v11 =	vor.u32 $0x5, v0;
	v12 =	vadd.s32 $0x885, v0;
	v13 =	vor.u32 $0x6, v0;
	s8 =	simm.s32 $0x0;
	[dreg:$0x4] =	wrdreg s0;
	s31 =	smax.u32 s23, $0x1  }
0x11: {  	v14 =	vadd.s32 $0x886, v0;
	v15 =	vor.u32 $0x7, v0;
	v16 =	vadd.s32 $0x887, v0;
	s0 =	simm.s32 $0x5;
	s23 =	simm.s32 $0x7;
	[dreg:$0x8] =	wrdreg s31  }
.LBB2_32:
0x12: {  	s5 =	simm.s32 $0x9  }
0x13: {  	_ =	swait.ge [sflag:s5], $0x1000  }
0x14: {  	[sflag:s5] =	ssyncset.done $0x0  }
0x15: {  	s9 =	simm.s32 $0xA;
	[sflag:s5] =	ssyncadd.s32 $0xFFFFF000  }
0x16: {  	_ =	swait.ge [sflag:s9], $0x1000  }
0x17: {  	[sflag:s9] =	ssyncset.done $0x0  }
0x18: {  	s13 =	simm.s32 $0xB;
	[sflag:s9] =	ssyncadd.s32 $0xFFFFF000  }
0x19: {  	_ =	swait.ge [sflag:s13], $0x1000  }
0x1a: {  	[sflag:s13] =	ssyncset.done $0x0  }
0x1b: {  	s17 =	simm.s32 $0xC;
	[sflag:s13] =	ssyncadd.s32 $0xFFFFF000  }
0x1c: {  	_ =	swait.ge [sflag:s17], $0x1000  }
0x1d: {  	[sflag:s17] =	ssyncset.done $0x0  }
0x1e: {  	s18 =	simm.s32 $0xD;
	[sflag:s17] =	ssyncadd.s32 $0xFFFFF000  }
0x1f: {  	_ =	swait.ge [sflag:s18], $0x1000  }
0x20: {  	[sflag:s18] =	ssyncset.done $0x0  }
0x21: {  	s22 =	simm.s32 $0xE;
	[sflag:s18] =	ssyncadd.s32 $0xFFFFF000  }
0x22: {  	_ =	swait.ge [sflag:s22], $0x1000  }
0x23: {  	[sflag:s22] =	ssyncset.done $0x0  }
0x24: {  	s24 =	simm.s32 $0xF;
	[sflag:s22] =	ssyncadd.s32 $0xFFFFF000  }
0x25: {  	_ =	swait.ge [sflag:s24], $0x1000  }
0x26: {  	[sflag:s24] =	ssyncset.done $0x0  }
0x27: {  	s7 =	simm.s32 $0x10;
	[sflag:s24] =	ssyncadd.s32 $0xFFFFF000  }
0x28: {  	_ =	swait.ge [sflag:s7], $0x1000  }
0x29: {  	s8 =	rddreg [dreg:$0x9]  }
0x2a: {  	s31 =	rddreg [dreg:$0x8];
	s8 =	sadd.s32 $0x1, s8  }
0x2b: {  	p0 =	sne.s32 s8, s31  }
.Ltmp1:
0x2c: {  	_ = 	snop;
	(pc) =	sbr.rel @!p0 .LBB2_33-.Ltmp1, $3  }
0x2d: {  	_ =	sdelay $0x1  }
0x2e: {  	[sflag:s7] =	ssyncset.done $0x0  }
0x2f: {  	[sflag:s7] =	ssyncadd.s32 $0xFFFFF000  }
.LBB2_1:
0x30: {  	[dreg:$0x9] =	wrdreg s8  }
0x31: {  	s5 =	rddreg [dreg:$0x4];
	s7 =	simm.s32 $0x1000;
	s9 =	simm.s32 $0x11  }
0x32: {  	[tilespmem:s3], [sflag:$0x11] =	stream.strided.gather [hbm4b:s5+s11], $0x6400, s7, s11, $0x38;
	[tilespmem:$0x16C00] =	vst v63  }
0x33: {  	_ =	swait.ge [sflag:s9], $0x6400  }
0x34: {  	[sflag:s9] =	ssyncset.done $0x0  }
0x35: {  	s13 =	simm.s32 $0x6400;
	[sflag:s9] =	ssyncadd.s32 $0xFFFF9C00  }
0x36: {  	[tilespmem:s13], [sflag:$0x1] =	stream.indirect.gather [hbm4b:s4+s11], $0x20, s3, s11, $0xb8;
	[tilespmem:$0x16C00] =	vst v63  }
0x37: {  	s17 =	simm.s32 $0x7400  }
0x38: {  	[tilespmem:s17], [sflag:$0x2] =	stream.indirect.gather [hbm4b:s4+s11], $0x20, s11, s11, $0xb8;
	[tilespmem:$0x16C00] =	vst v63  }
0x39: {  	s18 =	simm.s32 $0x100;
	s22 =	simm.s32 $0x8400  }
0x3a: {  	[tilespmem:s22], [sflag:$0x3] =	stream.indirect.gather [hbm4b:s4+s11], $0x20, s18, s11, $0xb8;
	[tilespmem:$0x16C00] =	vst v63  }
0x3b: {  	s24 =	simm.s32 $0x180;
	s31 =	simm.s32 $0x9400;
	s5 =	simm.s32 $0x0  }
0x3c: {  	[tilespmem:s31], [sflag:$0x4] =	stream.indirect.gather [hbm4b:s4+s11], $0x20, s24, s11, $0xb8;
	[tilespmem:$0x16C00] =	vst v63  }
.LBB2_2:
0x3d: {  	s7 =	simm.s32 $0x0;
	_ =	swait.ge [sflag:s20], $0x1000  }
0x3e: {  	s17 =	simm.s32 $0x1;
	s8 =	simm.s32 $0x2;
	s18 =	simm.s32 $0x3;
	v17 =	vmov s7  }
0x3f: {  	s22 =	simm.s32 $0x4;
	s9 =	simm.s32 $0x7;
	s24 =	simm.s32 $0x5;
	v18 =	vmov s17;
	v19 =	vmov s8;
	v20 =	vmov s18  }
0x40: {  	p0 =	seq.s32 s5, $0x0;
	s31 =	simm.s32 $0x6;
	[sflag:s20] =	ssyncset.done $0x0;
	v21 =	vmov s22;
	v22 =	vmov s9;
	v23 =	vmov s24  }
0x41: {  	s8 =	simm.s32 @!p0 $0x9;
	v24 =	vmov s31;
	v17 =	vshrl.u32 v17, $0x3;
	[sflag:s20] =	ssyncadd.s32 $0xFFFFF000;
	v22 =	vshrl.u32 v22, $0x3  }
0x42: {  	v18 =	vshrl.u32 v18, $0x3;
	v19 =	vshrl.u32 v19, $0x3;
	_ =	swait.ge @!p0 [sflag:s8], $0x1000;
	v22 =	vshll.u32 v22, v1  }
0x43: {  	v20 =	vshrl.u32 v20, $0x3;
	v17 =	vshll.u32 v17, v1;
	[sflag:s8] =	ssyncset.done @!p0 $0x0;
	v25 =	vbroadcast v22, $0x0  }
0x44: {  	s7 =	simm.s32 $0x6480;
	v18 =	vshll.u32 v18, v1;
	v22 =	vshrl.u32 v21, $0x3;
	v17 =	vbroadcast v17, $0x0;
	[sflag:s8] =	ssyncadd.s32 @!p0 $0xFFFFF000  }
0x45: {  	v32 =	vbroadcast v18, $0x0;
	v18 =	vshll.u32 v19, v1;
	v19 =	vld [tilespmem:s7+$0x60];
	v26 =	vadd.s32 v15, v25  }
0x46: {  	v37 =	vbroadcast v18, $0x0;
	v18 =	vshll.u32 v20, v1;
	v27 =	vld [tilespmem:s7+$0xFFFFFF80];
	v28 =	vadd.s32 v0, v17  }
0x47: {  	v29 =	vld [tilespmem:s7+$0xFFFFFFA0];
	v30 =	vadd.s32 v3, v32;
	v21 =	vbroadcast v18, $0x0;
	v18 =	vshll.u32 v22, v1  }
0x48: {  	v31 =	vld [tilespmem:s7+$0xFFFFFFC0];
	v33 =	vadd.s32 v5, v37;
	v20 =	vbroadcast v18, $0x0;
	v18 =	vshrl.u32 v23, $0x3  }
0x49: {  	v34 =	vld [tilespmem:s7+$0xFFFFFFE0];
	v23 =	vshrl.u32 v24, $0x3;
	v39 =	vadd.s32 v7, v21;
	v18 =	vshll.u32 v18, v1  }
0x4a: {  	s13 =	simm.s32 $0x9;
	v40 =	vld [tilespmem:s7+$0x0];
	v41 =	vadd.s32 v9, v20;
	v22 =	vbroadcast v18, $0x0;
	v18 =	vshll.u32 v23, v1;
	[tilespmem:v26+s21+$0x0] =	vst.idx.msk $0xffff, v19  }
0x4b: {  	v36 =	vmov s13;
	s17 =	simm.s32 $0xA;
	v25 =	vadd.s32 v16, v25;
	v23 =	vbroadcast v18, $0x0;
	[tilespmem:v28+s21+$0x0] =	vst.idx.msk $0xffff, v27;
	v24 =	vld [tilespmem:s7+$0x70]  }
0x4c: {  	s9 =	simm.s32 $0x8;
	v38 =	vmov s17;
	v35 =	vadd.s32 v4, v32;
	[tilespmem:v30+s21+$0x0] =	vst.idx.msk $0xffff, v29;
	v26 =	vld [tilespmem:s7+$0x20];
	v27 =	vadd.s32 v11, v22  }
0x4d: {  	s18 =	simm.s32 $0xB;
	s24 =	simm.s32 $0xD;
	v37 =	vadd.s32 v6, v37;
	v19 =	vmov s9;
	v29 =	vld [tilespmem:s7+$0x40];
	[tilespmem:v33+s21+$0x0] =	vst.idx.msk $0xffff, v31;
	v30 =	vadd.s32 v13, v23  }
0x4e: {  	s22 =	simm.s32 $0xC;
	s31 =	simm.s32 $0xE;
	v18 =	vmov s24;
	v28 =	vmov s18;
	v19 =	vshrl.u32 v19, $0x3;
	v33 =	vld [tilespmem:s7+$0xFFFFFFB0];
	[tilespmem:v39+s21+$0x0] =	vst.idx.msk $0xffff, v34  }
0x4f: {  	s8 =	simm.s32 $0x10;
	s9 =	simm.s32 $0xF;
	v31 =	vmov s22;
	s22 =	sshll.u32 s5, $0x3;
	v32 =	vshll.u32 v19, v1;
	v19 =	vmov s31;
	v34 =	vld [tilespmem:s7+$0xFFFFFFD0];
	[tilespmem:v41+s21+$0x0] =	vst.idx.msk $0xffff, v40  }
.LBB2_3:
0x50: {  	p1 =	slt.u32 s8, $0x78;
	v36 =	vshrl.u32 v36, $0x3;
	v39 =	vmov s9;
	v40 =	vld [tilespmem:s7+$0xFFFFFFF0];
	v21 =	vadd.s32 v8, v21;
	[tilespmem:v25+s21+$0x0] =	vst.idx.msk $0xffff, v24  }
0x51: {  	v24 =	vshrl.u32 v38, $0x3;
	v20 =	vadd.s32 v10, v20;
	v25 =	vshrl.u32 v39, $0x3;
	v38 =	vld [tilespmem:s7+$0x10];
	[tilespmem:v27+s21+$0x0] =	vst.idx.msk $0xffff, v26  }
0x52: {  	v22 =	vadd.s32 v12, v22;
	v26 =	vshrl.u32 v28, $0x3;
	v25 =	vshll.u32 v25, v1;
	v27 =	vld [tilespmem:s7+$0x30];
	[tilespmem:v30+s21+$0x0] =	vst.idx.msk $0xffff, v29  }
0x53: {  	v23 =	vadd.s32 v14, v23;
	v28 =	vshrl.u32 v31, $0x3;
	v25 =	vbroadcast v25, $0x0;
	[tilespmem:v35+s21+$0x0] =	vst.idx.msk $0xffff, v33;
	v29 =	vld [tilespmem:s7+$0x50]  }
0x54: {  	v30 =	vshll.u32 v36, v1;
	v33 =	vadd.s32 v2, v17;
	v17 =	vbroadcast v32, $0x0;
	v31 =	vld [tilespmem:s7+$0xFFFFFF90];
	[tilespmem:v37+s21+$0x0] =	vst.idx.msk $0xffff, v34;
	s7 =	sadd.s32 $0x100, s7  }
0x55: {  	v24 =	vshll.u32 v24, v1;
	v32 =	vbroadcast v30, $0x0;
	v30 =	vld [tilespmem:s7+$0x60];
	v34 =	vadd.s32 v15, v25;
	[tilespmem:v21+s21+$0x0] =	vst.idx.msk $0xffff, v40  }
0x56: {  	v37 =	vbroadcast v24, $0x0;
	v36 =	vadd.s32 v0, v17;
	v21 =	vshll.u32 v26, v1;
	v35 =	vld [tilespmem:s7+$0xFFFFFF80];
	[tilespmem:v20+s21+$0x0] =	vst.idx.msk $0xffff, v38  }
0x57: {  	v38 =	vadd.s32 v3, v32;
	v21 =	vbroadcast v21, $0x0;
	v20 =	vshll.u32 v28, v1;
	v26 =	vld [tilespmem:s7+$0xFFFFFFA0];
	[tilespmem:v22+s21+$0x0] =	vst.idx.msk $0xffff, v27  }
0x58: {  	v18 =	vshrl.u32 v18, $0x3;
	v40 =	vadd.s32 v5, v37;
	v20 =	vbroadcast v20, $0x0;
	v39 =	vld [tilespmem:s7+$0xFFFFFFC0];
	[tilespmem:v23+s21+$0x0] =	vst.idx.msk $0xffff, v29  }
0x59: {  	v19 =	vshrl.u32 v19, $0x3;
	v18 =	vshll.u32 v18, v1;
	v42 =	vadd.s32 v7, v21;
	v41 =	vld [tilespmem:s7+$0xFFFFFFE0];
	[tilespmem:v33+s21+$0x0] =	vst.idx.msk $0xffff, v31  }
0x5a: {  	v22 =	vbroadcast v18, $0x0;
	v18 =	vshll.u32 v19, v1;
	v44 =	vadd.s32 v9, v20;
	v43 =	vld [tilespmem:s7+$0x0];
	[tilespmem:v34+s21+$0x0] =	vst.idx.msk $0xffff, v30  }
.Ltmp2:
0x5b: {  	s9 =	sadd.s32 $0x1, s8;
	v25 =	vadd.s32 v16, v25;
	v19 =	vmov s8;
	v23 =	vbroadcast v18, $0x0;
	[tilespmem:v36+s21+$0x0] =	vst.idx.msk $0xffff, v35;
	v24 =	vld [tilespmem:s7+$0x70];
	(pc) =	sbr.rel @p1 .LBB2_3-.Ltmp2, $4  }
0x5c: {  	s17 =	sadd.s32 $0x3, s8;
	v19 =	vshrl.u32 v19, $0x3;
	v27 =	vadd.s32 v11, v22;
	v36 =	vmov s9;
	s9 =	sadd.s32 $0x2, s8;
	[tilespmem:v38+s21+$0x0] =	vst.idx.msk $0xffff, v26;
	v26 =	vld [tilespmem:s7+$0x20]  }
0x5d: {  	v28 =	vmov s17;
	s17 =	sadd.s32 $0x5, s8;
	v30 =	vadd.s32 v13, v23;
	v38 =	vmov s9;
	s9 =	sadd.s32 $0x4, s8;
	[tilespmem:v40+s21+$0x0] =	vst.idx.msk $0xffff, v39;
	v29 =	vld [tilespmem:s7+$0x40]  }
0x5e: {  	v18 =	vmov s17;
	v35 =	vadd.s32 v4, v32;
	v31 =	vmov s9;
	s9 =	sadd.s32 $0x6, s8;
	v33 =	vld [tilespmem:s7+$0xFFFFFFB0];
	[tilespmem:v42+s21+$0x0] =	vst.idx.msk $0xffff, v41  }
0x5f: {  	v37 =	vadd.s32 v6, v37;
	v32 =	vshll.u32 v19, v1;
	v19 =	vmov s9;
	s9 =	sadd.s32 $0x7, s8;
	s8 =	sadd.s32 $0x8, s8;
	v34 =	vld [tilespmem:s7+$0xFFFFFFD0];
	[tilespmem:v44+s21+$0x0] =	vst.idx.msk $0xffff, v43  }
0x60: {  	_ =	sdelay $0x2  }
0x61: {  	v36 =	vshrl.u32 v36, $0x3  }
0x62: {  	v39 =	vmov s9;
	v40 =	vld [tilespmem:s7+$0xFFFFFFF0];
	v21 =	vadd.s32 v8, v21;
	[tilespmem:v25+s21+$0x0] =	vst.idx.msk $0xffff, v24;
	v24 =	vshrl.u32 v38, $0x3  }
0x63: {  	v49 =	vld [tilespmem:s7+$0x10];
	v20 =	vadd.s32 v10, v20;
	v22 =	vadd.s32 v12, v22;
	v25 =	vshrl.u32 v39, $0x3;
	[tilespmem:v27+s21+$0x0] =	vst.idx.msk $0xffff, v26  }
0x64: {  	v50 =	vld [tilespmem:s7+$0xFFFFFF90];
	v17 =	vadd.s32 v2, v17;
	v26 =	vshrl.u32 v28, $0x3;
	v25 =	vshll.u32 v25, v1;
	[tilespmem:v30+s21+$0x0] =	vst.idx.msk $0xffff, v29  }
0x65: {  	v28 =	vshrl.u32 v31, $0x3;
	v31 =	vshll.u32 v36, v1;
	v27 =	vld [tilespmem:s7+$0x30];
	v25 =	vbroadcast v25, $0x0;
	[tilespmem:v35+s21+$0x0] =	vst.idx.msk $0xffff, v33  }
0x66: {  	v23 =	vadd.s32 v14, v23;
	s13 =	sadd.s32 $0x100, s7;
	v18 =	vshrl.u32 v18, $0x3;
	v31 =	vbroadcast v31, $0x0;
	v29 =	vld [tilespmem:s7+$0x50];
	[tilespmem:v37+s21+$0x0] =	vst.idx.msk $0xffff, v34  }
0x67: {  	v51 =	vld [tilespmem:s13+$0x60];
	v30 =	vbroadcast v32, $0x0;
	v28 =	vshll.u32 v28, v1;
	v52 =	vadd.s32 v15, v25;
	[tilespmem:v21+s21+$0x0] =	vst.idx.msk $0xffff, v40  }
0x68: {  	v24 =	vshll.u32 v24, v1;
	v28 =	vbroadcast v28, $0x0;
	v54 =	vadd.s32 v3, v31;
	[tilespmem:v20+s21+$0x0] =	vst.idx.msk $0xffff, v49;
	v20 =	vld [tilespmem:s13+$0xFFFFFFA0]  }
0x69: {  	v24 =	vbroadcast v24, $0x0;
	v26 =	vshll.u32 v26, v1;
	v53 =	vadd.s32 v0, v30;
	v21 =	vld [tilespmem:s13+$0xFFFFFF80];
	[tilespmem:v17+s21+$0x0] =	vst.idx.msk $0xffff, v50  }
0x6a: {  	v18 =	vshll.u32 v18, v1;
	v26 =	vbroadcast v26, $0x0;
	v17 =	vld [tilespmem:s13+$0x0];
	v55 =	vadd.s32 v9, v28;
	[tilespmem:v22+s21+$0x0] =	vst.idx.msk $0xffff, v27  }
0x6b: {  	v18 =	vbroadcast v18, $0x0;
	v22 =	vld [tilespmem:s13+$0xFFFFFFC0];
	v27 =	vadd.s32 v5, v24;
	[tilespmem:v23+s21+$0x0] =	vst.idx.msk $0xffff, v29  }
0x6c: {  	v19 =	vshrl.u32 v19, $0x3;
	v23 =	vld [tilespmem:s13+$0xFFFFFFE0];
	v29 =	vadd.s32 v7, v26;
	[tilespmem:v52+s21+$0x0] =	vst.idx.msk $0xffff, v51  }
0x6d: {  	v19 =	vshll.u32 v19, v1;
	v56 =	vadd.s32 v11, v18;
	[tilespmem:v54+s21+$0x0] =	vst.idx.msk $0xffff, v20;
	v20 =	vld [tilespmem:s13+$0x20]  }
0x6e: {  	v19 =	vbroadcast v19, $0x0;
	v25 =	vadd.s32 v16, v25;
	[tilespmem:v53+s21+$0x0] =	vst.idx.msk $0xffff, v21;
	v21 =	vld [tilespmem:s13+$0x70]  }
0x6f: {  	v31 =	vadd.s32 v4, v31;
	[tilespmem:v55+s21+$0x0] =	vst.idx.msk $0xffff, v17;
	v57 =	vld [tilespmem:s13+$0xFFFFFFB0]  }
0x70: {  	[tilespmem:v27+s21+$0x0] =	vst.idx.msk $0xffff, v22;
	v22 =	vld [tilespmem:s13+$0x40];
	v27 =	vadd.s32 v13, v19  }
0x71: {  	v24 =	vadd.s32 v6, v24;
	[tilespmem:v29+s21+$0x0] =	vst.idx.msk $0xffff, v23;
	v23 =	vld [tilespmem:s13+$0xFFFFFFD0]  }
0x72: {  	v26 =	vadd.s32 v8, v26;
	v17 =	vld [tilespmem:s13+$0xFFFFFFF0];
	[tilespmem:v56+s21+$0x0] =	vst.idx.msk $0xffff, v20  }
0x73: {  	[tilespmem:v25+s21+$0x0] =	vst.idx.msk $0xffff, v21;
	v21 =	vld [tilespmem:s13+$0x10];
	v25 =	vadd.s32 v10, v28  }
0x74: {  	v18 =	vadd.s32 v12, v18;
	v20 =	vld [tilespmem:s13+$0x30];
	[tilespmem:v31+s21+$0x0] =	vst.idx.msk $0xffff, v57  }
0x75: {  	v28 =	vadd.s32 v2, v30;
	[tilespmem:v27+s21+$0x0] =	vst.idx.msk $0xffff, v22;
	v27 =	vld [tilespmem:s13+$0xFFFFFF90]  }
0x76: {  	v19 =	vadd.s32 v14, v19;
	v22 =	vld [tilespmem:s13+$0x50];
	[tilespmem:v24+s21+$0x0] =	vst.idx.msk $0xffff, v23  }
0x77: {  	[tilespmem:v26+s21+$0x0] =	vst.idx.msk $0xffff, v17  }
0x78: {  	s17 =	sshll.u32 s5, $0x14;
	[tilespmem:v25+s21+$0x0] =	vst.idx.msk $0xffff, v21  }
0x79: {  	s7 =	sor.u32 s6, s17;
	[tilespmem:v18+s21+$0x0] =	vst.idx.msk $0xffff, v20  }
0x7a: {  	s8 =	sshrl.u32 s7, $0x3;
	[tilespmem:v28+s21+$0x0] =	vst.idx.msk $0xffff, v27  }
0x7b: {  	s7 =	sadd.s32 s2, s8;
	[tilespmem:v19+s21+$0x0] =	vst.idx.msk $0xffff, v22  }
0x7c: {  	[hbm4b:s7+s3] =	stream.linear.scatter [tilespmem:s21], [sflag:$0x9], $0x80, $0x38;
	[tilespmem:$0x16C00] =	vst v63  }
0x7d: {  	s18 =	sadd.s32 $0x10, s7;
	s13 =	simm.s32 $0xE488  }
0x7e: {  	[hbm4b:s18+s3] =	stream.linear.scatter [tilespmem:s13], [sflag:$0x9], $0x80, $0x38;
	[tilespmem:$0x16C00] =	vst v63  }
0x7f: {  	s31 =	simm.s32 $0xE510;
	s24 =	sadd.s32 $0x20, s7  }
0x80: {  	[hbm4b:s24+s3] =	stream.linear.scatter [tilespmem:s31], [sflag:$0x9], $0x80, $0x38;
	[tilespmem:$0x16C00] =	vst v63  }
0x81: {  	s17 =	sadd.s32 $0x30, s7;
	s18 =	simm.s32 $0xE598  }
0x82: {  	[hbm4b:s17+s3] =	stream.linear.scatter [tilespmem:s18], [sflag:$0x9], $0x80, $0x38;
	[tilespmem:$0x16C00] =	vst v63  }
0x83: {  	s24 =	sadd.s32 $0x40, s7;
	s31 =	simm.s32 $0xE620  }
0x84: {  	[hbm4b:s24+s3] =	stream.linear.scatter [tilespmem:s31], [sflag:$0x9], $0x80, $0x38;
	[tilespmem:$0x16C00] =	vst v63  }
0x85: {  	s17 =	sadd.s32 $0x50, s7;
	s18 =	simm.s32 $0xE6A8  }
0x86: {  	[hbm4b:s17+s3] =	stream.linear.scatter [tilespmem:s18], [sflag:$0x9], $0x80, $0x38;
	[tilespmem:$0x16C00] =	vst v63  }
0x87: {  	s24 =	sadd.s32 $0x60, s7;
	s31 =	simm.s32 $0xE730  }
0x88: {  	[hbm4b:s24+s3] =	stream.linear.scatter [tilespmem:s31], [sflag:$0x9], $0x80, $0x38;
	[tilespmem:$0x16C00] =	vst v63  }
0x89: {  	s17 =	sadd.s32 $0x70, s7;
	s18 =	simm.s32 $0xE7B8  }
0x8a: {  	[hbm4b:s17+s3] =	stream.linear.scatter [tilespmem:s18], [sflag:$0x9], $0x80, $0x38;
	[tilespmem:$0x16C00] =	vst v63  }
0x8b: {  	s24 =	sadd.s32 $0x1000, s7;
	s31 =	simm.s32 $0xE840  }
0x8c: {  	[hbm4b:s24+s3] =	stream.linear.scatter [tilespmem:s31], [sflag:$0x9], $0x80, $0x38;
	[tilespmem:$0x16C00] =	vst v63  }
0x8d: {  	s17 =	sadd.s32 $0x1010, s7;
	s18 =	simm.s32 $0xE8C8  }
0x8e: {  	[hbm4b:s17+s3] =	stream.linear.scatter [tilespmem:s18], [sflag:$0x9], $0x80, $0x38;
	[tilespmem:$0x16C00] =	vst v63  }
0x8f: {  	s24 =	sadd.s32 $0x1020, s7;
	s31 =	simm.s32 $0xE950  }
0x90: {  	[hbm4b:s24+s3] =	stream.linear.scatter [tilespmem:s31], [sflag:$0x9], $0x80, $0x38;
	[tilespmem:$0x16C00] =	vst v63  }
0x91: {  	s17 =	sadd.s32 $0x1030, s7;
	s18 =	simm.s32 $0xE9D8  }
0x92: {  	[hbm4b:s17+s3] =	stream.linear.scatter [tilespmem:s18], [sflag:$0x9], $0x80, $0x38;
	[tilespmem:$0x16C00] =	vst v63  }
0x93: {  	s24 =	sadd.s32 $0x1040, s7;
	s31 =	simm.s32 $0xEA60  }
0x94: {  	[hbm4b:s24+s3] =	stream.linear.scatter [tilespmem:s31], [sflag:$0x9], $0x80, $0x38;
	[tilespmem:$0x16C00] =	vst v63  }
0x95: {  	s17 =	sadd.s32 $0x1050, s7;
	s18 =	simm.s32 $0xEAE8  }
0x96: {  	[hbm4b:s17+s3] =	stream.linear.scatter [tilespmem:s18], [sflag:$0x9], $0x80, $0x38;
	[tilespmem:$0x16C00] =	vst v63  }
0x97: {  	s24 =	sadd.s32 $0x1060, s7;
	s31 =	simm.s32 $0xEB70  }
0x98: {  	[hbm4b:s24+s3] =	stream.linear.scatter [tilespmem:s31], [sflag:$0x9], $0x80, $0x38;
	[tilespmem:$0x16C00] =	vst v63  }
0x99: {  	s17 =	sadd.s32 $0x1070, s7;
	s18 =	simm.s32 $0xEBF8  }
0x9a: {  	[hbm4b:s17+s3] =	stream.linear.scatter [tilespmem:s18], [sflag:$0x9], $0x80, $0x38;
	[tilespmem:$0x16C00] =	vst v63  }
0x9b: {  	s24 =	sadd.s32 $0x2000, s7;
	s31 =	simm.s32 $0xEC80  }
0x9c: {  	[hbm4b:s24+s3] =	stream.linear.scatter [tilespmem:s31], [sflag:$0x9], $0x80, $0x38;
	[tilespmem:$0x16C00] =	vst v63  }
0x9d: {  	s17 =	sadd.s32 $0x2010, s7;
	s18 =	simm.s32 $0xED08  }
0x9e: {  	[hbm4b:s17+s3] =	stream.linear.scatter [tilespmem:s18], [sflag:$0x9], $0x80, $0x38;
	[tilespmem:$0x16C00] =	vst v63  }
0x9f: {  	s24 =	sadd.s32 $0x2020, s7;
	s31 =	simm.s32 $0xED90  }
0xa0: {  	[hbm4b:s24+s3] =	stream.linear.scatter [tilespmem:s31], [sflag:$0x9], $0x80, $0x38;
	[tilespmem:$0x16C00] =	vst v63  }
0xa1: {  	s17 =	sadd.s32 $0x2030, s7;
	s18 =	simm.s32 $0xEE18  }
0xa2: {  	[hbm4b:s17+s3] =	stream.linear.scatter [tilespmem:s18], [sflag:$0x9], $0x80, $0x38;
	[tilespmem:$0x16C00] =	vst v63  }
0xa3: {  	s24 =	sadd.s32 $0x2040, s7;
	s31 =	simm.s32 $0xEEA0  }
0xa4: {  	[hbm4b:s24+s3] =	stream.linear.scatter [tilespmem:s31], [sflag:$0x9], $0x80, $0x38;
	[tilespmem:$0x16C00] =	vst v63  }
0xa5: {  	s17 =	sadd.s32 $0x2050, s7;
	s18 =	simm.s32 $0xEF28  }
0xa6: {  	[hbm4b:s17+s3] =	stream.linear.scatter [tilespmem:s18], [sflag:$0x9], $0x80, $0x38;
	[tilespmem:$0x16C00] =	vst v63  }
0xa7: {  	s24 =	sadd.s32 $0x2060, s7;
	s31 =	simm.s32 $0xEFB0  }
0xa8: {  	[hbm4b:s24+s3] =	stream.linear.scatter [tilespmem:s31], [sflag:$0x9], $0x80, $0x38;
	[tilespmem:$0x16C00] =	vst v63  }
0xa9: {  	s17 =	sadd.s32 $0x2070, s7;
	s18 =	simm.s32 $0xF038  }
0xaa: {  	[hbm4b:s17+s3] =	stream.linear.scatter [tilespmem:s18], [sflag:$0x9], $0x80, $0x38;
	[tilespmem:$0x16C00] =	vst v63  }
0xab: {  	s24 =	sadd.s32 $0x3000, s7;
	s31 =	simm.s32 $0xF0C0  }
0xac: {  	[hbm4b:s24+s3] =	stream.linear.scatter [tilespmem:s31], [sflag:$0x9], $0x80, $0x38;
	[tilespmem:$0x16C00] =	vst v63  }
0xad: {  	s17 =	sadd.s32 $0x3010, s7;
	s18 =	simm.s32 $0xF148  }
0xae: {  	[hbm4b:s17+s3] =	stream.linear.scatter [tilespmem:s18], [sflag:$0x9], $0x80, $0x38;
	[tilespmem:$0x16C00] =	vst v63  }
0xaf: {  	s24 =	sadd.s32 $0x3020, s7;
	s31 =	simm.s32 $0xF1D0  }
0xb0: {  	[hbm4b:s24+s3] =	stream.linear.scatter [tilespmem:s31], [sflag:$0x9], $0x80, $0x38;
	[tilespmem:$0x16C00] =	vst v63  }
0xb1: {  	s17 =	sadd.s32 $0x3030, s7;
	s18 =	simm.s32 $0xF258  }
0xb2: {  	[hbm4b:s17+s3] =	stream.linear.scatter [tilespmem:s18], [sflag:$0x9], $0x80, $0x38;
	[tilespmem:$0x16C00] =	vst v63  }
0xb3: {  	s24 =	sadd.s32 $0x3040, s7;
	s31 =	simm.s32 $0xF2E0  }
0xb4: {  	[hbm4b:s24+s3] =	stream.linear.scatter [tilespmem:s31], [sflag:$0x9], $0x80, $0x38;
	[tilespmem:$0x16C00] =	vst v63  }
0xb5: {  	s17 =	sadd.s32 $0x3050, s7;
	s18 =	simm.s32 $0xF368  }
0xb6: {  	[hbm4b:s17+s3] =	stream.linear.scatter [tilespmem:s18], [sflag:$0x9], $0x80, $0x38;
	[tilespmem:$0x16C00] =	vst v63  }
0xb7: {  	s24 =	sadd.s32 $0x3060, s7;
	s31 =	simm.s32 $0xF3F0  }
0xb8: {  	[hbm4b:s24+s3] =	stream.linear.scatter [tilespmem:s31], [sflag:$0x9], $0x80, $0x38;
	[tilespmem:$0x16C00] =	vst v63  }
0xb9: {  	s13 =	simm.s32 $0xF478;
	s7 =	sadd.s32 $0x3070, s7  }
0xba: {  	[hbm4b:s7+s3] =	stream.linear.scatter [tilespmem:s13], [sflag:$0x9], $0x80, $0x38;
	[tilespmem:$0x16C00] =	vst v63  }
0xbb: {  	s7 =	sor.u32 $0x4, s22  }
0xbc: {  	s18 =	simm.s32 $0xA400;
	s24 =	simm.s32 $0x0;
	s17 =	sshll.u32 s7, $0x7  }
0xbd: {  	s31 =	simm.s32 $0x1;
	v17 =	vmov s24;
	s24 =	simm.s32 $0x4;
	s9 =	sand.u32 $0x3FFFFF80, s17  }
0xbe: {  	[tilespmem:s18], [sflag:$0x5] =	stream.indirect.gather [hbm4b:s4+s11], $0x20, s9, s11, $0xb8;
	[tilespmem:$0x16C00] =	vst v63  }
0xbf: {  	v18 =	vmov s31;
	s31 =	simm.s32 $0x5;
	v17 =	vshrl.u32 v17, $0x3;
	v21 =	vmov s24;
	s18 =	simm.s32 $0x7;
	_ =	swait.ge [sflag:s12], $0x1000  }
0xc0: {  	s13 =	simm.s32 $0x3;
	v23 =	vmov s31;
	v18 =	vshrl.u32 v18, $0x3;
	s17 =	simm.s32 $0x2;
	v22 =	vmov s18;
	[sflag:s12] =	ssyncset.done $0x0  }
0xc1: {  	v20 =	vmov s13;
	v19 =	vmov s17;
	s17 =	simm.s32 @!p0 $0xA;
	v22 =	vshrl.u32 v22, $0x3;
	[sflag:s12] =	ssyncadd.s32 $0xFFFFF000  }
0xc2: {  	s13 =	simm.s32 $0x6;
	v17 =	vshll.u32 v17, v1;
	v18 =	vshll.u32 v18, v1;
	v22 =	vshll.u32 v22, v1;
	_ =	swait.ge @!p0 [sflag:s17], $0x1000  }
0xc3: {  	v24 =	vmov s13;
	v17 =	vbroadcast v17, $0x0;
	v25 =	vbroadcast v22, $0x0;
	[sflag:s17] =	ssyncset.done @!p0 $0x0  }
0xc4: {  	v20 =	vshrl.u32 v20, $0x3;
	v30 =	vbroadcast v18, $0x0;
	v19 =	vshrl.u32 v19, $0x3;
	s18 =	simm.s32 $0x74F0;
	[sflag:s17] =	ssyncadd.s32 @!p0 $0xFFFFF000  }
0xc5: {  	v28 =	vadd.s32 v0, v17;
	v18 =	vshll.u32 v19, v1;
	v26 =	vadd.s32 v15, v25;
	v19 =	vld [tilespmem:s18+$0xFFFFFFF0]  }
0xc6: {  	v58 =	vbroadcast v18, $0x0;
	v18 =	vshll.u32 v20, v1;
	v22 =	vshrl.u32 v21, $0x3;
	v27 =	vld [tilespmem:s18+$0xFFFFFF10]  }
0xc7: {  	v31 =	vadd.s32 v3, v30;
	v21 =	vbroadcast v18, $0x0;
	v18 =	vshll.u32 v22, v1;
	v29 =	vld [tilespmem:s18+$0xFFFFFF30]  }
0xc8: {  	v60 =	vadd.s32 v5, v58;
	v20 =	vbroadcast v18, $0x0;
	v18 =	vshrl.u32 v23, $0x3;
	v59 =	vld [tilespmem:s18+$0xFFFFFF50]  }
0xc9: {  	v62 =	vadd.s32 v7, v21;
	v23 =	vshrl.u32 v24, $0x3;
	v61 =	vld [tilespmem:s18+$0xFFFFFF70];
	v18 =	vshll.u32 v18, v1  }
0xca: {  	s24 =	simm.s32 $0x9;
	v63 =	vld [tilespmem:s18+$0xFFFFFF90];
	v41 =	vadd.s32 v9, v20;
	v22 =	vbroadcast v18, $0x0;
	v18 =	vshll.u32 v23, v1;
	[tilespmem:v26+s16+$0x0] =	vst.idx.msk $0xffff, v19  }
0xcb: {  	s31 =	simm.s32 $0xA;
	v37 =	vmov s24;
	v25 =	vadd.s32 v16, v25;
	v23 =	vbroadcast v18, $0x0;
	[tilespmem:v28+s16+$0x0] =	vst.idx.msk $0xffff, v27;
	v24 =	vld [tilespmem:s18+$0x0]  }
0xcc: {  	v38 =	vmov s31;
	v35 =	vadd.s32 v4, v30;
	s17 =	simm.s32 $0x8;
	[tilespmem:v31+s16+$0x0] =	vst.idx.msk $0xffff, v29;
	v26 =	vld [tilespmem:s18+$0xFFFFFFB0];
	v27 =	vadd.s32 v11, v22  }
0xcd: {  	s24 =	simm.s32 $0xD;
	s13 =	simm.s32 $0xB;
	v36 =	vadd.s32 v6, v58;
	v19 =	vmov s17;
	[tilespmem:v60+s16+$0x0] =	vst.idx.msk $0xffff, v59;
	v29 =	vld [tilespmem:s18+$0xFFFFFFD0];
	v31 =	vadd.s32 v13, v23  }
0xce: {  	s31 =	simm.s32 $0xE;
	v18 =	vmov s24;
	v28 =	vmov s13;
	s17 =	simm.s32 $0xC;
	[tilespmem:v62+s16+$0x0] =	vst.idx.msk $0xffff, v61;
	v19 =	vshrl.u32 v19, $0x3;
	v33 =	vld [tilespmem:s18+$0xFFFFFF40]  }
0xcf: {  	s9 =	simm.s32 $0x10;
	v32 =	vmov s17;
	s17 =	simm.s32 $0xF;
	v34 =	vld [tilespmem:s18+$0xFFFFFF60];
	[tilespmem:v41+s16+$0x0] =	vst.idx.msk $0xffff, v63;
	v30 =	vshll.u32 v19, v1;
	v19 =	vmov s31  }
.LBB2_5:
0xd0: {  	p1 =	slt.u32 s9, $0x78;
	v37 =	vshrl.u32 v37, $0x3;
	v39 =	vmov s17;
	v40 =	vld [tilespmem:s18+$0xFFFFFF80];
	v21 =	vadd.s32 v8, v21;
	[tilespmem:v25+s16+$0x0] =	vst.idx.msk $0xffff, v24  }
0xd1: {  	v24 =	vshrl.u32 v38, $0x3;
	v20 =	vadd.s32 v10, v20;
	v25 =	vshrl.u32 v39, $0x3;
	v38 =	vld [tilespmem:s18+$0xFFFFFFA0];
	[tilespmem:v27+s16+$0x0] =	vst.idx.msk $0xffff, v26  }
0xd2: {  	v22 =	vadd.s32 v12, v22;
	v26 =	vshrl.u32 v28, $0x3;
	v25 =	vshll.u32 v25, v1;
	v27 =	vld [tilespmem:s18+$0xFFFFFFC0];
	[tilespmem:v31+s16+$0x0] =	vst.idx.msk $0xffff, v29  }
0xd3: {  	v23 =	vadd.s32 v14, v23;
	v28 =	vshrl.u32 v32, $0x3;
	v25 =	vbroadcast v25, $0x0;
	[tilespmem:v35+s16+$0x0] =	vst.idx.msk $0xffff, v33;
	v29 =	vld [tilespmem:s18+$0xFFFFFFE0]  }
0xd4: {  	v31 =	vshll.u32 v37, v1;
	v33 =	vadd.s32 v2, v17;
	v17 =	vbroadcast v30, $0x0;
	v32 =	vld [tilespmem:s18+$0xFFFFFF20];
	[tilespmem:v36+s16+$0x0] =	vst.idx.msk $0xffff, v34;
	s18 =	sadd.s32 $0x100, s18  }
0xd5: {  	v24 =	vshll.u32 v24, v1;
	v30 =	vbroadcast v31, $0x0;
	v31 =	vld [tilespmem:s18+$0xFFFFFFF0];
	v34 =	vadd.s32 v15, v25;
	[tilespmem:v21+s16+$0x0] =	vst.idx.msk $0xffff, v40  }
0xd6: {  	v39 =	vbroadcast v24, $0x0;
	v36 =	vadd.s32 v0, v17;
	v21 =	vshll.u32 v26, v1;
	v35 =	vld [tilespmem:s18+$0xFFFFFF10];
	[tilespmem:v20+s16+$0x0] =	vst.idx.msk $0xffff, v38  }
0xd7: {  	v38 =	vadd.s32 v3, v30;
	v21 =	vbroadcast v21, $0x0;
	v20 =	vshll.u32 v28, v1;
	v26 =	vld [tilespmem:s18+$0xFFFFFF30];
	[tilespmem:v22+s16+$0x0] =	vst.idx.msk $0xffff, v27  }
0xd8: {  	v18 =	vshrl.u32 v18, $0x3;
	v41 =	vadd.s32 v5, v39;
	v20 =	vbroadcast v20, $0x0;
	v40 =	vld [tilespmem:s18+$0xFFFFFF50];
	[tilespmem:v23+s16+$0x0] =	vst.idx.msk $0xffff, v29  }
0xd9: {  	v19 =	vshrl.u32 v19, $0x3;
	v18 =	vshll.u32 v18, v1;
	v43 =	vadd.s32 v7, v21;
	v42 =	vld [tilespmem:s18+$0xFFFFFF70];
	[tilespmem:v33+s16+$0x0] =	vst.idx.msk $0xffff, v32  }
0xda: {  	v22 =	vbroadcast v18, $0x0;
	v18 =	vshll.u32 v19, v1;
	v45 =	vadd.s32 v9, v20;
	v44 =	vld [tilespmem:s18+$0xFFFFFF90];
	[tilespmem:v34+s16+$0x0] =	vst.idx.msk $0xffff, v31  }
.Ltmp3:
0xdb: {  	s17 =	sadd.s32 $0x1, s9;
	v25 =	vadd.s32 v16, v25;
	v19 =	vmov s9;
	v23 =	vbroadcast v18, $0x0;
	[tilespmem:v36+s16+$0x0] =	vst.idx.msk $0xffff, v35;
	v24 =	vld [tilespmem:s18+$0x0];
	(pc) =	sbr.rel @p1 .LBB2_5-.Ltmp3, $4  }
0xdc: {  	s24 =	sadd.s32 $0x3, s9;
	v37 =	vmov s17;
	s17 =	sadd.s32 $0x2, s9;
	v19 =	vshrl.u32 v19, $0x3;
	v27 =	vadd.s32 v11, v22;
	[tilespmem:v38+s16+$0x0] =	vst.idx.msk $0xffff, v26;
	v26 =	vld [tilespmem:s18+$0xFFFFFFB0]  }
0xdd: {  	v28 =	vmov s24;
	s24 =	sadd.s32 $0x5, s9;
	v31 =	vadd.s32 v13, v23;
	v38 =	vmov s17;
	s17 =	sadd.s32 $0x4, s9;
	[tilespmem:v41+s16+$0x0] =	vst.idx.msk $0xffff, v40;
	v29 =	vld [tilespmem:s18+$0xFFFFFFD0]  }
0xde: {  	v18 =	vmov s24;
	v35 =	vadd.s32 v4, v30;
	v32 =	vmov s17;
	s17 =	sadd.s32 $0x6, s9;
	v33 =	vld [tilespmem:s18+$0xFFFFFF40];
	[tilespmem:v43+s16+$0x0] =	vst.idx.msk $0xffff, v42  }
0xdf: {  	v30 =	vshll.u32 v19, v1;
	v36 =	vadd.s32 v6, v39;
	v19 =	vmov s17;
	s17 =	sadd.s32 $0x7, s9;
	s9 =	sadd.s32 $0x8, s9;
	v34 =	vld [tilespmem:s18+$0xFFFFFF60];
	[tilespmem:v45+s16+$0x0] =	vst.idx.msk $0xffff, v44  }
0xe0: {  	_ =	sdelay $0x2  }
0xe1: {  	v37 =	vshrl.u32 v37, $0x3  }
0xe2: {  	v39 =	vmov s17;
	v40 =	vld [tilespmem:s18+$0xFFFFFF80];
	v21 =	vadd.s32 v8, v21;
	[tilespmem:v25+s16+$0x0] =	vst.idx.msk $0xffff, v24;
	v20 =	vadd.s32 v10, v20  }
0xe3: {  	v49 =	vld [tilespmem:s18+$0xFFFFFFA0];
	v22 =	vadd.s32 v12, v22;
	v23 =	vadd.s32 v14, v23;
	v25 =	vshrl.u32 v39, $0x3;
	[tilespmem:v27+s16+$0x0] =	vst.idx.msk $0xffff, v26  }
0xe4: {  	v24 =	vshrl.u32 v38, $0x3;
	v50 =	vld [tilespmem:s18+$0xFFFFFF20];
	v17 =	vadd.s32 v2, v17;
	v25 =	vshll.u32 v25, v1;
	[tilespmem:v31+s16+$0x0] =	vst.idx.msk $0xffff, v29  }
0xe5: {  	v30 =	vbroadcast v30, $0x0;
	v27 =	vld [tilespmem:s18+$0xFFFFFFC0];
	v31 =	vshll.u32 v37, v1;
	v25 =	vbroadcast v25, $0x0;
	[tilespmem:v35+s16+$0x0] =	vst.idx.msk $0xffff, v33  }
0xe6: {  	s9 =	sadd.s32 $0x100, s18;
	v26 =	vshrl.u32 v28, $0x3;
	v28 =	vshrl.u32 v32, $0x3;
	v29 =	vld [tilespmem:s18+$0xFFFFFFE0];
	v31 =	vbroadcast v31, $0x0;
	[tilespmem:v36+s16+$0x0] =	vst.idx.msk $0xffff, v34  }
0xe7: {  	v18 =	vshrl.u32 v18, $0x3;
	v51 =	vld [tilespmem:s9+$0xFFFFFFF0];
	v28 =	vshll.u32 v28, v1;
	v52 =	vadd.s32 v15, v25;
	[tilespmem:v21+s16+$0x0] =	vst.idx.msk $0xffff, v40  }
0xe8: {  	v24 =	vshll.u32 v24, v1;
	v28 =	vbroadcast v28, $0x0;
	[tilespmem:v20+s16+$0x0] =	vst.idx.msk $0xffff, v49;
	v20 =	vld [tilespmem:s9+$0xFFFFFF30];
	v54 =	vadd.s32 v3, v31  }
0xe9: {  	v53 =	vadd.s32 v0, v30;
	v24 =	vbroadcast v24, $0x0;
	v26 =	vshll.u32 v26, v1;
	v21 =	vld [tilespmem:s9+$0xFFFFFF10];
	[tilespmem:v17+s16+$0x0] =	vst.idx.msk $0xffff, v50  }
0xea: {  	v18 =	vshll.u32 v18, v1;
	v26 =	vbroadcast v26, $0x0;
	v17 =	vld [tilespmem:s9+$0xFFFFFF90];
	v55 =	vadd.s32 v9, v28;
	[tilespmem:v22+s16+$0x0] =	vst.idx.msk $0xffff, v27  }
0xeb: {  	v18 =	vbroadcast v18, $0x0;
	v22 =	vld [tilespmem:s9+$0xFFFFFF50];
	v27 =	vadd.s32 v5, v24;
	[tilespmem:v23+s16+$0x0] =	vst.idx.msk $0xffff, v29  }
0xec: {  	v19 =	vshrl.u32 v19, $0x3;
	v23 =	vld [tilespmem:s9+$0xFFFFFF70];
	v29 =	vadd.s32 v7, v26;
	[tilespmem:v52+s16+$0x0] =	vst.idx.msk $0xffff, v51  }
0xed: {  	v19 =	vshll.u32 v19, v1;
	v56 =	vadd.s32 v11, v18;
	[tilespmem:v54+s16+$0x0] =	vst.idx.msk $0xffff, v20;
	v20 =	vld [tilespmem:s9+$0xFFFFFFB0]  }
0xee: {  	v19 =	vbroadcast v19, $0x0;
	v25 =	vadd.s32 v16, v25;
	[tilespmem:v53+s16+$0x0] =	vst.idx.msk $0xffff, v21;
	v21 =	vld [tilespmem:s9+$0x0]  }
0xef: {  	v31 =	vadd.s32 v4, v31;
	[tilespmem:v55+s16+$0x0] =	vst.idx.msk $0xffff, v17;
	v57 =	vld [tilespmem:s9+$0xFFFFFF40]  }
0xf0: {  	[tilespmem:v27+s16+$0x0] =	vst.idx.msk $0xffff, v22;
	v22 =	vld [tilespmem:s9+$0xFFFFFFD0];
	v27 =	vadd.s32 v13, v19  }
0xf1: {  	v24 =	vadd.s32 v6, v24;
	[tilespmem:v29+s16+$0x0] =	vst.idx.msk $0xffff, v23;
	v23 =	vld [tilespmem:s9+$0xFFFFFF60]  }
0xf2: {  	v26 =	vadd.s32 v8, v26;
	v17 =	vld [tilespmem:s9+$0xFFFFFF80];
	[tilespmem:v56+s16+$0x0] =	vst.idx.msk $0xffff, v20  }
0xf3: {  	[tilespmem:v25+s16+$0x0] =	vst.idx.msk $0xffff, v21;
	v21 =	vld [tilespmem:s9+$0xFFFFFFA0];
	v25 =	vadd.s32 v10, v28  }
0xf4: {  	v18 =	vadd.s32 v12, v18;
	v20 =	vld [tilespmem:s9+$0xFFFFFFC0];
	[tilespmem:v31+s16+$0x0] =	vst.idx.msk $0xffff, v57  }
0xf5: {  	v28 =	vadd.s32 v2, v30;
	[tilespmem:v27+s16+$0x0] =	vst.idx.msk $0xffff, v22;
	v27 =	vld [tilespmem:s9+$0xFFFFFF20]  }
0xf6: {  	v19 =	vadd.s32 v14, v19;
	v22 =	vld [tilespmem:s9+$0xFFFFFFE0];
	[tilespmem:v24+s16+$0x0] =	vst.idx.msk $0xffff, v23  }
0xf7: {  	[tilespmem:v26+s16+$0x0] =	vst.idx.msk $0xffff, v17  }
0xf8: {  	[tilespmem:v25+s16+$0x0] =	vst.idx.msk $0xffff, v21  }
0xf9: {  	[tilespmem:v18+s16+$0x0] =	vst.idx.msk $0xffff, v20  }
0xfa: {  	[tilespmem:v28+s16+$0x0] =	vst.idx.msk $0xffff, v27  }
0xfb: {  	[tilespmem:v19+s16+$0x0] =	vst.idx.msk $0xffff, v22  }
0xfc: {  	s18 =	rddreg [dreg:$0x5]  }
0xfd: {  	s9 =	sadd.s32 s8, s18  }
0xfe: {  	[hbm4b:s9+s3] =	stream.linear.scatter [tilespmem:s16], [sflag:$0xA], $0x80, $0x38;
	[tilespmem:$0x16C00] =	vst v63  }
0xff: {  	s13 =	simm.s32 $0xF588;
	s24 =	sadd.s32 $0x10, s9  }
0x100: {  	[hbm4b:s24+s3] =	stream.linear.scatter [tilespmem:s13], [sflag:$0xA], $0x80, $0x38;
	[tilespmem:$0x16C00] =	vst v63  }
0x101: {  	s18 =	sadd.s32 $0x20, s9;
	s24 =	simm.s32 $0xF610  }
0x102: {  	[hbm4b:s18+s3] =	stream.linear.scatter [tilespmem:s24], [sflag:$0xA], $0x80, $0x38;
	[tilespmem:$0x16C00] =	vst v63  }
0x103: {  	s18 =	sadd.s32 $0x30, s9;
	s24 =	simm.s32 $0xF698  }
0x104: {  	[hbm4b:s18+s3] =	stream.linear.scatter [tilespmem:s24], [sflag:$0xA], $0x80, $0x38;
	[tilespmem:$0x16C00] =	vst v63  }
0x105: {  	s18 =	sadd.s32 $0x40, s9;
	s24 =	simm.s32 $0xF720  }
0x106: {  	[hbm4b:s18+s3] =	stream.linear.scatter [tilespmem:s24], [sflag:$0xA], $0x80, $0x38;
	[tilespmem:$0x16C00] =	vst v63  }
0x107: {  	s18 =	sadd.s32 $0x50, s9;
	s24 =	simm.s32 $0xF7A8  }
0x108: {  	[hbm4b:s18+s3] =	stream.linear.scatter [tilespmem:s24], [sflag:$0xA], $0x80, $0x38;
	[tilespmem:$0x16C00] =	vst v63  }
0x109: {  	s18 =	sadd.s32 $0x60, s9;
	s24 =	simm.s32 $0xF830  }
0x10a: {  	[hbm4b:s18+s3] =	stream.linear.scatter [tilespmem:s24], [sflag:$0xA], $0x80, $0x38;
	[tilespmem:$0x16C00] =	vst v63  }
0x10b: {  	s18 =	sadd.s32 $0x70, s9;
	s24 =	simm.s32 $0xF8B8  }
0x10c: {  	[hbm4b:s18+s3] =	stream.linear.scatter [tilespmem:s24], [sflag:$0xA], $0x80, $0x38;
	[tilespmem:$0x16C00] =	vst v63  }
0x10d: {  	s18 =	sadd.s32 $0x1000, s9;
	s24 =	simm.s32 $0xF940  }
0x10e: {  	[hbm4b:s18+s3] =	stream.linear.scatter [tilespmem:s24], [sflag:$0xA], $0x80, $0x38;
	[tilespmem:$0x16C00] =	vst v63  }
0x10f: {  	s18 =	sadd.s32 $0x1010, s9;
	s24 =	simm.s32 $0xF9C8  }
0x110: {  	[hbm4b:s18+s3] =	stream.linear.scatter [tilespmem:s24], [sflag:$0xA], $0x80, $0x38;
	[tilespmem:$0x16C00] =	vst v63  }
0x111: {  	s18 =	sadd.s32 $0x1020, s9;
	s24 =	simm.s32 $0xFA50  }
0x112: {  	[hbm4b:s18+s3] =	stream.linear.scatter [tilespmem:s24], [sflag:$0xA], $0x80, $0x38;
	[tilespmem:$0x16C00] =	vst v63  }
0x113: {  	s18 =	sadd.s32 $0x1030, s9;
	s24 =	simm.s32 $0xFAD8  }
0x114: {  	[hbm4b:s18+s3] =	stream.linear.scatter [tilespmem:s24], [sflag:$0xA], $0x80, $0x38;
	[tilespmem:$0x16C00] =	vst v63  }
0x115: {  	s18 =	sadd.s32 $0x1040, s9;
	s24 =	simm.s32 $0xFB60  }
0x116: {  	[hbm4b:s18+s3] =	stream.linear.scatter [tilespmem:s24], [sflag:$0xA], $0x80, $0x38;
	[tilespmem:$0x16C00] =	vst v63  }
0x117: {  	s18 =	sadd.s32 $0x1050, s9;
	s24 =	simm.s32 $0xFBE8  }
0x118: {  	[hbm4b:s18+s3] =	stream.linear.scatter [tilespmem:s24], [sflag:$0xA], $0x80, $0x38;
	[tilespmem:$0x16C00] =	vst v63  }
0x119: {  	s18 =	sadd.s32 $0x1060, s9;
	s24 =	simm.s32 $0xFC70  }
0x11a: {  	[hbm4b:s18+s3] =	stream.linear.scatter [tilespmem:s24], [sflag:$0xA], $0x80, $0x38;
	[tilespmem:$0x16C00] =	vst v63  }
0x11b: {  	s18 =	sadd.s32 $0x1070, s9;
	s24 =	simm.s32 $0xFCF8  }
0x11c: {  	[hbm4b:s18+s3] =	stream.linear.scatter [tilespmem:s24], [sflag:$0xA], $0x80, $0x38;
	[tilespmem:$0x16C00] =	vst v63  }
0x11d: {  	s18 =	sadd.s32 $0x2000, s9;
	s24 =	simm.s32 $0xFD80  }
0x11e: {  	[hbm4b:s18+s3] =	stream.linear.scatter [tilespmem:s24], [sflag:$0xA], $0x80, $0x38;
	[tilespmem:$0x16C00] =	vst v63  }
0x11f: {  	s18 =	sadd.s32 $0x2010, s9;
	s24 =	simm.s32 $0xFE08  }
0x120: {  	[hbm4b:s18+s3] =	stream.linear.scatter [tilespmem:s24], [sflag:$0xA], $0x80, $0x38;
	[tilespmem:$0x16C00] =	vst v63  }
0x121: {  	s18 =	sadd.s32 $0x2020, s9;
	s24 =	simm.s32 $0xFE90  }
0x122: {  	[hbm4b:s18+s3] =	stream.linear.scatter [tilespmem:s24], [sflag:$0xA], $0x80, $0x38;
	[tilespmem:$0x16C00] =	vst v63  }
0x123: {  	s18 =	sadd.s32 $0x2030, s9;
	s24 =	simm.s32 $0xFF18  }
0x124: {  	[hbm4b:s18+s3] =	stream.linear.scatter [tilespmem:s24], [sflag:$0xA], $0x80, $0x38;
	[tilespmem:$0x16C00] =	vst v63  }
0x125: {  	s18 =	sadd.s32 $0x2040, s9;
	s24 =	simm.s32 $0xFFA0  }
0x126: {  	[hbm4b:s18+s3] =	stream.linear.scatter [tilespmem:s24], [sflag:$0xA], $0x80, $0x38;
	[tilespmem:$0x16C00] =	vst v63  }
0x127: {  	s18 =	sadd.s32 $0x2050, s9;
	s24 =	simm.s32 $0x10028  }
0x128: {  	[hbm4b:s18+s3] =	stream.linear.scatter [tilespmem:s24], [sflag:$0xA], $0x80, $0x38;
	[tilespmem:$0x16C00] =	vst v63  }
0x129: {  	s18 =	sadd.s32 $0x2060, s9;
	s24 =	simm.s32 $0x100B0  }
0x12a: {  	[hbm4b:s18+s3] =	stream.linear.scatter [tilespmem:s24], [sflag:$0xA], $0x80, $0x38;
	[tilespmem:$0x16C00] =	vst v63  }
0x12b: {  	s18 =	sadd.s32 $0x2070, s9;
	s24 =	simm.s32 $0x10138  }
0x12c: {  	[hbm4b:s18+s3] =	stream.linear.scatter [tilespmem:s24], [sflag:$0xA], $0x80, $0x38;
	[tilespmem:$0x16C00] =	vst v63  }
0x12d: {  	s18 =	sadd.s32 $0x3000, s9;
	s24 =	simm.s32 $0x101C0  }
0x12e: {  	[hbm4b:s18+s3] =	stream.linear.scatter [tilespmem:s24], [sflag:$0xA], $0x80, $0x38;
	[tilespmem:$0x16C00] =	vst v63  }
0x12f: {  	s18 =	sadd.s32 $0x3010, s9;
	s24 =	simm.s32 $0x10248  }
0x130: {  	[hbm4b:s18+s3] =	stream.linear.scatter [tilespmem:s24], [sflag:$0xA], $0x80, $0x38;
	[tilespmem:$0x16C00] =	vst v63  }
0x131: {  	s18 =	sadd.s32 $0x3020, s9;
	s24 =	simm.s32 $0x102D0  }
0x132: {  	[hbm4b:s18+s3] =	stream.linear.scatter [tilespmem:s24], [sflag:$0xA], $0x80, $0x38;
	[tilespmem:$0x16C00] =	vst v63  }
0x133: {  	s18 =	sadd.s32 $0x3030, s9;
	s24 =	simm.s32 $0x10358  }
0x134: {  	[hbm4b:s18+s3] =	stream.linear.scatter [tilespmem:s24], [sflag:$0xA], $0x80, $0x38;
	[tilespmem:$0x16C00] =	vst v63  }
0x135: {  	s18 =	sadd.s32 $0x3040, s9;
	s24 =	simm.s32 $0x103E0  }
0x136: {  	[hbm4b:s18+s3] =	stream.linear.scatter [tilespmem:s24], [sflag:$0xA], $0x80, $0x38;
	[tilespmem:$0x16C00] =	vst v63  }
0x137: {  	s18 =	sadd.s32 $0x3050, s9;
	s24 =	simm.s32 $0x10468  }
0x138: {  	[hbm4b:s18+s3] =	stream.linear.scatter [tilespmem:s24], [sflag:$0xA], $0x80, $0x38;
	[tilespmem:$0x16C00] =	vst v63  }
0x139: {  	s13 =	sadd.s32 $0x3060, s9;
	s18 =	simm.s32 $0x104F0  }
0x13a: {  	[hbm4b:s13+s3] =	stream.linear.scatter [tilespmem:s18], [sflag:$0xA], $0x80, $0x38;
	[tilespmem:$0x16C00] =	vst v63  }
0x13b: {  	s18 =	sor.u32 $0x5, s22  }
0x13c: {  	s9 =	sadd.s32 $0x3070, s9;
	s24 =	simm.s32 $0x10578;
	s17 =	sshll.u32 s18, $0x7  }
0x13d: {  	[hbm4b:s9+s3] =	stream.linear.scatter [tilespmem:s24], [sflag:$0xA], $0x80, $0x38;
	[tilespmem:$0x16C00] =	vst v63  }
0x13e: {  	s13 =	simm.s32 $0x0;
	s9 =	sand.u32 $0x3FFFFF80, s17;
	s24 =	simm.s32 $0xB400  }
0x13f: {  	[tilespmem:s24], [sflag:$0x6] =	stream.indirect.gather [hbm4b:s4+s11], $0x20, s9, s11, $0xb8;
	[tilespmem:$0x16C00] =	vst v63  }
0x140: {  	v17 =	vmov s13;
	s13 =	simm.s32 $0x3;
	s17 =	simm.s32 $0x1;
	s24 =	simm.s32 $0x2  }
0x141: {  	v17 =	vshrl.u32 v17, $0x3;
	v20 =	vmov s13;
	s13 =	simm.s32 $0x5;
	_ =	swait.ge [sflag:s28], $0x1000;
	v19 =	vmov s24;
	s24 =	simm.s32 $0x7  }
0x142: {  	v18 =	vmov s17;
	s17 =	simm.s32 $0x4;
	v23 =	vmov s13;
	[sflag:s28] =	ssyncset.done $0x0;
	v22 =	vmov s24  }
0x143: {  	v17 =	vshll.u32 v17, v1;
	v21 =	vmov s17;
	s17 =	simm.s32 @!p0 $0xB;
	[sflag:s28] =	ssyncadd.s32 $0xFFFFF000;
	v22 =	vshrl.u32 v22, $0x3  }
0x144: {  	v18 =	vshrl.u32 v18, $0x3;
	v17 =	vbroadcast v17, $0x0;
	_ =	swait.ge @!p0 [sflag:s17], $0x1000;
	v22 =	vshll.u32 v22, v1  }
0x145: {  	v20 =	vshrl.u32 v20, $0x3;
	v18 =	vshll.u32 v18, v1;
	[sflag:s17] =	ssyncset.done @!p0 $0x0;
	v25 =	vbroadcast v22, $0x0  }
0x146: {  	s31 =	simm.s32 $0x84F0;
	s24 =	simm.s32 $0x6;
	v19 =	vshrl.u32 v19, $0x3;
	v30 =	vbroadcast v18, $0x0;
	v28 =	vadd.s32 v0, v17;
	[sflag:s17] =	ssyncadd.s32 @!p0 $0xFFFFF000  }
0x147: {  	v24 =	vmov s24;
	v18 =	vshll.u32 v19, v1;
	v19 =	vld [tilespmem:s31+$0xFFFFFFF0];
	v26 =	vadd.s32 v15, v25  }
0x148: {  	v58 =	vbroadcast v18, $0x0;
	v18 =	vshll.u32 v20, v1;
	v22 =	vshrl.u32 v21, $0x3;
	v27 =	vld [tilespmem:s31+$0xFFFFFF10]  }
0x149: {  	v31 =	vadd.s32 v3, v30;
	v21 =	vbroadcast v18, $0x0;
	v18 =	vshll.u32 v22, v1;
	v29 =	vld [tilespmem:s31+$0xFFFFFF30]  }
0x14a: {  	v60 =	vadd.s32 v5, v58;
	v59 =	vld [tilespmem:s31+$0xFFFFFF50];
	v20 =	vbroadcast v18, $0x0;
	v18 =	vshrl.u32 v23, $0x3  }
0x14b: {  	v61 =	vld [tilespmem:s31+$0xFFFFFF70];
	v62 =	vadd.s32 v7, v21;
	v23 =	vshrl.u32 v24, $0x3;
	v18 =	vshll.u32 v18, v1  }
0x14c: {  	s24 =	simm.s32 $0xA;
	v63 =	vld [tilespmem:s31+$0xFFFFFF90];
	v41 =	vadd.s32 v9, v20;
	v22 =	vbroadcast v18, $0x0;
	v18 =	vshll.u32 v23, v1;
	[tilespmem:v26+s29+$0x0] =	vst.idx.msk $0xffff, v19  }
0x14d: {  	v38 =	vmov s24;
	s24 =	simm.s32 $0xC;
	v25 =	vadd.s32 v16, v25;
	v23 =	vbroadcast v18, $0x0;
	[tilespmem:v28+s29+$0x0] =	vst.idx.msk $0xffff, v27;
	v24 =	vld [tilespmem:s31+$0x0]  }
0x14e: {  	s13 =	simm.s32 $0x8;
	v35 =	vadd.s32 v4, v30;
	v32 =	vmov s24;
	[tilespmem:v31+s29+$0x0] =	vst.idx.msk $0xffff, v29;
	v26 =	vld [tilespmem:s31+$0xFFFFFFB0];
	v27 =	vadd.s32 v11, v22  }
0x14f: {  	s17 =	simm.s32 $0x9;
	v36 =	vadd.s32 v6, v58;
	v19 =	vmov s13;
	s13 =	simm.s32 $0xB;
	[tilespmem:v60+s29+$0x0] =	vst.idx.msk $0xffff, v59;
	v29 =	vld [tilespmem:s31+$0xFFFFFFD0];
	v31 =	vadd.s32 v13, v23  }
0x150: {  	s24 =	simm.s32 $0xE;
	v37 =	vmov s17;
	[tilespmem:v62+s29+$0x0] =	vst.idx.msk $0xffff, v61;
	v19 =	vshrl.u32 v19, $0x3;
	v28 =	vmov s13;
	s13 =	simm.s32 $0xD;
	v33 =	vld [tilespmem:s31+$0xFFFFFF40]  }
0x151: {  	s9 =	simm.s32 $0x10;
	s17 =	simm.s32 $0xF;
	v34 =	vld [tilespmem:s31+$0xFFFFFF60];
	v18 =	vmov s13;
	v30 =	vshll.u32 v19, v1;
	v19 =	vmov s24;
	[tilespmem:v41+s29+$0x0] =	vst.idx.msk $0xffff, v63  }
.LBB2_7:
0x152: {  	p1 =	slt.u32 s9, $0x78;
	v37 =	vshrl.u32 v37, $0x3;
	v39 =	vmov s17;
	v40 =	vld [tilespmem:s31+$0xFFFFFF80];
	v21 =	vadd.s32 v8, v21;
	[tilespmem:v25+s29+$0x0] =	vst.idx.msk $0xffff, v24  }
0x153: {  	v24 =	vshrl.u32 v38, $0x3;
	v20 =	vadd.s32 v10, v20;
	v25 =	vshrl.u32 v39, $0x3;
	v38 =	vld [tilespmem:s31+$0xFFFFFFA0];
	[tilespmem:v27+s29+$0x0] =	vst.idx.msk $0xffff, v26  }
0x154: {  	v22 =	vadd.s32 v12, v22;
	v26 =	vshrl.u32 v28, $0x3;
	v25 =	vshll.u32 v25, v1;
	v27 =	vld [tilespmem:s31+$0xFFFFFFC0];
	[tilespmem:v31+s29+$0x0] =	vst.idx.msk $0xffff, v29  }
0x155: {  	v23 =	vadd.s32 v14, v23;
	v28 =	vshrl.u32 v32, $0x3;
	v25 =	vbroadcast v25, $0x0;
	[tilespmem:v35+s29+$0x0] =	vst.idx.msk $0xffff, v33;
	v29 =	vld [tilespmem:s31+$0xFFFFFFE0]  }
0x156: {  	v31 =	vshll.u32 v37, v1;
	v33 =	vadd.s32 v2, v17;
	v17 =	vbroadcast v30, $0x0;
	v32 =	vld [tilespmem:s31+$0xFFFFFF20];
	[tilespmem:v36+s29+$0x0] =	vst.idx.msk $0xffff, v34;
	s31 =	sadd.s32 $0x100, s31  }
0x157: {  	v24 =	vshll.u32 v24, v1;
	v30 =	vbroadcast v31, $0x0;
	v31 =	vld [tilespmem:s31+$0xFFFFFFF0];
	v34 =	vadd.s32 v15, v25;
	[tilespmem:v21+s29+$0x0] =	vst.idx.msk $0xffff, v40  }
0x158: {  	v39 =	vbroadcast v24, $0x0;
	v36 =	vadd.s32 v0, v17;
	v21 =	vshll.u32 v26, v1;
	v35 =	vld [tilespmem:s31+$0xFFFFFF10];
	[tilespmem:v20+s29+$0x0] =	vst.idx.msk $0xffff, v38  }
0x159: {  	v38 =	vadd.s32 v3, v30;
	v21 =	vbroadcast v21, $0x0;
	v20 =	vshll.u32 v28, v1;
	v26 =	vld [tilespmem:s31+$0xFFFFFF30];
	[tilespmem:v22+s29+$0x0] =	vst.idx.msk $0xffff, v27  }
0x15a: {  	v18 =	vshrl.u32 v18, $0x3;
	v41 =	vadd.s32 v5, v39;
	v20 =	vbroadcast v20, $0x0;
	v40 =	vld [tilespmem:s31+$0xFFFFFF50];
	[tilespmem:v23+s29+$0x0] =	vst.idx.msk $0xffff, v29  }
0x15b: {  	v19 =	vshrl.u32 v19, $0x3;
	v18 =	vshll.u32 v18, v1;
	v43 =	vadd.s32 v7, v21;
	v42 =	vld [tilespmem:s31+$0xFFFFFF70];
	[tilespmem:v33+s29+$0x0] =	vst.idx.msk $0xffff, v32  }
0x15c: {  	v22 =	vbroadcast v18, $0x0;
	v18 =	vshll.u32 v19, v1;
	v45 =	vadd.s32 v9, v20;
	v44 =	vld [tilespmem:s31+$0xFFFFFF90];
	[tilespmem:v34+s29+$0x0] =	vst.idx.msk $0xffff, v31  }
.Ltmp4:
0x15d: {  	s17 =	sadd.s32 $0x1, s9;
	v25 =	vadd.s32 v16, v25;
	v19 =	vmov s9;
	v23 =	vbroadcast v18, $0x0;
	[tilespmem:v36+s29+$0x0] =	vst.idx.msk $0xffff, v35;
	v24 =	vld [tilespmem:s31+$0x0];
	(pc) =	sbr.rel @p1 .LBB2_7-.Ltmp4, $4  }
0x15e: {  	s24 =	sadd.s32 $0x3, s9;
	v37 =	vmov s17;
	s17 =	sadd.s32 $0x2, s9;
	v19 =	vshrl.u32 v19, $0x3;
	v27 =	vadd.s32 v11, v22;
	[tilespmem:v38+s29+$0x0] =	vst.idx.msk $0xffff, v26;
	v26 =	vld [tilespmem:s31+$0xFFFFFFB0]  }
0x15f: {  	v28 =	vmov s24;
	s24 =	sadd.s32 $0x5, s9;
	v31 =	vadd.s32 v13, v23;
	v38 =	vmov s17;
	s17 =	sadd.s32 $0x4, s9;
	[tilespmem:v41+s29+$0x0] =	vst.idx.msk $0xffff, v40;
	v29 =	vld [tilespmem:s31+$0xFFFFFFD0]  }
0x160: {  	v18 =	vmov s24;
	v35 =	vadd.s32 v4, v30;
	v32 =	vmov s17;
	s17 =	sadd.s32 $0x6, s9;
	v33 =	vld [tilespmem:s31+$0xFFFFFF40];
	[tilespmem:v43+s29+$0x0] =	vst.idx.msk $0xffff, v42  }
0x161: {  	v30 =	vshll.u32 v19, v1;
	v36 =	vadd.s32 v6, v39;
	v19 =	vmov s17;
	s17 =	sadd.s32 $0x7, s9;
	s9 =	sadd.s32 $0x8, s9;
	v34 =	vld [tilespmem:s31+$0xFFFFFF60];
	[tilespmem:v45+s29+$0x0] =	vst.idx.msk $0xffff, v44  }
0x162: {  	_ =	sdelay $0x2  }
0x163: {  	v37 =	vshrl.u32 v37, $0x3  }
0x164: {  	v39 =	vmov s17;
	v40 =	vld [tilespmem:s31+$0xFFFFFF80];
	v21 =	vadd.s32 v8, v21;
	[tilespmem:v25+s29+$0x0] =	vst.idx.msk $0xffff, v24;
	v20 =	vadd.s32 v10, v20  }
0x165: {  	v49 =	vld [tilespmem:s31+$0xFFFFFFA0];
	v22 =	vadd.s32 v12, v22;
	v23 =	vadd.s32 v14, v23;
	v25 =	vshrl.u32 v39, $0x3;
	[tilespmem:v27+s29+$0x0] =	vst.idx.msk $0xffff, v26  }
0x166: {  	v24 =	vshrl.u32 v38, $0x3;
	v50 =	vld [tilespmem:s31+$0xFFFFFF20];
	v17 =	vadd.s32 v2, v17;
	v25 =	vshll.u32 v25, v1;
	[tilespmem:v31+s29+$0x0] =	vst.idx.msk $0xffff, v29  }
0x167: {  	v30 =	vbroadcast v30, $0x0;
	v27 =	vld [tilespmem:s31+$0xFFFFFFC0];
	v31 =	vshll.u32 v37, v1;
	v25 =	vbroadcast v25, $0x0;
	[tilespmem:v35+s29+$0x0] =	vst.idx.msk $0xffff, v33  }
0x168: {  	s9 =	sadd.s32 $0x100, s31;
	v26 =	vshrl.u32 v28, $0x3;
	v28 =	vshrl.u32 v32, $0x3;
	v29 =	vld [tilespmem:s31+$0xFFFFFFE0];
	v31 =	vbroadcast v31, $0x0;
	[tilespmem:v36+s29+$0x0] =	vst.idx.msk $0xffff, v34  }
0x169: {  	v18 =	vshrl.u32 v18, $0x3;
	v51 =	vld [tilespmem:s9+$0xFFFFFFF0];
	v28 =	vshll.u32 v28, v1;
	v52 =	vadd.s32 v15, v25;
	[tilespmem:v21+s29+$0x0] =	vst.idx.msk $0xffff, v40  }
0x16a: {  	v24 =	vshll.u32 v24, v1;
	v28 =	vbroadcast v28, $0x0;
	[tilespmem:v20+s29+$0x0] =	vst.idx.msk $0xffff, v49;
	v20 =	vld [tilespmem:s9+$0xFFFFFF30];
	v54 =	vadd.s32 v3, v31  }
0x16b: {  	v53 =	vadd.s32 v0, v30;
	v24 =	vbroadcast v24, $0x0;
	v26 =	vshll.u32 v26, v1;
	v21 =	vld [tilespmem:s9+$0xFFFFFF10];
	[tilespmem:v17+s29+$0x0] =	vst.idx.msk $0xffff, v50  }
0x16c: {  	v18 =	vshll.u32 v18, v1;
	v26 =	vbroadcast v26, $0x0;
	v17 =	vld [tilespmem:s9+$0xFFFFFF90];
	v55 =	vadd.s32 v9, v28;
	[tilespmem:v22+s29+$0x0] =	vst.idx.msk $0xffff, v27  }
0x16d: {  	v18 =	vbroadcast v18, $0x0;
	v22 =	vld [tilespmem:s9+$0xFFFFFF50];
	v27 =	vadd.s32 v5, v24;
	[tilespmem:v23+s29+$0x0] =	vst.idx.msk $0xffff, v29  }
0x16e: {  	v19 =	vshrl.u32 v19, $0x3;
	v23 =	vld [tilespmem:s9+$0xFFFFFF70];
	v29 =	vadd.s32 v7, v26;
	[tilespmem:v52+s29+$0x0] =	vst.idx.msk $0xffff, v51  }
0x16f: {  	v19 =	vshll.u32 v19, v1;
	v56 =	vadd.s32 v11, v18;
	[tilespmem:v54+s29+$0x0] =	vst.idx.msk $0xffff, v20;
	v20 =	vld [tilespmem:s9+$0xFFFFFFB0]  }
0x170: {  	v19 =	vbroadcast v19, $0x0;
	v25 =	vadd.s32 v16, v25;
	[tilespmem:v53+s29+$0x0] =	vst.idx.msk $0xffff, v21;
	v21 =	vld [tilespmem:s9+$0x0]  }
0x171: {  	v31 =	vadd.s32 v4, v31;
	[tilespmem:v55+s29+$0x0] =	vst.idx.msk $0xffff, v17;
	v57 =	vld [tilespmem:s9+$0xFFFFFF40]  }
0x172: {  	[tilespmem:v27+s29+$0x0] =	vst.idx.msk $0xffff, v22;
	v22 =	vld [tilespmem:s9+$0xFFFFFFD0];
	v27 =	vadd.s32 v13, v19  }
0x173: {  	v24 =	vadd.s32 v6, v24;
	[tilespmem:v29+s29+$0x0] =	vst.idx.msk $0xffff, v23;
	v23 =	vld [tilespmem:s9+$0xFFFFFF60]  }
0x174: {  	v26 =	vadd.s32 v8, v26;
	v17 =	vld [tilespmem:s9+$0xFFFFFF80];
	[tilespmem:v56+s29+$0x0] =	vst.idx.msk $0xffff, v20  }
0x175: {  	[tilespmem:v25+s29+$0x0] =	vst.idx.msk $0xffff, v21;
	v21 =	vld [tilespmem:s9+$0xFFFFFFA0];
	v25 =	vadd.s32 v10, v28  }
0x176: {  	v18 =	vadd.s32 v12, v18;
	v20 =	vld [tilespmem:s9+$0xFFFFFFC0];
	[tilespmem:v31+s29+$0x0] =	vst.idx.msk $0xffff, v57  }
0x177: {  	v28 =	vadd.s32 v2, v30;
	[tilespmem:v27+s29+$0x0] =	vst.idx.msk $0xffff, v22;
	v27 =	vld [tilespmem:s9+$0xFFFFFF20]  }
0x178: {  	v19 =	vadd.s32 v14, v19;
	v22 =	vld [tilespmem:s9+$0xFFFFFFE0];
	[tilespmem:v24+s29+$0x0] =	vst.idx.msk $0xffff, v23  }
0x179: {  	[tilespmem:v26+s29+$0x0] =	vst.idx.msk $0xffff, v17  }
0x17a: {  	[tilespmem:v25+s29+$0x0] =	vst.idx.msk $0xffff, v21  }
0x17b: {  	[tilespmem:v18+s29+$0x0] =	vst.idx.msk $0xffff, v20  }
0x17c: {  	[tilespmem:v28+s29+$0x0] =	vst.idx.msk $0xffff, v27  }
0x17d: {  	[tilespmem:v19+s29+$0x0] =	vst.idx.msk $0xffff, v22  }
0x17e: {  	s17 =	rddreg [dreg:$0x6]  }
0x17f: {  	s9 =	sadd.s32 s8, s17  }
0x180: {  	[hbm4b:s9+s3] =	stream.linear.scatter [tilespmem:s29], [sflag:$0xB], $0x80, $0x38;
	[tilespmem:$0x16C00] =	vst v63  }
0x181: {  	s13 =	simm.s32 $0x10688;
	s24 =	sadd.s32 $0x10, s9  }
0x182: {  	[hbm4b:s24+s3] =	stream.linear.scatter [tilespmem:s13], [sflag:$0xB], $0x80, $0x38;
	[tilespmem:$0x16C00] =	vst v63  }
0x183: {  	s13 =	sadd.s32 $0x20, s9;
	s24 =	simm.s32 $0x10710  }
0x184: {  	[hbm4b:s13+s3] =	stream.linear.scatter [tilespmem:s24], [sflag:$0xB], $0x80, $0x38;
	[tilespmem:$0x16C00] =	vst v63  }
0x185: {  	s13 =	sadd.s32 $0x30, s9;
	s24 =	simm.s32 $0x10798  }
0x186: {  	[hbm4b:s13+s3] =	stream.linear.scatter [tilespmem:s24], [sflag:$0xB], $0x80, $0x38;
	[tilespmem:$0x16C00] =	vst v63  }
0x187: {  	s13 =	sadd.s32 $0x40, s9;
	s24 =	simm.s32 $0x10820  }
0x188: {  	[hbm4b:s13+s3] =	stream.linear.scatter [tilespmem:s24], [sflag:$0xB], $0x80, $0x38;
	[tilespmem:$0x16C00] =	vst v63  }
0x189: {  	s13 =	sadd.s32 $0x50, s9;
	s24 =	simm.s32 $0x108A8  }
0x18a: {  	[hbm4b:s13+s3] =	stream.linear.scatter [tilespmem:s24], [sflag:$0xB], $0x80, $0x38;
	[tilespmem:$0x16C00] =	vst v63  }
0x18b: {  	s13 =	sadd.s32 $0x60, s9;
	s24 =	simm.s32 $0x10930  }
0x18c: {  	[hbm4b:s13+s3] =	stream.linear.scatter [tilespmem:s24], [sflag:$0xB], $0x80, $0x38;
	[tilespmem:$0x16C00] =	vst v63  }
0x18d: {  	s13 =	sadd.s32 $0x70, s9;
	s24 =	simm.s32 $0x109B8  }
0x18e: {  	[hbm4b:s13+s3] =	stream.linear.scatter [tilespmem:s24], [sflag:$0xB], $0x80, $0x38;
	[tilespmem:$0x16C00] =	vst v63  }
0x18f: {  	s13 =	sadd.s32 $0x1000, s9;
	s24 =	simm.s32 $0x10A40  }
0x190: {  	[hbm4b:s13+s3] =	stream.linear.scatter [tilespmem:s24], [sflag:$0xB], $0x80, $0x38;
	[tilespmem:$0x16C00] =	vst v63  }
0x191: {  	s13 =	sadd.s32 $0x1010, s9;
	s24 =	simm.s32 $0x10AC8  }
0x192: {  	[hbm4b:s13+s3] =	stream.linear.scatter [tilespmem:s24], [sflag:$0xB], $0x80, $0x38;
	[tilespmem:$0x16C00] =	vst v63  }
0x193: {  	s13 =	sadd.s32 $0x1020, s9;
	s24 =	simm.s32 $0x10B50  }
0x194: {  	[hbm4b:s13+s3] =	stream.linear.scatter [tilespmem:s24], [sflag:$0xB], $0x80, $0x38;
	[tilespmem:$0x16C00] =	vst v63  }
0x195: {  	s13 =	sadd.s32 $0x1030, s9;
	s24 =	simm.s32 $0x10BD8  }
0x196: {  	[hbm4b:s13+s3] =	stream.linear.scatter [tilespmem:s24], [sflag:$0xB], $0x80, $0x38;
	[tilespmem:$0x16C00] =	vst v63  }
0x197: {  	s13 =	sadd.s32 $0x1040, s9;
	s24 =	simm.s32 $0x10C60  }
0x198: {  	[hbm4b:s13+s3] =	stream.linear.scatter [tilespmem:s24], [sflag:$0xB], $0x80, $0x38;
	[tilespmem:$0x16C00] =	vst v63  }
0x199: {  	s13 =	sadd.s32 $0x1050, s9;
	s24 =	simm.s32 $0x10CE8  }
0x19a: {  	[hbm4b:s13+s3] =	stream.linear.scatter [tilespmem:s24], [sflag:$0xB], $0x80, $0x38;
	[tilespmem:$0x16C00] =	vst v63  }
0x19b: {  	s13 =	sadd.s32 $0x1060, s9;
	s24 =	simm.s32 $0x10D70  }
0x19c: {  	[hbm4b:s13+s3] =	stream.linear.scatter [tilespmem:s24], [sflag:$0xB], $0x80, $0x38;
	[tilespmem:$0x16C00] =	vst v63  }
0x19d: {  	s13 =	sadd.s32 $0x1070, s9;
	s24 =	simm.s32 $0x10DF8  }
0x19e: {  	[hbm4b:s13+s3] =	stream.linear.scatter [tilespmem:s24], [sflag:$0xB], $0x80, $0x38;
	[tilespmem:$0x16C00] =	vst v63  }
0x19f: {  	s13 =	sadd.s32 $0x2000, s9;
	s24 =	simm.s32 $0x10E80  }
0x1a0: {  	[hbm4b:s13+s3] =	stream.linear.scatter [tilespmem:s24], [sflag:$0xB], $0x80, $0x38;
	[tilespmem:$0x16C00] =	vst v63  }
0x1a1: {  	s13 =	sadd.s32 $0x2010, s9;
	s24 =	simm.s32 $0x10F08  }
0x1a2: {  	[hbm4b:s13+s3] =	stream.linear.scatter [tilespmem:s24], [sflag:$0xB], $0x80, $0x38;
	[tilespmem:$0x16C00] =	vst v63  }
0x1a3: {  	s13 =	sadd.s32 $0x2020, s9;
	s24 =	simm.s32 $0x10F90  }
0x1a4: {  	[hbm4b:s13+s3] =	stream.linear.scatter [tilespmem:s24], [sflag:$0xB], $0x80, $0x38;
	[tilespmem:$0x16C00] =	vst v63  }
0x1a5: {  	s13 =	sadd.s32 $0x2030, s9;
	s24 =	simm.s32 $0x11018  }
0x1a6: {  	[hbm4b:s13+s3] =	stream.linear.scatter [tilespmem:s24], [sflag:$0xB], $0x80, $0x38;
	[tilespmem:$0x16C00] =	vst v63  }
0x1a7: {  	s13 =	sadd.s32 $0x2040, s9;
	s24 =	simm.s32 $0x110A0  }
0x1a8: {  	[hbm4b:s13+s3] =	stream.linear.scatter [tilespmem:s24], [sflag:$0xB], $0x80, $0x38;
	[tilespmem:$0x16C00] =	vst v63  }
0x1a9: {  	s13 =	sadd.s32 $0x2050, s9;
	s24 =	simm.s32 $0x11128  }
0x1aa: {  	[hbm4b:s13+s3] =	stream.linear.scatter [tilespmem:s24], [sflag:$0xB], $0x80, $0x38;
	[tilespmem:$0x16C00] =	vst v63  }
0x1ab: {  	s13 =	sadd.s32 $0x2060, s9;
	s24 =	simm.s32 $0x111B0  }
0x1ac: {  	[hbm4b:s13+s3] =	stream.linear.scatter [tilespmem:s24], [sflag:$0xB], $0x80, $0x38;
	[tilespmem:$0x16C00] =	vst v63  }
0x1ad: {  	s13 =	sadd.s32 $0x2070, s9;
	s24 =	simm.s32 $0x11238  }
0x1ae: {  	[hbm4b:s13+s3] =	stream.linear.scatter [tilespmem:s24], [sflag:$0xB], $0x80, $0x38;
	[tilespmem:$0x16C00] =	vst v63  }
0x1af: {  	s13 =	sadd.s32 $0x3000, s9;
	s24 =	simm.s32 $0x112C0  }
0x1b0: {  	[hbm4b:s13+s3] =	stream.linear.scatter [tilespmem:s24], [sflag:$0xB], $0x80, $0x38;
	[tilespmem:$0x16C00] =	vst v63  }
0x1b1: {  	s13 =	sadd.s32 $0x3010, s9;
	s24 =	simm.s32 $0x11348  }
0x1b2: {  	[hbm4b:s13+s3] =	stream.linear.scatter [tilespmem:s24], [sflag:$0xB], $0x80, $0x38;
	[tilespmem:$0x16C00] =	vst v63  }
0x1b3: {  	s13 =	sadd.s32 $0x3020, s9;
	s24 =	simm.s32 $0x113D0  }
0x1b4: {  	[hbm4b:s13+s3] =	stream.linear.scatter [tilespmem:s24], [sflag:$0xB], $0x80, $0x38;
	[tilespmem:$0x16C00] =	vst v63  }
0x1b5: {  	s13 =	sadd.s32 $0x3030, s9;
	s24 =	simm.s32 $0x11458  }
0x1b6: {  	[hbm4b:s13+s3] =	stream.linear.scatter [tilespmem:s24], [sflag:$0xB], $0x80, $0x38;
	[tilespmem:$0x16C00] =	vst v63  }
0x1b7: {  	s13 =	sadd.s32 $0x3040, s9;
	s24 =	simm.s32 $0x114E0  }
0x1b8: {  	[hbm4b:s13+s3] =	stream.linear.scatter [tilespmem:s24], [sflag:$0xB], $0x80, $0x38;
	[tilespmem:$0x16C00] =	vst v63  }
0x1b9: {  	s13 =	sadd.s32 $0x3050, s9;
	s24 =	simm.s32 $0x11568  }
0x1ba: {  	[hbm4b:s13+s3] =	stream.linear.scatter [tilespmem:s24], [sflag:$0xB], $0x80, $0x38;
	[tilespmem:$0x16C00] =	vst v63  }
0x1bb: {  	s31 =	sor.u32 $0x6, s22;
	s13 =	sadd.s32 $0x3060, s9;
	s24 =	simm.s32 $0x115F0  }
0x1bc: {  	[hbm4b:s13+s3] =	stream.linear.scatter [tilespmem:s24], [sflag:$0xB], $0x80, $0x38;
	[tilespmem:$0x16C00] =	vst v63  }
0x1bd: {  	s17 =	sshll.u32 s31, $0x7;
	s9 =	sadd.s32 $0x3070, s9;
	s24 =	simm.s32 $0x11678  }
0x1be: {  	[hbm4b:s9+s3] =	stream.linear.scatter [tilespmem:s24], [sflag:$0xB], $0x80, $0x38;
	[tilespmem:$0x16C00] =	vst v63  }
0x1bf: {  	s13 =	simm.s32 $0x0;
	s9 =	sand.u32 $0x3FFFFF80, s17;
	s24 =	simm.s32 $0xC400  }
0x1c0: {  	[tilespmem:s24], [sflag:$0x7] =	stream.indirect.gather [hbm4b:s4+s11], $0x20, s9, s11, $0xb8;
	[tilespmem:$0x16C00] =	vst v63  }
0x1c1: {  	v17 =	vmov s13;
	s13 =	simm.s32 $0x3;
	s17 =	simm.s32 $0x1;
	s24 =	simm.s32 $0x2  }
0x1c2: {  	v17 =	vshrl.u32 v17, $0x3;
	v20 =	vmov s13;
	s13 =	simm.s32 $0x5;
	_ =	swait.ge [sflag:s25], $0x1000;
	v19 =	vmov s24;
	s24 =	simm.s32 $0x7  }
0x1c3: {  	v18 =	vmov s17;
	s17 =	simm.s32 $0x4;
	v23 =	vmov s13;
	[sflag:s25] =	ssyncset.done $0x0;
	v22 =	vmov s24  }
0x1c4: {  	v17 =	vshll.u32 v17, v1;
	v21 =	vmov s17;
	s17 =	simm.s32 @!p0 $0xC;
	[sflag:s25] =	ssyncadd.s32 $0xFFFFF000;
	v22 =	vshrl.u32 v22, $0x3  }
0x1c5: {  	v20 =	vshrl.u32 v20, $0x3;
	v18 =	vshrl.u32 v18, $0x3;
	_ =	swait.ge @!p0 [sflag:s17], $0x1000;
	v22 =	vshll.u32 v22, v1  }
0x1c6: {  	s13 =	simm.s32 $0x6;
	v17 =	vbroadcast v17, $0x0;
	v18 =	vshll.u32 v18, v1;
	[sflag:s17] =	ssyncset.done @!p0 $0x0;
	v25 =	vbroadcast v22, $0x0  }
0x1c7: {  	v24 =	vmov s13;
	s9 =	simm.s32 $0x94F0;
	v19 =	vshrl.u32 v19, $0x3;
	v30 =	vbroadcast v18, $0x0;
	[sflag:s17] =	ssyncadd.s32 @!p0 $0xFFFFF000  }
0x1c8: {  	v28 =	vadd.s32 v0, v17;
	v18 =	vshll.u32 v19, v1;
	v19 =	vld [tilespmem:s9+$0xFFFFFFF0];
	v26 =	vadd.s32 v15, v25  }
0x1c9: {  	v58 =	vbroadcast v18, $0x0;
	v18 =	vshll.u32 v20, v1;
	v22 =	vshrl.u32 v21, $0x3;
	v27 =	vld [tilespmem:s9+$0xFFFFFF10]  }
0x1ca: {  	v31 =	vadd.s32 v3, v30;
	v21 =	vbroadcast v18, $0x0;
	v18 =	vshll.u32 v22, v1;
	v29 =	vld [tilespmem:s9+$0xFFFFFF30]  }
0x1cb: {  	v60 =	vadd.s32 v5, v58;
	v59 =	vld [tilespmem:s9+$0xFFFFFF50];
	v20 =	vbroadcast v18, $0x0;
	v18 =	vshrl.u32 v23, $0x3  }
0x1cc: {  	v61 =	vld [tilespmem:s9+$0xFFFFFF70];
	v62 =	vadd.s32 v7, v21;
	v23 =	vshrl.u32 v24, $0x3;
	v18 =	vshll.u32 v18, v1  }
0x1cd: {  	s13 =	simm.s32 $0x9;
	v63 =	vld [tilespmem:s9+$0xFFFFFF90];
	v41 =	vadd.s32 v9, v20;
	v22 =	vbroadcast v18, $0x0;
	v18 =	vshll.u32 v23, v1;
	[tilespmem:v26+s26+$0x0] =	vst.idx.msk $0xffff, v19  }
0x1ce: {  	v37 =	vmov s13;
	s24 =	simm.s32 $0x8;
	v25 =	vadd.s32 v16, v25;
	v23 =	vbroadcast v18, $0x0;
	[tilespmem:v28+s26+$0x0] =	vst.idx.msk $0xffff, v27;
	v24 =	vld [tilespmem:s9+$0x0]  }
0x1cf: {  	v35 =	vadd.s32 v4, v30;
	v19 =	vmov s24;
	s24 =	simm.s32 $0xA;
	[tilespmem:v31+s26+$0x0] =	vst.idx.msk $0xffff, v29;
	v26 =	vld [tilespmem:s9+$0xFFFFFFB0];
	v27 =	vadd.s32 v11, v22  }
0x1d0: {  	s13 =	simm.s32 $0xB;
	v36 =	vadd.s32 v6, v58;
	[tilespmem:v60+s26+$0x0] =	vst.idx.msk $0xffff, v59;
	v29 =	vld [tilespmem:s9+$0xFFFFFFD0];
	v31 =	vadd.s32 v13, v23;
	v38 =	vmov s24;
	s24 =	simm.s32 $0xC  }
0x1d1: {  	v28 =	vmov s13;
	s13 =	simm.s32 $0xD;
	[tilespmem:v62+s26+$0x0] =	vst.idx.msk $0xffff, v61;
	v19 =	vshrl.u32 v19, $0x3;
	v33 =	vld [tilespmem:s9+$0xFFFFFF40];
	v32 =	vmov s24;
	s24 =	simm.s32 $0xE  }
0x1d2: {  	s17 =	simm.s32 $0x10;
	v18 =	vmov s13;
	v34 =	vld [tilespmem:s9+$0xFFFFFF60];
	v30 =	vshll.u32 v19, v1;
	[tilespmem:v41+s26+$0x0] =	vst.idx.msk $0xffff, v63;
	v19 =	vmov s24;
	s24 =	simm.s32 $0xF  }
.LBB2_9:
0x1d3: {  	p1 =	slt.u32 s17, $0x78;
	v37 =	vshrl.u32 v37, $0x3;
	v39 =	vmov s24;
	v40 =	vld [tilespmem:s9+$0xFFFFFF80];
	v21 =	vadd.s32 v8, v21;
	[tilespmem:v25+s26+$0x0] =	vst.idx.msk $0xffff, v24  }
0x1d4: {  	v24 =	vshrl.u32 v38, $0x3;
	v20 =	vadd.s32 v10, v20;
	v25 =	vshrl.u32 v39, $0x3;
	v38 =	vld [tilespmem:s9+$0xFFFFFFA0];
	[tilespmem:v27+s26+$0x0] =	vst.idx.msk $0xffff, v26  }
0x1d5: {  	v22 =	vadd.s32 v12, v22;
	v26 =	vshrl.u32 v28, $0x3;
	v25 =	vshll.u32 v25, v1;
	v27 =	vld [tilespmem:s9+$0xFFFFFFC0];
	[tilespmem:v31+s26+$0x0] =	vst.idx.msk $0xffff, v29  }
0x1d6: {  	v23 =	vadd.s32 v14, v23;
	v28 =	vshrl.u32 v32, $0x3;
	v25 =	vbroadcast v25, $0x0;
	[tilespmem:v35+s26+$0x0] =	vst.idx.msk $0xffff, v33;
	v29 =	vld [tilespmem:s9+$0xFFFFFFE0]  }
0x1d7: {  	v31 =	vshll.u32 v37, v1;
	v33 =	vadd.s32 v2, v17;
	v17 =	vbroadcast v30, $0x0;
	v32 =	vld [tilespmem:s9+$0xFFFFFF20];
	[tilespmem:v36+s26+$0x0] =	vst.idx.msk $0xffff, v34;
	s9 =	sadd.s32 $0x100, s9  }
0x1d8: {  	v24 =	vshll.u32 v24, v1;
	v30 =	vbroadcast v31, $0x0;
	v31 =	vld [tilespmem:s9+$0xFFFFFFF0];
	v34 =	vadd.s32 v15, v25;
	[tilespmem:v21+s26+$0x0] =	vst.idx.msk $0xffff, v40  }
0x1d9: {  	v39 =	vbroadcast v24, $0x0;
	v36 =	vadd.s32 v0, v17;
	v21 =	vshll.u32 v26, v1;
	v35 =	vld [tilespmem:s9+$0xFFFFFF10];
	[tilespmem:v20+s26+$0x0] =	vst.idx.msk $0xffff, v38  }
0x1da: {  	v38 =	vadd.s32 v3, v30;
	v21 =	vbroadcast v21, $0x0;
	v20 =	vshll.u32 v28, v1;
	v26 =	vld [tilespmem:s9+$0xFFFFFF30];
	[tilespmem:v22+s26+$0x0] =	vst.idx.msk $0xffff, v27  }
0x1db: {  	v18 =	vshrl.u32 v18, $0x3;
	v41 =	vadd.s32 v5, v39;
	v20 =	vbroadcast v20, $0x0;
	v40 =	vld [tilespmem:s9+$0xFFFFFF50];
	[tilespmem:v23+s26+$0x0] =	vst.idx.msk $0xffff, v29  }
0x1dc: {  	v19 =	vshrl.u32 v19, $0x3;
	v18 =	vshll.u32 v18, v1;
	v43 =	vadd.s32 v7, v21;
	v42 =	vld [tilespmem:s9+$0xFFFFFF70];
	[tilespmem:v33+s26+$0x0] =	vst.idx.msk $0xffff, v32  }
0x1dd: {  	v22 =	vbroadcast v18, $0x0;
	v18 =	vshll.u32 v19, v1;
	v45 =	vadd.s32 v9, v20;
	v44 =	vld [tilespmem:s9+$0xFFFFFF90];
	[tilespmem:v34+s26+$0x0] =	vst.idx.msk $0xffff, v31  }
.Ltmp5:
0x1de: {  	s24 =	sadd.s32 $0x1, s17;
	v25 =	vadd.s32 v16, v25;
	v19 =	vmov s17;
	v23 =	vbroadcast v18, $0x0;
	[tilespmem:v36+s26+$0x0] =	vst.idx.msk $0xffff, v35;
	v24 =	vld [tilespmem:s9+$0x0];
	(pc) =	sbr.rel @p1 .LBB2_9-.Ltmp5, $4  }
0x1df: {  	s13 =	sadd.s32 $0x3, s17;
	v37 =	vmov s24;
	s24 =	sadd.s32 $0x2, s17;
	v19 =	vshrl.u32 v19, $0x3;
	v27 =	vadd.s32 v11, v22;
	[tilespmem:v38+s26+$0x0] =	vst.idx.msk $0xffff, v26;
	v26 =	vld [tilespmem:s9+$0xFFFFFFB0]  }
0x1e0: {  	v28 =	vmov s13;
	s13 =	sadd.s32 $0x4, s17;
	v31 =	vadd.s32 v13, v23;
	v38 =	vmov s24;
	s24 =	sadd.s32 $0x5, s17;
	[tilespmem:v41+s26+$0x0] =	vst.idx.msk $0xffff, v40;
	v29 =	vld [tilespmem:s9+$0xFFFFFFD0]  }
0x1e1: {  	v32 =	vmov s13;
	s13 =	sadd.s32 $0x6, s17;
	v35 =	vadd.s32 v4, v30;
	v18 =	vmov s24;
	v33 =	vld [tilespmem:s9+$0xFFFFFF40];
	[tilespmem:v43+s26+$0x0] =	vst.idx.msk $0xffff, v42  }
0x1e2: {  	v30 =	vshll.u32 v19, v1;
	v19 =	vmov s13;
	v36 =	vadd.s32 v6, v39;
	s24 =	sadd.s32 $0x7, s17;
	s17 =	sadd.s32 $0x8, s17;
	v34 =	vld [tilespmem:s9+$0xFFFFFF60];
	[tilespmem:v45+s26+$0x0] =	vst.idx.msk $0xffff, v44  }
0x1e3: {  	_ =	sdelay $0x2  }
0x1e4: {  	v37 =	vshrl.u32 v37, $0x3  }
0x1e5: {  	v39 =	vmov s24;
	v40 =	vld [tilespmem:s9+$0xFFFFFF80];
	v21 =	vadd.s32 v8, v21;
	[tilespmem:v25+s26+$0x0] =	vst.idx.msk $0xffff, v24;
	v20 =	vadd.s32 v10, v20  }
0x1e6: {  	v49 =	vld [tilespmem:s9+$0xFFFFFFA0];
	v22 =	vadd.s32 v12, v22;
	v23 =	vadd.s32 v14, v23;
	v25 =	vshrl.u32 v39, $0x3;
	[tilespmem:v27+s26+$0x0] =	vst.idx.msk $0xffff, v26  }
0x1e7: {  	v24 =	vshrl.u32 v38, $0x3;
	v50 =	vld [tilespmem:s9+$0xFFFFFF20];
	v17 =	vadd.s32 v2, v17;
	v25 =	vshll.u32 v25, v1;
	[tilespmem:v31+s26+$0x0] =	vst.idx.msk $0xffff, v29  }
0x1e8: {  	v30 =	vbroadcast v30, $0x0;
	v27 =	vld [tilespmem:s9+$0xFFFFFFC0];
	v31 =	vshll.u32 v37, v1;
	v25 =	vbroadcast v25, $0x0;
	[tilespmem:v35+s26+$0x0] =	vst.idx.msk $0xffff, v33  }
0x1e9: {  	s24 =	sadd.s32 $0x100, s9;
	v26 =	vshrl.u32 v28, $0x3;
	v28 =	vshrl.u32 v32, $0x3;
	v29 =	vld [tilespmem:s9+$0xFFFFFFE0];
	v31 =	vbroadcast v31, $0x0;
	[tilespmem:v36+s26+$0x0] =	vst.idx.msk $0xffff, v34  }
0x1ea: {  	v18 =	vshrl.u32 v18, $0x3;
	v51 =	vld [tilespmem:s24+$0xFFFFFFF0];
	v28 =	vshll.u32 v28, v1;
	v52 =	vadd.s32 v15, v25;
	[tilespmem:v21+s26+$0x0] =	vst.idx.msk $0xffff, v40  }
0x1eb: {  	v24 =	vshll.u32 v24, v1;
	v28 =	vbroadcast v28, $0x0;
	[tilespmem:v20+s26+$0x0] =	vst.idx.msk $0xffff, v49;
	v20 =	vld [tilespmem:s24+$0xFFFFFF30];
	v54 =	vadd.s32 v3, v31  }
0x1ec: {  	v53 =	vadd.s32 v0, v30;
	v24 =	vbroadcast v24, $0x0;
	v26 =	vshll.u32 v26, v1;
	v21 =	vld [tilespmem:s24+$0xFFFFFF10];
	[tilespmem:v17+s26+$0x0] =	vst.idx.msk $0xffff, v50  }
0x1ed: {  	v18 =	vshll.u32 v18, v1;
	v26 =	vbroadcast v26, $0x0;
	v17 =	vld [tilespmem:s24+$0xFFFFFF90];
	v55 =	vadd.s32 v9, v28;
	[tilespmem:v22+s26+$0x0] =	vst.idx.msk $0xffff, v27  }
0x1ee: {  	v18 =	vbroadcast v18, $0x0;
	v22 =	vld [tilespmem:s24+$0xFFFFFF50];
	v27 =	vadd.s32 v5, v24;
	[tilespmem:v23+s26+$0x0] =	vst.idx.msk $0xffff, v29  }
0x1ef: {  	v19 =	vshrl.u32 v19, $0x3;
	v23 =	vld [tilespmem:s24+$0xFFFFFF70];
	v29 =	vadd.s32 v7, v26;
	[tilespmem:v52+s26+$0x0] =	vst.idx.msk $0xffff, v51  }
0x1f0: {  	v19 =	vshll.u32 v19, v1;
	v56 =	vadd.s32 v11, v18;
	[tilespmem:v54+s26+$0x0] =	vst.idx.msk $0xffff, v20;
	v20 =	vld [tilespmem:s24+$0xFFFFFFB0]  }
0x1f1: {  	v19 =	vbroadcast v19, $0x0;
	v25 =	vadd.s32 v16, v25;
	[tilespmem:v53+s26+$0x0] =	vst.idx.msk $0xffff, v21;
	v21 =	vld [tilespmem:s24+$0x0]  }
0x1f2: {  	v31 =	vadd.s32 v4, v31;
	[tilespmem:v55+s26+$0x0] =	vst.idx.msk $0xffff, v17;
	v57 =	vld [tilespmem:s24+$0xFFFFFF40]  }
0x1f3: {  	[tilespmem:v27+s26+$0x0] =	vst.idx.msk $0xffff, v22;
	v22 =	vld [tilespmem:s24+$0xFFFFFFD0];
	v27 =	vadd.s32 v13, v19  }
0x1f4: {  	v24 =	vadd.s32 v6, v24;
	[tilespmem:v29+s26+$0x0] =	vst.idx.msk $0xffff, v23;
	v23 =	vld [tilespmem:s24+$0xFFFFFF60]  }
0x1f5: {  	v26 =	vadd.s32 v8, v26;
	v17 =	vld [tilespmem:s24+$0xFFFFFF80];
	[tilespmem:v56+s26+$0x0] =	vst.idx.msk $0xffff, v20  }
0x1f6: {  	[tilespmem:v25+s26+$0x0] =	vst.idx.msk $0xffff, v21;
	v21 =	vld [tilespmem:s24+$0xFFFFFFA0];
	v25 =	vadd.s32 v10, v28  }
0x1f7: {  	v18 =	vadd.s32 v12, v18;
	v20 =	vld [tilespmem:s24+$0xFFFFFFC0];
	[tilespmem:v31+s26+$0x0] =	vst.idx.msk $0xffff, v57  }
0x1f8: {  	v28 =	vadd.s32 v2, v30;
	[tilespmem:v27+s26+$0x0] =	vst.idx.msk $0xffff, v22;
	v27 =	vld [tilespmem:s24+$0xFFFFFF20]  }
0x1f9: {  	v19 =	vadd.s32 v14, v19;
	v22 =	vld [tilespmem:s24+$0xFFFFFFE0];
	[tilespmem:v24+s26+$0x0] =	vst.idx.msk $0xffff, v23  }
0x1fa: {  	[tilespmem:v26+s26+$0x0] =	vst.idx.msk $0xffff, v17  }
0x1fb: {  	[tilespmem:v25+s26+$0x0] =	vst.idx.msk $0xffff, v21  }
0x1fc: {  	[tilespmem:v18+s26+$0x0] =	vst.idx.msk $0xffff, v20  }
0x1fd: {  	[tilespmem:v28+s26+$0x0] =	vst.idx.msk $0xffff, v27  }
0x1fe: {  	[tilespmem:v19+s26+$0x0] =	vst.idx.msk $0xffff, v22  }
0x1ff: {  	s13 =	rddreg [dreg:$0x7]  }
0x200: {  	s8 =	sadd.s32 s8, s13  }
0x201: {  	[hbm4b:s8+s3] =	stream.linear.scatter [tilespmem:s26], [sflag:$0xC], $0x80, $0x38;
	[tilespmem:$0x16C00] =	vst v63  }
0x202: {  	s13 =	simm.s32 $0x11788;
	s9 =	sadd.s32 $0x10, s8  }
0x203: {  	[hbm4b:s9+s3] =	stream.linear.scatter [tilespmem:s13], [sflag:$0xC], $0x80, $0x38;
	[tilespmem:$0x16C00] =	vst v63  }
0x204: {  	s24 =	simm.s32 $0x11810;
	s17 =	sadd.s32 $0x20, s8  }
0x205: {  	[hbm4b:s17+s3] =	stream.linear.scatter [tilespmem:s24], [sflag:$0xC], $0x80, $0x38;
	[tilespmem:$0x16C00] =	vst v63  }
0x206: {  	s17 =	sadd.s32 $0x30, s8;
	s24 =	simm.s32 $0x11898  }
0x207: {  	[hbm4b:s17+s3] =	stream.linear.scatter [tilespmem:s24], [sflag:$0xC], $0x80, $0x38;
	[tilespmem:$0x16C00] =	vst v63  }
0x208: {  	s17 =	sadd.s32 $0x40, s8;
	s24 =	simm.s32 $0x11920  }
0x209: {  	[hbm4b:s17+s3] =	stream.linear.scatter [tilespmem:s24], [sflag:$0xC], $0x80, $0x38;
	[tilespmem:$0x16C00] =	vst v63  }
0x20a: {  	s17 =	sadd.s32 $0x50, s8;
	s24 =	simm.s32 $0x119A8  }
0x20b: {  	[hbm4b:s17+s3] =	stream.linear.scatter [tilespmem:s24], [sflag:$0xC], $0x80, $0x38;
	[tilespmem:$0x16C00] =	vst v63  }
0x20c: {  	s17 =	sadd.s32 $0x60, s8;
	s24 =	simm.s32 $0x11A30  }
0x20d: {  	[hbm4b:s17+s3] =	stream.linear.scatter [tilespmem:s24], [sflag:$0xC], $0x80, $0x38;
	[tilespmem:$0x16C00] =	vst v63  }
0x20e: {  	s17 =	sadd.s32 $0x70, s8;
	s24 =	simm.s32 $0x11AB8  }
0x20f: {  	[hbm4b:s17+s3] =	stream.linear.scatter [tilespmem:s24], [sflag:$0xC], $0x80, $0x38;
	[tilespmem:$0x16C00] =	vst v63  }
0x210: {  	s17 =	sadd.s32 $0x1000, s8;
	s24 =	simm.s32 $0x11B40  }
0x211: {  	[hbm4b:s17+s3] =	stream.linear.scatter [tilespmem:s24], [sflag:$0xC], $0x80, $0x38;
	[tilespmem:$0x16C00] =	vst v63  }
0x212: {  	s17 =	sadd.s32 $0x1010, s8;
	s24 =	simm.s32 $0x11BC8  }
0x213: {  	[hbm4b:s17+s3] =	stream.linear.scatter [tilespmem:s24], [sflag:$0xC], $0x80, $0x38;
	[tilespmem:$0x16C00] =	vst v63  }
0x214: {  	s17 =	sadd.s32 $0x1020, s8;
	s24 =	simm.s32 $0x11C50  }
0x215: {  	[hbm4b:s17+s3] =	stream.linear.scatter [tilespmem:s24], [sflag:$0xC], $0x80, $0x38;
	[tilespmem:$0x16C00] =	vst v63  }
0x216: {  	s17 =	sadd.s32 $0x1030, s8;
	s24 =	simm.s32 $0x11CD8  }
0x217: {  	[hbm4b:s17+s3] =	stream.linear.scatter [tilespmem:s24], [sflag:$0xC], $0x80, $0x38;
	[tilespmem:$0x16C00] =	vst v63  }
0x218: {  	s17 =	sadd.s32 $0x1040, s8;
	s24 =	simm.s32 $0x11D60  }
0x219: {  	[hbm4b:s17+s3] =	stream.linear.scatter [tilespmem:s24], [sflag:$0xC], $0x80, $0x38;
	[tilespmem:$0x16C00] =	vst v63  }
0x21a: {  	s17 =	sadd.s32 $0x1050, s8;
	s24 =	simm.s32 $0x11DE8  }
0x21b: {  	[hbm4b:s17+s3] =	stream.linear.scatter [tilespmem:s24], [sflag:$0xC], $0x80, $0x38;
	[tilespmem:$0x16C00] =	vst v63  }
0x21c: {  	s17 =	sadd.s32 $0x1060, s8;
	s24 =	simm.s32 $0x11E70  }
0x21d: {  	[hbm4b:s17+s3] =	stream.linear.scatter [tilespmem:s24], [sflag:$0xC], $0x80, $0x38;
	[tilespmem:$0x16C00] =	vst v63  }
0x21e: {  	s17 =	sadd.s32 $0x1070, s8;
	s24 =	simm.s32 $0x11EF8  }
0x21f: {  	[hbm4b:s17+s3] =	stream.linear.scatter [tilespmem:s24], [sflag:$0xC], $0x80, $0x38;
	[tilespmem:$0x16C00] =	vst v63  }
0x220: {  	s17 =	sadd.s32 $0x2000, s8;
	s24 =	simm.s32 $0x11F80  }
0x221: {  	[hbm4b:s17+s3] =	stream.linear.scatter [tilespmem:s24], [sflag:$0xC], $0x80, $0x38;
	[tilespmem:$0x16C00] =	vst v63  }
0x222: {  	s17 =	sadd.s32 $0x2010, s8;
	s24 =	simm.s32 $0x12008  }
0x223: {  	[hbm4b:s17+s3] =	stream.linear.scatter [tilespmem:s24], [sflag:$0xC], $0x80, $0x38;
	[tilespmem:$0x16C00] =	vst v63  }
0x224: {  	s17 =	sadd.s32 $0x2020, s8;
	s24 =	simm.s32 $0x12090  }
0x225: {  	[hbm4b:s17+s3] =	stream.linear.scatter [tilespmem:s24], [sflag:$0xC], $0x80, $0x38;
	[tilespmem:$0x16C00] =	vst v63  }
0x226: {  	s17 =	sadd.s32 $0x2030, s8;
	s24 =	simm.s32 $0x12118  }
0x227: {  	[hbm4b:s17+s3] =	stream.linear.scatter [tilespmem:s24], [sflag:$0xC], $0x80, $0x38;
	[tilespmem:$0x16C00] =	vst v63  }
0x228: {  	s17 =	sadd.s32 $0x2040, s8;
	s24 =	simm.s32 $0x121A0  }
0x229: {  	[hbm4b:s17+s3] =	stream.linear.scatter [tilespmem:s24], [sflag:$0xC], $0x80, $0x38;
	[tilespmem:$0x16C00] =	vst v63  }
0x22a: {  	s17 =	sadd.s32 $0x2050, s8;
	s24 =	simm.s32 $0x12228  }
0x22b: {  	[hbm4b:s17+s3] =	stream.linear.scatter [tilespmem:s24], [sflag:$0xC], $0x80, $0x38;
	[tilespmem:$0x16C00] =	vst v63  }
0x22c: {  	s17 =	sadd.s32 $0x2060, s8;
	s24 =	simm.s32 $0x122B0  }
0x22d: {  	[hbm4b:s17+s3] =	stream.linear.scatter [tilespmem:s24], [sflag:$0xC], $0x80, $0x38;
	[tilespmem:$0x16C00] =	vst v63  }
0x22e: {  	s17 =	sadd.s32 $0x2070, s8;
	s24 =	simm.s32 $0x12338  }
0x22f: {  	[hbm4b:s17+s3] =	stream.linear.scatter [tilespmem:s24], [sflag:$0xC], $0x80, $0x38;
	[tilespmem:$0x16C00] =	vst v63  }
0x230: {  	s17 =	sadd.s32 $0x3000, s8;
	s24 =	simm.s32 $0x123C0  }
0x231: {  	[hbm4b:s17+s3] =	stream.linear.scatter [tilespmem:s24], [sflag:$0xC], $0x80, $0x38;
	[tilespmem:$0x16C00] =	vst v63  }
0x232: {  	s17 =	sadd.s32 $0x3010, s8;
	s24 =	simm.s32 $0x12448  }
0x233: {  	[hbm4b:s17+s3] =	stream.linear.scatter [tilespmem:s24], [sflag:$0xC], $0x80, $0x38;
	[tilespmem:$0x16C00] =	vst v63  }
0x234: {  	s17 =	sadd.s32 $0x3020, s8;
	s24 =	simm.s32 $0x124D0  }
0x235: {  	[hbm4b:s17+s3] =	stream.linear.scatter [tilespmem:s24], [sflag:$0xC], $0x80, $0x38;
	[tilespmem:$0x16C00] =	vst v63  }
0x236: {  	s17 =	sadd.s32 $0x3030, s8;
	s24 =	simm.s32 $0x12558  }
0x237: {  	[hbm4b:s17+s3] =	stream.linear.scatter [tilespmem:s24], [sflag:$0xC], $0x80, $0x38;
	[tilespmem:$0x16C00] =	vst v63  }
0x238: {  	s17 =	sadd.s32 $0x3040, s8;
	s24 =	simm.s32 $0x125E0  }
0x239: {  	[hbm4b:s17+s3] =	stream.linear.scatter [tilespmem:s24], [sflag:$0xC], $0x80, $0x38;
	[tilespmem:$0x16C00] =	vst v63  }
0x23a: {  	s22 =	sor.u32 $0x7, s22;
	s17 =	sadd.s32 $0x3050, s8;
	s24 =	simm.s32 $0x12668  }
0x23b: {  	[hbm4b:s17+s3] =	stream.linear.scatter [tilespmem:s24], [sflag:$0xC], $0x80, $0x38;
	[tilespmem:$0x16C00] =	vst v63  }
0x23c: {  	s13 =	simm.s32 $0x12778;
	s17 =	sadd.s32 $0x3060, s8;
	s24 =	simm.s32 $0x126F0  }
0x23d: {  	[hbm4b:s17+s3] =	stream.linear.scatter [tilespmem:s24], [sflag:$0xC], $0x80, $0x38;
	[tilespmem:$0x16C00] =	vst v63  }
0x23e: {  	s9 =	simm.s32 $0x0;
	s8 =	sadd.s32 $0x3070, s8;
	s17 =	sshll.u32 s22, $0x7  }
0x23f: {  	v17 =	vmov s9;
	[hbm4b:s8+s3] =	stream.linear.scatter [tilespmem:s13], [sflag:$0xC], $0x80, $0x38;
	[tilespmem:$0x16C00] =	vst v63  }
0x240: {  	v17 =	vshrl.u32 v17, $0x3;
	s24 =	simm.s32 $0xD400;
	s8 =	sand.u32 $0x3FFFFF80, s17;
	s17 =	simm.s32 $0x2  }
0x241: {  	v17 =	vshll.u32 v17, v1;
	[tilespmem:s24], [sflag:$0x8] =	stream.indirect.gather [hbm4b:s4+s11], $0x20, s8, s11, $0xb8;
	[tilespmem:$0x16C00] =	vst v63  }
0x242: {  	v17 =	vbroadcast v17, $0x0;
	s13 =	simm.s32 $0x1;
	v19 =	vmov s17;
	s17 =	simm.s32 $0x7;
	_ =	swait.ge [sflag:s0], $0x1000  }
0x243: {  	v18 =	vmov s13;
	s13 =	simm.s32 $0x4;
	v22 =	vmov s17;
	[sflag:s0] =	ssyncset.done $0x0  }
0x244: {  	s9 =	simm.s32 @!p0 $0xD;
	v28 =	vadd.s32 v0, v17;
	v21 =	vmov s13;
	v22 =	vshrl.u32 v22, $0x3;
	[sflag:s0] =	ssyncadd.s32 $0xFFFFF000  }
0x245: {  	s24 =	simm.s32 $0x3;
	s17 =	simm.s32 $0x6;
	v18 =	vshrl.u32 v18, $0x3;
	v19 =	vshrl.u32 v19, $0x3;
	v22 =	vshll.u32 v22, v1;
	_ =	swait.ge @!p0 [sflag:s9], $0x1000  }
0x246: {  	v20 =	vmov s24;
	s24 =	simm.s32 $0x5;
	v24 =	vmov s17;
	v25 =	vbroadcast v22, $0x0;
	[sflag:s9] =	ssyncset.done @!p0 $0x0  }
0x247: {  	s8 =	simm.s32 $0xA4F0;
	v18 =	vshll.u32 v18, v1;
	v23 =	vmov s24;
	v20 =	vshrl.u32 v20, $0x3;
	[sflag:s9] =	ssyncadd.s32 @!p0 $0xFFFFF000  }
0x248: {  	v30 =	vbroadcast v18, $0x0;
	v18 =	vshll.u32 v19, v1;
	v26 =	vadd.s32 v15, v25;
	v19 =	vld [tilespmem:s8+$0xFFFFFFF0]  }
0x249: {  	v22 =	vshrl.u32 v21, $0x3;
	v58 =	vbroadcast v18, $0x0;
	v18 =	vshll.u32 v20, v1;
	v27 =	vld [tilespmem:s8+$0xFFFFFF10]  }
0x24a: {  	v31 =	vadd.s32 v3, v30;
	v21 =	vbroadcast v18, $0x0;
	v18 =	vshll.u32 v22, v1;
	v29 =	vld [tilespmem:s8+$0xFFFFFF30]  }
0x24b: {  	v60 =	vadd.s32 v5, v58;
	v20 =	vbroadcast v18, $0x0;
	v18 =	vshrl.u32 v23, $0x3;
	v59 =	vld [tilespmem:s8+$0xFFFFFF50]  }
0x24c: {  	v23 =	vshrl.u32 v24, $0x3;
	v62 =	vadd.s32 v7, v21;
	v18 =	vshll.u32 v18, v1;
	v61 =	vld [tilespmem:s8+$0xFFFFFF70]  }
0x24d: {  	s13 =	simm.s32 $0x9;
	v63 =	vld [tilespmem:s8+$0xFFFFFF90];
	v41 =	vadd.s32 v9, v20;
	v22 =	vbroadcast v18, $0x0;
	v18 =	vshll.u32 v23, v1;
	[tilespmem:v26+s1+$0x0] =	vst.idx.msk $0xffff, v19  }
0x24e: {  	v35 =	vmov s13;
	s17 =	simm.s32 $0xA;
	s13 =	simm.s32 $0xC;
	v25 =	vadd.s32 v16, v25;
	v23 =	vbroadcast v18, $0x0;
	[tilespmem:v28+s1+$0x0] =	vst.idx.msk $0xffff, v27;
	v24 =	vld [tilespmem:s8+$0x0]  }
0x24f: {  	s24 =	simm.s32 $0x8;
	v38 =	vmov s17;
	v32 =	vmov s13;
	[tilespmem:v31+s1+$0x0] =	vst.idx.msk $0xffff, v29;
	v26 =	vld [tilespmem:s8+$0xFFFFFFB0];
	v27 =	vadd.s32 v11, v22  }
0x250: {  	v36 =	vadd.s32 v4, v30;
	v19 =	vmov s24;
	s24 =	simm.s32 $0xB;
	[tilespmem:v60+s1+$0x0] =	vst.idx.msk $0xffff, v59;
	v29 =	vld [tilespmem:s8+$0xFFFFFFD0];
	v31 =	vadd.s32 v13, v23  }
0x251: {  	s17 =	simm.s32 $0xD;
	v37 =	vadd.s32 v6, v58;
	[tilespmem:v62+s1+$0x0] =	vst.idx.msk $0xffff, v61;
	v19 =	vshrl.u32 v19, $0x3;
	v28 =	vmov s24;
	s24 =	simm.s32 $0xE;
	v33 =	vld [tilespmem:s8+$0xFFFFFF40]  }
0x252: {  	s9 =	simm.s32 $0x10;
	v18 =	vmov s17;
	s17 =	simm.s32 $0xF;
	[tilespmem:v41+s1+$0x0] =	vst.idx.msk $0xffff, v63;
	v34 =	vld [tilespmem:s8+$0xFFFFFF60];
	v30 =	vshll.u32 v19, v1;
	v19 =	vmov s24  }
.LBB2_11:
0x253: {  	p1 =	slt.u32 s9, $0x78;
	v35 =	vshrl.u32 v35, $0x3;
	v39 =	vmov s17;
	v40 =	vld [tilespmem:s8+$0xFFFFFF80];
	v21 =	vadd.s32 v8, v21;
	[tilespmem:v25+s1+$0x0] =	vst.idx.msk $0xffff, v24  }
0x254: {  	v24 =	vshrl.u32 v38, $0x3;
	v20 =	vadd.s32 v10, v20;
	v25 =	vshrl.u32 v39, $0x3;
	v38 =	vld [tilespmem:s8+$0xFFFFFFA0];
	[tilespmem:v27+s1+$0x0] =	vst.idx.msk $0xffff, v26  }
0x255: {  	v22 =	vadd.s32 v12, v22;
	v26 =	vshrl.u32 v28, $0x3;
	v25 =	vshll.u32 v25, v1;
	v27 =	vld [tilespmem:s8+$0xFFFFFFC0];
	[tilespmem:v31+s1+$0x0] =	vst.idx.msk $0xffff, v29  }
0x256: {  	v23 =	vadd.s32 v14, v23;
	v28 =	vshrl.u32 v32, $0x3;
	v25 =	vbroadcast v25, $0x0;
	[tilespmem:v36+s1+$0x0] =	vst.idx.msk $0xffff, v33;
	v29 =	vld [tilespmem:s8+$0xFFFFFFE0]  }
0x257: {  	v31 =	vshll.u32 v35, v1;
	v33 =	vadd.s32 v2, v17;
	v17 =	vbroadcast v30, $0x0;
	v32 =	vld [tilespmem:s8+$0xFFFFFF20];
	[tilespmem:v37+s1+$0x0] =	vst.idx.msk $0xffff, v34;
	s8 =	sadd.s32 $0x100, s8  }
0x258: {  	v24 =	vshll.u32 v24, v1;
	v30 =	vbroadcast v31, $0x0;
	v31 =	vld [tilespmem:s8+$0xFFFFFFF0];
	v34 =	vadd.s32 v15, v25;
	[tilespmem:v21+s1+$0x0] =	vst.idx.msk $0xffff, v40  }
0x259: {  	v37 =	vbroadcast v24, $0x0;
	v36 =	vadd.s32 v0, v17;
	v21 =	vshll.u32 v26, v1;
	v35 =	vld [tilespmem:s8+$0xFFFFFF10];
	[tilespmem:v20+s1+$0x0] =	vst.idx.msk $0xffff, v38  }
0x25a: {  	v38 =	vadd.s32 v3, v30;
	v21 =	vbroadcast v21, $0x0;
	v20 =	vshll.u32 v28, v1;
	v26 =	vld [tilespmem:s8+$0xFFFFFF30];
	[tilespmem:v22+s1+$0x0] =	vst.idx.msk $0xffff, v27  }
0x25b: {  	v18 =	vshrl.u32 v18, $0x3;
	v40 =	vadd.s32 v5, v37;
	v20 =	vbroadcast v20, $0x0;
	v39 =	vld [tilespmem:s8+$0xFFFFFF50];
	[tilespmem:v23+s1+$0x0] =	vst.idx.msk $0xffff, v29  }
0x25c: {  	v19 =	vshrl.u32 v19, $0x3;
	v18 =	vshll.u32 v18, v1;
	v42 =	vadd.s32 v7, v21;
	v41 =	vld [tilespmem:s8+$0xFFFFFF70];
	[tilespmem:v33+s1+$0x0] =	vst.idx.msk $0xffff, v32  }
0x25d: {  	v22 =	vbroadcast v18, $0x0;
	v18 =	vshll.u32 v19, v1;
	v44 =	vadd.s32 v9, v20;
	v43 =	vld [tilespmem:s8+$0xFFFFFF90];
	[tilespmem:v34+s1+$0x0] =	vst.idx.msk $0xffff, v31  }
.Ltmp6:
0x25e: {  	s13 =	sadd.s32 $0x1, s9;
	v25 =	vadd.s32 v16, v25;
	v19 =	vmov s9;
	v23 =	vbroadcast v18, $0x0;
	[tilespmem:v36+s1+$0x0] =	vst.idx.msk $0xffff, v35;
	v24 =	vld [tilespmem:s8+$0x0];
	(pc) =	sbr.rel @p1 .LBB2_11-.Ltmp6, $4  }
0x25f: {  	s17 =	sadd.s32 $0x3, s9;
	v19 =	vshrl.u32 v19, $0x3;
	v27 =	vadd.s32 v11, v22;
	v35 =	vmov s13;
	s13 =	sadd.s32 $0x2, s9;
	[tilespmem:v38+s1+$0x0] =	vst.idx.msk $0xffff, v26;
	v26 =	vld [tilespmem:s8+$0xFFFFFFB0]  }
0x260: {  	v28 =	vmov s17;
	s17 =	sadd.s32 $0x5, s9;
	v31 =	vadd.s32 v13, v23;
	v38 =	vmov s13;
	s13 =	sadd.s32 $0x4, s9;
	[tilespmem:v40+s1+$0x0] =	vst.idx.msk $0xffff, v39;
	v29 =	vld [tilespmem:s8+$0xFFFFFFD0]  }
0x261: {  	v18 =	vmov s17;
	v36 =	vadd.s32 v4, v30;
	v32 =	vmov s13;
	s13 =	sadd.s32 $0x6, s9;
	v33 =	vld [tilespmem:s8+$0xFFFFFF40];
	[tilespmem:v42+s1+$0x0] =	vst.idx.msk $0xffff, v41  }
0x262: {  	v37 =	vadd.s32 v6, v37;
	s17 =	sadd.s32 $0x7, s9;
	v30 =	vshll.u32 v19, v1;
	s9 =	sadd.s32 $0x8, s9;
	v19 =	vmov s13;
	v34 =	vld [tilespmem:s8+$0xFFFFFF60];
	[tilespmem:v44+s1+$0x0] =	vst.idx.msk $0xffff, v43  }
0x263: {  	_ =	sdelay $0x2  }
0x264: {  	v39 =	vmov s17;
	v35 =	vshrl.u32 v35, $0x3  }
0x265: {  	v40 =	vld [tilespmem:s8+$0xFFFFFF80];
	v21 =	vadd.s32 v8, v21;
	[tilespmem:v25+s1+$0x0] =	vst.idx.msk $0xffff, v24;
	v59 =	vshrl.u32 v38, $0x3;
	v20 =	vadd.s32 v10, v20  }
0x266: {  	v61 =	vld [tilespmem:s8+$0xFFFFFFA0];
	v62 =	vshrl.u32 v28, $0x3;
	v22 =	vadd.s32 v12, v22;
	v63 =	vshrl.u32 v32, $0x3;
	[tilespmem:v27+s1+$0x0] =	vst.idx.msk $0xffff, v26  }
0x267: {  	v23 =	vadd.s32 v14, v23;
	v30 =	vbroadcast v30, $0x0;
	v41 =	vld [tilespmem:s8+$0xFFFFFF20];
	v17 =	vadd.s32 v2, v17;
	[tilespmem:v31+s1+$0x0] =	vst.idx.msk $0xffff, v29  }
0x268: {  	s17 =	sadd.s32 $0x100, s8;
	v18 =	vshrl.u32 v18, $0x3;
	v60 =	vshrl.u32 v39, $0x3;
	v39 =	vshll.u32 v35, v1;
	v27 =	vld [tilespmem:s8+$0xFFFFFFC0];
	[tilespmem:v36+s1+$0x0] =	vst.idx.msk $0xffff, v33  }
0x269: {  	v24 =	vshll.u32 v59, v1;
	v44 =	vld [tilespmem:s17+$0xFFFFFF10];
	v31 =	vbroadcast v39, $0x0;
	v45 =	vadd.s32 v0, v30;
	[tilespmem:v37+s1+$0x0] =	vst.idx.msk $0xffff, v34  }
0x26a: {  	v19 =	vshrl.u32 v19, $0x3;
	v26 =	vshll.u32 v62, v1;
	v24 =	vbroadcast v24, $0x0;
	v29 =	vld [tilespmem:s8+$0xFFFFFFE0];
	[tilespmem:v21+s1+$0x0] =	vst.idx.msk $0xffff, v40  }
0x26b: {  	v46 =	vld [tilespmem:s17+$0xFFFFFF30];
	v18 =	vshll.u32 v18, v1;
	v26 =	vbroadcast v26, $0x0;
	v47 =	vadd.s32 v3, v31;
	[tilespmem:v20+s1+$0x0] =	vst.idx.msk $0xffff, v61  }
0x26c: {  	v48 =	vld [tilespmem:s17+$0xFFFFFF50];
	v19 =	vshll.u32 v19, v1;
	v18 =	vbroadcast v18, $0x0;
	v49 =	vadd.s32 v5, v24;
	[tilespmem:v17+s1+$0x0] =	vst.idx.msk $0xffff, v41  }
0x26d: {  	v28 =	vshll.u32 v63, v1;
	v50 =	vld [tilespmem:s17+$0xFFFFFF70];
	v19 =	vbroadcast v19, $0x0;
	v51 =	vadd.s32 v7, v26;
	[tilespmem:v22+s1+$0x0] =	vst.idx.msk $0xffff, v27  }
0x26e: {  	v54 =	vld [tilespmem:s17+$0xFFFFFFB0];
	v25 =	vshll.u32 v60, v1;
	v28 =	vbroadcast v28, $0x0;
	v55 =	vadd.s32 v11, v18;
	[tilespmem:v45+s1+$0x0] =	vst.idx.msk $0xffff, v44  }
0x26f: {  	v56 =	vld [tilespmem:s17+$0xFFFFFFD0];
	v25 =	vbroadcast v25, $0x0;
	v57 =	vadd.s32 v13, v19;
	[tilespmem:v23+s1+$0x0] =	vst.idx.msk $0xffff, v29  }
0x270: {  	v52 =	vadd.s32 v9, v28;
	v17 =	vld [tilespmem:s17+$0xFFFFFF90];
	[tilespmem:v47+s1+$0x0] =	vst.idx.msk $0xffff, v46  }
0x271: {  	v42 =	vld [tilespmem:s17+$0xFFFFFFF0];
	v43 =	vadd.s32 v15, v25;
	[tilespmem:v49+s1+$0x0] =	vst.idx.msk $0xffff, v48  }
0x272: {  	v63 =	vadd.s32 v2, v30;
	v62 =	vld [tilespmem:s17+$0xFFFFFF20];
	[tilespmem:v51+s1+$0x0] =	vst.idx.msk $0xffff, v50  }
0x273: {  	v31 =	vadd.s32 v4, v31;
	[tilespmem:v55+s1+$0x0] =	vst.idx.msk $0xffff, v54;
	v58 =	vld [tilespmem:s17+$0xFFFFFF40]  }
0x274: {  	v24 =	vadd.s32 v6, v24;
	[tilespmem:v57+s1+$0x0] =	vst.idx.msk $0xffff, v56;
	v59 =	vld [tilespmem:s17+$0xFFFFFF60]  }
0x275: {  	v26 =	vadd.s32 v8, v26;
	[tilespmem:v52+s1+$0x0] =	vst.idx.msk $0xffff, v17;
	v17 =	vld [tilespmem:s17+$0xFFFFFF80]  }
0x276: {  	v18 =	vadd.s32 v12, v18;
	[tilespmem:v43+s1+$0x0] =	vst.idx.msk $0xffff, v42;
	v20 =	vld [tilespmem:s17+$0xFFFFFFC0]  }
0x277: {  	v19 =	vadd.s32 v14, v19;
	v22 =	vld [tilespmem:s17+$0xFFFFFFE0];
	[tilespmem:v63+s1+$0x0] =	vst.idx.msk $0xffff, v62  }
0x278: {  	v25 =	vadd.s32 v16, v25;
	v53 =	vld [tilespmem:s17+$0x0];
	[tilespmem:v31+s1+$0x0] =	vst.idx.msk $0xffff, v58  }
0x279: {  	v61 =	vadd.s32 v10, v28;
	v60 =	vld [tilespmem:s17+$0xFFFFFFA0];
	[tilespmem:v24+s1+$0x0] =	vst.idx.msk $0xffff, v59  }
0x27a: {  	[tilespmem:v26+s1+$0x0] =	vst.idx.msk $0xffff, v17  }
0x27b: {  	s7 =	sshll.u32 s7, $0x11;
	[tilespmem:v18+s1+$0x0] =	vst.idx.msk $0xffff, v20  }
0x27c: {  	s7 =	sor.u32 s6, s7;
	[tilespmem:v19+s1+$0x0] =	vst.idx.msk $0xffff, v22  }
0x27d: {  	s7 =	sshrl.u32 s7, $0x3;
	[tilespmem:v25+s1+$0x0] =	vst.idx.msk $0xffff, v53  }
0x27e: {  	s7 =	sadd.s32 s2, s7;
	[tilespmem:v61+s1+$0x0] =	vst.idx.msk $0xffff, v60  }
0x27f: {  	[hbm4b:s7+s3] =	stream.linear.scatter [tilespmem:s1], [sflag:$0xD], $0x80, $0x38;
	[tilespmem:$0x16C00] =	vst v63  }
0x280: {  	s9 =	simm.s32 $0x12888;
	s24 =	sadd.s32 $0x10, s7  }
0x281: {  	[hbm4b:s24+s3] =	stream.linear.scatter [tilespmem:s9], [sflag:$0xD], $0x80, $0x38;
	[tilespmem:$0x16C00] =	vst v63  }
0x282: {  	s13 =	simm.s32 $0x12910;
	s9 =	sadd.s32 $0x20, s7  }
0x283: {  	[hbm4b:s9+s3] =	stream.linear.scatter [tilespmem:s13], [sflag:$0xD], $0x80, $0x38;
	[tilespmem:$0x16C00] =	vst v63  }
0x284: {  	s17 =	sadd.s32 $0x30, s7;
	s24 =	simm.s32 $0x12998  }
0x285: {  	[hbm4b:s17+s3] =	stream.linear.scatter [tilespmem:s24], [sflag:$0xD], $0x80, $0x38;
	[tilespmem:$0x16C00] =	vst v63  }
0x286: {  	s9 =	sadd.s32 $0x40, s7;
	s13 =	simm.s32 $0x12A20  }
0x287: {  	[hbm4b:s9+s3] =	stream.linear.scatter [tilespmem:s13], [sflag:$0xD], $0x80, $0x38;
	[tilespmem:$0x16C00] =	vst v63  }
0x288: {  	s17 =	sadd.s32 $0x50, s7;
	s24 =	simm.s32 $0x12AA8  }
0x289: {  	[hbm4b:s17+s3] =	stream.linear.scatter [tilespmem:s24], [sflag:$0xD], $0x80, $0x38;
	[tilespmem:$0x16C00] =	vst v63  }
0x28a: {  	s9 =	sadd.s32 $0x60, s7;
	s13 =	simm.s32 $0x12B30  }
0x28b: {  	[hbm4b:s9+s3] =	stream.linear.scatter [tilespmem:s13], [sflag:$0xD], $0x80, $0x38;
	[tilespmem:$0x16C00] =	vst v63  }
0x28c: {  	s17 =	sadd.s32 $0x70, s7;
	s24 =	simm.s32 $0x12BB8  }
0x28d: {  	[hbm4b:s17+s3] =	stream.linear.scatter [tilespmem:s24], [sflag:$0xD], $0x80, $0x38;
	[tilespmem:$0x16C00] =	vst v63  }
0x28e: {  	s9 =	sadd.s32 $0x1000, s7;
	s13 =	simm.s32 $0x12C40  }
0x28f: {  	[hbm4b:s9+s3] =	stream.linear.scatter [tilespmem:s13], [sflag:$0xD], $0x80, $0x38;
	[tilespmem:$0x16C00] =	vst v63  }
0x290: {  	s17 =	sadd.s32 $0x1010, s7;
	s24 =	simm.s32 $0x12CC8  }
0x291: {  	[hbm4b:s17+s3] =	stream.linear.scatter [tilespmem:s24], [sflag:$0xD], $0x80, $0x38;
	[tilespmem:$0x16C00] =	vst v63  }
0x292: {  	s9 =	sadd.s32 $0x1020, s7;
	s13 =	simm.s32 $0x12D50  }
0x293: {  	[hbm4b:s9+s3] =	stream.linear.scatter [tilespmem:s13], [sflag:$0xD], $0x80, $0x38;
	[tilespmem:$0x16C00] =	vst v63  }
0x294: {  	s17 =	sadd.s32 $0x1030, s7;
	s24 =	simm.s32 $0x12DD8  }
0x295: {  	[hbm4b:s17+s3] =	stream.linear.scatter [tilespmem:s24], [sflag:$0xD], $0x80, $0x38;
	[tilespmem:$0x16C00] =	vst v63  }
0x296: {  	s9 =	sadd.s32 $0x1040, s7;
	s13 =	simm.s32 $0x12E60  }
0x297: {  	[hbm4b:s9+s3] =	stream.linear.scatter [tilespmem:s13], [sflag:$0xD], $0x80, $0x38;
	[tilespmem:$0x16C00] =	vst v63  }
0x298: {  	s17 =	sadd.s32 $0x1050, s7;
	s24 =	simm.s32 $0x12EE8  }
0x299: {  	[hbm4b:s17+s3] =	stream.linear.scatter [tilespmem:s24], [sflag:$0xD], $0x80, $0x38;
	[tilespmem:$0x16C00] =	vst v63  }
0x29a: {  	s9 =	sadd.s32 $0x1060, s7;
	s13 =	simm.s32 $0x12F70  }
0x29b: {  	[hbm4b:s9+s3] =	stream.linear.scatter [tilespmem:s13], [sflag:$0xD], $0x80, $0x38;
	[tilespmem:$0x16C00] =	vst v63  }
0x29c: {  	s17 =	sadd.s32 $0x1070, s7;
	s24 =	simm.s32 $0x12FF8  }
0x29d: {  	[hbm4b:s17+s3] =	stream.linear.scatter [tilespmem:s24], [sflag:$0xD], $0x80, $0x38;
	[tilespmem:$0x16C00] =	vst v63  }
0x29e: {  	s9 =	sadd.s32 $0x2000, s7;
	s13 =	simm.s32 $0x13080  }
0x29f: {  	[hbm4b:s9+s3] =	stream.linear.scatter [tilespmem:s13], [sflag:$0xD], $0x80, $0x38;
	[tilespmem:$0x16C00] =	vst v63  }
0x2a0: {  	s17 =	sadd.s32 $0x2010, s7;
	s24 =	simm.s32 $0x13108  }
0x2a1: {  	[hbm4b:s17+s3] =	stream.linear.scatter [tilespmem:s24], [sflag:$0xD], $0x80, $0x38;
	[tilespmem:$0x16C00] =	vst v63  }
0x2a2: {  	s9 =	sadd.s32 $0x2020, s7;
	s13 =	simm.s32 $0x13190  }
0x2a3: {  	[hbm4b:s9+s3] =	stream.linear.scatter [tilespmem:s13], [sflag:$0xD], $0x80, $0x38;
	[tilespmem:$0x16C00] =	vst v63  }
0x2a4: {  	s17 =	sadd.s32 $0x2030, s7;
	s24 =	simm.s32 $0x13218  }
0x2a5: {  	[hbm4b:s17+s3] =	stream.linear.scatter [tilespmem:s24], [sflag:$0xD], $0x80, $0x38;
	[tilespmem:$0x16C00] =	vst v63  }
0x2a6: {  	s9 =	sadd.s32 $0x2040, s7;
	s13 =	simm.s32 $0x132A0  }
0x2a7: {  	[hbm4b:s9+s3] =	stream.linear.scatter [tilespmem:s13], [sflag:$0xD], $0x80, $0x38;
	[tilespmem:$0x16C00] =	vst v63  }
0x2a8: {  	s17 =	sadd.s32 $0x2050, s7;
	s24 =	simm.s32 $0x13328  }
0x2a9: {  	[hbm4b:s17+s3] =	stream.linear.scatter [tilespmem:s24], [sflag:$0xD], $0x80, $0x38;
	[tilespmem:$0x16C00] =	vst v63  }
0x2aa: {  	s9 =	sadd.s32 $0x2060, s7;
	s13 =	simm.s32 $0x133B0  }
0x2ab: {  	[hbm4b:s9+s3] =	stream.linear.scatter [tilespmem:s13], [sflag:$0xD], $0x80, $0x38;
	[tilespmem:$0x16C00] =	vst v63  }
0x2ac: {  	s17 =	sadd.s32 $0x2070, s7;
	s24 =	simm.s32 $0x13438  }
0x2ad: {  	[hbm4b:s17+s3] =	stream.linear.scatter [tilespmem:s24], [sflag:$0xD], $0x80, $0x38;
	[tilespmem:$0x16C00] =	vst v63  }
0x2ae: {  	s9 =	sadd.s32 $0x3000, s7;
	s13 =	simm.s32 $0x134C0  }
0x2af: {  	[hbm4b:s9+s3] =	stream.linear.scatter [tilespmem:s13], [sflag:$0xD], $0x80, $0x38;
	[tilespmem:$0x16C00] =	vst v63  }
0x2b0: {  	s17 =	sadd.s32 $0x3010, s7;
	s24 =	simm.s32 $0x13548  }
0x2b1: {  	[hbm4b:s17+s3] =	stream.linear.scatter [tilespmem:s24], [sflag:$0xD], $0x80, $0x38;
	[tilespmem:$0x16C00] =	vst v63  }
0x2b2: {  	s9 =	sadd.s32 $0x3020, s7;
	s13 =	simm.s32 $0x135D0  }
0x2b3: {  	[hbm4b:s9+s3] =	stream.linear.scatter [tilespmem:s13], [sflag:$0xD], $0x80, $0x38;
	[tilespmem:$0x16C00] =	vst v63  }
0x2b4: {  	s17 =	sadd.s32 $0x3030, s7;
	s24 =	simm.s32 $0x13658  }
0x2b5: {  	[hbm4b:s17+s3] =	stream.linear.scatter [tilespmem:s24], [sflag:$0xD], $0x80, $0x38;
	[tilespmem:$0x16C00] =	vst v63  }
0x2b6: {  	s9 =	sadd.s32 $0x3040, s7;
	s13 =	simm.s32 $0x136E0  }
0x2b7: {  	[hbm4b:s9+s3] =	stream.linear.scatter [tilespmem:s13], [sflag:$0xD], $0x80, $0x38;
	[tilespmem:$0x16C00] =	vst v63  }
0x2b8: {  	p1 =	sne.s32 s5, $0x18;
	s17 =	sadd.s32 $0x3050, s7;
	s24 =	simm.s32 $0x13768  }
0x2b9: {  	[hbm4b:s17+s3] =	stream.linear.scatter [tilespmem:s24], [sflag:$0xD], $0x80, $0x38;
	[tilespmem:$0x16C00] =	vst v63  }
.Ltmp7:
0x2ba: {  	_ = 	snop;
	(pc) =	sbr.rel @p1 .LBB2_14-.Ltmp7, $4  }
0x2bb: {  	s13 =	sadd.s32 $0x3060, s7;
	s17 =	simm.s32 $0x137F0  }
0x2bc: {  	[hbm4b:s13+s3] =	stream.linear.scatter [tilespmem:s17], [sflag:$0xD], $0x80, $0x38;
	[tilespmem:$0x16C00] =	vst v63  }
0x2bd: {  	s7 =	sadd.s32 $0x3070, s7;
	s24 =	simm.s32 $0x13878  }
0x2be: {  	[hbm4b:s7+s3] =	stream.linear.scatter [tilespmem:s24], [sflag:$0xD], $0x80, $0x38;
	[tilespmem:$0x16C00] =	vst v63  }
.Ltmp8:
0x2bf: {  	(pc) =	sbr.rel .LBB2_15-.Ltmp8, $4  }
0x2c0: {  	_ = 	snop  }
0x2c1: {  	_ =	swait.ge [sflag:s15], $0x1000  }
0x2c2: {  	[sflag:s15] =	ssyncset.done $0x0  }
0x2c3: {  	[sflag:s15] =	ssyncadd.s32 $0xFFFFF000  }
.LBB2_14:
0x2c4: {  	s7 =	sshll.u32 s5, $0xA  }
0x2c5: {  	s7 =	sand.u32 $0x3FFFFC00, s7  }
.Ltmp9:
0x2c6: {  	s8 =	simm.s32 $0x6400;
	s7 =	sadd.s32 $0x400, s7;
	(pc) =	sbr.rel @p0 .LBB2_16-.Ltmp9, $4  }
0x2c7: {  	[tilespmem:s8], [sflag:$0x1] =	stream.indirect.gather [hbm4b:s4+s11], $0x20, s7, s11, $0xb8;
	[tilespmem:$0x16C00] =	vst v63  }
0x2c8: {  	_ =	swait.ge [sflag:s15], $0x1000  }
0x2c9: {  	[sflag:s15] =	ssyncset.done $0x0  }
0x2ca: {  	[sflag:s15] =	ssyncadd.s32 $0xFFFFF000  }
.LBB2_15:
0x2cb: {  	s7 =	simm.s32 $0xE  }
0x2cc: {  	_ =	swait.ge [sflag:s7], $0x1000  }
0x2cd: {  	[sflag:s7] =	ssyncset.done $0x0  }
0x2ce: {  	[sflag:s7] =	ssyncadd.s32 $0xFFFFF000  }
.LBB2_16:
0x2cf: {  	s7 =	simm.s32 $0x0  }
0x2d0: {  	s9 =	simm.s32 $0x1;
	s8 =	simm.s32 $0x2;
	s13 =	simm.s32 $0x3;
	v17 =	vmov s7  }
0x2d1: {  	s17 =	simm.s32 $0x4;
	s24 =	simm.s32 $0x5;
	v18 =	vmov s9;
	v19 =	vmov s8;
	s9 =	simm.s32 $0x7;
	v20 =	vmov s13  }
0x2d2: {  	v21 =	vmov s17;
	v23 =	vmov s24;
	s8 =	simm.s32 $0x6;
	v22 =	vmov s9  }
0x2d3: {  	v17 =	vshrl.u32 v17, $0x3;
	v24 =	vmov s8;
	v22 =	vshrl.u32 v22, $0x3  }
0x2d4: {  	v18 =	vshrl.u32 v18, $0x3;
	v19 =	vshrl.u32 v19, $0x3;
	v22 =	vshll.u32 v22, v1  }
0x2d5: {  	v17 =	vshll.u32 v17, v1;
	v18 =	vshll.u32 v18, v1;
	v25 =	vbroadcast v22, $0x0  }
0x2d6: {  	s7 =	simm.s32 $0xB4F0;
	v20 =	vshrl.u32 v20, $0x3;
	v17 =	vbroadcast v17, $0x0;
	v30 =	vbroadcast v18, $0x0  }
0x2d7: {  	v18 =	vshll.u32 v19, v1;
	v19 =	vld [tilespmem:s7+$0xFFFFFFF0];
	v22 =	vshrl.u32 v21, $0x3;
	v26 =	vadd.s32 v15, v25  }
0x2d8: {  	v27 =	vld [tilespmem:s7+$0xFFFFFF10];
	v37 =	vbroadcast v18, $0x0;
	v18 =	vshll.u32 v20, v1;
	v28 =	vadd.s32 v0, v17  }
0x2d9: {  	v29 =	vld [tilespmem:s7+$0xFFFFFF30];
	v31 =	vadd.s32 v3, v30;
	v21 =	vbroadcast v18, $0x0;
	v18 =	vshll.u32 v22, v1  }
0x2da: {  	v32 =	vld [tilespmem:s7+$0xFFFFFF50];
	v33 =	vadd.s32 v5, v37;
	v20 =	vbroadcast v18, $0x0;
	v18 =	vshrl.u32 v23, $0x3  }
0x2db: {  	v34 =	vld [tilespmem:s7+$0xFFFFFF70];
	v23 =	vshrl.u32 v24, $0x3;
	v39 =	vadd.s32 v7, v21;
	v18 =	vshll.u32 v18, v1  }
0x2dc: {  	s13 =	simm.s32 $0x9;
	v40 =	vld [tilespmem:s7+$0xFFFFFF90];
	v41 =	vadd.s32 v9, v20;
	v22 =	vbroadcast v18, $0x0;
	v18 =	vshll.u32 v23, v1;
	[tilespmem:v26+s19+$0x0] =	vst.idx.msk $0xffff, v19  }
0x2dd: {  	s17 =	simm.s32 $0xA;
	v35 =	vmov s13;
	v25 =	vadd.s32 v16, v25;
	v23 =	vbroadcast v18, $0x0;
	[tilespmem:v28+s19+$0x0] =	vst.idx.msk $0xffff, v27;
	v24 =	vld [tilespmem:s7+$0x0]  }
0x2de: {  	s9 =	simm.s32 $0x8;
	v38 =	vmov s17;
	v36 =	vadd.s32 v4, v30;
	[tilespmem:v31+s19+$0x0] =	vst.idx.msk $0xffff, v29;
	v27 =	vadd.s32 v11, v22;
	v26 =	vld [tilespmem:s7+$0xFFFFFFB0]  }
0x2df: {  	s24 =	simm.s32 $0xB;
	s17 =	simm.s32 $0xD;
	v37 =	vadd.s32 v6, v37;
	v29 =	vld [tilespmem:s7+$0xFFFFFFD0];
	v19 =	vmov s9;
	[tilespmem:v33+s19+$0x0] =	vst.idx.msk $0xffff, v32;
	v31 =	vadd.s32 v13, v23  }
0x2e0: {  	s13 =	simm.s32 $0xC;
	v18 =	vmov s17;
	v28 =	vmov s24;
	s24 =	simm.s32 $0xE;
	v33 =	vld [tilespmem:s7+$0xFFFFFF40];
	v19 =	vshrl.u32 v19, $0x3;
	[tilespmem:v39+s19+$0x0] =	vst.idx.msk $0xffff, v34  }
0x2e1: {  	s8 =	simm.s32 $0x10;
	v32 =	vmov s13;
	s9 =	simm.s32 $0xF;
	v34 =	vld [tilespmem:s7+$0xFFFFFF60];
	v30 =	vshll.u32 v19, v1;
	v19 =	vmov s24;
	[tilespmem:v41+s19+$0x0] =	vst.idx.msk $0xffff, v40  }
.LBB2_17:
0x2e2: {  	p2 =	slt.u32 s8, $0x78;
	v35 =	vshrl.u32 v35, $0x3;
	v39 =	vmov s9;
	v40 =	vld [tilespmem:s7+$0xFFFFFF80];
	v21 =	vadd.s32 v8, v21;
	[tilespmem:v25+s19+$0x0] =	vst.idx.msk $0xffff, v24  }
0x2e3: {  	v24 =	vshrl.u32 v38, $0x3;
	v20 =	vadd.s32 v10, v20;
	v25 =	vshrl.u32 v39, $0x3;
	v38 =	vld [tilespmem:s7+$0xFFFFFFA0];
	[tilespmem:v27+s19+$0x0] =	vst.idx.msk $0xffff, v26  }
0x2e4: {  	v22 =	vadd.s32 v12, v22;
	v26 =	vshrl.u32 v28, $0x3;
	v25 =	vshll.u32 v25, v1;
	v27 =	vld [tilespmem:s7+$0xFFFFFFC0];
	[tilespmem:v31+s19+$0x0] =	vst.idx.msk $0xffff, v29  }
0x2e5: {  	v23 =	vadd.s32 v14, v23;
	v28 =	vshrl.u32 v32, $0x3;
	v25 =	vbroadcast v25, $0x0;
	[tilespmem:v36+s19+$0x0] =	vst.idx.msk $0xffff, v33;
	v29 =	vld [tilespmem:s7+$0xFFFFFFE0]  }
0x2e6: {  	v31 =	vshll.u32 v35, v1;
	v33 =	vadd.s32 v2, v17;
	v17 =	vbroadcast v30, $0x0;
	v32 =	vld [tilespmem:s7+$0xFFFFFF20];
	[tilespmem:v37+s19+$0x0] =	vst.idx.msk $0xffff, v34;
	s7 =	sadd.s32 $0x100, s7  }
0x2e7: {  	v24 =	vshll.u32 v24, v1;
	v30 =	vbroadcast v31, $0x0;
	v31 =	vld [tilespmem:s7+$0xFFFFFFF0];
	v34 =	vadd.s32 v15, v25;
	[tilespmem:v21+s19+$0x0] =	vst.idx.msk $0xffff, v40  }
0x2e8: {  	v37 =	vbroadcast v24, $0x0;
	v36 =	vadd.s32 v0, v17;
	v21 =	vshll.u32 v26, v1;
	v35 =	vld [tilespmem:s7+$0xFFFFFF10];
	[tilespmem:v20+s19+$0x0] =	vst.idx.msk $0xffff, v38  }
0x2e9: {  	v38 =	vadd.s32 v3, v30;
	v21 =	vbroadcast v21, $0x0;
	v20 =	vshll.u32 v28, v1;
	v26 =	vld [tilespmem:s7+$0xFFFFFF30];
	[tilespmem:v22+s19+$0x0] =	vst.idx.msk $0xffff, v27  }
0x2ea: {  	v18 =	vshrl.u32 v18, $0x3;
	v40 =	vadd.s32 v5, v37;
	v20 =	vbroadcast v20, $0x0;
	v39 =	vld [tilespmem:s7+$0xFFFFFF50];
	[tilespmem:v23+s19+$0x0] =	vst.idx.msk $0xffff, v29  }
0x2eb: {  	v19 =	vshrl.u32 v19, $0x3;
	v18 =	vshll.u32 v18, v1;
	v42 =	vadd.s32 v7, v21;
	v41 =	vld [tilespmem:s7+$0xFFFFFF70];
	[tilespmem:v33+s19+$0x0] =	vst.idx.msk $0xffff, v32  }
0x2ec: {  	v22 =	vbroadcast v18, $0x0;
	v18 =	vshll.u32 v19, v1;
	v44 =	vadd.s32 v9, v20;
	v43 =	vld [tilespmem:s7+$0xFFFFFF90];
	[tilespmem:v34+s19+$0x0] =	vst.idx.msk $0xffff, v31  }
.Ltmp10:
0x2ed: {  	s9 =	sadd.s32 $0x1, s8;
	v25 =	vadd.s32 v16, v25;
	v19 =	vmov s8;
	v23 =	vbroadcast v18, $0x0;
	[tilespmem:v36+s19+$0x0] =	vst.idx.msk $0xffff, v35;
	v24 =	vld [tilespmem:s7+$0x0];
	(pc) =	sbr.rel @p2 .LBB2_17-.Ltmp10, $4  }
0x2ee: {  	s13 =	sadd.s32 $0x3, s8;
	v19 =	vshrl.u32 v19, $0x3;
	v27 =	vadd.s32 v11, v22;
	v35 =	vmov s9;
	s9 =	sadd.s32 $0x2, s8;
	[tilespmem:v38+s19+$0x0] =	vst.idx.msk $0xffff, v26;
	v26 =	vld [tilespmem:s7+$0xFFFFFFB0]  }
0x2ef: {  	v28 =	vmov s13;
	s13 =	sadd.s32 $0x5, s8;
	v31 =	vadd.s32 v13, v23;
	v38 =	vmov s9;
	s9 =	sadd.s32 $0x4, s8;
	[tilespmem:v40+s19+$0x0] =	vst.idx.msk $0xffff, v39;
	v29 =	vld [tilespmem:s7+$0xFFFFFFD0]  }
0x2f0: {  	v18 =	vmov s13;
	v36 =	vadd.s32 v4, v30;
	v32 =	vmov s9;
	s9 =	sadd.s32 $0x6, s8;
	v33 =	vld [tilespmem:s7+$0xFFFFFF40];
	[tilespmem:v42+s19+$0x0] =	vst.idx.msk $0xffff, v41  }
0x2f1: {  	v37 =	vadd.s32 v6, v37;
	v30 =	vshll.u32 v19, v1;
	v19 =	vmov s9;
	s9 =	sadd.s32 $0x7, s8;
	s8 =	sadd.s32 $0x8, s8;
	v34 =	vld [tilespmem:s7+$0xFFFFFF60];
	[tilespmem:v44+s19+$0x0] =	vst.idx.msk $0xffff, v43  }
0x2f2: {  	_ =	sdelay $0x2  }
0x2f3: {  	v39 =	vmov s9;
	v35 =	vshrl.u32 v35, $0x3  }
0x2f4: {  	v40 =	vld [tilespmem:s7+$0xFFFFFF80];
	v21 =	vadd.s32 v8, v21;
	[tilespmem:v25+s19+$0x0] =	vst.idx.msk $0xffff, v24;
	v59 =	vshrl.u32 v38, $0x3;
	v20 =	vadd.s32 v10, v20  }
0x2f5: {  	v61 =	vld [tilespmem:s7+$0xFFFFFFA0];
	v62 =	vshrl.u32 v28, $0x3;
	v22 =	vadd.s32 v12, v22;
	v63 =	vshrl.u32 v32, $0x3;
	[tilespmem:v27+s19+$0x0] =	vst.idx.msk $0xffff, v26  }
0x2f6: {  	v23 =	vadd.s32 v14, v23;
	v30 =	vbroadcast v30, $0x0;
	v41 =	vld [tilespmem:s7+$0xFFFFFF20];
	v17 =	vadd.s32 v2, v17;
	[tilespmem:v31+s19+$0x0] =	vst.idx.msk $0xffff, v29  }
0x2f7: {  	s9 =	sadd.s32 $0x100, s7;
	v18 =	vshrl.u32 v18, $0x3;
	v60 =	vshrl.u32 v39, $0x3;
	v39 =	vshll.u32 v35, v1;
	v27 =	vld [tilespmem:s7+$0xFFFFFFC0];
	[tilespmem:v36+s19+$0x0] =	vst.idx.msk $0xffff, v33  }
0x2f8: {  	v24 =	vshll.u32 v59, v1;
	v44 =	vld [tilespmem:s9+$0xFFFFFF10];
	v31 =	vbroadcast v39, $0x0;
	v45 =	vadd.s32 v0, v30;
	[tilespmem:v37+s19+$0x0] =	vst.idx.msk $0xffff, v34  }
0x2f9: {  	v19 =	vshrl.u32 v19, $0x3;
	v26 =	vshll.u32 v62, v1;
	v24 =	vbroadcast v24, $0x0;
	v29 =	vld [tilespmem:s7+$0xFFFFFFE0];
	[tilespmem:v21+s19+$0x0] =	vst.idx.msk $0xffff, v40  }
0x2fa: {  	v46 =	vld [tilespmem:s9+$0xFFFFFF30];
	v18 =	vshll.u32 v18, v1;
	v26 =	vbroadcast v26, $0x0;
	v47 =	vadd.s32 v3, v31;
	[tilespmem:v20+s19+$0x0] =	vst.idx.msk $0xffff, v61  }
0x2fb: {  	v48 =	vld [tilespmem:s9+$0xFFFFFF50];
	v19 =	vshll.u32 v19, v1;
	v18 =	vbroadcast v18, $0x0;
	v49 =	vadd.s32 v5, v24;
	[tilespmem:v17+s19+$0x0] =	vst.idx.msk $0xffff, v41  }
0x2fc: {  	v28 =	vshll.u32 v63, v1;
	v50 =	vld [tilespmem:s9+$0xFFFFFF70];
	v19 =	vbroadcast v19, $0x0;
	v51 =	vadd.s32 v7, v26;
	[tilespmem:v22+s19+$0x0] =	vst.idx.msk $0xffff, v27  }
0x2fd: {  	v54 =	vld [tilespmem:s9+$0xFFFFFFB0];
	v25 =	vshll.u32 v60, v1;
	v28 =	vbroadcast v28, $0x0;
	v55 =	vadd.s32 v11, v18;
	[tilespmem:v45+s19+$0x0] =	vst.idx.msk $0xffff, v44  }
0x2fe: {  	v56 =	vld [tilespmem:s9+$0xFFFFFFD0];
	v25 =	vbroadcast v25, $0x0;
	v57 =	vadd.s32 v13, v19;
	[tilespmem:v23+s19+$0x0] =	vst.idx.msk $0xffff, v29  }
0x2ff: {  	v52 =	vadd.s32 v9, v28;
	v17 =	vld [tilespmem:s9+$0xFFFFFF90];
	[tilespmem:v47+s19+$0x0] =	vst.idx.msk $0xffff, v46  }
0x300: {  	v42 =	vld [tilespmem:s9+$0xFFFFFFF0];
	v43 =	vadd.s32 v15, v25;
	[tilespmem:v49+s19+$0x0] =	vst.idx.msk $0xffff, v48  }
0x301: {  	v63 =	vadd.s32 v2, v30;
	v62 =	vld [tilespmem:s9+$0xFFFFFF20];
	[tilespmem:v51+s19+$0x0] =	vst.idx.msk $0xffff, v50  }
0x302: {  	v31 =	vadd.s32 v4, v31;
	[tilespmem:v55+s19+$0x0] =	vst.idx.msk $0xffff, v54;
	v58 =	vld [tilespmem:s9+$0xFFFFFF40]  }
0x303: {  	v24 =	vadd.s32 v6, v24;
	[tilespmem:v57+s19+$0x0] =	vst.idx.msk $0xffff, v56;
	v59 =	vld [tilespmem:s9+$0xFFFFFF60]  }
0x304: {  	v26 =	vadd.s32 v8, v26;
	[tilespmem:v52+s19+$0x0] =	vst.idx.msk $0xffff, v17;
	v17 =	vld [tilespmem:s9+$0xFFFFFF80]  }
0x305: {  	v18 =	vadd.s32 v12, v18;
	[tilespmem:v43+s19+$0x0] =	vst.idx.msk $0xffff, v42;
	v20 =	vld [tilespmem:s9+$0xFFFFFFC0]  }
0x306: {  	v19 =	vadd.s32 v14, v19;
	v22 =	vld [tilespmem:s9+$0xFFFFFFE0];
	[tilespmem:v63+s19+$0x0] =	vst.idx.msk $0xffff, v62  }
0x307: {  	v25 =	vadd.s32 v16, v25;
	v53 =	vld [tilespmem:s9+$0x0];
	[tilespmem:v31+s19+$0x0] =	vst.idx.msk $0xffff, v58  }
0x308: {  	v61 =	vadd.s32 v10, v28;
	v60 =	vld [tilespmem:s9+$0xFFFFFFA0];
	[tilespmem:v24+s19+$0x0] =	vst.idx.msk $0xffff, v59  }
0x309: {  	[tilespmem:v26+s19+$0x0] =	vst.idx.msk $0xffff, v17  }
0x30a: {  	s13 =	sshll.u32 s18, $0x11;
	[tilespmem:v18+s19+$0x0] =	vst.idx.msk $0xffff, v20  }
0x30b: {  	s7 =	sor.u32 s6, s13;
	[tilespmem:v19+s19+$0x0] =	vst.idx.msk $0xffff, v22  }
0x30c: {  	s7 =	sshrl.u32 s7, $0x3;
	[tilespmem:v25+s19+$0x0] =	vst.idx.msk $0xffff, v53  }
0x30d: {  	s7 =	sadd.s32 s2, s7;
	[tilespmem:v61+s19+$0x0] =	vst.idx.msk $0xffff, v60  }
0x30e: {  	[hbm4b:s7+s3] =	stream.linear.scatter [tilespmem:s19], [sflag:$0xE], $0x80, $0x38;
	[tilespmem:$0x16C00] =	vst v63  }
0x30f: {  	s17 =	simm.s32 $0x13988;
	s8 =	sadd.s32 $0x10, s7  }
0x310: {  	[hbm4b:s8+s3] =	stream.linear.scatter [tilespmem:s17], [sflag:$0xE], $0x80, $0x38;
	[tilespmem:$0x16C00] =	vst v63  }
0x311: {  	s24 =	simm.s32 $0x13A10;
	s18 =	sadd.s32 $0x20, s7  }
0x312: {  	[hbm4b:s18+s3] =	stream.linear.scatter [tilespmem:s24], [sflag:$0xE], $0x80, $0x38;
	[tilespmem:$0x16C00] =	vst v63  }
0x313: {  	s13 =	sadd.s32 $0x30, s7;
	s17 =	simm.s32 $0x13A98  }
0x314: {  	[hbm4b:s13+s3] =	stream.linear.scatter [tilespmem:s17], [sflag:$0xE], $0x80, $0x38;
	[tilespmem:$0x16C00] =	vst v63  }
0x315: {  	s18 =	sadd.s32 $0x40, s7;
	s24 =	simm.s32 $0x13B20  }
0x316: {  	[hbm4b:s18+s3] =	stream.linear.scatter [tilespmem:s24], [sflag:$0xE], $0x80, $0x38;
	[tilespmem:$0x16C00] =	vst v63  }
0x317: {  	s13 =	sadd.s32 $0x50, s7;
	s17 =	simm.s32 $0x13BA8  }
0x318: {  	[hbm4b:s13+s3] =	stream.linear.scatter [tilespmem:s17], [sflag:$0xE], $0x80, $0x38;
	[tilespmem:$0x16C00] =	vst v63  }
0x319: {  	s18 =	sadd.s32 $0x60, s7;
	s24 =	simm.s32 $0x13C30  }
0x31a: {  	[hbm4b:s18+s3] =	stream.linear.scatter [tilespmem:s24], [sflag:$0xE], $0x80, $0x38;
	[tilespmem:$0x16C00] =	vst v63  }
0x31b: {  	s13 =	sadd.s32 $0x70, s7;
	s17 =	simm.s32 $0x13CB8  }
0x31c: {  	[hbm4b:s13+s3] =	stream.linear.scatter [tilespmem:s17], [sflag:$0xE], $0x80, $0x38;
	[tilespmem:$0x16C00] =	vst v63  }
0x31d: {  	s18 =	sadd.s32 $0x1000, s7;
	s24 =	simm.s32 $0x13D40  }
0x31e: {  	[hbm4b:s18+s3] =	stream.linear.scatter [tilespmem:s24], [sflag:$0xE], $0x80, $0x38;
	[tilespmem:$0x16C00] =	vst v63  }
0x31f: {  	s13 =	sadd.s32 $0x1010, s7;
	s17 =	simm.s32 $0x13DC8  }
0x320: {  	[hbm4b:s13+s3] =	stream.linear.scatter [tilespmem:s17], [sflag:$0xE], $0x80, $0x38;
	[tilespmem:$0x16C00] =	vst v63  }
0x321: {  	s18 =	sadd.s32 $0x1020, s7;
	s24 =	simm.s32 $0x13E50  }
0x322: {  	[hbm4b:s18+s3] =	stream.linear.scatter [tilespmem:s24], [sflag:$0xE], $0x80, $0x38;
	[tilespmem:$0x16C00] =	vst v63  }
0x323: {  	s13 =	sadd.s32 $0x1030, s7;
	s17 =	simm.s32 $0x13ED8  }
0x324: {  	[hbm4b:s13+s3] =	stream.linear.scatter [tilespmem:s17], [sflag:$0xE], $0x80, $0x38;
	[tilespmem:$0x16C00] =	vst v63  }
0x325: {  	s18 =	sadd.s32 $0x1040, s7;
	s24 =	simm.s32 $0x13F60  }
0x326: {  	[hbm4b:s18+s3] =	stream.linear.scatter [tilespmem:s24], [sflag:$0xE], $0x80, $0x38;
	[tilespmem:$0x16C00] =	vst v63  }
0x327: {  	s13 =	sadd.s32 $0x1050, s7;
	s17 =	simm.s32 $0x13FE8  }
0x328: {  	[hbm4b:s13+s3] =	stream.linear.scatter [tilespmem:s17], [sflag:$0xE], $0x80, $0x38;
	[tilespmem:$0x16C00] =	vst v63  }
0x329: {  	s18 =	sadd.s32 $0x1060, s7;
	s24 =	simm.s32 $0x14070  }
0x32a: {  	[hbm4b:s18+s3] =	stream.linear.scatter [tilespmem:s24], [sflag:$0xE], $0x80, $0x38;
	[tilespmem:$0x16C00] =	vst v63  }
0x32b: {  	s13 =	sadd.s32 $0x1070, s7;
	s17 =	simm.s32 $0x140F8  }
0x32c: {  	[hbm4b:s13+s3] =	stream.linear.scatter [tilespmem:s17], [sflag:$0xE], $0x80, $0x38;
	[tilespmem:$0x16C00] =	vst v63  }
0x32d: {  	s18 =	sadd.s32 $0x2000, s7;
	s24 =	simm.s32 $0x14180  }
0x32e: {  	[hbm4b:s18+s3] =	stream.linear.scatter [tilespmem:s24], [sflag:$0xE], $0x80, $0x38;
	[tilespmem:$0x16C00] =	vst v63  }
0x32f: {  	s13 =	sadd.s32 $0x2010, s7;
	s17 =	simm.s32 $0x14208  }
0x330: {  	[hbm4b:s13+s3] =	stream.linear.scatter [tilespmem:s17], [sflag:$0xE], $0x80, $0x38;
	[tilespmem:$0x16C00] =	vst v63  }
0x331: {  	s18 =	sadd.s32 $0x2020, s7;
	s24 =	simm.s32 $0x14290  }
0x332: {  	[hbm4b:s18+s3] =	stream.linear.scatter [tilespmem:s24], [sflag:$0xE], $0x80, $0x38;
	[tilespmem:$0x16C00] =	vst v63  }
0x333: {  	s13 =	sadd.s32 $0x2030, s7;
	s17 =	simm.s32 $0x14318  }
0x334: {  	[hbm4b:s13+s3] =	stream.linear.scatter [tilespmem:s17], [sflag:$0xE], $0x80, $0x38;
	[tilespmem:$0x16C00] =	vst v63  }
0x335: {  	s18 =	sadd.s32 $0x2040, s7;
	s24 =	simm.s32 $0x143A0  }
0x336: {  	[hbm4b:s18+s3] =	stream.linear.scatter [tilespmem:s24], [sflag:$0xE], $0x80, $0x38;
	[tilespmem:$0x16C00] =	vst v63  }
0x337: {  	s13 =	sadd.s32 $0x2050, s7;
	s17 =	simm.s32 $0x14428  }
0x338: {  	[hbm4b:s13+s3] =	stream.linear.scatter [tilespmem:s17], [sflag:$0xE], $0x80, $0x38;
	[tilespmem:$0x16C00] =	vst v63  }
0x339: {  	s18 =	sadd.s32 $0x2060, s7;
	s24 =	simm.s32 $0x144B0  }
0x33a: {  	[hbm4b:s18+s3] =	stream.linear.scatter [tilespmem:s24], [sflag:$0xE], $0x80, $0x38;
	[tilespmem:$0x16C00] =	vst v63  }
0x33b: {  	s13 =	sadd.s32 $0x2070, s7;
	s17 =	simm.s32 $0x14538  }
0x33c: {  	[hbm4b:s13+s3] =	stream.linear.scatter [tilespmem:s17], [sflag:$0xE], $0x80, $0x38;
	[tilespmem:$0x16C00] =	vst v63  }
0x33d: {  	s18 =	sadd.s32 $0x3000, s7;
	s24 =	simm.s32 $0x145C0  }
0x33e: {  	[hbm4b:s18+s3] =	stream.linear.scatter [tilespmem:s24], [sflag:$0xE], $0x80, $0x38;
	[tilespmem:$0x16C00] =	vst v63  }
0x33f: {  	s13 =	sadd.s32 $0x3010, s7;
	s17 =	simm.s32 $0x14648  }
0x340: {  	[hbm4b:s13+s3] =	stream.linear.scatter [tilespmem:s17], [sflag:$0xE], $0x80, $0x38;
	[tilespmem:$0x16C00] =	vst v63  }
0x341: {  	s18 =	sadd.s32 $0x3020, s7;
	s24 =	simm.s32 $0x146D0  }
0x342: {  	[hbm4b:s18+s3] =	stream.linear.scatter [tilespmem:s24], [sflag:$0xE], $0x80, $0x38;
	[tilespmem:$0x16C00] =	vst v63  }
0x343: {  	s13 =	sadd.s32 $0x3030, s7;
	s17 =	simm.s32 $0x14758  }
0x344: {  	[hbm4b:s13+s3] =	stream.linear.scatter [tilespmem:s17], [sflag:$0xE], $0x80, $0x38;
	[tilespmem:$0x16C00] =	vst v63  }
0x345: {  	s18 =	sadd.s32 $0x3040, s7;
	s24 =	simm.s32 $0x147E0  }
0x346: {  	[hbm4b:s18+s3] =	stream.linear.scatter [tilespmem:s24], [sflag:$0xE], $0x80, $0x38;
	[tilespmem:$0x16C00] =	vst v63  }
0x347: {  	s9 =	sadd.s32 $0x3050, s7;
	s13 =	simm.s32 $0x14868  }
0x348: {  	[hbm4b:s9+s3] =	stream.linear.scatter [tilespmem:s13], [sflag:$0xE], $0x80, $0x38;
	[tilespmem:$0x16C00] =	vst v63  }
.Ltmp11:
0x349: {  	_ = 	snop;
	(pc) =	sbr.rel @p1 .LBB2_20-.Ltmp11, $4  }
0x34a: {  	s17 =	sadd.s32 $0x3060, s7;
	s18 =	simm.s32 $0x148F0  }
0x34b: {  	[hbm4b:s17+s3] =	stream.linear.scatter [tilespmem:s18], [sflag:$0xE], $0x80, $0x38;
	[tilespmem:$0x16C00] =	vst v63  }
0x34c: {  	s7 =	sadd.s32 $0x3070, s7;
	s24 =	simm.s32 $0x14978  }
0x34d: {  	[hbm4b:s7+s3] =	stream.linear.scatter [tilespmem:s24], [sflag:$0xE], $0x80, $0x38;
	[tilespmem:$0x16C00] =	vst v63  }
.Ltmp12:
0x34e: {  	(pc) =	sbr.rel .LBB2_21-.Ltmp12, $4  }
0x34f: {  	_ = 	snop  }
0x350: {  	_ =	swait.ge [sflag:s23], $0x1000  }
0x351: {  	[sflag:s23] =	ssyncset.done $0x0  }
0x352: {  	[sflag:s23] =	ssyncadd.s32 $0xFFFFF000  }
.LBB2_20:
0x353: {  	s7 =	sshll.u32 s5, $0xA  }
0x354: {  	s7 =	sand.u32 $0x3FFFFC00, s7  }
.Ltmp13:
0x355: {  	s8 =	simm.s32 $0x7400;
	s7 =	sadd.s32 $0x480, s7;
	(pc) =	sbr.rel @p0 .LBB2_22-.Ltmp13, $4  }
0x356: {  	[tilespmem:s8], [sflag:$0x2] =	stream.indirect.gather [hbm4b:s4+s11], $0x20, s7, s11, $0xb8;
	[tilespmem:$0x16C00] =	vst v63  }
0x357: {  	_ =	swait.ge [sflag:s23], $0x1000  }
0x358: {  	[sflag:s23] =	ssyncset.done $0x0  }
0x359: {  	[sflag:s23] =	ssyncadd.s32 $0xFFFFF000  }
.LBB2_21:
0x35a: {  	s7 =	simm.s32 $0xF  }
0x35b: {  	_ =	swait.ge [sflag:s7], $0x1000  }
0x35c: {  	[sflag:s7] =	ssyncset.done $0x0  }
0x35d: {  	[sflag:s7] =	ssyncadd.s32 $0xFFFFF000  }
.LBB2_22:
0x35e: {  	s7 =	simm.s32 $0x0  }
0x35f: {  	s17 =	simm.s32 $0x1;
	s8 =	simm.s32 $0x2;
	s18 =	simm.s32 $0x3;
	v17 =	vmov s7  }
0x360: {  	s24 =	simm.s32 $0x4;
	s9 =	simm.s32 $0x7;
	s13 =	simm.s32 $0x5;
	v18 =	vmov s17;
	v19 =	vmov s8;
	v20 =	vmov s18  }
0x361: {  	v21 =	vmov s24;
	v22 =	vmov s9;
	v23 =	vmov s13;
	s17 =	simm.s32 $0x6  }
0x362: {  	v17 =	vshrl.u32 v17, $0x3;
	v22 =	vshrl.u32 v22, $0x3;
	v24 =	vmov s17  }
0x363: {  	v18 =	vshrl.u32 v18, $0x3;
	v19 =	vshrl.u32 v19, $0x3;
	v22 =	vshll.u32 v22, v1  }
0x364: {  	v20 =	vshrl.u32 v20, $0x3;
	v17 =	vshll.u32 v17, v1;
	v25 =	vbroadcast v22, $0x0  }
0x365: {  	s7 =	simm.s32 $0xC4F0;
	v18 =	vshll.u32 v18, v1;
	v22 =	vshrl.u32 v21, $0x3;
	v17 =	vbroadcast v17, $0x0  }
0x366: {  	v30 =	vbroadcast v18, $0x0;
	v18 =	vshll.u32 v19, v1;
	v19 =	vld [tilespmem:s7+$0xFFFFFFF0];
	v26 =	vadd.s32 v15, v25  }
0x367: {  	v27 =	vld [tilespmem:s7+$0xFFFFFF10];
	v37 =	vbroadcast v18, $0x0;
	v18 =	vshll.u32 v20, v1;
	v28 =	vadd.s32 v0, v17  }
0x368: {  	v29 =	vld [tilespmem:s7+$0xFFFFFF30];
	v31 =	vadd.s32 v3, v30;
	v21 =	vbroadcast v18, $0x0;
	v18 =	vshll.u32 v22, v1  }
0x369: {  	v32 =	vld [tilespmem:s7+$0xFFFFFF50];
	v33 =	vadd.s32 v5, v37;
	v20 =	vbroadcast v18, $0x0;
	v18 =	vshrl.u32 v23, $0x3  }
0x36a: {  	v34 =	vld [tilespmem:s7+$0xFFFFFF70];
	v23 =	vshrl.u32 v24, $0x3;
	v39 =	vadd.s32 v7, v21;
	v18 =	vshll.u32 v18, v1  }
0x36b: {  	s24 =	simm.s32 $0x9;
	v40 =	vld [tilespmem:s7+$0xFFFFFF90];
	v41 =	vadd.s32 v9, v20;
	v22 =	vbroadcast v18, $0x0;
	v18 =	vshll.u32 v23, v1;
	[tilespmem:v26+s30+$0x0] =	vst.idx.msk $0xffff, v19  }
0x36c: {  	s9 =	simm.s32 $0xA;
	v35 =	vmov s24;
	v25 =	vadd.s32 v16, v25;
	v23 =	vbroadcast v18, $0x0;
	[tilespmem:v28+s30+$0x0] =	vst.idx.msk $0xffff, v27;
	v24 =	vld [tilespmem:s7+$0x0]  }
0x36d: {  	s18 =	simm.s32 $0x8;
	v38 =	vmov s9;
	v36 =	vadd.s32 v4, v30;
	[tilespmem:v31+s30+$0x0] =	vst.idx.msk $0xffff, v29;
	v26 =	vld [tilespmem:s7+$0xFFFFFFB0];
	v27 =	vadd.s32 v11, v22  }
0x36e: {  	s13 =	simm.s32 $0xB;
	s17 =	simm.s32 $0xC;
	v37 =	vadd.s32 v6, v37;
	v19 =	vmov s18;
	v29 =	vld [tilespmem:s7+$0xFFFFFFD0];
	[tilespmem:v33+s30+$0x0] =	vst.idx.msk $0xffff, v32;
	v31 =	vadd.s32 v13, v23  }
0x36f: {  	s24 =	simm.s32 $0xE;
	v28 =	vmov s13;
	s18 =	simm.s32 $0xD;
	v19 =	vshrl.u32 v19, $0x3;
	v32 =	vmov s17;
	v33 =	vld [tilespmem:s7+$0xFFFFFF40];
	[tilespmem:v39+s30+$0x0] =	vst.idx.msk $0xffff, v34  }
0x370: {  	s8 =	simm.s32 $0x10;
	s9 =	simm.s32 $0xF;
	v18 =	vmov s18;
	v30 =	vshll.u32 v19, v1;
	v19 =	vmov s24;
	v34 =	vld [tilespmem:s7+$0xFFFFFF60];
	[tilespmem:v41+s30+$0x0] =	vst.idx.msk $0xffff, v40  }
.LBB2_23:
0x371: {  	p2 =	slt.u32 s8, $0x78;
	v35 =	vshrl.u32 v35, $0x3;
	v39 =	vmov s9;
	v40 =	vld [tilespmem:s7+$0xFFFFFF80];
	v21 =	vadd.s32 v8, v21;
	[tilespmem:v25+s30+$0x0] =	vst.idx.msk $0xffff, v24  }
0x372: {  	v24 =	vshrl.u32 v38, $0x3;
	v20 =	vadd.s32 v10, v20;
	v25 =	vshrl.u32 v39, $0x3;
	v38 =	vld [tilespmem:s7+$0xFFFFFFA0];
	[tilespmem:v27+s30+$0x0] =	vst.idx.msk $0xffff, v26  }
0x373: {  	v22 =	vadd.s32 v12, v22;
	v26 =	vshrl.u32 v28, $0x3;
	v25 =	vshll.u32 v25, v1;
	v27 =	vld [tilespmem:s7+$0xFFFFFFC0];
	[tilespmem:v31+s30+$0x0] =	vst.idx.msk $0xffff, v29  }
0x374: {  	v23 =	vadd.s32 v14, v23;
	v28 =	vshrl.u32 v32, $0x3;
	v25 =	vbroadcast v25, $0x0;
	[tilespmem:v36+s30+$0x0] =	vst.idx.msk $0xffff, v33;
	v29 =	vld [tilespmem:s7+$0xFFFFFFE0]  }
0x375: {  	v31 =	vshll.u32 v35, v1;
	v33 =	vadd.s32 v2, v17;
	v17 =	vbroadcast v30, $0x0;
	v32 =	vld [tilespmem:s7+$0xFFFFFF20];
	[tilespmem:v37+s30+$0x0] =	vst.idx.msk $0xffff, v34;
	s7 =	sadd.s32 $0x100, s7  }
0x376: {  	v24 =	vshll.u32 v24, v1;
	v30 =	vbroadcast v31, $0x0;
	v31 =	vld [tilespmem:s7+$0xFFFFFFF0];
	v34 =	vadd.s32 v15, v25;
	[tilespmem:v21+s30+$0x0] =	vst.idx.msk $0xffff, v40  }
0x377: {  	v37 =	vbroadcast v24, $0x0;
	v36 =	vadd.s32 v0, v17;
	v21 =	vshll.u32 v26, v1;
	v35 =	vld [tilespmem:s7+$0xFFFFFF10];
	[tilespmem:v20+s30+$0x0] =	vst.idx.msk $0xffff, v38  }
0x378: {  	v38 =	vadd.s32 v3, v30;
	v21 =	vbroadcast v21, $0x0;
	v20 =	vshll.u32 v28, v1;
	v26 =	vld [tilespmem:s7+$0xFFFFFF30];
	[tilespmem:v22+s30+$0x0] =	vst.idx.msk $0xffff, v27  }
0x379: {  	v18 =	vshrl.u32 v18, $0x3;
	v40 =	vadd.s32 v5, v37;
	v20 =	vbroadcast v20, $0x0;
	v39 =	vld [tilespmem:s7+$0xFFFFFF50];
	[tilespmem:v23+s30+$0x0] =	vst.idx.msk $0xffff, v29  }
0x37a: {  	v19 =	vshrl.u32 v19, $0x3;
	v18 =	vshll.u32 v18, v1;
	v42 =	vadd.s32 v7, v21;
	v41 =	vld [tilespmem:s7+$0xFFFFFF70];
	[tilespmem:v33+s30+$0x0] =	vst.idx.msk $0xffff, v32  }
0x37b: {  	v22 =	vbroadcast v18, $0x0;
	v18 =	vshll.u32 v19, v1;
	v44 =	vadd.s32 v9, v20;
	v43 =	vld [tilespmem:s7+$0xFFFFFF90];
	[tilespmem:v34+s30+$0x0] =	vst.idx.msk $0xffff, v31  }
.Ltmp14:
0x37c: {  	s9 =	sadd.s32 $0x1, s8;
	v25 =	vadd.s32 v16, v25;
	v19 =	vmov s8;
	v23 =	vbroadcast v18, $0x0;
	[tilespmem:v36+s30+$0x0] =	vst.idx.msk $0xffff, v35;
	v24 =	vld [tilespmem:s7+$0x0];
	(pc) =	sbr.rel @p2 .LBB2_23-.Ltmp14, $4  }
0x37d: {  	s13 =	sadd.s32 $0x3, s8;
	v19 =	vshrl.u32 v19, $0x3;
	v27 =	vadd.s32 v11, v22;
	v35 =	vmov s9;
	s9 =	sadd.s32 $0x2, s8;
	[tilespmem:v38+s30+$0x0] =	vst.idx.msk $0xffff, v26;
	v26 =	vld [tilespmem:s7+$0xFFFFFFB0]  }
0x37e: {  	v28 =	vmov s13;
	s13 =	sadd.s32 $0x5, s8;
	v31 =	vadd.s32 v13, v23;
	v38 =	vmov s9;
	s9 =	sadd.s32 $0x4, s8;
	[tilespmem:v40+s30+$0x0] =	vst.idx.msk $0xffff, v39;
	v29 =	vld [tilespmem:s7+$0xFFFFFFD0]  }
0x37f: {  	v18 =	vmov s13;
	v36 =	vadd.s32 v4, v30;
	v32 =	vmov s9;
	s9 =	sadd.s32 $0x6, s8;
	v33 =	vld [tilespmem:s7+$0xFFFFFF40];
	[tilespmem:v42+s30+$0x0] =	vst.idx.msk $0xffff, v41  }
0x380: {  	v37 =	vadd.s32 v6, v37;
	v30 =	vshll.u32 v19, v1;
	v19 =	vmov s9;
	s9 =	sadd.s32 $0x7, s8;
	s8 =	sadd.s32 $0x8, s8;
	v34 =	vld [tilespmem:s7+$0xFFFFFF60];
	[tilespmem:v44+s30+$0x0] =	vst.idx.msk $0xffff, v43  }
0x381: {  	_ =	sdelay $0x2  }
0x382: {  	v39 =	vmov s9;
	v35 =	vshrl.u32 v35, $0x3  }
0x383: {  	v40 =	vld [tilespmem:s7+$0xFFFFFF80];
	v21 =	vadd.s32 v8, v21;
	[tilespmem:v25+s30+$0x0] =	vst.idx.msk $0xffff, v24;
	v59 =	vshrl.u32 v38, $0x3;
	v20 =	vadd.s32 v10, v20  }
0x384: {  	v61 =	vld [tilespmem:s7+$0xFFFFFFA0];
	v62 =	vshrl.u32 v28, $0x3;
	v22 =	vadd.s32 v12, v22;
	v63 =	vshrl.u32 v32, $0x3;
	[tilespmem:v27+s30+$0x0] =	vst.idx.msk $0xffff, v26  }
0x385: {  	v23 =	vadd.s32 v14, v23;
	v30 =	vbroadcast v30, $0x0;
	v41 =	vld [tilespmem:s7+$0xFFFFFF20];
	v17 =	vadd.s32 v2, v17;
	[tilespmem:v31+s30+$0x0] =	vst.idx.msk $0xffff, v29  }
0x386: {  	s18 =	sadd.s32 $0x100, s7;
	v18 =	vshrl.u32 v18, $0x3;
	v60 =	vshrl.u32 v39, $0x3;
	v39 =	vshll.u32 v35, v1;
	v27 =	vld [tilespmem:s7+$0xFFFFFFC0];
	[tilespmem:v36+s30+$0x0] =	vst.idx.msk $0xffff, v33  }
0x387: {  	v24 =	vshll.u32 v59, v1;
	v44 =	vld [tilespmem:s18+$0xFFFFFF10];
	v31 =	vbroadcast v39, $0x0;
	v45 =	vadd.s32 v0, v30;
	[tilespmem:v37+s30+$0x0] =	vst.idx.msk $0xffff, v34  }
0x388: {  	v19 =	vshrl.u32 v19, $0x3;
	v26 =	vshll.u32 v62, v1;
	v24 =	vbroadcast v24, $0x0;
	v29 =	vld [tilespmem:s7+$0xFFFFFFE0];
	[tilespmem:v21+s30+$0x0] =	vst.idx.msk $0xffff, v40  }
0x389: {  	v46 =	vld [tilespmem:s18+$0xFFFFFF30];
	v18 =	vshll.u32 v18, v1;
	v26 =	vbroadcast v26, $0x0;
	v47 =	vadd.s32 v3, v31;
	[tilespmem:v20+s30+$0x0] =	vst.idx.msk $0xffff, v61  }
0x38a: {  	v48 =	vld [tilespmem:s18+$0xFFFFFF50];
	v19 =	vshll.u32 v19, v1;
	v18 =	vbroadcast v18, $0x0;
	v49 =	vadd.s32 v5, v24;
	[tilespmem:v17+s30+$0x0] =	vst.idx.msk $0xffff, v41  }
0x38b: {  	v28 =	vshll.u32 v63, v1;
	v50 =	vld [tilespmem:s18+$0xFFFFFF70];
	v19 =	vbroadcast v19, $0x0;
	v51 =	vadd.s32 v7, v26;
	[tilespmem:v22+s30+$0x0] =	vst.idx.msk $0xffff, v27  }
0x38c: {  	v54 =	vld [tilespmem:s18+$0xFFFFFFB0];
	v25 =	vshll.u32 v60, v1;
	v28 =	vbroadcast v28, $0x0;
	v55 =	vadd.s32 v11, v18;
	[tilespmem:v45+s30+$0x0] =	vst.idx.msk $0xffff, v44  }
0x38d: {  	v56 =	vld [tilespmem:s18+$0xFFFFFFD0];
	v25 =	vbroadcast v25, $0x0;
	v57 =	vadd.s32 v13, v19;
	[tilespmem:v23+s30+$0x0] =	vst.idx.msk $0xffff, v29  }
0x38e: {  	v52 =	vadd.s32 v9, v28;
	v17 =	vld [tilespmem:s18+$0xFFFFFF90];
	[tilespmem:v47+s30+$0x0] =	vst.idx.msk $0xffff, v46  }
0x38f: {  	v42 =	vld [tilespmem:s18+$0xFFFFFFF0];
	v43 =	vadd.s32 v15, v25;
	[tilespmem:v49+s30+$0x0] =	vst.idx.msk $0xffff, v48  }
0x390: {  	v63 =	vadd.s32 v2, v30;
	v62 =	vld [tilespmem:s18+$0xFFFFFF20];
	[tilespmem:v51+s30+$0x0] =	vst.idx.msk $0xffff, v50  }
0x391: {  	v31 =	vadd.s32 v4, v31;
	[tilespmem:v55+s30+$0x0] =	vst.idx.msk $0xffff, v54;
	v58 =	vld [tilespmem:s18+$0xFFFFFF40]  }
0x392: {  	v24 =	vadd.s32 v6, v24;
	[tilespmem:v57+s30+$0x0] =	vst.idx.msk $0xffff, v56;
	v59 =	vld [tilespmem:s18+$0xFFFFFF60]  }
0x393: {  	v26 =	vadd.s32 v8, v26;
	[tilespmem:v52+s30+$0x0] =	vst.idx.msk $0xffff, v17;
	v17 =	vld [tilespmem:s18+$0xFFFFFF80]  }
0x394: {  	v18 =	vadd.s32 v12, v18;
	[tilespmem:v43+s30+$0x0] =	vst.idx.msk $0xffff, v42;
	v20 =	vld [tilespmem:s18+$0xFFFFFFC0]  }
0x395: {  	v19 =	vadd.s32 v14, v19;
	v22 =	vld [tilespmem:s18+$0xFFFFFFE0];
	[tilespmem:v63+s30+$0x0] =	vst.idx.msk $0xffff, v62  }
0x396: {  	v25 =	vadd.s32 v16, v25;
	v53 =	vld [tilespmem:s18+$0x0];
	[tilespmem:v31+s30+$0x0] =	vst.idx.msk $0xffff, v58  }
0x397: {  	v61 =	vadd.s32 v10, v28;
	v60 =	vld [tilespmem:s18+$0xFFFFFFA0];
	[tilespmem:v24+s30+$0x0] =	vst.idx.msk $0xffff, v59  }
0x398: {  	[tilespmem:v26+s30+$0x0] =	vst.idx.msk $0xffff, v17  }
0x399: {  	s24 =	sshll.u32 s31, $0x11;
	[tilespmem:v18+s30+$0x0] =	vst.idx.msk $0xffff, v20  }
0x39a: {  	s7 =	sor.u32 s6, s24;
	[tilespmem:v19+s30+$0x0] =	vst.idx.msk $0xffff, v22  }
0x39b: {  	s7 =	sshrl.u32 s7, $0x3;
	[tilespmem:v25+s30+$0x0] =	vst.idx.msk $0xffff, v53  }
0x39c: {  	s7 =	sadd.s32 s2, s7;
	[tilespmem:v61+s30+$0x0] =	vst.idx.msk $0xffff, v60  }
0x39d: {  	[hbm4b:s7+s3] =	stream.linear.scatter [tilespmem:s30], [sflag:$0xF], $0x80, $0x38;
	[tilespmem:$0x16C00] =	vst v63  }
0x39e: {  	s31 =	simm.s32 $0x14A88;
	s8 =	sadd.s32 $0x10, s7  }
0x39f: {  	[hbm4b:s8+s3] =	stream.linear.scatter [tilespmem:s31], [sflag:$0xF], $0x80, $0x38;
	[tilespmem:$0x16C00] =	vst v63  }
0x3a0: {  	s13 =	simm.s32 $0x14B10;
	s9 =	sadd.s32 $0x20, s7  }
0x3a1: {  	[hbm4b:s9+s3] =	stream.linear.scatter [tilespmem:s13], [sflag:$0xF], $0x80, $0x38;
	[tilespmem:$0x16C00] =	vst v63  }
0x3a2: {  	s17 =	sadd.s32 $0x30, s7;
	s18 =	simm.s32 $0x14B98  }
0x3a3: {  	[hbm4b:s17+s3] =	stream.linear.scatter [tilespmem:s18], [sflag:$0xF], $0x80, $0x38;
	[tilespmem:$0x16C00] =	vst v63  }
0x3a4: {  	s24 =	sadd.s32 $0x40, s7;
	s31 =	simm.s32 $0x14C20  }
0x3a5: {  	[hbm4b:s24+s3] =	stream.linear.scatter [tilespmem:s31], [sflag:$0xF], $0x80, $0x38;
	[tilespmem:$0x16C00] =	vst v63  }
0x3a6: {  	s9 =	sadd.s32 $0x50, s7;
	s13 =	simm.s32 $0x14CA8  }
0x3a7: {  	[hbm4b:s9+s3] =	stream.linear.scatter [tilespmem:s13], [sflag:$0xF], $0x80, $0x38;
	[tilespmem:$0x16C00] =	vst v63  }
0x3a8: {  	s17 =	sadd.s32 $0x60, s7;
	s18 =	simm.s32 $0x14D30  }
0x3a9: {  	[hbm4b:s17+s3] =	stream.linear.scatter [tilespmem:s18], [sflag:$0xF], $0x80, $0x38;
	[tilespmem:$0x16C00] =	vst v63  }
0x3aa: {  	s24 =	sadd.s32 $0x70, s7;
	s31 =	simm.s32 $0x14DB8  }
0x3ab: {  	[hbm4b:s24+s3] =	stream.linear.scatter [tilespmem:s31], [sflag:$0xF], $0x80, $0x38;
	[tilespmem:$0x16C00] =	vst v63  }
0x3ac: {  	s9 =	sadd.s32 $0x1000, s7;
	s13 =	simm.s32 $0x14E40  }
0x3ad: {  	[hbm4b:s9+s3] =	stream.linear.scatter [tilespmem:s13], [sflag:$0xF], $0x80, $0x38;
	[tilespmem:$0x16C00] =	vst v63  }
0x3ae: {  	s17 =	sadd.s32 $0x1010, s7;
	s18 =	simm.s32 $0x14EC8  }
0x3af: {  	[hbm4b:s17+s3] =	stream.linear.scatter [tilespmem:s18], [sflag:$0xF], $0x80, $0x38;
	[tilespmem:$0x16C00] =	vst v63  }
0x3b0: {  	s24 =	sadd.s32 $0x1020, s7;
	s31 =	simm.s32 $0x14F50  }
0x3b1: {  	[hbm4b:s24+s3] =	stream.linear.scatter [tilespmem:s31], [sflag:$0xF], $0x80, $0x38;
	[tilespmem:$0x16C00] =	vst v63  }
0x3b2: {  	s9 =	sadd.s32 $0x1030, s7;
	s13 =	simm.s32 $0x14FD8  }
0x3b3: {  	[hbm4b:s9+s3] =	stream.linear.scatter [tilespmem:s13], [sflag:$0xF], $0x80, $0x38;
	[tilespmem:$0x16C00] =	vst v63  }
0x3b4: {  	s17 =	sadd.s32 $0x1040, s7;
	s18 =	simm.s32 $0x15060  }
0x3b5: {  	[hbm4b:s17+s3] =	stream.linear.scatter [tilespmem:s18], [sflag:$0xF], $0x80, $0x38;
	[tilespmem:$0x16C00] =	vst v63  }
0x3b6: {  	s24 =	sadd.s32 $0x1050, s7;
	s31 =	simm.s32 $0x150E8  }
0x3b7: {  	[hbm4b:s24+s3] =	stream.linear.scatter [tilespmem:s31], [sflag:$0xF], $0x80, $0x38;
	[tilespmem:$0x16C00] =	vst v63  }
0x3b8: {  	s9 =	sadd.s32 $0x1060, s7;
	s13 =	simm.s32 $0x15170  }
0x3b9: {  	[hbm4b:s9+s3] =	stream.linear.scatter [tilespmem:s13], [sflag:$0xF], $0x80, $0x38;
	[tilespmem:$0x16C00] =	vst v63  }
0x3ba: {  	s17 =	sadd.s32 $0x1070, s7;
	s18 =	simm.s32 $0x151F8  }
0x3bb: {  	[hbm4b:s17+s3] =	stream.linear.scatter [tilespmem:s18], [sflag:$0xF], $0x80, $0x38;
	[tilespmem:$0x16C00] =	vst v63  }
0x3bc: {  	s24 =	sadd.s32 $0x2000, s7;
	s31 =	simm.s32 $0x15280  }
0x3bd: {  	[hbm4b:s24+s3] =	stream.linear.scatter [tilespmem:s31], [sflag:$0xF], $0x80, $0x38;
	[tilespmem:$0x16C00] =	vst v63  }
0x3be: {  	s9 =	sadd.s32 $0x2010, s7;
	s13 =	simm.s32 $0x15308  }
0x3bf: {  	[hbm4b:s9+s3] =	stream.linear.scatter [tilespmem:s13], [sflag:$0xF], $0x80, $0x38;
	[tilespmem:$0x16C00] =	vst v63  }
0x3c0: {  	s17 =	sadd.s32 $0x2020, s7;
	s18 =	simm.s32 $0x15390  }
0x3c1: {  	[hbm4b:s17+s3] =	stream.linear.scatter [tilespmem:s18], [sflag:$0xF], $0x80, $0x38;
	[tilespmem:$0x16C00] =	vst v63  }
0x3c2: {  	s24 =	sadd.s32 $0x2030, s7;
	s31 =	simm.s32 $0x15418  }
0x3c3: {  	[hbm4b:s24+s3] =	stream.linear.scatter [tilespmem:s31], [sflag:$0xF], $0x80, $0x38;
	[tilespmem:$0x16C00] =	vst v63  }
0x3c4: {  	s9 =	sadd.s32 $0x2040, s7;
	s13 =	simm.s32 $0x154A0  }
0x3c5: {  	[hbm4b:s9+s3] =	stream.linear.scatter [tilespmem:s13], [sflag:$0xF], $0x80, $0x38;
	[tilespmem:$0x16C00] =	vst v63  }
0x3c6: {  	s17 =	sadd.s32 $0x2050, s7;
	s18 =	simm.s32 $0x15528  }
0x3c7: {  	[hbm4b:s17+s3] =	stream.linear.scatter [tilespmem:s18], [sflag:$0xF], $0x80, $0x38;
	[tilespmem:$0x16C00] =	vst v63  }
0x3c8: {  	s24 =	sadd.s32 $0x2060, s7;
	s31 =	simm.s32 $0x155B0  }
0x3c9: {  	[hbm4b:s24+s3] =	stream.linear.scatter [tilespmem:s31], [sflag:$0xF], $0x80, $0x38;
	[tilespmem:$0x16C00] =	vst v63  }
0x3ca: {  	s9 =	sadd.s32 $0x2070, s7;
	s13 =	simm.s32 $0x15638  }
0x3cb: {  	[hbm4b:s9+s3] =	stream.linear.scatter [tilespmem:s13], [sflag:$0xF], $0x80, $0x38;
	[tilespmem:$0x16C00] =	vst v63  }
0x3cc: {  	s17 =	sadd.s32 $0x3000, s7;
	s18 =	simm.s32 $0x156C0  }
0x3cd: {  	[hbm4b:s17+s3] =	stream.linear.scatter [tilespmem:s18], [sflag:$0xF], $0x80, $0x38;
	[tilespmem:$0x16C00] =	vst v63  }
0x3ce: {  	s24 =	sadd.s32 $0x3010, s7;
	s31 =	simm.s32 $0x15748  }
0x3cf: {  	[hbm4b:s24+s3] =	stream.linear.scatter [tilespmem:s31], [sflag:$0xF], $0x80, $0x38;
	[tilespmem:$0x16C00] =	vst v63  }
0x3d0: {  	s9 =	sadd.s32 $0x3020, s7;
	s13 =	simm.s32 $0x157D0  }
0x3d1: {  	[hbm4b:s9+s3] =	stream.linear.scatter [tilespmem:s13], [sflag:$0xF], $0x80, $0x38;
	[tilespmem:$0x16C00] =	vst v63  }
0x3d2: {  	s17 =	sadd.s32 $0x3030, s7;
	s18 =	simm.s32 $0x15858  }
0x3d3: {  	[hbm4b:s17+s3] =	stream.linear.scatter [tilespmem:s18], [sflag:$0xF], $0x80, $0x38;
	[tilespmem:$0x16C00] =	vst v63  }
0x3d4: {  	s24 =	sadd.s32 $0x3040, s7;
	s31 =	simm.s32 $0x158E0  }
0x3d5: {  	[hbm4b:s24+s3] =	stream.linear.scatter [tilespmem:s31], [sflag:$0xF], $0x80, $0x38;
	[tilespmem:$0x16C00] =	vst v63  }
0x3d6: {  	s13 =	sadd.s32 $0x3050, s7;
	s17 =	simm.s32 $0x15968  }
0x3d7: {  	[hbm4b:s13+s3] =	stream.linear.scatter [tilespmem:s17], [sflag:$0xF], $0x80, $0x38;
	[tilespmem:$0x16C00] =	vst v63  }
.Ltmp15:
0x3d8: {  	_ = 	snop;
	(pc) =	sbr.rel @p1 .LBB2_26-.Ltmp15, $4  }
0x3d9: {  	s18 =	sadd.s32 $0x3060, s7;
	s24 =	simm.s32 $0x159F0  }
0x3da: {  	[hbm4b:s18+s3] =	stream.linear.scatter [tilespmem:s24], [sflag:$0xF], $0x80, $0x38;
	[tilespmem:$0x16C00] =	vst v63  }
0x3db: {  	s7 =	sadd.s32 $0x3070, s7;
	s31 =	simm.s32 $0x15A78  }
0x3dc: {  	[hbm4b:s7+s3] =	stream.linear.scatter [tilespmem:s31], [sflag:$0xF], $0x80, $0x38;
	[tilespmem:$0x16C00] =	vst v63  }
.Ltmp16:
0x3dd: {  	(pc) =	sbr.rel .LBB2_27-.Ltmp16, $4  }
0x3de: {  	_ = 	snop  }
0x3df: {  	_ =	swait.ge [sflag:s10], $0x1000  }
0x3e0: {  	[sflag:s10] =	ssyncset.done $0x0  }
0x3e1: {  	[sflag:s10] =	ssyncadd.s32 $0xFFFFF000  }
.LBB2_26:
0x3e2: {  	s7 =	sshll.u32 s5, $0xA  }
0x3e3: {  	s7 =	sand.u32 $0x3FFFFC00, s7  }
.Ltmp17:
0x3e4: {  	s8 =	simm.s32 $0x8400;
	s7 =	sadd.s32 $0x500, s7;
	(pc) =	sbr.rel @p0 .LBB2_28-.Ltmp17, $4  }
0x3e5: {  	[tilespmem:s8], [sflag:$0x3] =	stream.indirect.gather [hbm4b:s4+s11], $0x20, s7, s11, $0xb8;
	[tilespmem:$0x16C00] =	vst v63  }
0x3e6: {  	_ =	swait.ge [sflag:s10], $0x1000  }
0x3e7: {  	[sflag:s10] =	ssyncset.done $0x0  }
0x3e8: {  	[sflag:s10] =	ssyncadd.s32 $0xFFFFF000  }
.LBB2_27:
0x3e9: {  	s7 =	simm.s32 $0x10  }
0x3ea: {  	_ =	swait.ge [sflag:s7], $0x1000  }
0x3eb: {  	[sflag:s7] =	ssyncset.done $0x0  }
0x3ec: {  	[sflag:s7] =	ssyncadd.s32 $0xFFFFF000  }
.LBB2_28:
0x3ed: {  	s7 =	simm.s32 $0x0  }
0x3ee: {  	s9 =	simm.s32 $0x1;
	s8 =	simm.s32 $0x2;
	s13 =	simm.s32 $0x3;
	v17 =	vmov s7  }
0x3ef: {  	s17 =	simm.s32 $0x4;
	s18 =	simm.s32 $0x5;
	v18 =	vmov s9;
	v19 =	vmov s8;
	s9 =	simm.s32 $0x7;
	v20 =	vmov s13  }
0x3f0: {  	s24 =	simm.s32 $0x6;
	v21 =	vmov s17;
	v23 =	vmov s18;
	v22 =	vmov s9  }
0x3f1: {  	v24 =	vmov s24;
	v17 =	vshrl.u32 v17, $0x3;
	v22 =	vshrl.u32 v22, $0x3  }
0x3f2: {  	v18 =	vshrl.u32 v18, $0x3;
	v19 =	vshrl.u32 v19, $0x3;
	v22 =	vshll.u32 v22, v1  }
0x3f3: {  	v17 =	vshll.u32 v17, v1;
	v18 =	vshll.u32 v18, v1;
	v25 =	vbroadcast v22, $0x0  }
0x3f4: {  	s7 =	simm.s32 $0xD4F0;
	v20 =	vshrl.u32 v20, $0x3;
	v17 =	vbroadcast v17, $0x0;
	v30 =	vbroadcast v18, $0x0  }
0x3f5: {  	v18 =	vshll.u32 v19, v1;
	v19 =	vld [tilespmem:s7+$0xFFFFFFF0];
	v22 =	vshrl.u32 v21, $0x3;
	v26 =	vadd.s32 v15, v25  }
0x3f6: {  	v27 =	vld [tilespmem:s7+$0xFFFFFF10];
	v37 =	vbroadcast v18, $0x0;
	v18 =	vshll.u32 v20, v1;
	v28 =	vadd.s32 v0, v17  }
0x3f7: {  	v29 =	vld [tilespmem:s7+$0xFFFFFF30];
	v31 =	vadd.s32 v3, v30;
	v21 =	vbroadcast v18, $0x0;
	v18 =	vshll.u32 v22, v1  }
0x3f8: {  	v32 =	vld [tilespmem:s7+$0xFFFFFF50];
	v33 =	vadd.s32 v5, v37;
	v20 =	vbroadcast v18, $0x0;
	v18 =	vshrl.u32 v23, $0x3  }
0x3f9: {  	v34 =	vld [tilespmem:s7+$0xFFFFFF70];
	v23 =	vshrl.u32 v24, $0x3;
	v39 =	vadd.s32 v7, v21;
	v18 =	vshll.u32 v18, v1  }
0x3fa: {  	s13 =	simm.s32 $0xA;
	v40 =	vld [tilespmem:s7+$0xFFFFFF90];
	v41 =	vadd.s32 v9, v20;
	v22 =	vbroadcast v18, $0x0;
	v18 =	vshll.u32 v23, v1;
	[tilespmem:v26+s14+$0x0] =	vst.idx.msk $0xffff, v19  }
0x3fb: {  	s9 =	simm.s32 $0x9;
	v38 =	vmov s13;
	v25 =	vadd.s32 v16, v25;
	v23 =	vbroadcast v18, $0x0;
	[tilespmem:v28+s14+$0x0] =	vst.idx.msk $0xffff, v27;
	v24 =	vld [tilespmem:s7+$0x0]  }
0x3fc: {  	s31 =	simm.s32 $0x8;
	v35 =	vmov s9;
	v36 =	vadd.s32 v4, v30;
	[tilespmem:v31+s14+$0x0] =	vst.idx.msk $0xffff, v29;
	v27 =	vadd.s32 v11, v22;
	v26 =	vld [tilespmem:s7+$0xFFFFFFB0]  }
0x3fd: {  	s17 =	simm.s32 $0xB;
	s24 =	simm.s32 $0xD;
	v37 =	vadd.s32 v6, v37;
	v29 =	vld [tilespmem:s7+$0xFFFFFFD0];
	v19 =	vmov s31;
	[tilespmem:v33+s14+$0x0] =	vst.idx.msk $0xffff, v32;
	v31 =	vadd.s32 v13, v23  }
0x3fe: {  	s18 =	simm.s32 $0xC;
	v18 =	vmov s24;
	v28 =	vmov s17;
	s31 =	simm.s32 $0xE;
	v33 =	vld [tilespmem:s7+$0xFFFFFF40];
	v19 =	vshrl.u32 v19, $0x3;
	[tilespmem:v39+s14+$0x0] =	vst.idx.msk $0xffff, v34  }
0x3ff: {  	s8 =	simm.s32 $0x10;
	s9 =	simm.s32 $0xF;
	v32 =	vmov s18;
	v34 =	vld [tilespmem:s7+$0xFFFFFF60];
	v30 =	vshll.u32 v19, v1;
	v19 =	vmov s31;
	[tilespmem:v41+s14+$0x0] =	vst.idx.msk $0xffff, v40  }
.LBB2_29:
0x400: {  	p0 =	slt.u32 s8, $0x78;
	v35 =	vshrl.u32 v35, $0x3;
	v39 =	vmov s9;
	v40 =	vld [tilespmem:s7+$0xFFFFFF80];
	v21 =	vadd.s32 v8, v21;
	[tilespmem:v25+s14+$0x0] =	vst.idx.msk $0xffff, v24  }
0x401: {  	v24 =	vshrl.u32 v38, $0x3;
	v20 =	vadd.s32 v10, v20;
	v25 =	vshrl.u32 v39, $0x3;
	v38 =	vld [tilespmem:s7+$0xFFFFFFA0];
	[tilespmem:v27+s14+$0x0] =	vst.idx.msk $0xffff, v26  }
0x402: {  	v22 =	vadd.s32 v12, v22;
	v26 =	vshrl.u32 v28, $0x3;
	v25 =	vshll.u32 v25, v1;
	v27 =	vld [tilespmem:s7+$0xFFFFFFC0];
	[tilespmem:v31+s14+$0x0] =	vst.idx.msk $0xffff, v29  }
0x403: {  	v23 =	vadd.s32 v14, v23;
	v28 =	vshrl.u32 v32, $0x3;
	v25 =	vbroadcast v25, $0x0;
	[tilespmem:v36+s14+$0x0] =	vst.idx.msk $0xffff, v33;
	v29 =	vld [tilespmem:s7+$0xFFFFFFE0]  }
0x404: {  	v31 =	vshll.u32 v35, v1;
	v33 =	vadd.s32 v2, v17;
	v17 =	vbroadcast v30, $0x0;
	v32 =	vld [tilespmem:s7+$0xFFFFFF20];
	[tilespmem:v37+s14+$0x0] =	vst.idx.msk $0xffff, v34;
	s7 =	sadd.s32 $0x100, s7  }
0x405: {  	v24 =	vshll.u32 v24, v1;
	v30 =	vbroadcast v31, $0x0;
	v31 =	vld [tilespmem:s7+$0xFFFFFFF0];
	v34 =	vadd.s32 v15, v25;
	[tilespmem:v21+s14+$0x0] =	vst.idx.msk $0xffff, v40  }
0x406: {  	v37 =	vbroadcast v24, $0x0;
	v36 =	vadd.s32 v0, v17;
	v21 =	vshll.u32 v26, v1;
	v35 =	vld [tilespmem:s7+$0xFFFFFF10];
	[tilespmem:v20+s14+$0x0] =	vst.idx.msk $0xffff, v38  }
0x407: {  	v38 =	vadd.s32 v3, v30;
	v21 =	vbroadcast v21, $0x0;
	v20 =	vshll.u32 v28, v1;
	v26 =	vld [tilespmem:s7+$0xFFFFFF30];
	[tilespmem:v22+s14+$0x0] =	vst.idx.msk $0xffff, v27  }
0x408: {  	v18 =	vshrl.u32 v18, $0x3;
	v40 =	vadd.s32 v5, v37;
	v20 =	vbroadcast v20, $0x0;
	v39 =	vld [tilespmem:s7+$0xFFFFFF50];
	[tilespmem:v23+s14+$0x0] =	vst.idx.msk $0xffff, v29  }
0x409: {  	v19 =	vshrl.u32 v19, $0x3;
	v18 =	vshll.u32 v18, v1;
	v42 =	vadd.s32 v7, v21;
	v41 =	vld [tilespmem:s7+$0xFFFFFF70];
	[tilespmem:v33+s14+$0x0] =	vst.idx.msk $0xffff, v32  }
0x40a: {  	v22 =	vbroadcast v18, $0x0;
	v18 =	vshll.u32 v19, v1;
	v44 =	vadd.s32 v9, v20;
	v43 =	vld [tilespmem:s7+$0xFFFFFF90];
	[tilespmem:v34+s14+$0x0] =	vst.idx.msk $0xffff, v31  }
.Ltmp18:
0x40b: {  	s9 =	sadd.s32 $0x1, s8;
	v25 =	vadd.s32 v16, v25;
	v19 =	vmov s8;
	v23 =	vbroadcast v18, $0x0;
	[tilespmem:v36+s14+$0x0] =	vst.idx.msk $0xffff, v35;
	v24 =	vld [tilespmem:s7+$0x0];
	(pc) =	sbr.rel @p0 .LBB2_29-.Ltmp18, $4  }
0x40c: {  	s13 =	sadd.s32 $0x3, s8;
	v19 =	vshrl.u32 v19, $0x3;
	v27 =	vadd.s32 v11, v22;
	v35 =	vmov s9;
	s9 =	sadd.s32 $0x2, s8;
	[tilespmem:v38+s14+$0x0] =	vst.idx.msk $0xffff, v26;
	v26 =	vld [tilespmem:s7+$0xFFFFFFB0]  }
0x40d: {  	v28 =	vmov s13;
	s13 =	sadd.s32 $0x5, s8;
	v31 =	vadd.s32 v13, v23;
	v38 =	vmov s9;
	s9 =	sadd.s32 $0x4, s8;
	[tilespmem:v40+s14+$0x0] =	vst.idx.msk $0xffff, v39;
	v29 =	vld [tilespmem:s7+$0xFFFFFFD0]  }
0x40e: {  	v18 =	vmov s13;
	v36 =	vadd.s32 v4, v30;
	v32 =	vmov s9;
	s9 =	sadd.s32 $0x6, s8;
	v33 =	vld [tilespmem:s7+$0xFFFFFF40];
	[tilespmem:v42+s14+$0x0] =	vst.idx.msk $0xffff, v41  }
0x40f: {  	v37 =	vadd.s32 v6, v37;
	v30 =	vshll.u32 v19, v1;
	v19 =	vmov s9;
	s9 =	sadd.s32 $0x7, s8;
	s8 =	sadd.s32 $0x8, s8;
	v34 =	vld [tilespmem:s7+$0xFFFFFF60];
	[tilespmem:v44+s14+$0x0] =	vst.idx.msk $0xffff, v43  }
0x410: {  	_ =	sdelay $0x2  }
0x411: {  	v39 =	vmov s9;
	v35 =	vshrl.u32 v35, $0x3  }
0x412: {  	v40 =	vld [tilespmem:s7+$0xFFFFFF80];
	v21 =	vadd.s32 v8, v21;
	[tilespmem:v25+s14+$0x0] =	vst.idx.msk $0xffff, v24;
	v59 =	vshrl.u32 v38, $0x3;
	v20 =	vadd.s32 v10, v20  }
0x413: {  	v61 =	vld [tilespmem:s7+$0xFFFFFFA0];
	v62 =	vshrl.u32 v28, $0x3;
	v22 =	vadd.s32 v12, v22;
	v63 =	vshrl.u32 v32, $0x3;
	[tilespmem:v27+s14+$0x0] =	vst.idx.msk $0xffff, v26  }
0x414: {  	v23 =	vadd.s32 v14, v23;
	v30 =	vbroadcast v30, $0x0;
	v41 =	vld [tilespmem:s7+$0xFFFFFF20];
	v17 =	vadd.s32 v2, v17;
	[tilespmem:v31+s14+$0x0] =	vst.idx.msk $0xffff, v29  }
0x415: {  	s9 =	sadd.s32 $0x100, s7;
	v18 =	vshrl.u32 v18, $0x3;
	v60 =	vshrl.u32 v39, $0x3;
	v39 =	vshll.u32 v35, v1;
	v27 =	vld [tilespmem:s7+$0xFFFFFFC0];
	[tilespmem:v36+s14+$0x0] =	vst.idx.msk $0xffff, v33  }
0x416: {  	v24 =	vshll.u32 v59, v1;
	v44 =	vld [tilespmem:s9+$0xFFFFFF10];
	v31 =	vbroadcast v39, $0x0;
	v45 =	vadd.s32 v0, v30;
	[tilespmem:v37+s14+$0x0] =	vst.idx.msk $0xffff, v34  }
0x417: {  	v19 =	vshrl.u32 v19, $0x3;
	v26 =	vshll.u32 v62, v1;
	v24 =	vbroadcast v24, $0x0;
	v29 =	vld [tilespmem:s7+$0xFFFFFFE0];
	[tilespmem:v21+s14+$0x0] =	vst.idx.msk $0xffff, v40  }
0x418: {  	v46 =	vld [tilespmem:s9+$0xFFFFFF30];
	v18 =	vshll.u32 v18, v1;
	v26 =	vbroadcast v26, $0x0;
	v47 =	vadd.s32 v3, v31;
	[tilespmem:v20+s14+$0x0] =	vst.idx.msk $0xffff, v61  }
0x419: {  	v48 =	vld [tilespmem:s9+$0xFFFFFF50];
	v19 =	vshll.u32 v19, v1;
	v18 =	vbroadcast v18, $0x0;
	v49 =	vadd.s32 v5, v24;
	[tilespmem:v17+s14+$0x0] =	vst.idx.msk $0xffff, v41  }
0x41a: {  	v28 =	vshll.u32 v63, v1;
	v50 =	vld [tilespmem:s9+$0xFFFFFF70];
	v19 =	vbroadcast v19, $0x0;
	v51 =	vadd.s32 v7, v26;
	[tilespmem:v22+s14+$0x0] =	vst.idx.msk $0xffff, v27  }
0x41b: {  	v54 =	vld [tilespmem:s9+$0xFFFFFFB0];
	v25 =	vshll.u32 v60, v1;
	v28 =	vbroadcast v28, $0x0;
	v55 =	vadd.s32 v11, v18;
	[tilespmem:v45+s14+$0x0] =	vst.idx.msk $0xffff, v44  }
0x41c: {  	v56 =	vld [tilespmem:s9+$0xFFFFFFD0];
	v25 =	vbroadcast v25, $0x0;
	v57 =	vadd.s32 v13, v19;
	[tilespmem:v23+s14+$0x0] =	vst.idx.msk $0xffff, v29  }
0x41d: {  	v52 =	vadd.s32 v9, v28;
	v17 =	vld [tilespmem:s9+$0xFFFFFF90];
	[tilespmem:v47+s14+$0x0] =	vst.idx.msk $0xffff, v46  }
0x41e: {  	v42 =	vld [tilespmem:s9+$0xFFFFFFF0];
	v43 =	vadd.s32 v15, v25;
	[tilespmem:v49+s14+$0x0] =	vst.idx.msk $0xffff, v48  }
0x41f: {  	v63 =	vadd.s32 v2, v30;
	v62 =	vld [tilespmem:s9+$0xFFFFFF20];
	[tilespmem:v51+s14+$0x0] =	vst.idx.msk $0xffff, v50  }
0x420: {  	v31 =	vadd.s32 v4, v31;
	[tilespmem:v55+s14+$0x0] =	vst.idx.msk $0xffff, v54;
	v58 =	vld [tilespmem:s9+$0xFFFFFF40]  }
0x421: {  	v24 =	vadd.s32 v6, v24;
	[tilespmem:v57+s14+$0x0] =	vst.idx.msk $0xffff, v56;
	v59 =	vld [tilespmem:s9+$0xFFFFFF60]  }
0x422: {  	v26 =	vadd.s32 v8, v26;
	[tilespmem:v52+s14+$0x0] =	vst.idx.msk $0xffff, v17;
	v17 =	vld [tilespmem:s9+$0xFFFFFF80]  }
0x423: {  	v18 =	vadd.s32 v12, v18;
	[tilespmem:v43+s14+$0x0] =	vst.idx.msk $0xffff, v42;
	v20 =	vld [tilespmem:s9+$0xFFFFFFC0]  }
0x424: {  	v19 =	vadd.s32 v14, v19;
	v22 =	vld [tilespmem:s9+$0xFFFFFFE0];
	[tilespmem:v63+s14+$0x0] =	vst.idx.msk $0xffff, v62  }
0x425: {  	v25 =	vadd.s32 v16, v25;
	v53 =	vld [tilespmem:s9+$0x0];
	[tilespmem:v31+s14+$0x0] =	vst.idx.msk $0xffff, v58  }
0x426: {  	v61 =	vadd.s32 v10, v28;
	v60 =	vld [tilespmem:s9+$0xFFFFFFA0];
	[tilespmem:v24+s14+$0x0] =	vst.idx.msk $0xffff, v59  }
0x427: {  	[tilespmem:v26+s14+$0x0] =	vst.idx.msk $0xffff, v17  }
0x428: {  	s13 =	sshll.u32 s22, $0x11;
	[tilespmem:v18+s14+$0x0] =	vst.idx.msk $0xffff, v20  }
0x429: {  	s7 =	sor.u32 s6, s13;
	[tilespmem:v19+s14+$0x0] =	vst.idx.msk $0xffff, v22  }
0x42a: {  	s7 =	sshrl.u32 s7, $0x3;
	[tilespmem:v25+s14+$0x0] =	vst.idx.msk $0xffff, v53  }
0x42b: {  	s7 =	sadd.s32 s2, s7;
	[tilespmem:v61+s14+$0x0] =	vst.idx.msk $0xffff, v60  }
0x42c: {  	[hbm4b:s7+s3] =	stream.linear.scatter [tilespmem:s14], [sflag:$0x10], $0x80, $0x38;
	[tilespmem:$0x16C00] =	vst v63  }
0x42d: {  	s17 =	simm.s32 $0x15B88;
	s8 =	sadd.s32 $0x10, s7  }
0x42e: {  	[hbm4b:s8+s3] =	stream.linear.scatter [tilespmem:s17], [sflag:$0x10], $0x80, $0x38;
	[tilespmem:$0x16C00] =	vst v63  }
0x42f: {  	s22 =	simm.s32 $0x15C10;
	s18 =	sadd.s32 $0x20, s7  }
0x430: {  	[hbm4b:s18+s3] =	stream.linear.scatter [tilespmem:s22], [sflag:$0x10], $0x80, $0x38;
	[tilespmem:$0x16C00] =	vst v63  }
0x431: {  	s31 =	simm.s32 $0x15C98;
	s24 =	sadd.s32 $0x30, s7  }
0x432: {  	[hbm4b:s24+s3] =	stream.linear.scatter [tilespmem:s31], [sflag:$0x10], $0x80, $0x38;
	[tilespmem:$0x16C00] =	vst v63  }
0x433: {  	s13 =	sadd.s32 $0x40, s7;
	s17 =	simm.s32 $0x15D20  }
0x434: {  	[hbm4b:s13+s3] =	stream.linear.scatter [tilespmem:s17], [sflag:$0x10], $0x80, $0x38;
	[tilespmem:$0x16C00] =	vst v63  }
0x435: {  	s18 =	sadd.s32 $0x50, s7;
	s22 =	simm.s32 $0x15DA8  }
0x436: {  	[hbm4b:s18+s3] =	stream.linear.scatter [tilespmem:s22], [sflag:$0x10], $0x80, $0x38;
	[tilespmem:$0x16C00] =	vst v63  }
0x437: {  	s24 =	sadd.s32 $0x60, s7;
	s31 =	simm.s32 $0x15E30  }
0x438: {  	[hbm4b:s24+s3] =	stream.linear.scatter [tilespmem:s31], [sflag:$0x10], $0x80, $0x38;
	[tilespmem:$0x16C00] =	vst v63  }
0x439: {  	s13 =	sadd.s32 $0x70, s7;
	s17 =	simm.s32 $0x15EB8  }
0x43a: {  	[hbm4b:s13+s3] =	stream.linear.scatter [tilespmem:s17], [sflag:$0x10], $0x80, $0x38;
	[tilespmem:$0x16C00] =	vst v63  }
0x43b: {  	s18 =	sadd.s32 $0x1000, s7;
	s22 =	simm.s32 $0x15F40  }
0x43c: {  	[hbm4b:s18+s3] =	stream.linear.scatter [tilespmem:s22], [sflag:$0x10], $0x80, $0x38;
	[tilespmem:$0x16C00] =	vst v63  }
0x43d: {  	s24 =	sadd.s32 $0x1010, s7;
	s31 =	simm.s32 $0x15FC8  }
0x43e: {  	[hbm4b:s24+s3] =	stream.linear.scatter [tilespmem:s31], [sflag:$0x10], $0x80, $0x38;
	[tilespmem:$0x16C00] =	vst v63  }
0x43f: {  	s13 =	sadd.s32 $0x1020, s7;
	s17 =	simm.s32 $0x16050  }
0x440: {  	[hbm4b:s13+s3] =	stream.linear.scatter [tilespmem:s17], [sflag:$0x10], $0x80, $0x38;
	[tilespmem:$0x16C00] =	vst v63  }
0x441: {  	s18 =	sadd.s32 $0x1030, s7;
	s22 =	simm.s32 $0x160D8  }
0x442: {  	[hbm4b:s18+s3] =	stream.linear.scatter [tilespmem:s22], [sflag:$0x10], $0x80, $0x38;
	[tilespmem:$0x16C00] =	vst v63  }
0x443: {  	s24 =	sadd.s32 $0x1040, s7;
	s31 =	simm.s32 $0x16160  }
0x444: {  	[hbm4b:s24+s3] =	stream.linear.scatter [tilespmem:s31], [sflag:$0x10], $0x80, $0x38;
	[tilespmem:$0x16C00] =	vst v63  }
0x445: {  	s13 =	sadd.s32 $0x1050, s7;
	s17 =	simm.s32 $0x161E8  }
0x446: {  	[hbm4b:s13+s3] =	stream.linear.scatter [tilespmem:s17], [sflag:$0x10], $0x80, $0x38;
	[tilespmem:$0x16C00] =	vst v63  }
0x447: {  	s18 =	sadd.s32 $0x1060, s7;
	s22 =	simm.s32 $0x16270  }
0x448: {  	[hbm4b:s18+s3] =	stream.linear.scatter [tilespmem:s22], [sflag:$0x10], $0x80, $0x38;
	[tilespmem:$0x16C00] =	vst v63  }
0x449: {  	s24 =	sadd.s32 $0x1070, s7;
	s31 =	simm.s32 $0x162F8  }
0x44a: {  	[hbm4b:s24+s3] =	stream.linear.scatter [tilespmem:s31], [sflag:$0x10], $0x80, $0x38;
	[tilespmem:$0x16C00] =	vst v63  }
0x44b: {  	s13 =	sadd.s32 $0x2000, s7;
	s17 =	simm.s32 $0x16380  }
0x44c: {  	[hbm4b:s13+s3] =	stream.linear.scatter [tilespmem:s17], [sflag:$0x10], $0x80, $0x38;
	[tilespmem:$0x16C00] =	vst v63  }
0x44d: {  	s18 =	sadd.s32 $0x2010, s7;
	s22 =	simm.s32 $0x16408  }
0x44e: {  	[hbm4b:s18+s3] =	stream.linear.scatter [tilespmem:s22], [sflag:$0x10], $0x80, $0x38;
	[tilespmem:$0x16C00] =	vst v63  }
0x44f: {  	s24 =	sadd.s32 $0x2020, s7;
	s31 =	simm.s32 $0x16490  }
0x450: {  	[hbm4b:s24+s3] =	stream.linear.scatter [tilespmem:s31], [sflag:$0x10], $0x80, $0x38;
	[tilespmem:$0x16C00] =	vst v63  }
0x451: {  	s13 =	sadd.s32 $0x2030, s7;
	s17 =	simm.s32 $0x16518  }
0x452: {  	[hbm4b:s13+s3] =	stream.linear.scatter [tilespmem:s17], [sflag:$0x10], $0x80, $0x38;
	[tilespmem:$0x16C00] =	vst v63  }
0x453: {  	s18 =	sadd.s32 $0x2040, s7;
	s22 =	simm.s32 $0x165A0  }
0x454: {  	[hbm4b:s18+s3] =	stream.linear.scatter [tilespmem:s22], [sflag:$0x10], $0x80, $0x38;
	[tilespmem:$0x16C00] =	vst v63  }
0x455: {  	s24 =	sadd.s32 $0x2050, s7;
	s31 =	simm.s32 $0x16628  }
0x456: {  	[hbm4b:s24+s3] =	stream.linear.scatter [tilespmem:s31], [sflag:$0x10], $0x80, $0x38;
	[tilespmem:$0x16C00] =	vst v63  }
0x457: {  	s13 =	sadd.s32 $0x2060, s7;
	s17 =	simm.s32 $0x166B0  }
0x458: {  	[hbm4b:s13+s3] =	stream.linear.scatter [tilespmem:s17], [sflag:$0x10], $0x80, $0x38;
	[tilespmem:$0x16C00] =	vst v63  }
0x459: {  	s18 =	sadd.s32 $0x2070, s7;
	s22 =	simm.s32 $0x16738  }
0x45a: {  	[hbm4b:s18+s3] =	stream.linear.scatter [tilespmem:s22], [sflag:$0x10], $0x80, $0x38;
	[tilespmem:$0x16C00] =	vst v63  }
0x45b: {  	s24 =	sadd.s32 $0x3000, s7;
	s31 =	simm.s32 $0x167C0  }
0x45c: {  	[hbm4b:s24+s3] =	stream.linear.scatter [tilespmem:s31], [sflag:$0x10], $0x80, $0x38;
	[tilespmem:$0x16C00] =	vst v63  }
0x45d: {  	s13 =	sadd.s32 $0x3010, s7;
	s17 =	simm.s32 $0x16848  }
0x45e: {  	[hbm4b:s13+s3] =	stream.linear.scatter [tilespmem:s17], [sflag:$0x10], $0x80, $0x38;
	[tilespmem:$0x16C00] =	vst v63  }
0x45f: {  	s18 =	sadd.s32 $0x3020, s7;
	s22 =	simm.s32 $0x168D0  }
0x460: {  	[hbm4b:s18+s3] =	stream.linear.scatter [tilespmem:s22], [sflag:$0x10], $0x80, $0x38;
	[tilespmem:$0x16C00] =	vst v63  }
0x461: {  	s24 =	sadd.s32 $0x3030, s7;
	s31 =	simm.s32 $0x16958  }
0x462: {  	[hbm4b:s24+s3] =	stream.linear.scatter [tilespmem:s31], [sflag:$0x10], $0x80, $0x38;
	[tilespmem:$0x16C00] =	vst v63  }
0x463: {  	s9 =	sadd.s32 $0x3040, s7;
	s13 =	simm.s32 $0x169E0  }
0x464: {  	[hbm4b:s9+s3] =	stream.linear.scatter [tilespmem:s13], [sflag:$0x10], $0x80, $0x38;
	[tilespmem:$0x16C00] =	vst v63  }
0x465: {  	p0 =	seq.s32 s5, $0x18;
	s17 =	sadd.s32 $0x3050, s7;
	s18 =	simm.s32 $0x16A68  }
0x466: {  	[hbm4b:s17+s3] =	stream.linear.scatter [tilespmem:s18], [sflag:$0x10], $0x80, $0x38;
	[tilespmem:$0x16C00] =	vst v63  }
.Ltmp19:
0x467: {  	_ = 	snop;
	(pc) =	sbr.rel @p0 .LBB2_32-.Ltmp19, $4  }
0x468: {  	s22 =	sadd.s32 $0x3060, s7;
	s24 =	simm.s32 $0x16AF0  }
0x469: {  	[hbm4b:s22+s3] =	stream.linear.scatter [tilespmem:s24], [sflag:$0x10], $0x80, $0x38;
	[tilespmem:$0x16C00] =	vst v63  }
0x46a: {  	s7 =	sadd.s32 $0x3070, s7;
	s31 =	simm.s32 $0x16B78  }
0x46b: {  	[hbm4b:s7+s3] =	stream.linear.scatter [tilespmem:s31], [sflag:$0x10], $0x80, $0x38;
	[tilespmem:$0x16C00] =	vst v63  }
.Ltmp20:
0x46c: {  	(pc) =	sbr.rel .LBB2_2-.Ltmp20, $4  }
0x46d: {  	s7 =	sshll.u32 s5, $0xA  }
0x46e: {  	s7 =	sand.u32 $0x3FFFFC00, s7  }
0x46f: {  	s8 =	simm.s32 $0x9400;
	s5 =	sadd.s32 $0x1, s5;
	s7 =	sadd.s32 $0x580, s7  }
0x470: {  	[tilespmem:s8], [sflag:$0x4] =	stream.indirect.gather [hbm4b:s4+s11], $0x20, s7, s11, $0xb8;
	[tilespmem:$0x16C00] =	vst v63  }
.LBB2_33:
0x471: {  	_ =	sfence.sel $0x180000  }
0x472: {  	[bflag:$0x0] =	sbarrier.arrive $0xFFFF  }
0x473: {  	_ =	strace $0x90000047  }
0x474: {  	s0 =	stileid.u32;
	[bflag:$0x2] =	sbarrier.arrive $0xFFFF  }
0x475: {  	p0 =	sne.s32 s0, $0x0;
	s0 =	rddreg [dreg:$0x3]  }
0x476: {  	s0 =	sadd.s32 @!p0 $0x100000, s0  }
0x477: {  	[sflag:s0] =	ssyncadd.tile.s32 @!p0 $0x1;
	_ =	shalt  }
.Lfunc_end2:
_tile_overlayer_lowered:
.L_overlay_start_2:
0x478: {  	(tag) =	ssettag $0x2  }
0x479: {  	s0 =	rddreg [dreg:$0x0];
	s2 =	stileid.u32  }
0x47a: {  	s1 =	rddreg [dreg:$0x1];
	p0 =	sne.s32 s2, $0x0  }
0x47b: {  	s3 =	rddreg [dreg:$0x2];
	[bflag:$0x3] =	sbarrier.arrive $0xFFFF;
	s2 =	simm.s32 @!p0 $0x1C11  }
0x47c: {  	[timem:s3], [sflag:s2] =	dma.local @!p0 [hbm:s0], s1  }
0x47d: {  	s0 =	simm.s32 @!p0 $0x11  }
0x47e: {  	_ =	swait.ge @!p0 [sflag:s0], s1  }
0x47f: {  	s1 =	ssub.s32 @!p0 $0x0, s1;
	[sflag:s0] =	ssyncset.done @!p0 $0x0  }
0x480: {  	[sflag:s0] =	ssyncadd.s32 @!p0 s1  }
0x481: {  	[bflag:$0x3] =	sbarrier.arrive $0xFFFF  }
0x482: {  	_ =	shalt  }

</sc_bundles>
